<compile_context>
chip_gen: v7x
topology: tpu7x:2x2x1
jax: 0.10.2.dev20260603
libtpu: 0.0.44.dev20260713+nightly
codegen_flags: <defaults>
</compile_context>

<pallas_src>
import jax
import jax.numpy as jnp
from jax.experimental import pallas as pl
from jax.experimental.pallas import tpu as pltpu
from jax.experimental.pallas import tpu_sc as plsc

N = 10000
E = 160000
D = 256
DH = 128
NUM_SC = 2
NUM_SUBCORES = 16
EP = 163840
EDGES_PER_SUB = EP // NUM_SUBCORES
BLK = 64
NRING = 4
CHUNK_BLKS = 80
CHUNK = CHUNK_BLKS * BLK
NCHUNK = EDGES_PER_SUB // CHUNK
NPAD = 10240
ROWS_PER_SUB = NPAD // NUM_SUBCORES


def _sc_aggregate(x2, src_r, dst_r, z):
    mesh = plsc.VectorSubcoreMesh(core_axis_name="c", subcore_axis_name="s")

    @pl.kernel(
        out_type=jax.ShapeDtypeStruct((NUM_SC, NPAD, DH), jnp.float32),
        mesh=mesh,
        scratch_types=[
            pltpu.VMEM((CHUNK,), jnp.int32),
            pltpu.VMEM((CHUNK,), jnp.int32),
            pltpu.VMEM((BLK, DH), jnp.float32),
            pltpu.VMEM((BLK, DH), jnp.float32),
            pltpu.VMEM((BLK, DH), jnp.float32),
            pltpu.VMEM((BLK, DH), jnp.float32),
            pltpu.VMEM_SHARED((NPAD, DH), jnp.float32),
            pltpu.SemaphoreType.DMA,
            pltpu.SemaphoreType.DMA,
            pltpu.SemaphoreType.DMA,
            pltpu.SemaphoreType.DMA,
        ],
    )
    def sc_kernel(x2_hbm, src_hbm, dst_hbm, z_hbm, o_hbm,
                  src_v, dst_v, rows0, rows1, rows2, rows3, agg_sh,
                  sem0, sem1, sem2, sem3):
        c = jax.lax.axis_index("c")
        s = jax.lax.axis_index("s")
        bufs = (rows0, rows1, rows2, rows3)
        sems = (sem0, sem1, sem2, sem3)

        def gather_start(idx_slice, rows, sem):
            return pltpu.async_copy(
                x2_hbm.at[:, pl.ds(c * DH, DH)].at[src_v.at[idx_slice]],
                rows, sem)

        def stage_idx(ch):
            base = ch * CHUNK
            pltpu.sync_copy(src_hbm.at[c].at[s].at[pl.ds(base, CHUNK)], src_v)
            pltpu.sync_copy(dst_hbm.at[s].at[pl.ds(base, CHUNK)], dst_v)

        def prime_ring():
            for k in range(NRING - 1):
                gather_start(pl.ds(k * BLK, BLK), bufs[k], sems[k])

        def edge_loop():
            @pl.loop(0, CHUNK_BLKS // NRING)
            def _(g):
                j0 = g * NRING
                for k in range(NRING):
                    j = j0 + k
                    sl = pl.ds(j * BLK, BLK)
                    pltpu.make_async_copy(
                        x2_hbm.at[:, pl.ds(c * DH, DH)].at[src_v.at[sl]],
                        bufs[k], sems[k]).wait()
                    kpre = (k + NRING - 1) % NRING

                    @pl.when(j + NRING - 1 < CHUNK_BLKS)
                    def _():
                        gather_start(pl.ds((j + NRING - 1) * BLK, BLK),
                                     bufs[kpre], sems[kpre])

                    pltpu.sync_copy(bufs[k], agg_sh.at[dst_v.at[sl]],
                                    add=True)

        stage_idx(0)
        prime_ring()
        pltpu.sync_copy(z_hbm, agg_sh.at[pl.ds(s * ROWS_PER_SUB, ROWS_PER_SUB)])
        plsc.subcore_barrier()
        edge_loop()
        stage_idx(1)
        prime_ring()
        edge_loop()

        plsc.subcore_barrier()

        pltpu.sync_copy(agg_sh.at[pl.ds(s * ROWS_PER_SUB, ROWS_PER_SUB)],
                        o_hbm.at[c].at[pl.ds(s * ROWS_PER_SUB, ROWS_PER_SUB)])

    return sc_kernel(x2, src_r, dst_r, z)


def _tc_finish_body(agg_ref, x_ref, w_ref, o_ref):
    a0 = agg_ref[0]
    a1 = agg_ref[1]
    w0 = w_ref[:, :DH]
    w1 = w_ref[:, DH:]
    dn = (((1,), (1,)), ((), ()))
    acc = jax.lax.dot_general(a0, w0, dn, preferred_element_type=jnp.float32)
    acc = acc + jax.lax.dot_general(a1, w1, dn, preferred_element_type=jnp.float32)
    o_ref[...] = jnp.maximum(acc, 0.0) + x_ref[...]


def _tc_finish(agg, x, W):
    RB = 1000
    grid = (N // RB,)
    return pl.pallas_call(
        _tc_finish_body,
        grid=grid,
        in_specs=[
            pl.BlockSpec((NUM_SC, RB, DH), lambda i: (0, i, 0)),
            pl.BlockSpec((RB, D), lambda i: (i, 0)),
            pl.BlockSpec((D, D), lambda i: (0, 0)),
        ],
        out_specs=pl.BlockSpec((RB, D), lambda i: (i, 0)),
        out_shape=jax.ShapeDtypeStruct((N, D), jnp.float32),
    )(agg, x, W)


def kernel(x, edge_index, W):
    src = edge_index[0]
    dst = edge_index[1]
    x2 = x
    src_p = jnp.pad(src, (0, EP - E))
    dst_p = jnp.pad(dst, (0, EP - E), constant_values=N)
    src_r = jnp.stack([src_p, src_p]).reshape(NUM_SC, NUM_SUBCORES,
                                              EDGES_PER_SUB)
    dst_r = dst_p.reshape(NUM_SUBCORES, EDGES_PER_SUB)
    z = jnp.zeros((ROWS_PER_SUB, DH), jnp.float32)
    agg = _sc_aggregate(x2, src_r, dst_r, z)
    return _tc_finish(agg, x, W)

# --- scband reference (transcript-rebuilt; emitter-appended) ---
"""Pipeline reference for scband-gcnlayer-59708635349239 (READ-ONLY COPY).

The authoritative reference and input builder live on the scoring server;
editing this copy changes nothing except your own understanding.
"""

import jax, jax.numpy as jnp
import numpy as np

N = 10000
E = 160000
D = 256

def setup_inputs(seed: int = 0) -> dict:
    key = jax.random.key(seed)
    k1, k2, k3 = jax.random.split(key, 3)
    x = jax.random.normal(k1, (N, D), dtype=jnp.float32)
    edge_index = jax.random.randint(k2, (2, E), 0, N, dtype=jnp.int32)
    W = jax.random.normal(k3, (D, D), dtype=jnp.float32) * (1.0 / np.sqrt(D))
    return {"x": x, "edge_index": edge_index, "W": W}

def reference(x, edge_index, W):
    # DGL update_all(copy_src('x','m'), reduce_sum): gather src features, scatter-add to dst
    src = edge_index[0]
    dst = edge_index[1]
    identity = x
    m = jnp.take(x, src, axis=0)               # gather: [E, D]
    agg = jax.ops.segment_sum(m, dst, num_segments=N)  # scatter-add: [N, D]
    out = jax.nn.relu(agg @ W.T)               # linear (bias=False) + ReLU
    out = out + identity                        # residual
    return out

if __name__ == "__main__":
    import jax
    _d = setup_inputs()
    print(jax.jit(kernel)(*tuple(_d.values())))

</pallas_src>

<mosaic_0001>
#map = affine_map<(d0, d1) -> (0, 0)>
#map1 = affine_map<(d0, d1) -> (0, 0, 0)>
module attributes {stable_mosaic.version = 14 : i64} {
  func.func @sc_kernel(%arg0: i32, %arg1: i32, %arg2: memref<10000x256xf32, #tpu.memory_space<hbm>>, %arg3: memref<2x16x10240xi32, #tpu.memory_space<hbm>>, %arg4: memref<16x10240xi32, #tpu.memory_space<hbm>>, %arg5: memref<640x128xf32, #tpu.memory_space<hbm>>, %arg6: memref<2x10240x128xf32, #tpu.memory_space<hbm>>, %arg7: memref<5120xi32, #tpu.memory_space<vmem>>, %arg8: memref<5120xi32, #tpu.memory_space<vmem>>, %arg9: memref<64x128xf32, #tpu.memory_space<vmem>>, %arg10: memref<64x128xf32, #tpu.memory_space<vmem>>, %arg11: memref<64x128xf32, #tpu.memory_space<vmem>>, %arg12: memref<64x128xf32, #tpu.memory_space<vmem>>, %arg13: memref<10240x128xf32, #tpu.memory_space<vmem_shared>>, %arg14: memref<!tpu.dma_semaphore, #tpu.memory_space<semaphore_mem>>, %arg15: memref<!tpu.dma_semaphore, #tpu.memory_space<semaphore_mem>>, %arg16: memref<!tpu.dma_semaphore, #tpu.memory_space<semaphore_mem>>, %arg17: memref<!tpu.dma_semaphore, #tpu.memory_space<semaphore_mem>>) attributes {dimension_semantics = [#tpu.dimension_semantics<core_parallel>, #tpu.dimension_semantics<subcore_parallel>], iteration_bounds = array<i64: 2, 16>, scalar_prefetch = 0 : i64, scratch_operands = 11 : i64, tpu.core_type = #tpu.core_type<sc_vector_subcore>, window_params = [{transform_indices = #map}, {transform_indices = #map1}, {transform_indices = #map}, {transform_indices = #map}, {transform_indices = #map1}]} {
    "tpu.region"() ({
      %run_scoped3A = tpu.sem_alloc : memref<!tpu.dma_semaphore, #tpu.memory_space<semaphore_mem>>
      %dma_start3A_68 = arith.constant 0 : i32
      %dma_start3A_69 = arith.constant 0 : i32
      %dma_start3A_70 = tpu.memref_slice %arg3[%arg0, %dma_start3A_68, %dma_start3A_69] : memref<2x16x10240xi32, #tpu.memory_space<hbm>> -> memref<1x16x10240xi32, #tpu.memory_space<hbm>>
      %dma_start3A_71 = tpu.memref_squeeze %dma_start3A_70 : memref<1x16x10240xi32, #tpu.memory_space<hbm>> -> memref<16x10240xi32, #tpu.memory_space<hbm>>
      %dma_start3A_72 = arith.constant 0 : i32
      %dma_start3A_73 = tpu.memref_slice %dma_start3A_71[%arg1, %dma_start3A_72] : memref<16x10240xi32, #tpu.memory_space<hbm>> -> memref<1x10240xi32, #tpu.memory_space<hbm>>
      %dma_start3A_74 = tpu.memref_squeeze %dma_start3A_73 : memref<1x10240xi32, #tpu.memory_space<hbm>> -> memref<10240xi32, #tpu.memory_space<hbm>>
      %dma_start3A_75 = arith.constant 0 : i32
      %dma_start3A_76 = tpu.memref_slice %dma_start3A_74[%dma_start3A_75] : memref<10240xi32, #tpu.memory_space<hbm>> -> memref<5120xi32, #tpu.memory_space<hbm>>
      %dma_start3A_77 = arith.constant 0 : i32
      %dma_start3A_78 = arith.constant 0 : i32
      %dma_start3A_79 = tpu.memref_slice %arg3[%arg0, %dma_start3A_77, %dma_start3A_78] : memref<2x16x10240xi32, #tpu.memory_space<hbm>> -> memref<1x16x10240xi32, #tpu.memory_space<hbm>>
      %dma_start3A_80 = tpu.memref_squeeze %dma_start3A_79 : memref<1x16x10240xi32, #tpu.memory_space<hbm>> -> memref<16x10240xi32, #tpu.memory_space<hbm>>
      %dma_start3A_81 = arith.constant 0 : i32
      %dma_start3A_82 = tpu.memref_slice %dma_start3A_80[%arg1, %dma_start3A_81] : memref<16x10240xi32, #tpu.memory_space<hbm>> -> memref<1x10240xi32, #tpu.memory_space<hbm>>
      %dma_start3A_83 = tpu.memref_squeeze %dma_start3A_82 : memref<1x10240xi32, #tpu.memory_space<hbm>> -> memref<10240xi32, #tpu.memory_space<hbm>>
      %dma_start3A_84 = arith.constant 0 : i32
      %dma_start3A_85 = tpu.memref_slice %dma_start3A_83[%dma_start3A_84] : memref<10240xi32, #tpu.memory_space<hbm>> -> memref<5120xi32, #tpu.memory_space<hbm>>
      tpu.enqueue_dma source(%dma_start3A_85 : memref<5120xi32, #tpu.memory_space<hbm>>) target(%arg7 : memref<5120xi32, #tpu.memory_space<vmem>>) target_semaphore(%run_scoped3A : memref<!tpu.dma_semaphore, #tpu.memory_space<semaphore_mem>>)
      %dma_wait3A = arith.constant 0 : i32
      %dma_wait3A_86 = arith.constant 0 : i32
      %dma_wait3A_87 = tpu.memref_slice %arg3[%arg0, %dma_wait3A, %dma_wait3A_86] : memref<2x16x10240xi32, #tpu.memory_space<hbm>> -> memref<1x16x10240xi32, #tpu.memory_space<hbm>>
      %dma_wait3A_88 = tpu.memref_squeeze %dma_wait3A_87 : memref<1x16x10240xi32, #tpu.memory_space<hbm>> -> memref<16x10240xi32, #tpu.memory_space<hbm>>
      %dma_wait3A_89 = arith.constant 0 : i32
      %dma_wait3A_90 = tpu.memref_slice %dma_wait3A_88[%arg1, %dma_wait3A_89] : memref<16x10240xi32, #tpu.memory_space<hbm>> -> memref<1x10240xi32, #tpu.memory_space<hbm>>
      %dma_wait3A_91 = tpu.memref_squeeze %dma_wait3A_90 : memref<1x10240xi32, #tpu.memory_space<hbm>> -> memref<10240xi32, #tpu.memory_space<hbm>>
      %dma_wait3A_92 = arith.constant 0 : i32
      %dma_wait3A_93 = tpu.memref_slice %dma_wait3A_91[%dma_wait3A_92] : memref<10240xi32, #tpu.memory_space<hbm>> -> memref<5120xi32, #tpu.memory_space<hbm>>
      %dma_wait3A_94 = arith.constant 0 : i32
      %dma_wait3A_95 = arith.constant 0 : i32
      %dma_wait3A_96 = tpu.memref_slice %arg3[%arg0, %dma_wait3A_94, %dma_wait3A_95] : memref<2x16x10240xi32, #tpu.memory_space<hbm>> -> memref<1x16x10240xi32, #tpu.memory_space<hbm>>
      %dma_wait3A_97 = tpu.memref_squeeze %dma_wait3A_96 : memref<1x16x10240xi32, #tpu.memory_space<hbm>> -> memref<16x10240xi32, #tpu.memory_space<hbm>>
      %dma_wait3A_98 = arith.constant 0 : i32
      %dma_wait3A_99 = tpu.memref_slice %dma_wait3A_97[%arg1, %dma_wait3A_98] : memref<16x10240xi32, #tpu.memory_space<hbm>> -> memref<1x10240xi32, #tpu.memory_space<hbm>>
      %dma_wait3A_100 = tpu.memref_squeeze %dma_wait3A_99 : memref<1x10240xi32, #tpu.memory_space<hbm>> -> memref<10240xi32, #tpu.memory_space<hbm>>
      %dma_wait3A_101 = arith.constant 0 : i32
      %dma_wait3A_102 = tpu.memref_slice %dma_wait3A_100[%dma_wait3A_101] : memref<10240xi32, #tpu.memory_space<hbm>> -> memref<5120xi32, #tpu.memory_space<hbm>>
      tpu.wait_dma2 semaphore(%run_scoped3A : memref<!tpu.dma_semaphore, #tpu.memory_space<semaphore_mem>>) src(%dma_wait3A_102 : memref<5120xi32, #tpu.memory_space<hbm>>) dst(%arg7 : memref<5120xi32, #tpu.memory_space<vmem>>)
      tpu.yield
    }) : () -> ()
    "tpu.region"() ({
      %run_scoped3A = tpu.sem_alloc : memref<!tpu.dma_semaphore, #tpu.memory_space<semaphore_mem>>
      %dma_start3A_68 = arith.constant 0 : i32
      %dma_start3A_69 = tpu.memref_slice %arg4[%arg1, %dma_start3A_68] : memref<16x10240xi32, #tpu.memory_space<hbm>> -> memref<1x10240xi32, #tpu.memory_space<hbm>>
      %dma_start3A_70 = tpu.memref_squeeze %dma_start3A_69 : memref<1x10240xi32, #tpu.memory_space<hbm>> -> memref<10240xi32, #tpu.memory_space<hbm>>
      %dma_start3A_71 = arith.constant 0 : i32
      %dma_start3A_72 = tpu.memref_slice %dma_start3A_70[%dma_start3A_71] : memref<10240xi32, #tpu.memory_space<hbm>> -> memref<5120xi32, #tpu.memory_space<hbm>>
      %dma_start3A_73 = arith.constant 0 : i32
      %dma_start3A_74 = tpu.memref_slice %arg4[%arg1, %dma_start3A_73] : memref<16x10240xi32, #tpu.memory_space<hbm>> -> memref<1x10240xi32, #tpu.memory_space<hbm>>
      %dma_start3A_75 = tpu.memref_squeeze %dma_start3A_74 : memref<1x10240xi32, #tpu.memory_space<hbm>> -> memref<10240xi32, #tpu.memory_space<hbm>>
      %dma_start3A_76 = arith.constant 0 : i32
      %dma_start3A_77 = tpu.memref_slice %dma_start3A_75[%dma_start3A_76] : memref<10240xi32, #tpu.memory_space<hbm>> -> memref<5120xi32, #tpu.memory_space<hbm>>
      tpu.enqueue_dma source(%dma_start3A_77 : memref<5120xi32, #tpu.memory_space<hbm>>) target(%arg8 : memref<5120xi32, #tpu.memory_space<vmem>>) target_semaphore(%run_scoped3A : memref<!tpu.dma_semaphore, #tpu.memory_space<semaphore_mem>>)
      %dma_wait3A = arith.constant 0 : i32
      %dma_wait3A_78 = tpu.memref_slice %arg4[%arg1, %dma_wait3A] : memref<16x10240xi32, #tpu.memory_space<hbm>> -> memref<1x10240xi32, #tpu.memory_space<hbm>>
      %dma_wait3A_79 = tpu.memref_squeeze %dma_wait3A_78 : memref<1x10240xi32, #tpu.memory_space<hbm>> -> memref<10240xi32, #tpu.memory_space<hbm>>
      %dma_wait3A_80 = arith.constant 0 : i32
      %dma_wait3A_81 = tpu.memref_slice %dma_wait3A_79[%dma_wait3A_80] : memref<10240xi32, #tpu.memory_space<hbm>> -> memref<5120xi32, #tpu.memory_space<hbm>>
      %dma_wait3A_82 = arith.constant 0 : i32
      %dma_wait3A_83 = tpu.memref_slice %arg4[%arg1, %dma_wait3A_82] : memref<16x10240xi32, #tpu.memory_space<hbm>> -> memref<1x10240xi32, #tpu.memory_space<hbm>>
      %dma_wait3A_84 = tpu.memref_squeeze %dma_wait3A_83 : memref<1x10240xi32, #tpu.memory_space<hbm>> -> memref<10240xi32, #tpu.memory_space<hbm>>
      %dma_wait3A_85 = arith.constant 0 : i32
      %dma_wait3A_86 = tpu.memref_slice %dma_wait3A_84[%dma_wait3A_85] : memref<10240xi32, #tpu.memory_space<hbm>> -> memref<5120xi32, #tpu.memory_space<hbm>>
      tpu.wait_dma2 semaphore(%run_scoped3A : memref<!tpu.dma_semaphore, #tpu.memory_space<semaphore_mem>>) src(%dma_wait3A_86 : memref<5120xi32, #tpu.memory_space<hbm>>) dst(%arg8 : memref<5120xi32, #tpu.memory_space<vmem>>)
      tpu.yield
    }) : () -> ()
    %mul3A = arith.constant 128 : i32
    %mul3A_0 = arith.muli %arg0, %mul3A : i32
    %dma_start3A = arith.constant 0 : i32
    %dma_start3A_1 = tpu.memref_slice %arg7[%dma_start3A] : memref<5120xi32, #tpu.memory_space<vmem>> -> memref<64xi32, #tpu.memory_space<vmem>>
    %dma_start3A_2 = arith.constant 0 : i32
    %dma_start3A_3 = tpu.memref_slice %arg2[%dma_start3A_2, %mul3A_0] : memref<10000x256xf32, #tpu.memory_space<hbm>> -> memref<10000x128xf32, #tpu.memory_space<hbm>>
    %dma_start3A_4 = arith.constant 0 : i32
    %dma_start3A_5 = arith.constant 0 : i32
    %dma_start3A_6 = tpu.memref_slice %dma_start3A_3[%dma_start3A_4, %dma_start3A_5] : memref<10000x128xf32, #tpu.memory_space<hbm>> -> memref<10000x128xf32, #tpu.memory_space<hbm>>
    tpu.enqueue_indirect_dma source(%dma_start3A_6 : memref<10000x128xf32, #tpu.memory_space<hbm>>) target(%arg9 : memref<64x128xf32, #tpu.memory_space<vmem>>) offsets(%dma_start3A_1 : memref<64xi32, #tpu.memory_space<vmem>>) semaphore(%arg14 : memref<!tpu.dma_semaphore, #tpu.memory_space<semaphore_mem>>)
    %mul3A_7 = arith.constant 128 : i32
    %mul3A_8 = arith.muli %arg0, %mul3A_7 : i32
    %dma_start3A_9 = arith.constant 64 : i32
    %dma_start3A_10 = tpu.memref_slice %arg7[%dma_start3A_9] : memref<5120xi32, #tpu.memory_space<vmem>> -> memref<64xi32, #tpu.memory_space<vmem>>
    %dma_start3A_11 = arith.constant 0 : i32
    %dma_start3A_12 = tpu.memref_slice %arg2[%dma_start3A_11, %mul3A_8] : memref<10000x256xf32, #tpu.memory_space<hbm>> -> memref<10000x128xf32, #tpu.memory_space<hbm>>
    %dma_start3A_13 = arith.constant 0 : i32
    %dma_start3A_14 = arith.constant 0 : i32
    %dma_start3A_15 = tpu.memref_slice %dma_start3A_12[%dma_start3A_13, %dma_start3A_14] : memref<10000x128xf32, #tpu.memory_space<hbm>> -> memref<10000x128xf32, #tpu.memory_space<hbm>>
    tpu.enqueue_indirect_dma source(%dma_start3A_15 : memref<10000x128xf32, #tpu.memory_space<hbm>>) target(%arg10 : memref<64x128xf32, #tpu.memory_space<vmem>>) offsets(%dma_start3A_10 : memref<64xi32, #tpu.memory_space<vmem>>) semaphore(%arg15 : memref<!tpu.dma_semaphore, #tpu.memory_space<semaphore_mem>>)
    %mul3A_16 = arith.constant 128 : i32
    %mul3A_17 = arith.muli %arg0, %mul3A_16 : i32
    %dma_start3A_18 = arith.constant 128 : i32
    %dma_start3A_19 = tpu.memref_slice %arg7[%dma_start3A_18] : memref<5120xi32, #tpu.memory_space<vmem>> -> memref<64xi32, #tpu.memory_space<vmem>>
    %dma_start3A_20 = arith.constant 0 : i32
    %dma_start3A_21 = tpu.memref_slice %arg2[%dma_start3A_20, %mul3A_17] : memref<10000x256xf32, #tpu.memory_space<hbm>> -> memref<10000x128xf32, #tpu.memory_space<hbm>>
    %dma_start3A_22 = arith.constant 0 : i32
    %dma_start3A_23 = arith.constant 0 : i32
    %dma_start3A_24 = tpu.memref_slice %dma_start3A_21[%dma_start3A_22, %dma_start3A_23] : memref<10000x128xf32, #tpu.memory_space<hbm>> -> memref<10000x128xf32, #tpu.memory_space<hbm>>
    tpu.enqueue_indirect_dma source(%dma_start3A_24 : memref<10000x128xf32, #tpu.memory_space<hbm>>) target(%arg11 : memref<64x128xf32, #tpu.memory_space<vmem>>) offsets(%dma_start3A_19 : memref<64xi32, #tpu.memory_space<vmem>>) semaphore(%arg16 : memref<!tpu.dma_semaphore, #tpu.memory_space<semaphore_mem>>)
    %mul3A_25 = arith.constant 640 : i32
    %mul3A_26 = arith.muli %arg1, %mul3A_25 : i32
    "tpu.region"() ({
      %run_scoped3A = tpu.sem_alloc : memref<!tpu.dma_semaphore, #tpu.memory_space<semaphore_mem>>
      %dma_start3A_68 = arith.constant 0 : i32
      %dma_start3A_69 = tpu.memref_slice %arg13[%mul3A_26, %dma_start3A_68] : memref<10240x128xf32, #tpu.memory_space<vmem_shared>> -> memref<640x128xf32, #tpu.memory_space<vmem_shared>>
      tpu.enqueue_dma source(%arg5 : memref<640x128xf32, #tpu.memory_space<hbm>>) target(%dma_start3A_69 : memref<640x128xf32, #tpu.memory_space<vmem_shared>>) target_semaphore(%run_scoped3A : memref<!tpu.dma_semaphore, #tpu.memory_space<semaphore_mem>>)
      %dma_wait3A = arith.constant 0 : i32
      %dma_wait3A_70 = tpu.memref_slice %arg13[%mul3A_26, %dma_wait3A] : memref<10240x128xf32, #tpu.memory_space<vmem_shared>> -> memref<640x128xf32, #tpu.memory_space<vmem_shared>>
      tpu.wait_dma2 semaphore(%run_scoped3A : memref<!tpu.dma_semaphore, #tpu.memory_space<semaphore_mem>>) src(%arg5 : memref<640x128xf32, #tpu.memory_space<hbm>>) dst(%dma_wait3A_70 : memref<640x128xf32, #tpu.memory_space<vmem_shared>>)
      tpu.yield
    }) : () -> ()
    %barrier3A = arith.constant 0 : index
    tpu.barrier barrier_id(%barrier3A)
    %scan3A = arith.constant 0 : i32
    %scan3A_27 = arith.constant 20 : i32
    %scan3A_28 = arith.addi %scan3A, %scan3A_27 : i32
    %scan3A_29 = arith.constant 1 : i32
    scf.for %scan3A_68 = %scan3A to %scan3A_28 step %scan3A_29  : i32 {
      %mul3A_69 = arith.constant 1 : i32
      %mul3A_70 = arith.muli %scan3A_68, %mul3A_69 : i32
      %add3A = arith.constant 0 : i32
      %add3A_71 = arith.addi %add3A, %mul3A_70 : i32
      %mul3A_72 = arith.constant 4 : i32
      %mul3A_73 = arith.muli %add3A_71, %mul3A_72 : i32
      %add3A_74 = arith.constant 0 : i32
      %add3A_75 = arith.addi %mul3A_73, %add3A_74 : i32
      %mul3A_76 = arith.constant 64 : i32
      %mul3A_77 = arith.muli %add3A_75, %mul3A_76 : i32
      %mul3A_78 = arith.constant 128 : i32
      %mul3A_79 = arith.muli %arg0, %mul3A_78 : i32
      %dma_wait3A = tpu.memref_slice %arg7[%mul3A_77] : memref<5120xi32, #tpu.memory_space<vmem>> -> memref<64xi32, #tpu.memory_space<vmem>>
      %dma_wait3A_80 = arith.constant 0 : i32
      %dma_wait3A_81 = tpu.memref_slice %arg2[%dma_wait3A_80, %mul3A_79] : memref<10000x256xf32, #tpu.memory_space<hbm>> -> memref<10000x128xf32, #tpu.memory_space<hbm>>
      %dma_wait3A_82 = arith.constant 0 : i32
      %dma_wait3A_83 = arith.constant 0 : i32
      %dma_wait3A_84 = tpu.memref_slice %dma_wait3A_81[%dma_wait3A_82, %dma_wait3A_83] : memref<10000x128xf32, #tpu.memory_space<hbm>> -> memref<10000x128xf32, #tpu.memory_space<hbm>>
      tpu.wait_indirect_dma semaphore(%arg14 : memref<!tpu.dma_semaphore, #tpu.memory_space<semaphore_mem>>) src(%dma_wait3A_84 : memref<10000x128xf32, #tpu.memory_space<hbm>>) dst(%arg9 : memref<64x128xf32, #tpu.memory_space<vmem>>)
      %add3A_85 = arith.constant 4 : i32
      %add3A_86 = arith.addi %add3A_75, %add3A_85 : i32
      %sub3A = arith.constant 1 : i32
      %sub3A_87 = arith.subi %add3A_86, %sub3A : i32
      %lt3A = arith.constant 80 : i32
      %lt3A_88 = arith.cmpi slt, %sub3A_87, %lt3A : i32
      %convert_element_type3A = arith.extui %lt3A_88 : i1 to i32
      %cond3A = arith.constant 0 : i32
      %cond3A_89 = arith.cmpi ne, %convert_element_type3A, %cond3A : i32
      scf.if %cond3A_89 {
        %add3A_153 = arith.constant 4 : i32
        %add3A_154 = arith.addi %add3A_75, %add3A_153 : i32
        %sub3A_155 = arith.constant 1 : i32
        %sub3A_156 = arith.subi %add3A_154, %sub3A_155 : i32
        %mul3A_157 = arith.constant 64 : i32
        %mul3A_158 = arith.muli %sub3A_156, %mul3A_157 : i32
        %mul3A_159 = arith.constant 128 : i32
        %mul3A_160 = arith.muli %arg0, %mul3A_159 : i32
        %dma_start3A_161 = tpu.memref_slice %arg7[%mul3A_158] : memref<5120xi32, #tpu.memory_space<vmem>> -> memref<64xi32, #tpu.memory_space<vmem>>
        %dma_start3A_162 = arith.constant 0 : i32
        %dma_start3A_163 = tpu.memref_slice %arg2[%dma_start3A_162, %mul3A_160] : memref<10000x256xf32, #tpu.memory_space<hbm>> -> memref<10000x128xf32, #tpu.memory_space<hbm>>
        %dma_start3A_164 = arith.constant 0 : i32
        %dma_start3A_165 = arith.constant 0 : i32
        %dma_start3A_166 = tpu.memref_slice %dma_start3A_163[%dma_start3A_164, %dma_start3A_165] : memref<10000x128xf32, #tpu.memory_space<hbm>> -> memref<10000x128xf32, #tpu.memory_space<hbm>>
        tpu.enqueue_indirect_dma source(%dma_start3A_166 : memref<10000x128xf32, #tpu.memory_space<hbm>>) target(%arg12 : memref<64x128xf32, #tpu.memory_space<vmem>>) offsets(%dma_start3A_161 : memref<64xi32, #tpu.memory_space<vmem>>) semaphore(%arg17 : memref<!tpu.dma_semaphore, #tpu.memory_space<semaphore_mem>>)
      } else {
      }
      "tpu.region"() ({
        %run_scoped3A = tpu.sem_alloc : memref<!tpu.dma_semaphore, #tpu.memory_space<semaphore_mem>>
        %dma_start3A_153 = tpu.memref_slice %arg8[%mul3A_77] : memref<5120xi32, #tpu.memory_space<vmem>> -> memref<64xi32, #tpu.memory_space<vmem>>
        %dma_start3A_154 = arith.constant 0 : i32
        %dma_start3A_155 = arith.constant 0 : i32
        %dma_start3A_156 = tpu.memref_slice %arg13[%dma_start3A_154, %dma_start3A_155] : memref<10240x128xf32, #tpu.memory_space<vmem_shared>> -> memref<10240x128xf32, #tpu.memory_space<vmem_shared>>
        tpu.enqueue_indirect_dma source(%arg9 : memref<64x128xf32, #tpu.memory_space<vmem>>) target(%dma_start3A_156 : memref<10240x128xf32, #tpu.memory_space<vmem_shared>>) offsets(%dma_start3A_153 : memref<64xi32, #tpu.memory_space<vmem>>) semaphore(%run_scoped3A : memref<!tpu.dma_semaphore, #tpu.memory_space<semaphore_mem>>) {add = true}
        %dma_wait3A_157 = tpu.memref_slice %arg8[%mul3A_77] : memref<5120xi32, #tpu.memory_space<vmem>> -> memref<64xi32, #tpu.memory_space<vmem>>
        %dma_wait3A_158 = arith.constant 0 : i32
        %dma_wait3A_159 = arith.constant 0 : i32
        %dma_wait3A_160 = tpu.memref_slice %arg13[%dma_wait3A_158, %dma_wait3A_159] : memref<10240x128xf32, #tpu.memory_space<vmem_shared>> -> memref<10240x128xf32, #tpu.memory_space<vmem_shared>>
        tpu.wait_indirect_dma semaphore(%run_scoped3A : memref<!tpu.dma_semaphore, #tpu.memory_space<semaphore_mem>>) src(%arg9 : memref<64x128xf32, #tpu.memory_space<vmem>>) dst(%dma_wait3A_160 : memref<10240x128xf32, #tpu.memory_space<vmem_shared>>)
        tpu.yield
      }) : () -> ()
      %add3A_90 = arith.constant 1 : i32
      %add3A_91 = arith.addi %mul3A_73, %add3A_90 : i32
      %mul3A_92 = arith.constant 64 : i32
      %mul3A_93 = arith.muli %add3A_91, %mul3A_92 : i32
      %mul3A_94 = arith.constant 128 : i32
      %mul3A_95 = arith.muli %arg0, %mul3A_94 : i32
      %dma_wait3A_96 = tpu.memref_slice %arg7[%mul3A_93] : memref<5120xi32, #tpu.memory_space<vmem>> -> memref<64xi32, #tpu.memory_space<vmem>>
      %dma_wait3A_97 = arith.constant 0 : i32
      %dma_wait3A_98 = tpu.memref_slice %arg2[%dma_wait3A_97, %mul3A_95] : memref<10000x256xf32, #tpu.memory_space<hbm>> -> memref<10000x128xf32, #tpu.memory_space<hbm>>
      %dma_wait3A_99 = arith.constant 0 : i32
      %dma_wait3A_100 = arith.constant 0 : i32
      %dma_wait3A_101 = tpu.memref_slice %dma_wait3A_98[%dma_wait3A_99, %dma_wait3A_100] : memref<10000x128xf32, #tpu.memory_space<hbm>> -> memref<10000x128xf32, #tpu.memory_space<hbm>>
      tpu.wait_indirect_dma semaphore(%arg15 : memref<!tpu.dma_semaphore, #tpu.memory_space<semaphore_mem>>) src(%dma_wait3A_101 : memref<10000x128xf32, #tpu.memory_space<hbm>>) dst(%arg10 : memref<64x128xf32, #tpu.memory_space<vmem>>)
      %add3A_102 = arith.constant 4 : i32
      %add3A_103 = arith.addi %add3A_91, %add3A_102 : i32
      %sub3A_104 = arith.constant 1 : i32
      %sub3A_105 = arith.subi %add3A_103, %sub3A_104 : i32
      %lt3A_106 = arith.constant 80 : i32
      %lt3A_107 = arith.cmpi slt, %sub3A_105, %lt3A_106 : i32
      %convert_element_type3A_108 = arith.extui %lt3A_107 : i1 to i32
      %cond3A_109 = arith.constant 0 : i32
      %cond3A_110 = arith.cmpi ne, %convert_element_type3A_108, %cond3A_109 : i32
      scf.if %cond3A_110 {
        %add3A_153 = arith.constant 4 : i32
        %add3A_154 = arith.addi %add3A_91, %add3A_153 : i32
        %sub3A_155 = arith.constant 1 : i32
        %sub3A_156 = arith.subi %add3A_154, %sub3A_155 : i32
        %mul3A_157 = arith.constant 64 : i32
        %mul3A_158 = arith.muli %sub3A_156, %mul3A_157 : i32
        %mul3A_159 = arith.constant 128 : i32
        %mul3A_160 = arith.muli %arg0, %mul3A_159 : i32
        %dma_start3A_161 = tpu.memref_slice %arg7[%mul3A_158] : memref<5120xi32, #tpu.memory_space<vmem>> -> memref<64xi32, #tpu.memory_space<vmem>>
        %dma_start3A_162 = arith.constant 0 : i32
        %dma_start3A_163 = tpu.memref_slice %arg2[%dma_start3A_162, %mul3A_160] : memref<10000x256xf32, #tpu.memory_space<hbm>> -> memref<10000x128xf32, #tpu.memory_space<hbm>>
        %dma_start3A_164 = arith.constant 0 : i32
        %dma_start3A_165 = arith.constant 0 : i32
        %dma_start3A_166 = tpu.memref_slice %dma_start3A_163[%dma_start3A_164, %dma_start3A_165] : memref<10000x128xf32, #tpu.memory_space<hbm>> -> memref<10000x128xf32, #tpu.memory_space<hbm>>
        tpu.enqueue_indirect_dma source(%dma_start3A_166 : memref<10000x128xf32, #tpu.memory_space<hbm>>) target(%arg9 : memref<64x128xf32, #tpu.memory_space<vmem>>) offsets(%dma_start3A_161 : memref<64xi32, #tpu.memory_space<vmem>>) semaphore(%arg14 : memref<!tpu.dma_semaphore, #tpu.memory_space<semaphore_mem>>)
      } else {
      }
      "tpu.region"() ({
        %run_scoped3A = tpu.sem_alloc : memref<!tpu.dma_semaphore, #tpu.memory_space<semaphore_mem>>
        %dma_start3A_153 = tpu.memref_slice %arg8[%mul3A_93] : memref<5120xi32, #tpu.memory_space<vmem>> -> memref<64xi32, #tpu.memory_space<vmem>>
        %dma_start3A_154 = arith.constant 0 : i32
        %dma_start3A_155 = arith.constant 0 : i32
        %dma_start3A_156 = tpu.memref_slice %arg13[%dma_start3A_154, %dma_start3A_155] : memref<10240x128xf32, #tpu.memory_space<vmem_shared>> -> memref<10240x128xf32, #tpu.memory_space<vmem_shared>>
        tpu.enqueue_indirect_dma source(%arg10 : memref<64x128xf32, #tpu.memory_space<vmem>>) target(%dma_start3A_156 : memref<10240x128xf32, #tpu.memory_space<vmem_shared>>) offsets(%dma_start3A_153 : memref<64xi32, #tpu.memory_space<vmem>>) semaphore(%run_scoped3A : memref<!tpu.dma_semaphore, #tpu.memory_space<semaphore_mem>>) {add = true}
        %dma_wait3A_157 = tpu.memref_slice %arg8[%mul3A_93] : memref<5120xi32, #tpu.memory_space<vmem>> -> memref<64xi32, #tpu.memory_space<vmem>>
        %dma_wait3A_158 = arith.constant 0 : i32
        %dma_wait3A_159 = arith.constant 0 : i32
        %dma_wait3A_160 = tpu.memref_slice %arg13[%dma_wait3A_158, %dma_wait3A_159] : memref<10240x128xf32, #tpu.memory_space<vmem_shared>> -> memref<10240x128xf32, #tpu.memory_space<vmem_shared>>
        tpu.wait_indirect_dma semaphore(%run_scoped3A : memref<!tpu.dma_semaphore, #tpu.memory_space<semaphore_mem>>) src(%arg10 : memref<64x128xf32, #tpu.memory_space<vmem>>) dst(%dma_wait3A_160 : memref<10240x128xf32, #tpu.memory_space<vmem_shared>>)
        tpu.yield
      }) : () -> ()
      %add3A_111 = arith.constant 2 : i32
      %add3A_112 = arith.addi %mul3A_73, %add3A_111 : i32
      %mul3A_113 = arith.constant 64 : i32
      %mul3A_114 = arith.muli %add3A_112, %mul3A_113 : i32
      %mul3A_115 = arith.constant 128 : i32
      %mul3A_116 = arith.muli %arg0, %mul3A_115 : i32
      %dma_wait3A_117 = tpu.memref_slice %arg7[%mul3A_114] : memref<5120xi32, #tpu.memory_space<vmem>> -> memref<64xi32, #tpu.memory_space<vmem>>
      %dma_wait3A_118 = arith.constant 0 : i32
      %dma_wait3A_119 = tpu.memref_slice %arg2[%dma_wait3A_118, %mul3A_116] : memref<10000x256xf32, #tpu.memory_space<hbm>> -> memref<10000x128xf32, #tpu.memory_space<hbm>>
      %dma_wait3A_120 = arith.constant 0 : i32
      %dma_wait3A_121 = arith.constant 0 : i32
      %dma_wait3A_122 = tpu.memref_slice %dma_wait3A_119[%dma_wait3A_120, %dma_wait3A_121] : memref<10000x128xf32, #tpu.memory_space<hbm>> -> memref<10000x128xf32, #tpu.memory_space<hbm>>
      tpu.wait_indirect_dma semaphore(%arg16 : memref<!tpu.dma_semaphore, #tpu.memory_space<semaphore_mem>>) src(%dma_wait3A_122 : memref<10000x128xf32, #tpu.memory_space<hbm>>) dst(%arg11 : memref<64x128xf32, #tpu.memory_space<vmem>>)
      %add3A_123 = arith.constant 4 : i32
      %add3A_124 = arith.addi %add3A_112, %add3A_123 : i32
      %sub3A_125 = arith.constant 1 : i32
      %sub3A_126 = arith.subi %add3A_124, %sub3A_125 : i32
      %lt3A_127 = arith.constant 80 : i32
      %lt3A_128 = arith.cmpi slt, %sub3A_126, %lt3A_127 : i32
      %convert_element_type3A_129 = arith.extui %lt3A_128 : i1 to i32
      %cond3A_130 = arith.constant 0 : i32
      %cond3A_131 = arith.cmpi ne, %convert_element_type3A_129, %cond3A_130 : i32
      scf.if %cond3A_131 {
        %add3A_153 = arith.constant 4 : i32
        %add3A_154 = arith.addi %add3A_112, %add3A_153 : i32
        %sub3A_155 = arith.constant 1 : i32
        %sub3A_156 = arith.subi %add3A_154, %sub3A_155 : i32
        %mul3A_157 = arith.constant 64 : i32
        %mul3A_158 = arith.muli %sub3A_156, %mul3A_157 : i32
        %mul3A_159 = arith.constant 128 : i32
        %mul3A_160 = arith.muli %arg0, %mul3A_159 : i32
        %dma_start3A_161 = tpu.memref_slice %arg7[%mul3A_158] : memref<5120xi32, #tpu.memory_space<vmem>> -> memref<64xi32, #tpu.memory_space<vmem>>
        %dma_start3A_162 = arith.constant 0 : i32
        %dma_start3A_163 = tpu.memref_slice %arg2[%dma_start3A_162, %mul3A_160] : memref<10000x256xf32, #tpu.memory_space<hbm>> -> memref<10000x128xf32, #tpu.memory_space<hbm>>
        %dma_start3A_164 = arith.constant 0 : i32
        %dma_start3A_165 = arith.constant 0 : i32
        %dma_start3A_166 = tpu.memref_slice %dma_start3A_163[%dma_start3A_164, %dma_start3A_165] : memref<10000x128xf32, #tpu.memory_space<hbm>> -> memref<10000x128xf32, #tpu.memory_space<hbm>>
        tpu.enqueue_indirect_dma source(%dma_start3A_166 : memref<10000x128xf32, #tpu.memory_space<hbm>>) target(%arg10 : memref<64x128xf32, #tpu.memory_space<vmem>>) offsets(%dma_start3A_161 : memref<64xi32, #tpu.memory_space<vmem>>) semaphore(%arg15 : memref<!tpu.dma_semaphore, #tpu.memory_space<semaphore_mem>>)
      } else {
      }
      "tpu.region"() ({
        %run_scoped3A = tpu.sem_alloc : memref<!tpu.dma_semaphore, #tpu.memory_space<semaphore_mem>>
        %dma_start3A_153 = tpu.memref_slice %arg8[%mul3A_114] : memref<5120xi32, #tpu.memory_space<vmem>> -> memref<64xi32, #tpu.memory_space<vmem>>
        %dma_start3A_154 = arith.constant 0 : i32
        %dma_start3A_155 = arith.constant 0 : i32
        %dma_start3A_156 = tpu.memref_slice %arg13[%dma_start3A_154, %dma_start3A_155] : memref<10240x128xf32, #tpu.memory_space<vmem_shared>> -> memref<10240x128xf32, #tpu.memory_space<vmem_shared>>
        tpu.enqueue_indirect_dma source(%arg11 : memref<64x128xf32, #tpu.memory_space<vmem>>) target(%dma_start3A_156 : memref<10240x128xf32, #tpu.memory_space<vmem_shared>>) offsets(%dma_start3A_153 : memref<64xi32, #tpu.memory_space<vmem>>) semaphore(%run_scoped3A : memref<!tpu.dma_semaphore, #tpu.memory_space<semaphore_mem>>) {add = true}
        %dma_wait3A_157 = tpu.memref_slice %arg8[%mul3A_114] : memref<5120xi32, #tpu.memory_space<vmem>> -> memref<64xi32, #tpu.memory_space<vmem>>
        %dma_wait3A_158 = arith.constant 0 : i32
        %dma_wait3A_159 = arith.constant 0 : i32
        %dma_wait3A_160 = tpu.memref_slice %arg13[%dma_wait3A_158, %dma_wait3A_159] : memref<10240x128xf32, #tpu.memory_space<vmem_shared>> -> memref<10240x128xf32, #tpu.memory_space<vmem_shared>>
        tpu.wait_indirect_dma semaphore(%run_scoped3A : memref<!tpu.dma_semaphore, #tpu.memory_space<semaphore_mem>>) src(%arg11 : memref<64x128xf32, #tpu.memory_space<vmem>>) dst(%dma_wait3A_160 : memref<10240x128xf32, #tpu.memory_space<vmem_shared>>)
        tpu.yield
      }) : () -> ()
      %add3A_132 = arith.constant 3 : i32
      %add3A_133 = arith.addi %mul3A_73, %add3A_132 : i32
      %mul3A_134 = arith.constant 64 : i32
      %mul3A_135 = arith.muli %add3A_133, %mul3A_134 : i32
      %mul3A_136 = arith.constant 128 : i32
      %mul3A_137 = arith.muli %arg0, %mul3A_136 : i32
      %dma_wait3A_138 = tpu.memref_slice %arg7[%mul3A_135] : memref<5120xi32, #tpu.memory_space<vmem>> -> memref<64xi32, #tpu.memory_space<vmem>>
      %dma_wait3A_139 = arith.constant 0 : i32
      %dma_wait3A_140 = tpu.memref_slice %arg2[%dma_wait3A_139, %mul3A_137] : memref<10000x256xf32, #tpu.memory_space<hbm>> -> memref<10000x128xf32, #tpu.memory_space<hbm>>
      %dma_wait3A_141 = arith.constant 0 : i32
      %dma_wait3A_142 = arith.constant 0 : i32
      %dma_wait3A_143 = tpu.memref_slice %dma_wait3A_140[%dma_wait3A_141, %dma_wait3A_142] : memref<10000x128xf32, #tpu.memory_space<hbm>> -> memref<10000x128xf32, #tpu.memory_space<hbm>>
      tpu.wait_indirect_dma semaphore(%arg17 : memref<!tpu.dma_semaphore, #tpu.memory_space<semaphore_mem>>) src(%dma_wait3A_143 : memref<10000x128xf32, #tpu.memory_space<hbm>>) dst(%arg12 : memref<64x128xf32, #tpu.memory_space<vmem>>)
      %add3A_144 = arith.constant 4 : i32
      %add3A_145 = arith.addi %add3A_133, %add3A_144 : i32
      %sub3A_146 = arith.constant 1 : i32
      %sub3A_147 = arith.subi %add3A_145, %sub3A_146 : i32
      %lt3A_148 = arith.constant 80 : i32
      %lt3A_149 = arith.cmpi slt, %sub3A_147, %lt3A_148 : i32
      %convert_element_type3A_150 = arith.extui %lt3A_149 : i1 to i32
      %cond3A_151 = arith.constant 0 : i32
      %cond3A_152 = arith.cmpi ne, %convert_element_type3A_150, %cond3A_151 : i32
      scf.if %cond3A_152 {
        %add3A_153 = arith.constant 4 : i32
        %add3A_154 = arith.addi %add3A_133, %add3A_153 : i32
        %sub3A_155 = arith.constant 1 : i32
        %sub3A_156 = arith.subi %add3A_154, %sub3A_155 : i32
        %mul3A_157 = arith.constant 64 : i32
        %mul3A_158 = arith.muli %sub3A_156, %mul3A_157 : i32
        %mul3A_159 = arith.constant 128 : i32
        %mul3A_160 = arith.muli %arg0, %mul3A_159 : i32
        %dma_start3A_161 = tpu.memref_slice %arg7[%mul3A_158] : memref<5120xi32, #tpu.memory_space<vmem>> -> memref<64xi32, #tpu.memory_space<vmem>>
        %dma_start3A_162 = arith.constant 0 : i32
        %dma_start3A_163 = tpu.memref_slice %arg2[%dma_start3A_162, %mul3A_160] : memref<10000x256xf32, #tpu.memory_space<hbm>> -> memref<10000x128xf32, #tpu.memory_space<hbm>>
        %dma_start3A_164 = arith.constant 0 : i32
        %dma_start3A_165 = arith.constant 0 : i32
        %dma_start3A_166 = tpu.memref_slice %dma_start3A_163[%dma_start3A_164, %dma_start3A_165] : memref<10000x128xf32, #tpu.memory_space<hbm>> -> memref<10000x128xf32, #tpu.memory_space<hbm>>
        tpu.enqueue_indirect_dma source(%dma_start3A_166 : memref<10000x128xf32, #tpu.memory_space<hbm>>) target(%arg11 : memref<64x128xf32, #tpu.memory_space<vmem>>) offsets(%dma_start3A_161 : memref<64xi32, #tpu.memory_space<vmem>>) semaphore(%arg16 : memref<!tpu.dma_semaphore, #tpu.memory_space<semaphore_mem>>)
      } else {
      }
      "tpu.region"() ({
        %run_scoped3A = tpu.sem_alloc : memref<!tpu.dma_semaphore, #tpu.memory_space<semaphore_mem>>
        %dma_start3A_153 = tpu.memref_slice %arg8[%mul3A_135] : memref<5120xi32, #tpu.memory_space<vmem>> -> memref<64xi32, #tpu.memory_space<vmem>>
        %dma_start3A_154 = arith.constant 0 : i32
        %dma_start3A_155 = arith.constant 0 : i32
        %dma_start3A_156 = tpu.memref_slice %arg13[%dma_start3A_154, %dma_start3A_155] : memref<10240x128xf32, #tpu.memory_space<vmem_shared>> -> memref<10240x128xf32, #tpu.memory_space<vmem_shared>>
        tpu.enqueue_indirect_dma source(%arg12 : memref<64x128xf32, #tpu.memory_space<vmem>>) target(%dma_start3A_156 : memref<10240x128xf32, #tpu.memory_space<vmem_shared>>) offsets(%dma_start3A_153 : memref<64xi32, #tpu.memory_space<vmem>>) semaphore(%run_scoped3A : memref<!tpu.dma_semaphore, #tpu.memory_space<semaphore_mem>>) {add = true}
        %dma_wait3A_157 = tpu.memref_slice %arg8[%mul3A_135] : memref<5120xi32, #tpu.memory_space<vmem>> -> memref<64xi32, #tpu.memory_space<vmem>>
        %dma_wait3A_158 = arith.constant 0 : i32
        %dma_wait3A_159 = arith.constant 0 : i32
        %dma_wait3A_160 = tpu.memref_slice %arg13[%dma_wait3A_158, %dma_wait3A_159] : memref<10240x128xf32, #tpu.memory_space<vmem_shared>> -> memref<10240x128xf32, #tpu.memory_space<vmem_shared>>
        tpu.wait_indirect_dma semaphore(%run_scoped3A : memref<!tpu.dma_semaphore, #tpu.memory_space<semaphore_mem>>) src(%arg12 : memref<64x128xf32, #tpu.memory_space<vmem>>) dst(%dma_wait3A_160 : memref<10240x128xf32, #tpu.memory_space<vmem_shared>>)
        tpu.yield
      }) : () -> ()
    }
    %scan3A_30 = arith.constant 20 : i32
    "tpu.region"() ({
      %run_scoped3A = tpu.sem_alloc : memref<!tpu.dma_semaphore, #tpu.memory_space<semaphore_mem>>
      %dma_start3A_68 = arith.constant 0 : i32
      %dma_start3A_69 = arith.constant 0 : i32
      %dma_start3A_70 = tpu.memref_slice %arg3[%arg0, %dma_start3A_68, %dma_start3A_69] : memref<2x16x10240xi32, #tpu.memory_space<hbm>> -> memref<1x16x10240xi32, #tpu.memory_space<hbm>>
      %dma_start3A_71 = tpu.memref_squeeze %dma_start3A_70 : memref<1x16x10240xi32, #tpu.memory_space<hbm>> -> memref<16x10240xi32, #tpu.memory_space<hbm>>
      %dma_start3A_72 = arith.constant 0 : i32
      %dma_start3A_73 = tpu.memref_slice %dma_start3A_71[%arg1, %dma_start3A_72] : memref<16x10240xi32, #tpu.memory_space<hbm>> -> memref<1x10240xi32, #tpu.memory_space<hbm>>
      %dma_start3A_74 = tpu.memref_squeeze %dma_start3A_73 : memref<1x10240xi32, #tpu.memory_space<hbm>> -> memref<10240xi32, #tpu.memory_space<hbm>>
      %dma_start3A_75 = arith.constant 5120 : i32
      %dma_start3A_76 = tpu.memref_slice %dma_start3A_74[%dma_start3A_75] : memref<10240xi32, #tpu.memory_space<hbm>> -> memref<5120xi32, #tpu.memory_space<hbm>>
      %dma_start3A_77 = arith.constant 0 : i32
      %dma_start3A_78 = arith.constant 0 : i32
      %dma_start3A_79 = tpu.memref_slice %arg3[%arg0, %dma_start3A_77, %dma_start3A_78] : memref<2x16x10240xi32, #tpu.memory_space<hbm>> -> memref<1x16x10240xi32, #tpu.memory_space<hbm>>
      %dma_start3A_80 = tpu.memref_squeeze %dma_start3A_79 : memref<1x16x10240xi32, #tpu.memory_space<hbm>> -> memref<16x10240xi32, #tpu.memory_space<hbm>>
      %dma_start3A_81 = arith.constant 0 : i32
      %dma_start3A_82 = tpu.memref_slice %dma_start3A_80[%arg1, %dma_start3A_81] : memref<16x10240xi32, #tpu.memory_space<hbm>> -> memref<1x10240xi32, #tpu.memory_space<hbm>>
      %dma_start3A_83 = tpu.memref_squeeze %dma_start3A_82 : memref<1x10240xi32, #tpu.memory_space<hbm>> -> memref<10240xi32, #tpu.memory_space<hbm>>
      %dma_start3A_84 = arith.constant 5120 : i32
      %dma_start3A_85 = tpu.memref_slice %dma_start3A_83[%dma_start3A_84] : memref<10240xi32, #tpu.memory_space<hbm>> -> memref<5120xi32, #tpu.memory_space<hbm>>
      tpu.enqueue_dma source(%dma_start3A_85 : memref<5120xi32, #tpu.memory_space<hbm>>) target(%arg7 : memref<5120xi32, #tpu.memory_space<vmem>>) target_semaphore(%run_scoped3A : memref<!tpu.dma_semaphore, #tpu.memory_space<semaphore_mem>>)
      %dma_wait3A = arith.constant 0 : i32
      %dma_wait3A_86 = arith.constant 0 : i32
      %dma_wait3A_87 = tpu.memref_slice %arg3[%arg0, %dma_wait3A, %dma_wait3A_86] : memref<2x16x10240xi32, #tpu.memory_space<hbm>> -> memref<1x16x10240xi32, #tpu.memory_space<hbm>>
      %dma_wait3A_88 = tpu.memref_squeeze %dma_wait3A_87 : memref<1x16x10240xi32, #tpu.memory_space<hbm>> -> memref<16x10240xi32, #tpu.memory_space<hbm>>
      %dma_wait3A_89 = arith.constant 0 : i32
      %dma_wait3A_90 = tpu.memref_slice %dma_wait3A_88[%arg1, %dma_wait3A_89] : memref<16x10240xi32, #tpu.memory_space<hbm>> -> memref<1x10240xi32, #tpu.memory_space<hbm>>
      %dma_wait3A_91 = tpu.memref_squeeze %dma_wait3A_90 : memref<1x10240xi32, #tpu.memory_space<hbm>> -> memref<10240xi32, #tpu.memory_space<hbm>>
      %dma_wait3A_92 = arith.constant 5120 : i32
      %dma_wait3A_93 = tpu.memref_slice %dma_wait3A_91[%dma_wait3A_92] : memref<10240xi32, #tpu.memory_space<hbm>> -> memref<5120xi32, #tpu.memory_space<hbm>>
      %dma_wait3A_94 = arith.constant 0 : i32
      %dma_wait3A_95 = arith.constant 0 : i32
      %dma_wait3A_96 = tpu.memref_slice %arg3[%arg0, %dma_wait3A_94, %dma_wait3A_95] : memref<2x16x10240xi32, #tpu.memory_space<hbm>> -> memref<1x16x10240xi32, #tpu.memory_space<hbm>>
      %dma_wait3A_97 = tpu.memref_squeeze %dma_wait3A_96 : memref<1x16x10240xi32, #tpu.memory_space<hbm>> -> memref<16x10240xi32, #tpu.memory_space<hbm>>
      %dma_wait3A_98 = arith.constant 0 : i32
      %dma_wait3A_99 = tpu.memref_slice %dma_wait3A_97[%arg1, %dma_wait3A_98] : memref<16x10240xi32, #tpu.memory_space<hbm>> -> memref<1x10240xi32, #tpu.memory_space<hbm>>
      %dma_wait3A_100 = tpu.memref_squeeze %dma_wait3A_99 : memref<1x10240xi32, #tpu.memory_space<hbm>> -> memref<10240xi32, #tpu.memory_space<hbm>>
      %dma_wait3A_101 = arith.constant 5120 : i32
      %dma_wait3A_102 = tpu.memref_slice %dma_wait3A_100[%dma_wait3A_101] : memref<10240xi32, #tpu.memory_space<hbm>> -> memref<5120xi32, #tpu.memory_space<hbm>>
      tpu.wait_dma2 semaphore(%run_scoped3A : memref<!tpu.dma_semaphore, #tpu.memory_space<semaphore_mem>>) src(%dma_wait3A_102 : memref<5120xi32, #tpu.memory_space<hbm>>) dst(%arg7 : memref<5120xi32, #tpu.memory_space<vmem>>)
      tpu.yield
    }) : () -> ()
    "tpu.region"() ({
      %run_scoped3A = tpu.sem_alloc : memref<!tpu.dma_semaphore, #tpu.memory_space<semaphore_mem>>
      %dma_start3A_68 = arith.constant 0 : i32
      %dma_start3A_69 = tpu.memref_slice %arg4[%arg1, %dma_start3A_68] : memref<16x10240xi32, #tpu.memory_space<hbm>> -> memref<1x10240xi32, #tpu.memory_space<hbm>>
      %dma_start3A_70 = tpu.memref_squeeze %dma_start3A_69 : memref<1x10240xi32, #tpu.memory_space<hbm>> -> memref<10240xi32, #tpu.memory_space<hbm>>
      %dma_start3A_71 = arith.constant 5120 : i32
      %dma_start3A_72 = tpu.memref_slice %dma_start3A_70[%dma_start3A_71] : memref<10240xi32, #tpu.memory_space<hbm>> -> memref<5120xi32, #tpu.memory_space<hbm>>
      %dma_start3A_73 = arith.constant 0 : i32
      %dma_start3A_74 = tpu.memref_slice %arg4[%arg1, %dma_start3A_73] : memref<16x10240xi32, #tpu.memory_space<hbm>> -> memref<1x10240xi32, #tpu.memory_space<hbm>>
      %dma_start3A_75 = tpu.memref_squeeze %dma_start3A_74 : memref<1x10240xi32, #tpu.memory_space<hbm>> -> memref<10240xi32, #tpu.memory_space<hbm>>
      %dma_start3A_76 = arith.constant 5120 : i32
      %dma_start3A_77 = tpu.memref_slice %dma_start3A_75[%dma_start3A_76] : memref<10240xi32, #tpu.memory_space<hbm>> -> memref<5120xi32, #tpu.memory_space<hbm>>
      tpu.enqueue_dma source(%dma_start3A_77 : memref<5120xi32, #tpu.memory_space<hbm>>) target(%arg8 : memref<5120xi32, #tpu.memory_space<vmem>>) target_semaphore(%run_scoped3A : memref<!tpu.dma_semaphore, #tpu.memory_space<semaphore_mem>>)
      %dma_wait3A = arith.constant 0 : i32
      %dma_wait3A_78 = tpu.memref_slice %arg4[%arg1, %dma_wait3A] : memref<16x10240xi32, #tpu.memory_space<hbm>> -> memref<1x10240xi32, #tpu.memory_space<hbm>>
      %dma_wait3A_79 = tpu.memref_squeeze %dma_wait3A_78 : memref<1x10240xi32, #tpu.memory_space<hbm>> -> memref<10240xi32, #tpu.memory_space<hbm>>
      %dma_wait3A_80 = arith.constant 5120 : i32
      %dma_wait3A_81 = tpu.memref_slice %dma_wait3A_79[%dma_wait3A_80] : memref<10240xi32, #tpu.memory_space<hbm>> -> memref<5120xi32, #tpu.memory_space<hbm>>
      %dma_wait3A_82 = arith.constant 0 : i32
      %dma_wait3A_83 = tpu.memref_slice %arg4[%arg1, %dma_wait3A_82] : memref<16x10240xi32, #tpu.memory_space<hbm>> -> memref<1x10240xi32, #tpu.memory_space<hbm>>
      %dma_wait3A_84 = tpu.memref_squeeze %dma_wait3A_83 : memref<1x10240xi32, #tpu.memory_space<hbm>> -> memref<10240xi32, #tpu.memory_space<hbm>>
      %dma_wait3A_85 = arith.constant 5120 : i32
      %dma_wait3A_86 = tpu.memref_slice %dma_wait3A_84[%dma_wait3A_85] : memref<10240xi32, #tpu.memory_space<hbm>> -> memref<5120xi32, #tpu.memory_space<hbm>>
      tpu.wait_dma2 semaphore(%run_scoped3A : memref<!tpu.dma_semaphore, #tpu.memory_space<semaphore_mem>>) src(%dma_wait3A_86 : memref<5120xi32, #tpu.memory_space<hbm>>) dst(%arg8 : memref<5120xi32, #tpu.memory_space<vmem>>)
      tpu.yield
    }) : () -> ()
    %mul3A_31 = arith.constant 128 : i32
    %mul3A_32 = arith.muli %arg0, %mul3A_31 : i32
    %dma_start3A_33 = arith.constant 0 : i32
    %dma_start3A_34 = tpu.memref_slice %arg7[%dma_start3A_33] : memref<5120xi32, #tpu.memory_space<vmem>> -> memref<64xi32, #tpu.memory_space<vmem>>
    %dma_start3A_35 = arith.constant 0 : i32
    %dma_start3A_36 = tpu.memref_slice %arg2[%dma_start3A_35, %mul3A_32] : memref<10000x256xf32, #tpu.memory_space<hbm>> -> memref<10000x128xf32, #tpu.memory_space<hbm>>
    %dma_start3A_37 = arith.constant 0 : i32
    %dma_start3A_38 = arith.constant 0 : i32
    %dma_start3A_39 = tpu.memref_slice %dma_start3A_36[%dma_start3A_37, %dma_start3A_38] : memref<10000x128xf32, #tpu.memory_space<hbm>> -> memref<10000x128xf32, #tpu.memory_space<hbm>>
    tpu.enqueue_indirect_dma source(%dma_start3A_39 : memref<10000x128xf32, #tpu.memory_space<hbm>>) target(%arg9 : memref<64x128xf32, #tpu.memory_space<vmem>>) offsets(%dma_start3A_34 : memref<64xi32, #tpu.memory_space<vmem>>) semaphore(%arg14 : memref<!tpu.dma_semaphore, #tpu.memory_space<semaphore_mem>>)
    %mul3A_40 = arith.constant 128 : i32
    %mul3A_41 = arith.muli %arg0, %mul3A_40 : i32
    %dma_start3A_42 = arith.constant 64 : i32
    %dma_start3A_43 = tpu.memref_slice %arg7[%dma_start3A_42] : memref<5120xi32, #tpu.memory_space<vmem>> -> memref<64xi32, #tpu.memory_space<vmem>>
    %dma_start3A_44 = arith.constant 0 : i32
    %dma_start3A_45 = tpu.memref_slice %arg2[%dma_start3A_44, %mul3A_41] : memref<10000x256xf32, #tpu.memory_space<hbm>> -> memref<10000x128xf32, #tpu.memory_space<hbm>>
    %dma_start3A_46 = arith.constant 0 : i32
    %dma_start3A_47 = arith.constant 0 : i32
    %dma_start3A_48 = tpu.memref_slice %dma_start3A_45[%dma_start3A_46, %dma_start3A_47] : memref<10000x128xf32, #tpu.memory_space<hbm>> -> memref<10000x128xf32, #tpu.memory_space<hbm>>
    tpu.enqueue_indirect_dma source(%dma_start3A_48 : memref<10000x128xf32, #tpu.memory_space<hbm>>) target(%arg10 : memref<64x128xf32, #tpu.memory_space<vmem>>) offsets(%dma_start3A_43 : memref<64xi32, #tpu.memory_space<vmem>>) semaphore(%arg15 : memref<!tpu.dma_semaphore, #tpu.memory_space<semaphore_mem>>)
    %mul3A_49 = arith.constant 128 : i32
    %mul3A_50 = arith.muli %arg0, %mul3A_49 : i32
    %dma_start3A_51 = arith.constant 128 : i32
    %dma_start3A_52 = tpu.memref_slice %arg7[%dma_start3A_51] : memref<5120xi32, #tpu.memory_space<vmem>> -> memref<64xi32, #tpu.memory_space<vmem>>
    %dma_start3A_53 = arith.constant 0 : i32
    %dma_start3A_54 = tpu.memref_slice %arg2[%dma_start3A_53, %mul3A_50] : memref<10000x256xf32, #tpu.memory_space<hbm>> -> memref<10000x128xf32, #tpu.memory_space<hbm>>
    %dma_start3A_55 = arith.constant 0 : i32
    %dma_start3A_56 = arith.constant 0 : i32
    %dma_start3A_57 = tpu.memref_slice %dma_start3A_54[%dma_start3A_55, %dma_start3A_56] : memref<10000x128xf32, #tpu.memory_space<hbm>> -> memref<10000x128xf32, #tpu.memory_space<hbm>>
    tpu.enqueue_indirect_dma source(%dma_start3A_57 : memref<10000x128xf32, #tpu.memory_space<hbm>>) target(%arg11 : memref<64x128xf32, #tpu.memory_space<vmem>>) offsets(%dma_start3A_52 : memref<64xi32, #tpu.memory_space<vmem>>) semaphore(%arg16 : memref<!tpu.dma_semaphore, #tpu.memory_space<semaphore_mem>>)
    %scan3A_58 = arith.constant 0 : i32
    %scan3A_59 = arith.constant 20 : i32
    %scan3A_60 = arith.addi %scan3A_58, %scan3A_59 : i32
    %scan3A_61 = arith.constant 1 : i32
    scf.for %scan3A_68 = %scan3A_58 to %scan3A_60 step %scan3A_61  : i32 {
      %mul3A_69 = arith.constant 1 : i32
      %mul3A_70 = arith.muli %scan3A_68, %mul3A_69 : i32
      %add3A = arith.constant 0 : i32
      %add3A_71 = arith.addi %add3A, %mul3A_70 : i32
      %mul3A_72 = arith.constant 4 : i32
      %mul3A_73 = arith.muli %add3A_71, %mul3A_72 : i32
      %add3A_74 = arith.constant 0 : i32
      %add3A_75 = arith.addi %mul3A_73, %add3A_74 : i32
      %mul3A_76 = arith.constant 64 : i32
      %mul3A_77 = arith.muli %add3A_75, %mul3A_76 : i32
      %mul3A_78 = arith.constant 128 : i32
      %mul3A_79 = arith.muli %arg0, %mul3A_78 : i32
      %dma_wait3A = tpu.memref_slice %arg7[%mul3A_77] : memref<5120xi32, #tpu.memory_space<vmem>> -> memref<64xi32, #tpu.memory_space<vmem>>
      %dma_wait3A_80 = arith.constant 0 : i32
      %dma_wait3A_81 = tpu.memref_slice %arg2[%dma_wait3A_80, %mul3A_79] : memref<10000x256xf32, #tpu.memory_space<hbm>> -> memref<10000x128xf32, #tpu.memory_space<hbm>>
      %dma_wait3A_82 = arith.constant 0 : i32
      %dma_wait3A_83 = arith.constant 0 : i32
      %dma_wait3A_84 = tpu.memref_slice %dma_wait3A_81[%dma_wait3A_82, %dma_wait3A_83] : memref<10000x128xf32, #tpu.memory_space<hbm>> -> memref<10000x128xf32, #tpu.memory_space<hbm>>
      tpu.wait_indirect_dma semaphore(%arg14 : memref<!tpu.dma_semaphore, #tpu.memory_space<semaphore_mem>>) src(%dma_wait3A_84 : memref<10000x128xf32, #tpu.memory_space<hbm>>) dst(%arg9 : memref<64x128xf32, #tpu.memory_space<vmem>>)
      %add3A_85 = arith.constant 4 : i32
      %add3A_86 = arith.addi %add3A_75, %add3A_85 : i32
      %sub3A = arith.constant 1 : i32
      %sub3A_87 = arith.subi %add3A_86, %sub3A : i32
      %lt3A = arith.constant 80 : i32
      %lt3A_88 = arith.cmpi slt, %sub3A_87, %lt3A : i32
      %convert_element_type3A = arith.extui %lt3A_88 : i1 to i32
      %cond3A = arith.constant 0 : i32
      %cond3A_89 = arith.cmpi ne, %convert_element_type3A, %cond3A : i32
      scf.if %cond3A_89 {
        %add3A_153 = arith.constant 4 : i32
        %add3A_154 = arith.addi %add3A_75, %add3A_153 : i32
        %sub3A_155 = arith.constant 1 : i32
        %sub3A_156 = arith.subi %add3A_154, %sub3A_155 : i32
        %mul3A_157 = arith.constant 64 : i32
        %mul3A_158 = arith.muli %sub3A_156, %mul3A_157 : i32
        %mul3A_159 = arith.constant 128 : i32
        %mul3A_160 = arith.muli %arg0, %mul3A_159 : i32
        %dma_start3A_161 = tpu.memref_slice %arg7[%mul3A_158] : memref<5120xi32, #tpu.memory_space<vmem>> -> memref<64xi32, #tpu.memory_space<vmem>>
        %dma_start3A_162 = arith.constant 0 : i32
        %dma_start3A_163 = tpu.memref_slice %arg2[%dma_start3A_162, %mul3A_160] : memref<10000x256xf32, #tpu.memory_space<hbm>> -> memref<10000x128xf32, #tpu.memory_space<hbm>>
        %dma_start3A_164 = arith.constant 0 : i32
        %dma_start3A_165 = arith.constant 0 : i32
        %dma_start3A_166 = tpu.memref_slice %dma_start3A_163[%dma_start3A_164, %dma_start3A_165] : memref<10000x128xf32, #tpu.memory_space<hbm>> -> memref<10000x128xf32, #tpu.memory_space<hbm>>
        tpu.enqueue_indirect_dma source(%dma_start3A_166 : memref<10000x128xf32, #tpu.memory_space<hbm>>) target(%arg12 : memref<64x128xf32, #tpu.memory_space<vmem>>) offsets(%dma_start3A_161 : memref<64xi32, #tpu.memory_space<vmem>>) semaphore(%arg17 : memref<!tpu.dma_semaphore, #tpu.memory_space<semaphore_mem>>)
      } else {
      }
      "tpu.region"() ({
        %run_scoped3A = tpu.sem_alloc : memref<!tpu.dma_semaphore, #tpu.memory_space<semaphore_mem>>
        %dma_start3A_153 = tpu.memref_slice %arg8[%mul3A_77] : memref<5120xi32, #tpu.memory_space<vmem>> -> memref<64xi32, #tpu.memory_space<vmem>>
        %dma_start3A_154 = arith.constant 0 : i32
        %dma_start3A_155 = arith.constant 0 : i32
        %dma_start3A_156 = tpu.memref_slice %arg13[%dma_start3A_154, %dma_start3A_155] : memref<10240x128xf32, #tpu.memory_space<vmem_shared>> -> memref<10240x128xf32, #tpu.memory_space<vmem_shared>>
        tpu.enqueue_indirect_dma source(%arg9 : memref<64x128xf32, #tpu.memory_space<vmem>>) target(%dma_start3A_156 : memref<10240x128xf32, #tpu.memory_space<vmem_shared>>) offsets(%dma_start3A_153 : memref<64xi32, #tpu.memory_space<vmem>>) semaphore(%run_scoped3A : memref<!tpu.dma_semaphore, #tpu.memory_space<semaphore_mem>>) {add = true}
        %dma_wait3A_157 = tpu.memref_slice %arg8[%mul3A_77] : memref<5120xi32, #tpu.memory_space<vmem>> -> memref<64xi32, #tpu.memory_space<vmem>>
        %dma_wait3A_158 = arith.constant 0 : i32
        %dma_wait3A_159 = arith.constant 0 : i32
        %dma_wait3A_160 = tpu.memref_slice %arg13[%dma_wait3A_158, %dma_wait3A_159] : memref<10240x128xf32, #tpu.memory_space<vmem_shared>> -> memref<10240x128xf32, #tpu.memory_space<vmem_shared>>
        tpu.wait_indirect_dma semaphore(%run_scoped3A : memref<!tpu.dma_semaphore, #tpu.memory_space<semaphore_mem>>) src(%arg9 : memref<64x128xf32, #tpu.memory_space<vmem>>) dst(%dma_wait3A_160 : memref<10240x128xf32, #tpu.memory_space<vmem_shared>>)
        tpu.yield
      }) : () -> ()
      %add3A_90 = arith.constant 1 : i32
      %add3A_91 = arith.addi %mul3A_73, %add3A_90 : i32
      %mul3A_92 = arith.constant 64 : i32
      %mul3A_93 = arith.muli %add3A_91, %mul3A_92 : i32
      %mul3A_94 = arith.constant 128 : i32
      %mul3A_95 = arith.muli %arg0, %mul3A_94 : i32
      %dma_wait3A_96 = tpu.memref_slice %arg7[%mul3A_93] : memref<5120xi32, #tpu.memory_space<vmem>> -> memref<64xi32, #tpu.memory_space<vmem>>
      %dma_wait3A_97 = arith.constant 0 : i32
      %dma_wait3A_98 = tpu.memref_slice %arg2[%dma_wait3A_97, %mul3A_95] : memref<10000x256xf32, #tpu.memory_space<hbm>> -> memref<10000x128xf32, #tpu.memory_space<hbm>>
      %dma_wait3A_99 = arith.constant 0 : i32
      %dma_wait3A_100 = arith.constant 0 : i32
      %dma_wait3A_101 = tpu.memref_slice %dma_wait3A_98[%dma_wait3A_99, %dma_wait3A_100] : memref<10000x128xf32, #tpu.memory_space<hbm>> -> memref<10000x128xf32, #tpu.memory_space<hbm>>
      tpu.wait_indirect_dma semaphore(%arg15 : memref<!tpu.dma_semaphore, #tpu.memory_space<semaphore_mem>>) src(%dma_wait3A_101 : memref<10000x128xf32, #tpu.memory_space<hbm>>) dst(%arg10 : memref<64x128xf32, #tpu.memory_space<vmem>>)
      %add3A_102 = arith.constant 4 : i32
      %add3A_103 = arith.addi %add3A_91, %add3A_102 : i32
      %sub3A_104 = arith.constant 1 : i32
      %sub3A_105 = arith.subi %add3A_103, %sub3A_104 : i32
      %lt3A_106 = arith.constant 80 : i32
      %lt3A_107 = arith.cmpi slt, %sub3A_105, %lt3A_106 : i32
      %convert_element_type3A_108 = arith.extui %lt3A_107 : i1 to i32
      %cond3A_109 = arith.constant 0 : i32
      %cond3A_110 = arith.cmpi ne, %convert_element_type3A_108, %cond3A_109 : i32
      scf.if %cond3A_110 {
        %add3A_153 = arith.constant 4 : i32
        %add3A_154 = arith.addi %add3A_91, %add3A_153 : i32
        %sub3A_155 = arith.constant 1 : i32
        %sub3A_156 = arith.subi %add3A_154, %sub3A_155 : i32
        %mul3A_157 = arith.constant 64 : i32
        %mul3A_158 = arith.muli %sub3A_156, %mul3A_157 : i32
        %mul3A_159 = arith.constant 128 : i32
        %mul3A_160 = arith.muli %arg0, %mul3A_159 : i32
        %dma_start3A_161 = tpu.memref_slice %arg7[%mul3A_158] : memref<5120xi32, #tpu.memory_space<vmem>> -> memref<64xi32, #tpu.memory_space<vmem>>
        %dma_start3A_162 = arith.constant 0 : i32
        %dma_start3A_163 = tpu.memref_slice %arg2[%dma_start3A_162, %mul3A_160] : memref<10000x256xf32, #tpu.memory_space<hbm>> -> memref<10000x128xf32, #tpu.memory_space<hbm>>
        %dma_start3A_164 = arith.constant 0 : i32
        %dma_start3A_165 = arith.constant 0 : i32
        %dma_start3A_166 = tpu.memref_slice %dma_start3A_163[%dma_start3A_164, %dma_start3A_165] : memref<10000x128xf32, #tpu.memory_space<hbm>> -> memref<10000x128xf32, #tpu.memory_space<hbm>>
        tpu.enqueue_indirect_dma source(%dma_start3A_166 : memref<10000x128xf32, #tpu.memory_space<hbm>>) target(%arg9 : memref<64x128xf32, #tpu.memory_space<vmem>>) offsets(%dma_start3A_161 : memref<64xi32, #tpu.memory_space<vmem>>) semaphore(%arg14 : memref<!tpu.dma_semaphore, #tpu.memory_space<semaphore_mem>>)
      } else {
      }
      "tpu.region"() ({
        %run_scoped3A = tpu.sem_alloc : memref<!tpu.dma_semaphore, #tpu.memory_space<semaphore_mem>>
        %dma_start3A_153 = tpu.memref_slice %arg8[%mul3A_93] : memref<5120xi32, #tpu.memory_space<vmem>> -> memref<64xi32, #tpu.memory_space<vmem>>
        %dma_start3A_154 = arith.constant 0 : i32
        %dma_start3A_155 = arith.constant 0 : i32
        %dma_start3A_156 = tpu.memref_slice %arg13[%dma_start3A_154, %dma_start3A_155] : memref<10240x128xf32, #tpu.memory_space<vmem_shared>> -> memref<10240x128xf32, #tpu.memory_space<vmem_shared>>
        tpu.enqueue_indirect_dma source(%arg10 : memref<64x128xf32, #tpu.memory_space<vmem>>) target(%dma_start3A_156 : memref<10240x128xf32, #tpu.memory_space<vmem_shared>>) offsets(%dma_start3A_153 : memref<64xi32, #tpu.memory_space<vmem>>) semaphore(%run_scoped3A : memref<!tpu.dma_semaphore, #tpu.memory_space<semaphore_mem>>) {add = true}
        %dma_wait3A_157 = tpu.memref_slice %arg8[%mul3A_93] : memref<5120xi32, #tpu.memory_space<vmem>> -> memref<64xi32, #tpu.memory_space<vmem>>
        %dma_wait3A_158 = arith.constant 0 : i32
        %dma_wait3A_159 = arith.constant 0 : i32
        %dma_wait3A_160 = tpu.memref_slice %arg13[%dma_wait3A_158, %dma_wait3A_159] : memref<10240x128xf32, #tpu.memory_space<vmem_shared>> -> memref<10240x128xf32, #tpu.memory_space<vmem_shared>>
        tpu.wait_indirect_dma semaphore(%run_scoped3A : memref<!tpu.dma_semaphore, #tpu.memory_space<semaphore_mem>>) src(%arg10 : memref<64x128xf32, #tpu.memory_space<vmem>>) dst(%dma_wait3A_160 : memref<10240x128xf32, #tpu.memory_space<vmem_shared>>)
        tpu.yield
      }) : () -> ()
      %add3A_111 = arith.constant 2 : i32
      %add3A_112 = arith.addi %mul3A_73, %add3A_111 : i32
      %mul3A_113 = arith.constant 64 : i32
      %mul3A_114 = arith.muli %add3A_112, %mul3A_113 : i32
      %mul3A_115 = arith.constant 128 : i32
      %mul3A_116 = arith.muli %arg0, %mul3A_115 : i32
      %dma_wait3A_117 = tpu.memref_slice %arg7[%mul3A_114] : memref<5120xi32, #tpu.memory_space<vmem>> -> memref<64xi32, #tpu.memory_space<vmem>>
      %dma_wait3A_118 = arith.constant 0 : i32
      %dma_wait3A_119 = tpu.memref_slice %arg2[%dma_wait3A_118, %mul3A_116] : memref<10000x256xf32, #tpu.memory_space<hbm>> -> memref<10000x128xf32, #tpu.memory_space<hbm>>
      %dma_wait3A_120 = arith.constant 0 : i32
      %dma_wait3A_121 = arith.constant 0 : i32
      %dma_wait3A_122 = tpu.memref_slice %dma_wait3A_119[%dma_wait3A_120, %dma_wait3A_121] : memref<10000x128xf32, #tpu.memory_space<hbm>> -> memref<10000x128xf32, #tpu.memory_space<hbm>>
      tpu.wait_indirect_dma semaphore(%arg16 : memref<!tpu.dma_semaphore, #tpu.memory_space<semaphore_mem>>) src(%dma_wait3A_122 : memref<10000x128xf32, #tpu.memory_space<hbm>>) dst(%arg11 : memref<64x128xf32, #tpu.memory_space<vmem>>)
      %add3A_123 = arith.constant 4 : i32
      %add3A_124 = arith.addi %add3A_112, %add3A_123 : i32
      %sub3A_125 = arith.constant 1 : i32
      %sub3A_126 = arith.subi %add3A_124, %sub3A_125 : i32
      %lt3A_127 = arith.constant 80 : i32
      %lt3A_128 = arith.cmpi slt, %sub3A_126, %lt3A_127 : i32
      %convert_element_type3A_129 = arith.extui %lt3A_128 : i1 to i32
      %cond3A_130 = arith.constant 0 : i32
      %cond3A_131 = arith.cmpi ne, %convert_element_type3A_129, %cond3A_130 : i32
      scf.if %cond3A_131 {
        %add3A_153 = arith.constant 4 : i32
        %add3A_154 = arith.addi %add3A_112, %add3A_153 : i32
        %sub3A_155 = arith.constant 1 : i32
        %sub3A_156 = arith.subi %add3A_154, %sub3A_155 : i32
        %mul3A_157 = arith.constant 64 : i32
        %mul3A_158 = arith.muli %sub3A_156, %mul3A_157 : i32
        %mul3A_159 = arith.constant 128 : i32
        %mul3A_160 = arith.muli %arg0, %mul3A_159 : i32
        %dma_start3A_161 = tpu.memref_slice %arg7[%mul3A_158] : memref<5120xi32, #tpu.memory_space<vmem>> -> memref<64xi32, #tpu.memory_space<vmem>>
        %dma_start3A_162 = arith.constant 0 : i32
        %dma_start3A_163 = tpu.memref_slice %arg2[%dma_start3A_162, %mul3A_160] : memref<10000x256xf32, #tpu.memory_space<hbm>> -> memref<10000x128xf32, #tpu.memory_space<hbm>>
        %dma_start3A_164 = arith.constant 0 : i32
        %dma_start3A_165 = arith.constant 0 : i32
        %dma_start3A_166 = tpu.memref_slice %dma_start3A_163[%dma_start3A_164, %dma_start3A_165] : memref<10000x128xf32, #tpu.memory_space<hbm>> -> memref<10000x128xf32, #tpu.memory_space<hbm>>
        tpu.enqueue_indirect_dma source(%dma_start3A_166 : memref<10000x128xf32, #tpu.memory_space<hbm>>) target(%arg10 : memref<64x128xf32, #tpu.memory_space<vmem>>) offsets(%dma_start3A_161 : memref<64xi32, #tpu.memory_space<vmem>>) semaphore(%arg15 : memref<!tpu.dma_semaphore, #tpu.memory_space<semaphore_mem>>)
      } else {
      }
      "tpu.region"() ({
        %run_scoped3A = tpu.sem_alloc : memref<!tpu.dma_semaphore, #tpu.memory_space<semaphore_mem>>
        %dma_start3A_153 = tpu.memref_slice %arg8[%mul3A_114] : memref<5120xi32, #tpu.memory_space<vmem>> -> memref<64xi32, #tpu.memory_space<vmem>>
        %dma_start3A_154 = arith.constant 0 : i32
        %dma_start3A_155 = arith.constant 0 : i32
        %dma_start3A_156 = tpu.memref_slice %arg13[%dma_start3A_154, %dma_start3A_155] : memref<10240x128xf32, #tpu.memory_space<vmem_shared>> -> memref<10240x128xf32, #tpu.memory_space<vmem_shared>>
        tpu.enqueue_indirect_dma source(%arg11 : memref<64x128xf32, #tpu.memory_space<vmem>>) target(%dma_start3A_156 : memref<10240x128xf32, #tpu.memory_space<vmem_shared>>) offsets(%dma_start3A_153 : memref<64xi32, #tpu.memory_space<vmem>>) semaphore(%run_scoped3A : memref<!tpu.dma_semaphore, #tpu.memory_space<semaphore_mem>>) {add = true}
        %dma_wait3A_157 = tpu.memref_slice %arg8[%mul3A_114] : memref<5120xi32, #tpu.memory_space<vmem>> -> memref<64xi32, #tpu.memory_space<vmem>>
        %dma_wait3A_158 = arith.constant 0 : i32
        %dma_wait3A_159 = arith.constant 0 : i32
        %dma_wait3A_160 = tpu.memref_slice %arg13[%dma_wait3A_158, %dma_wait3A_159] : memref<10240x128xf32, #tpu.memory_space<vmem_shared>> -> memref<10240x128xf32, #tpu.memory_space<vmem_shared>>
        tpu.wait_indirect_dma semaphore(%run_scoped3A : memref<!tpu.dma_semaphore, #tpu.memory_space<semaphore_mem>>) src(%arg11 : memref<64x128xf32, #tpu.memory_space<vmem>>) dst(%dma_wait3A_160 : memref<10240x128xf32, #tpu.memory_space<vmem_shared>>)
        tpu.yield
      }) : () -> ()
      %add3A_132 = arith.constant 3 : i32
      %add3A_133 = arith.addi %mul3A_73, %add3A_132 : i32
      %mul3A_134 = arith.constant 64 : i32
      %mul3A_135 = arith.muli %add3A_133, %mul3A_134 : i32
      %mul3A_136 = arith.constant 128 : i32
      %mul3A_137 = arith.muli %arg0, %mul3A_136 : i32
      %dma_wait3A_138 = tpu.memref_slice %arg7[%mul3A_135] : memref<5120xi32, #tpu.memory_space<vmem>> -> memref<64xi32, #tpu.memory_space<vmem>>
      %dma_wait3A_139 = arith.constant 0 : i32
      %dma_wait3A_140 = tpu.memref_slice %arg2[%dma_wait3A_139, %mul3A_137] : memref<10000x256xf32, #tpu.memory_space<hbm>> -> memref<10000x128xf32, #tpu.memory_space<hbm>>
      %dma_wait3A_141 = arith.constant 0 : i32
      %dma_wait3A_142 = arith.constant 0 : i32
      %dma_wait3A_143 = tpu.memref_slice %dma_wait3A_140[%dma_wait3A_141, %dma_wait3A_142] : memref<10000x128xf32, #tpu.memory_space<hbm>> -> memref<10000x128xf32, #tpu.memory_space<hbm>>
      tpu.wait_indirect_dma semaphore(%arg17 : memref<!tpu.dma_semaphore, #tpu.memory_space<semaphore_mem>>) src(%dma_wait3A_143 : memref<10000x128xf32, #tpu.memory_space<hbm>>) dst(%arg12 : memref<64x128xf32, #tpu.memory_space<vmem>>)
      %add3A_144 = arith.constant 4 : i32
      %add3A_145 = arith.addi %add3A_133, %add3A_144 : i32
      %sub3A_146 = arith.constant 1 : i32
      %sub3A_147 = arith.subi %add3A_145, %sub3A_146 : i32
      %lt3A_148 = arith.constant 80 : i32
      %lt3A_149 = arith.cmpi slt, %sub3A_147, %lt3A_148 : i32
      %convert_element_type3A_150 = arith.extui %lt3A_149 : i1 to i32
      %cond3A_151 = arith.constant 0 : i32
      %cond3A_152 = arith.cmpi ne, %convert_element_type3A_150, %cond3A_151 : i32
      scf.if %cond3A_152 {
        %add3A_153 = arith.constant 4 : i32
        %add3A_154 = arith.addi %add3A_133, %add3A_153 : i32
        %sub3A_155 = arith.constant 1 : i32
        %sub3A_156 = arith.subi %add3A_154, %sub3A_155 : i32
        %mul3A_157 = arith.constant 64 : i32
        %mul3A_158 = arith.muli %sub3A_156, %mul3A_157 : i32
        %mul3A_159 = arith.constant 128 : i32
        %mul3A_160 = arith.muli %arg0, %mul3A_159 : i32
        %dma_start3A_161 = tpu.memref_slice %arg7[%mul3A_158] : memref<5120xi32, #tpu.memory_space<vmem>> -> memref<64xi32, #tpu.memory_space<vmem>>
        %dma_start3A_162 = arith.constant 0 : i32
        %dma_start3A_163 = tpu.memref_slice %arg2[%dma_start3A_162, %mul3A_160] : memref<10000x256xf32, #tpu.memory_space<hbm>> -> memref<10000x128xf32, #tpu.memory_space<hbm>>
        %dma_start3A_164 = arith.constant 0 : i32
        %dma_start3A_165 = arith.constant 0 : i32
        %dma_start3A_166 = tpu.memref_slice %dma_start3A_163[%dma_start3A_164, %dma_start3A_165] : memref<10000x128xf32, #tpu.memory_space<hbm>> -> memref<10000x128xf32, #tpu.memory_space<hbm>>
        tpu.enqueue_indirect_dma source(%dma_start3A_166 : memref<10000x128xf32, #tpu.memory_space<hbm>>) target(%arg11 : memref<64x128xf32, #tpu.memory_space<vmem>>) offsets(%dma_start3A_161 : memref<64xi32, #tpu.memory_space<vmem>>) semaphore(%arg16 : memref<!tpu.dma_semaphore, #tpu.memory_space<semaphore_mem>>)
      } else {
      }
      "tpu.region"() ({
        %run_scoped3A = tpu.sem_alloc : memref<!tpu.dma_semaphore, #tpu.memory_space<semaphore_mem>>
        %dma_start3A_153 = tpu.memref_slice %arg8[%mul3A_135] : memref<5120xi32, #tpu.memory_space<vmem>> -> memref<64xi32, #tpu.memory_space<vmem>>
        %dma_start3A_154 = arith.constant 0 : i32
        %dma_start3A_155 = arith.constant 0 : i32
        %dma_start3A_156 = tpu.memref_slice %arg13[%dma_start3A_154, %dma_start3A_155] : memref<10240x128xf32, #tpu.memory_space<vmem_shared>> -> memref<10240x128xf32, #tpu.memory_space<vmem_shared>>
        tpu.enqueue_indirect_dma source(%arg12 : memref<64x128xf32, #tpu.memory_space<vmem>>) target(%dma_start3A_156 : memref<10240x128xf32, #tpu.memory_space<vmem_shared>>) offsets(%dma_start3A_153 : memref<64xi32, #tpu.memory_space<vmem>>) semaphore(%run_scoped3A : memref<!tpu.dma_semaphore, #tpu.memory_space<semaphore_mem>>) {add = true}
        %dma_wait3A_157 = tpu.memref_slice %arg8[%mul3A_135] : memref<5120xi32, #tpu.memory_space<vmem>> -> memref<64xi32, #tpu.memory_space<vmem>>
        %dma_wait3A_158 = arith.constant 0 : i32
        %dma_wait3A_159 = arith.constant 0 : i32
        %dma_wait3A_160 = tpu.memref_slice %arg13[%dma_wait3A_158, %dma_wait3A_159] : memref<10240x128xf32, #tpu.memory_space<vmem_shared>> -> memref<10240x128xf32, #tpu.memory_space<vmem_shared>>
        tpu.wait_indirect_dma semaphore(%run_scoped3A : memref<!tpu.dma_semaphore, #tpu.memory_space<semaphore_mem>>) src(%arg12 : memref<64x128xf32, #tpu.memory_space<vmem>>) dst(%dma_wait3A_160 : memref<10240x128xf32, #tpu.memory_space<vmem_shared>>)
        tpu.yield
      }) : () -> ()
    }
    %scan3A_62 = arith.constant 20 : i32
    %barrier3A_63 = arith.constant 0 : index
    tpu.barrier barrier_id(%barrier3A_63)
    %mul3A_64 = arith.constant 640 : i32
    %mul3A_65 = arith.muli %arg1, %mul3A_64 : i32
    %mul3A_66 = arith.constant 640 : i32
    %mul3A_67 = arith.muli %arg1, %mul3A_66 : i32
    "tpu.region"() ({
      %run_scoped3A = tpu.sem_alloc : memref<!tpu.dma_semaphore, #tpu.memory_space<semaphore_mem>>
      %dma_start3A_68 = arith.constant 0 : i32
      %dma_start3A_69 = arith.constant 0 : i32
      %dma_start3A_70 = tpu.memref_slice %arg6[%arg0, %dma_start3A_68, %dma_start3A_69] : memref<2x10240x128xf32, #tpu.memory_space<hbm>> -> memref<1x10240x128xf32, #tpu.memory_space<hbm>>
      %dma_start3A_71 = tpu.memref_squeeze %dma_start3A_70 : memref<1x10240x128xf32, #tpu.memory_space<hbm>> -> memref<10240x128xf32, #tpu.memory_space<hbm>>
      %dma_start3A_72 = arith.constant 0 : i32
      %dma_start3A_73 = tpu.memref_slice %dma_start3A_71[%mul3A_67, %dma_start3A_72] : memref<10240x128xf32, #tpu.memory_space<hbm>> -> memref<640x128xf32, #tpu.memory_space<hbm>>
      %dma_start3A_74 = arith.constant 0 : i32
      %dma_start3A_75 = tpu.memref_slice %arg13[%mul3A_65, %dma_start3A_74] : memref<10240x128xf32, #tpu.memory_space<vmem_shared>> -> memref<640x128xf32, #tpu.memory_space<vmem_shared>>
      tpu.enqueue_dma source(%dma_start3A_75 : memref<640x128xf32, #tpu.memory_space<vmem_shared>>) target(%dma_start3A_73 : memref<640x128xf32, #tpu.memory_space<hbm>>) target_semaphore(%run_scoped3A : memref<!tpu.dma_semaphore, #tpu.memory_space<semaphore_mem>>)
      %dma_wait3A = arith.constant 0 : i32
      %dma_wait3A_76 = arith.constant 0 : i32
      %dma_wait3A_77 = tpu.memref_slice %arg6[%arg0, %dma_wait3A, %dma_wait3A_76] : memref<2x10240x128xf32, #tpu.memory_space<hbm>> -> memref<1x10240x128xf32, #tpu.memory_space<hbm>>
      %dma_wait3A_78 = tpu.memref_squeeze %dma_wait3A_77 : memref<1x10240x128xf32, #tpu.memory_space<hbm>> -> memref<10240x128xf32, #tpu.memory_space<hbm>>
      %dma_wait3A_79 = arith.constant 0 : i32
      %dma_wait3A_80 = tpu.memref_slice %dma_wait3A_78[%mul3A_67, %dma_wait3A_79] : memref<10240x128xf32, #tpu.memory_space<hbm>> -> memref<640x128xf32, #tpu.memory_space<hbm>>
      %dma_wait3A_81 = arith.constant 0 : i32
      %dma_wait3A_82 = tpu.memref_slice %arg13[%mul3A_65, %dma_wait3A_81] : memref<10240x128xf32, #tpu.memory_space<vmem_shared>> -> memref<640x128xf32, #tpu.memory_space<vmem_shared>>
      tpu.wait_dma2 semaphore(%run_scoped3A : memref<!tpu.dma_semaphore, #tpu.memory_space<semaphore_mem>>) src(%dma_wait3A_82 : memref<640x128xf32, #tpu.memory_space<vmem_shared>>) dst(%dma_wait3A_80 : memref<640x128xf32, #tpu.memory_space<hbm>>)
      tpu.yield
    }) : () -> ()
    return
  }
}

module attributes {stable_mosaic.version = 14 : i64} {
  func.func @_tc_finish_body(%arg0: i32, %arg1: memref<2x1000x128xf32, #tpu.memory_space<vmem>>, %arg2: memref<1000x256xf32, #tpu.memory_space<vmem>>, %arg3: memref<256x256xf32, #tpu.memory_space<vmem>>, %arg4: memref<1000x256xf32, #tpu.memory_space<vmem>>) attributes {dimension_semantics = [#tpu.dimension_semantics<arbitrary>], iteration_bounds = array<i64: 10>, scalar_prefetch = 0 : i64, scratch_operands = 0 : i64, tpu.core_type = #tpu.core_type<tc>, window_params = [{transform_indices = @transform_0, window_bounds = array<i64: 2, 1000, 128>}, {transform_indices = @transform_1, window_bounds = array<i64: 1000, 256>}, {pipeline_mode = #tpu.pipeline_mode<synchronous>, transform_indices = @transform_2, window_bounds = array<i64: 256, 256>}, {transform_indices = @transform_3, window_bounds = array<i64: 1000, 256>}]} {
    %get3A = arith.constant 0 : index
    %get3A_0 = arith.constant 0 : index
    %get3A_1 = arith.constant 0 : index
    %get3A_2 = vector.load %arg1[%get3A, %get3A_0, %get3A_1] : memref<2x1000x128xf32, #tpu.memory_space<vmem>>, vector<1x1000x128xf32>
    %get3A_3 = vector.shape_cast %get3A_2 : vector<1x1000x128xf32> to vector<1000x128xf32>
    %get3A_4 = arith.constant 1 : index
    %get3A_5 = arith.constant 0 : index
    %get3A_6 = arith.constant 0 : index
    %get3A_7 = vector.load %arg1[%get3A_4, %get3A_5, %get3A_6] : memref<2x1000x128xf32, #tpu.memory_space<vmem>>, vector<1x1000x128xf32>
    %get3A_8 = vector.shape_cast %get3A_7 : vector<1x1000x128xf32> to vector<1000x128xf32>
    %get3A_9 = arith.constant 0 : index
    %get3A_10 = arith.constant 0 : index
    %get3A_11 = vector.load %arg3[%get3A_9, %get3A_10] : memref<256x256xf32, #tpu.memory_space<vmem>>, vector<256x128xf32>
    %get3A_12 = arith.constant 0 : index
    %get3A_13 = arith.constant 128 : index
    %get3A_14 = vector.load %arg3[%get3A_12, %get3A_13] : memref<256x256xf32, #tpu.memory_space<vmem>>, vector<256x128xf32>
    %dot_general3A = arith.constant dense<0.000000e+00> : vector<1000x256xf32>
    %dot_general3A_15 = tpu.matmul %get3A_3, %get3A_11, %dot_general3A {dimension_numbers = #tpu.dot_dimension_numbers<[1], [1], [0], [0], [0, 0, 1, 0], [], []>, transpose_lhs_hint = false} : vector<1000x128xf32>, vector<256x128xf32>, vector<1000x256xf32> -> vector<1000x256xf32>
    %dot_general3A_16 = arith.constant dense<0.000000e+00> : vector<1000x256xf32>
    %dot_general3A_17 = tpu.matmul %get3A_8, %get3A_14, %dot_general3A_16 {dimension_numbers = #tpu.dot_dimension_numbers<[1], [1], [0], [0], [0, 0, 1, 0], [], []>, transpose_lhs_hint = false} : vector<1000x128xf32>, vector<256x128xf32>, vector<1000x256xf32> -> vector<1000x256xf32>
    %add3A = arith.addf %dot_general3A_15, %dot_general3A_17 : vector<1000x256xf32>
    %max3A = arith.constant 0.000000e+00 : f32
    %max3A_18 = vector.broadcast %max3A : f32 to vector<1000x256xf32>
    %max3A_19 = arith.maximumf %add3A, %max3A_18 : vector<1000x256xf32>
    %get3A_20 = arith.constant 0 : index
    %get3A_21 = arith.constant 0 : index
    %get3A_22 = vector.load %arg2[%get3A_20, %get3A_21] : memref<1000x256xf32, #tpu.memory_space<vmem>>, vector<1000x256xf32>
    %add3A_23 = arith.addf %max3A_19, %get3A_22 : vector<1000x256xf32>
    %swap3A = arith.constant 0 : index
    %swap3A_24 = arith.constant 0 : index
    %swap3A_25 = vector.load %arg4[%swap3A, %swap3A_24] : memref<1000x256xf32, #tpu.memory_space<vmem>>, vector<1000x256xf32>
    tpu.vector_store %arg4[%swap3A, %swap3A_24], %add3A_23 {strides = array<i32>} : memref<1000x256xf32, #tpu.memory_space<vmem>>, vector<1000x256xf32>,
    return
  }
  func.func @transform_0(%arg0: i32) -> (i32, i32, i32) {
    %c0_i32 = arith.constant 0 : i32
    %c0_i32_0 = arith.constant 0 : i32
    %c0_i32_1 = arith.constant 0 : i32
    return %c0_i32, %arg0, %c0_i32_0 : i32, i32, i32
  }
  func.func @transform_1(%arg0: i32) -> (i32, i32) {
    %c0_i32 = arith.constant 0 : i32
    %c0_i32_0 = arith.constant 0 : i32
    return %arg0, %c0_i32 : i32, i32
  }
  func.func @transform_2(%arg0: i32) -> (i32, i32) {
    %c0_i32 = arith.constant 0 : i32
    %c0_i32_0 = arith.constant 0 : i32
    %c0_i32_1 = arith.constant 0 : i32
    return %c0_i32, %c0_i32_0 : i32, i32
  }
  func.func @transform_3(%arg0: i32) -> (i32, i32) {
    %c0_i32 = arith.constant 0 : i32
    %c0_i32_0 = arith.constant 0 : i32
    return %arg0, %c0_i32 : i32, i32
  }
}

</mosaic_0001>

<sc_bundles>
// kernel: kernel.4.cloned.1.call-start
scs
__scs_entry_jumppad:
0x0: {  	(pc) =	sbr.rel $0x88, $3  }
0x1: {  	(tag) =	ssettag $0x0;
	lr =	simm.s32 $0x1  }
0x2: {  	[smem:$0x3F9E] =	sst lr;
	_ =	strace $0xD0000000  }
0x3: {  	_ = 	snop  }
0x4: {  	_ = 	snop  }
0x5: {  	_ = 	snop  }
0x6: {  	_ = 	snop  }
0x7: {  	_ = 	snop  }
__scs_overlays_trampoline_lowered:
0x8: {  	[smem:$0x3FAD] =	sst s0  }
0x9: {  	[smem:$0x3FAE] =	sst s1  }
0xa: {  	[smem:$0x3FAF] =	sst s2  }
0xb: {  	[smem:$0x3FB0] =	sst s3  }
0xc: {  	[smem:$0x3FB1] =	sst s4  }
0xd: {  	[smem:$0x3FB2] =	sst s5  }
0xe: {  	[smem:$0x3FB3] =	sst s6  }
0xf: {  	[smem:$0x3FB4] =	sst s7  }
0x10: {  	[smem:$0x3FB5] =	sst s8  }
0x11: {  	[smem:$0x3FB6] =	sst s9;
	s0 =	simm.s32 @!p0 $0x0  }
0x12: {  	s1 =	sld [smem:$0x3F9C];
	s0 =	simm.s32 @p0 $0x1  }
0x13: {  	[smem:$0x3FB7] =	sst s0;
	s0 =	simm.s32 @!p1 $0x0  }
0x14: {  	s2 =	sld [smem:$0x3F9B];
	s0 =	simm.s32 @p1 $0x1  }
0x15: {  	[smem:$0x3FB8] =	sst s0;
	s0 =	simm.s32 @!p2 $0x0  }
0x16: {  	s3 =	sld [smem:$0x3FDB];
	s0 =	simm.s32 @p2 $0x1  }
0x17: {  	s4 =	simm.s32 $0x1BF5;
	[smem:$0x3FBA] =	sst s0  }
0x18: {  	s0 =	sld [smem:$0x3F9D];
	_ =	swait.ge [sflag:s4], $0x0  }
0x19: {  	s7 =	sld [smem:$0x3F9E]  }
0x1a: {  	s8 =	sadd.s32 $0xFFFFE003, lr  }
0x1b: {  	s9 =	sadd.s32 $0xFFFFFEF7, lr;
	s5 =	simm.s32 $0xFFFFFFFF;
	p2 =	slt.u32 s8, $0xFFFFF086  }
0x1c: {  	p1 =	slt.u32 s9, $0xF7A;
	s5 =	simm.s32 @!p2 $0x0  }
0x1d: {  	s5 =	simm.s32 @p1 $0x1;
	p0 =	seq.s32 s7, s2  }
0x1e: {  	s7 =	smul.u32 @!p0 $0xF7A, s2;
	p2 =	seq.s32 @!p0 s5, $0x0  }
0x1f: {  	s9 =	smul.u32 $0xF7A, s1;
	s8 =	simm.s32 @!p0 $0x1BF5;
	p2 =	por !p2, p0  }
0x20: {  	[sflag:s8] =	ssyncset.s32 @!p0 $0xFFFFF086;
	s6 =	sadd.s32 @!p0 s3, s7;
	s7 =	simm.s32 @!p0 $0x108  }
0x21: {  	s3 =	sadd.s32 s3, s9;
	s6 =	sadd.s32 @!p0 $0x88, s6;
	s7 =	simm.s32 @p2 $0x1082  }
0x22: {  	[simem:s7], [sflag:s8] =	dma.local @!p0 [hbm:s6], $0xF7A  }
0x23: {  	s9 =	sor.u32 $0xD0000000, s2;
	s6 =	simm.s32 $0x108;
	_ =	swait.ge @!p0 [sflag:s8], $0x0  }
0x24: {  	s3 =	sadd.s32 $0x88, s3;
	s6 =	simm.s32 @!p1 $0x1082;
	[sflag:s4] =	ssyncset.s32 $0xFFFFF086  }
0x25: {  	[simem:s6], [sflag:s4] =	dma.local [hbm:s3], $0xF7A  }
0x26: {  	[smem:$0x3F9E] =	sst s1;
	(tag) =	ssettag s2;
	_ =	strace s9  }
0x27: {  	s1 =	sld [smem:$0x3FAE]  }
0x28: {  	s2 =	sld [smem:$0x3FAF]  }
0x29: {  	s4 =	sld [smem:$0x3FB1]  }
0x2a: {  	p0 =	seq.s32 s5, $0x0;
	s5 =	sld [smem:$0x3FB2]  }
0x2b: {  	s6 =	sld [smem:$0x3FB3]  }
0x2c: {  	s7 =	sld [smem:$0x3FB4]  }
0x2d: {  	s3 =	simm.s32 $0x108;
	s8 =	sld [smem:$0x3FB5]  }
0x2e: {  	s3 =	simm.s32 @!p0 $0x1082;
	s9 =	sld [smem:$0x3FB6]  }
0x2f: {  	lr =	sadd.s32 s0, s3;
	s0 =	sld [smem:$0x3FAD]  }
0x30: {  	s3 =	sld [smem:$0x3FB0]  }
0x31: {  	[smem:$0x3FB9] =	sst s10  }
0x32: {  	s10 =	sld [smem:$0x3FB7];
	_ =	sdelay $0x3  }
0x33: {  	p0 =	seq.s32 s10, $0x1;
	s10 =	sld [smem:$0x3FB9];
	_ =	sdelay $0x3  }
0x34: {  	[smem:$0x3FB9] =	sst s10  }
0x35: {  	s10 =	sld [smem:$0x3FB8];
	_ =	sdelay $0x3  }
0x36: {  	p1 =	seq.s32 s10, $0x1;
	s10 =	sld [smem:$0x3FB9];
	_ =	sdelay $0x3  }
0x37: {  	[smem:$0x3FB9] =	sst s10  }
0x38: {  	s10 =	sld [smem:$0x3FBA]  }
0x39: {  	_ = 	snop;
	(pc) =	sbr.ind lr, $3  }
0x3a: {  	_ = 	snop  }
0x3b: {  	_ = 	snop  }
0x3c: {  	p2 =	seq.s32 s10, $0x1;
	s10 =	sld [smem:$0x3FB9]  }
0x3d: {  	_ =	shalt  }
0x3e: {  	_ =	shalt  }
0x3f: {  	_ =	shalt  }
0x40: {  	_ =	shalt  }
0x41: {  	_ =	shalt  }
0x42: {  	_ =	shalt  }
0x43: {  	_ =	shalt  }
0x44: {  	_ =	shalt  }
0x45: {  	_ =	shalt  }
0x46: {  	_ =	shalt  }
0x47: {  	_ =	shalt  }
0x48: {  	_ =	shalt  }
0x49: {  	_ =	shalt  }
0x4a: {  	_ =	shalt  }
0x4b: {  	_ =	shalt  }
0x4c: {  	_ =	shalt  }
0x4d: {  	_ =	shalt  }
0x4e: {  	_ =	shalt  }
0x4f: {  	_ =	shalt  }
0x50: {  	_ =	shalt  }
0x51: {  	_ =	shalt  }
0x52: {  	_ =	shalt  }
0x53: {  	_ =	shalt  }
0x54: {  	_ =	shalt  }
0x55: {  	_ =	shalt  }
0x56: {  	_ =	shalt  }
0x57: {  	_ =	shalt  }
0x58: {  	_ =	shalt  }
0x59: {  	_ =	shalt  }
0x5a: {  	_ =	shalt  }
0x5b: {  	_ =	shalt  }
0x5c: {  	_ =	shalt  }
0x5d: {  	_ =	shalt  }
0x5e: {  	_ =	shalt  }
0x5f: {  	_ =	shalt  }
0x60: {  	_ =	shalt  }
0x61: {  	_ =	shalt  }
0x62: {  	_ =	shalt  }
0x63: {  	_ =	shalt  }
0x64: {  	_ =	shalt  }
0x65: {  	_ =	shalt  }
0x66: {  	_ =	shalt  }
0x67: {  	_ =	shalt  }
0x68: {  	_ =	shalt  }
0x69: {  	_ =	shalt  }
0x6a: {  	_ =	shalt  }
0x6b: {  	_ =	shalt  }
0x6c: {  	_ =	shalt  }
0x6d: {  	_ =	shalt  }
0x6e: {  	_ =	shalt  }
0x6f: {  	_ =	shalt  }
0x70: {  	_ =	shalt  }
0x71: {  	_ =	shalt  }
0x72: {  	_ =	shalt  }
0x73: {  	_ =	shalt  }
0x74: {  	_ =	shalt  }
0x75: {  	_ =	shalt  }
0x76: {  	_ =	shalt  }
0x77: {  	_ =	shalt  }
0x78: {  	_ =	shalt  }
0x79: {  	_ =	shalt  }
0x7a: {  	_ =	shalt  }
0x7b: {  	_ =	shalt  }
0x7c: {  	_ =	shalt  }
0x7d: {  	_ =	shalt  }
0x7e: {  	_ =	shalt  }
0x7f: {  	_ =	shalt  }
0x80: {  	_ =	shalt  }
0x81: {  	_ =	shalt  }
0x82: {  	_ =	shalt  }
0x83: {  	_ =	shalt  }
0x84: {  	_ =	shalt  }
0x85: {  	_ =	shalt  }
0x86: {  	_ =	shalt  }
0x87: {  	_ =	shalt  }
.Lfunc_end0:
.L_simem_size_0:
called_computation_lowered:
.L_overlay_start_0:
0x88: {  	s2 =	sld [smem:$0x3FD9]  }
0x89: {  	s3 =	sld [smem:$0x3FFE];
	_ =	sdelay $0x1  }
0x8a: {  	s1 =	srdreg.scid  }
0x8b: {  	s0 =	sand.u32 $0x1, s1  }
0x8c: {  	s17 =	sshll.u32 s0, $0xA;
	s2 =	sadd.s32 s3, s2  }
0x8d: {  	s2 =	sadd.s32 s2, s17  }
0x8e: {  	[smem:$0x3FC5] =	sst s2  }
0x8f: {  	_ = 	snop  }
0x90: {  	s2 =	sld [smem:$0x3FC9]  }
0x91: {  	s18 =	sld [smem:$0x3FD0];
	(tm) =	ssettm $0x1  }
0x92: {  	s4 =	sld [smem:$0x3FFB];
	_ =	sdelay $0x3  }
0x93: {  	_ =	strace s4  }
0x94: {  	s4 =	sld [smem:$0x3FFC];
	_ =	sdelay $0x3  }
0x95: {  	_ =	strace s4  }
0x96: {  	s4 =	sld [smem:$0x3FFD];
	_ =	sdelay $0x3  }
0x97: {  	_ =	strace s4  }
0x98: {  	_ =	strace $0x8FFFFFFF  }
0x99: {  	s19 =	sld [smem:$0x3FDB];
	_ =	sdelay $0x1  }
0x9a: {  	s5 =	simm.s32 $_scs_section_size  }
0x9b: {  	s6 =	simm.s32 $_size__tile_overlayer_lowered;
	s7 =	simm.s32 $_tile_overlayer_lowered  }
0x9c: {  	s22 =	simm.s32 $0x1BFF;
	s21 =	sshll.u32 s7, $0x1;
	s4 =	sadd.s32 s5, s19  }
0x9d: {  	s8 =	simm.s32 $0x0;
	s20 =	sshll.u32 s6, $0x1;
	s6 =	sadd.s32 s21, s4  }
0x9e: {  	[timem:s8], [sflag:s22] =	dma.local [hbm:s6], s20  }
0x9f: {  	_ =	swait.ge [sflag:s22], s20  }
0xa0: {  	s5 =	ssub.s32 $0x0, s20;
	[sflag:s22] =	ssyncset.done $0x0  }
0xa1: {  	[sflag:s22] =	ssyncadd.s32 s5;
	_ =	sdelay $0x1  }
0xa2: {  	s23 =	simm.s32 $0x1B8B  }
0xa3: {  	_ =	swait.ge [sflag:s23], $0x1  }
0xa4: {  	[sflag:s23] =	ssyncset.done $0x0  }
0xa5: {  	s25 =	simm.s32 $0x1B8E;
	s24 =	sld [smem:$0x3FFE];
	[sflag:s23] =	ssyncadd.s32 $0xFFFFFFFF  }
0xa6: {  	s26 =	simm.s32 $execute0_lowered;
	[smem:$0x3FD2] =	sst s25  }
0xa7: {  	s6 =	sshll.u32 s26, $0x1;
	_ =	strace $0x80000046;
	[dreg:$0x1] =	wrdreg $0xFFFFFFFF  }
0xa8: {  	s28 =	simm.s32 $_size_execute0_lowered;
	s4 =	sadd.s32 s4, s6;
	[dreg:$0x0] =	wrdreg $0x0  }
0xa9: {  	s6 =	sshll.u32 s28, $0x1;
	[dreg:$0x2] =	wrdreg s4  }
0xaa: {  	[dreg:$0x3] =	wrdreg s6  }
0xab: {  	[dreg:$0x4] =	wrdreg $0xC0  }
0xac: {  	_ =	task [dreg:s8], $0x5FFFF  }
0xad: {  	[dreg:$0x1] =	wrdreg $0xFFFFFFFF  }
0xae: {  	[dreg:$0x0] =	wrdreg $0x60  }
0xaf: {  	[dreg:$0x2] =	wrdreg s2  }
0xb0: {  	[dreg:$0x3] =	wrdreg s18  }
0xb1: {  	[dreg:$0x4] =	wrdreg s24  }
0xb2: {  	[dreg:$0x5] =	wrdreg $0xA8000  }
0xb3: {  	[dreg:$0x6] =	wrdreg $0x9  }
0xb4: {  	_ =	task.clear_ibuf [dreg:s8], $0x7FFFF;
	_ =	strace $0x90000046  }
0xb5: {  	s29 =	simm.s32 $0x9;
	_ =	strace $0x80000048  }
0xb6: {  	_ =	swait.ge [sflag:s29], $0x1  }
0xb7: {  	[sflag:s29] =	ssyncadd.s32 $0xFFFFFFFF  }
0xb8: {  	_ =	strace $0x90000048  }
0xb9: {  	_ =	sfence  }
0xba: {  	s30 =	sld [smem:$0x0];
	_ =	sdelay $0x2  }
0xbb: {  	s31 =	sshll.u32 s1, $0xD;
	s1 =	sshrl.u32 s1, $0x2  }
0xbc: {  	s3 =	sand.u32 $0x4000, s31;
	s1 =	sadd.s32 s1, s30  }
0xbd: {  	s0 =	sor.u32 s3, s0;
	s1 =	sshll.u32 s1, $0x11  }
0xbe: {  	s0 =	sor.u32 s1, s0  }
0xbf: {  	s0 =	sadd.s32 $0x8F2B, s0  }
0xc0: {  	[sflag:s0] =	ssyncadd.remote.s32 $0x1  }
0xc1: {  	_ =	sfence.sel $0xFFFF  }
0xc2: {  	[dreg:$0x0] =	wrdreg $0xFFFFFFFF;
	(pc) =	sbr.abs _section_cstart, $3  }
0xc3: {  	[dreg:$0x1] =	wrdreg $0xFFFFFFFF  }
0xc4: {  	_ =	task.clear_ibuf [dreg:s8], $0x2FFFF;
	_ =	strace $0x9FFFFFFF  }
0xc5: {  	(tm) =	ssettm $0x7FFFFFFF  }
tec
execute0_lowered:
.L_overlay_start_1:
0x0: {  	(tag) =	ssettag $0x1  }
0x1: {  	s0 =	rddreg [dreg:$0x0]  }
0x2: {  	s1 =	rddreg [dreg:$0x1]  }
0x3: {  	s12 =	stileid.u32;
	s4 =	rddreg [dreg:$0x2]  }
0x4: {  	s2 =	rddreg [dreg:$0x3];
	s14 =	srdreg.scid;
	s29 =	simm.s32 $0x4800  }
0x5: {  	s28 =	simm.s32 $0xA100;
	s30 =	simm.s32 $0xA780;
	s31 =	simm.s32 $0x40  }
0x6: {  	s3 =	sshrl.u32 s12, $0x3;
	s13 =	sshll.u32 s12, $0x7;
	s16 =	smul.u32 $0x50000, s12  }
0x7: {  	s9 =	sadd.s32 $0x5C00, s4;
	s25 =	smul.u32 $0x2800, s12;
	s12 =	simm.s32 $0xA680  }
0x8: {  	s5 =	smul.u32 $0x14000, s3;
	s6 =	sand.u32 $0x380, s13;
	s3 =	simm.s32 $0x0  }
0x9: {  	s13 =	simm.s32 $0x5;
	[smem:$0x7FF] =	sst s3;
	s21 =	sshrl.u32 s16, $0x2  }
0xa: {  	s16 =	simm.s32 $0xA280;
	s5 =	sor.u32 s6, s5;
	s6 =	sand.u32 $0x1, s14  }
0xb: {  	_ =	strace $0x80000047;
	[dreg:$0x5] =	wrdreg s9;
	s22 =	sadd.s32 s21, s2  }
0xc: {  	s14 =	simm.s32 $0x1;
	s21 =	simm.s32 $0xA400;
	s8 =	smul.u32 $0x5000, s6  }
0xd: {  	s5 =	sshrl.u32 s5, $0x3;
	s15 =	smul.u32 $0x28000, s6;
	s10 =	ssub.s32 $0x2, s6  }
0xe: {  	s20 =	sshll.u32 s6, $0x7;
	[dreg:$0x8] =	wrdreg s22;
	s6 =	simm.s32 $0x6800  }
0xf: {  	s22 =	simm.s32 $0xA300;
	s7 =	sadd.s32 s5, s4;
	s11 =	sshrl.u32 s10, $0x1  }
0x10: {  	s1 =	sadd.s32 s1, s8;
	s4 =	sadd.s32 s15, s4;
	s17 =	ssub.s32 s10, s11  }
0x11: {  	s19 =	sadd.s32 $0xC00, s7;
	s7 =	sadd.s32 s0, s20;
	s15 =	simm.s32 $0x2800  }
0x12: {  	s11 =	simm.s32 $0x2880;
	s20 =	simm.s32 $0xA500;
	s8 =	simm.s32 $0x4  }
0x13: {  	v0 =	vimm.s32 $0x7;
	s18 =	sadd.s32 s5, s1;
	[dreg:$0x7] =	wrdreg s19;
	s24 =	sadd.s32 $0x8400, s4  }
0x14: {  	v1 =	vimm.s32 $0x1;
	v2 =	vimm.s32 $0x0;
	v3 =	vlaneseq.u32;
	s26 =	smax.u32 s17, $0x1;
	s4 =	simm.s32 $0x8800;
	s17 =	simm.s32 $0xA600  }
.Ltmp0:
0x15: {  	vm0 =	vmmov $0x1;
	v4 =	vimm.s32 $0x2;
	v5 =	vimm.s32 $0x3;
	s19 =	simm.s32 $0xA480;
	s1 =	simm.s32 $0x2;
	(pc) =	sbr.rel .LBB2_1-.Ltmp0, $4  }
0x16: {  	v6 =	vimm.s32 $0x4;
	v7 =	vimm.s32 $0x5;
	v8 =	vimm.s32 $0x6;
	s5 =	simm.s32 $0x0;
	[dreg:$0x6] =	wrdreg s18;
	s23 =	sadd.s32 $0x1400, s18  }
0x17: {  	v9 =	vimm.s32 $0x8;
	v10 =	vimm.s32 $0x9;
	v11 =	vimm.s32 $0xA;
	[dreg:$0xa] =	wrdreg s26;
	s0 =	sadd.s32 s25, s24;
	s18 =	simm.s32 $0xA580  }
0x18: {  	v12 =	vimm.s32 $0xB;
	v13 =	vimm.s32 $0xC;
	v14 =	vimm.s32 $0xD;
	s25 =	simm.s32 $0xA200;
	s26 =	simm.s32 $0xA180;
	[dreg:$0x9] =	wrdreg s23  }
0x19: {  	v15 =	vimm.s32 $0xE;
	v16 =	vimm.s32 $0xF;
	v3 =	vmul.u32 $0x8, v3;
	[dreg:$0xb] =	wrdreg s0;
	s23 =	simm.s32 $0xA380;
	s0 =	simm.s32 $0x3  }
.LBB2_15:
0x1a: {  	[bflag:$0x0] =	sbarrier.arrive $0xFFFF  }
0x1b: {  	s5 =	rddreg [dreg:$0xb]  }
0x1c: {  	s9 =	rddreg [dreg:$0xd]  }
0x1d: {  	s10 =	rddreg [dreg:$0xe]  }
0x1e: {  	[hbm:s5], [sflag:s9] =	dma.local [spmem:s10], $0x2800  }
0x1f: {  	_ =	swait.ge [sflag:s13], $0x2800  }
0x20: {  	s10 =	rddreg [dreg:$0xc]  }
0x21: {  	s24 =	rddreg [dreg:$0xa];
	s5 =	sadd.s32 $0x1, s10  }
0x22: {  	p0 =	sne.s32 s5, s24  }
.Ltmp1:
0x23: {  	_ = 	snop;
	(pc) =	sbr.rel @!p0 .LBB2_16-.Ltmp1, $3  }
0x24: {  	_ =	sdelay $0x1  }
0x25: {  	[sflag:s13] =	ssyncset.done $0x0  }
0x26: {  	[sflag:s13] =	ssyncadd.s32 $0xFFFFD800  }
.LBB2_1:
0x27: {  	[dreg:$0xc] =	wrdreg s5  }
0x28: {  	s9 =	rddreg [dreg:$0x6];
	s10 =	simm.s32 $0x80;
	s24 =	simm.s32 $0x400  }
0x29: {  	[tilespmem:s3], [sflag:$0x5] =	stream.strided.gather [hbm4b:s9+s10], $0x1400, s24, s10, $0x38;
	[tilespmem:$0x1E800] =	vst v63  }
0x2a: {  	_ =	swait.ge [sflag:s13], $0x1400  }
0x2b: {  	[sflag:s13] =	ssyncset.done $0x0  }
0x2c: {  	s5 =	simm.s32 $0x1400;
	s9 =	rddreg [dreg:$0x7];
	[sflag:s13] =	ssyncadd.s32 $0xFFFFEC00  }
0x2d: {  	[tilespmem:s5], [sflag:$0x5] =	stream.strided.gather [hbm4b:s9+s10], $0x1400, s24, s10, $0x38;
	[tilespmem:$0x1E800] =	vst v63  }
0x2e: {  	_ =	swait.ge [sflag:s13], $0x1400  }
0x2f: {  	[sflag:s13] =	ssyncset.done $0x0  }
0x30: {  	[sflag:s13] =	ssyncadd.s32 $0xFFFFEC00  }
0x31: {  	v17 =	vld [tilespmem:$0x0];
	_ =	sdelay $0x4  }
0x32: {  	v18 =	vshll.u32 v17, $0x1  }
0x33: {  	v17 =	vand.u32 $0x7, v17;
	v18 =	vand.u32 $0xFFFFFFF0, v18  }
0x34: {  	v17 =	vor.u32 v17, v18  }
0x35: {  	v18 =	vperm.xlane v17, v2;
	_ =	sdelay $0x1  }
0x36: {  	v19 =	vperm.xlane v17, v1;
	v18 =	vadd.s32 v3, v18;
	_ =	sdelay $0x1  }
0x37: {  	v20 =	vperm.xlane v17, v4;
	v19 =	vadd.s32 v3, v19;
	_ =	sdelay $0x1  }
0x38: {  	v21 =	vperm.xlane v17, v5;
	v20 =	vadd.s32 v3, v20  }
0x39: {  	[tilespmem:s15], [sflag:$0x1] =	stream.indirect_vreg.gather [hbm4b:s7+s3], $0x80, v18, vm0, $0xb8;
	[tilespmem:$0x1E800] =	vst v63  }
0x3a: {  	v62 =	vperm.xlane v17, v6;
	v18 =	vadd.s32 v3, v21  }
0x3b: {  	[tilespmem:s11], [sflag:$0x1] =	stream.indirect_vreg.gather [hbm4b:s7+s3], $0x80, v19, vm0, $0xb8;
	[tilespmem:$0x1E800] =	vst v63  }
0x3c: {  	s10 =	simm.s32 $0x2900;
	v63 =	vperm.xlane v17, v7;
	v19 =	vadd.s32 v3, v62  }
0x3d: {  	[tilespmem:s10], [sflag:$0x1] =	stream.indirect_vreg.gather [hbm4b:s7+s3], $0x80, v20, vm0, $0xb8;
	[tilespmem:$0x1E800] =	vst v63  }
0x3e: {  	s24 =	simm.s32 $0x2980;
	v25 =	vperm.xlane v17, v8;
	v24 =	vadd.s32 v3, v63  }
0x3f: {  	[tilespmem:s24], [sflag:$0x1] =	stream.indirect_vreg.gather [hbm4b:s7+s3], $0x80, v18, vm0, $0xb8;
	[tilespmem:$0x1E800] =	vst v63  }
0x40: {  	s9 =	simm.s32 $0x2A00;
	v26 =	vperm.xlane v17, v0;
	v18 =	vadd.s32 v3, v25  }
0x41: {  	[tilespmem:s9], [sflag:$0x1] =	stream.indirect_vreg.gather [hbm4b:s7+s3], $0x80, v19, vm0, $0xb8;
	[tilespmem:$0x1E800] =	vst v63  }
0x42: {  	v27 =	vperm.xlane v17, v9;
	s10 =	simm.s32 $0x2A80;
	v19 =	vadd.s32 v3, v26  }
0x43: {  	[tilespmem:s10], [sflag:$0x1] =	stream.indirect_vreg.gather [hbm4b:s7+s3], $0x80, v24, vm0, $0xb8;
	[tilespmem:$0x1E800] =	vst v63  }
0x44: {  	v29 =	vperm.xlane v17, v10;
	v28 =	vadd.s32 v3, v27;
	s24 =	simm.s32 $0x2B00  }
0x45: {  	[tilespmem:s24], [sflag:$0x1] =	stream.indirect_vreg.gather [hbm4b:s7+s3], $0x80, v18, vm0, $0xb8;
	[tilespmem:$0x1E800] =	vst v63  }
0x46: {  	v30 =	vperm.xlane v17, v11;
	s9 =	simm.s32 $0x2B80;
	v18 =	vadd.s32 v3, v29  }
0x47: {  	[tilespmem:s9], [sflag:$0x1] =	stream.indirect_vreg.gather [hbm4b:s7+s3], $0x80, v19, vm0, $0xb8;
	[tilespmem:$0x1E800] =	vst v63  }
0x48: {  	v31 =	vperm.xlane v17, v12;
	s10 =	simm.s32 $0x2C00;
	v19 =	vadd.s32 v3, v30  }
0x49: {  	[tilespmem:s10], [sflag:$0x1] =	stream.indirect_vreg.gather [hbm4b:s7+s3], $0x80, v28, vm0, $0xb8;
	[tilespmem:$0x1E800] =	vst v63  }
0x4a: {  	v33 =	vperm.xlane v17, v13;
	v32 =	vadd.s32 v3, v31;
	s24 =	simm.s32 $0x2C80  }
0x4b: {  	[tilespmem:s24], [sflag:$0x1] =	stream.indirect_vreg.gather [hbm4b:s7+s3], $0x80, v18, vm0, $0xb8;
	[tilespmem:$0x1E800] =	vst v63  }
0x4c: {  	v34 =	vperm.xlane v17, v14;
	s9 =	simm.s32 $0x2D00;
	v18 =	vadd.s32 v3, v33  }
0x4d: {  	[tilespmem:s9], [sflag:$0x1] =	stream.indirect_vreg.gather [hbm4b:s7+s3], $0x80, v19, vm0, $0xb8;
	[tilespmem:$0x1E800] =	vst v63  }
0x4e: {  	v35 =	vperm.xlane v17, v15;
	s10 =	simm.s32 $0x2D80;
	v19 =	vadd.s32 v3, v34  }
0x4f: {  	[tilespmem:s10], [sflag:$0x1] =	stream.indirect_vreg.gather [hbm4b:s7+s3], $0x80, v32, vm0, $0xb8;
	[tilespmem:$0x1E800] =	vst v63  }
0x50: {  	v17 =	vperm.xlane v17, v16;
	v36 =	vadd.s32 v3, v35;
	s24 =	simm.s32 $0x2E00  }
0x51: {  	[tilespmem:s24], [sflag:$0x1] =	stream.indirect_vreg.gather [hbm4b:s7+s3], $0x80, v18, vm0, $0xb8;
	[tilespmem:$0x1E800] =	vst v63  }
0x52: {  	v17 =	vadd.s32 v3, v17;
	s9 =	simm.s32 $0x2E80  }
0x53: {  	[tilespmem:s9], [sflag:$0x1] =	stream.indirect_vreg.gather [hbm4b:s7+s3], $0x80, v19, vm0, $0xb8;
	[tilespmem:$0x1E800] =	vst v63  }
0x54: {  	s10 =	simm.s32 $0x2F00  }
0x55: {  	[tilespmem:s10], [sflag:$0x1] =	stream.indirect_vreg.gather [hbm4b:s7+s3], $0x80, v36, vm0, $0xb8;
	[tilespmem:$0x1E800] =	vst v63  }
0x56: {  	s24 =	simm.s32 $0x2F80  }
0x57: {  	[tilespmem:s24], [sflag:$0x1] =	stream.indirect_vreg.gather [hbm4b:s7+s3], $0x80, v17, vm0, $0xb8;
	[tilespmem:$0x1E800] =	vst v63  }
0x58: {  	v17 =	vld [tilespmem:$0x10];
	_ =	sdelay $0x4  }
0x59: {  	v18 =	vshll.u32 v17, $0x1  }
0x5a: {  	v17 =	vand.u32 $0x7, v17;
	v18 =	vand.u32 $0xFFFFFFF0, v18  }
0x5b: {  	v17 =	vor.u32 v17, v18  }
0x5c: {  	v18 =	vperm.xlane v17, v2;
	_ =	sdelay $0x1  }
0x5d: {  	v19 =	vperm.xlane v17, v1;
	v18 =	vadd.s32 v3, v18;
	_ =	sdelay $0x1  }
0x5e: {  	v37 =	vperm.xlane v17, v4;
	v19 =	vadd.s32 v3, v19;
	_ =	sdelay $0x1  }
0x5f: {  	s9 =	simm.s32 $0x3000;
	v38 =	vperm.xlane v17, v5;
	v20 =	vadd.s32 v3, v37  }
0x60: {  	[tilespmem:s9], [sflag:$0x1] =	stream.indirect_vreg.gather [hbm4b:s7+s3], $0x80, v18, vm0, $0xb8;
	[tilespmem:$0x1E800] =	vst v63  }
0x61: {  	s10 =	simm.s32 $0x3080;
	v39 =	vperm.xlane v17, v6;
	v18 =	vadd.s32 v3, v38  }
0x62: {  	[tilespmem:s10], [sflag:$0x1] =	stream.indirect_vreg.gather [hbm4b:s7+s3], $0x80, v19, vm0, $0xb8;
	[tilespmem:$0x1E800] =	vst v63  }
0x63: {  	s24 =	simm.s32 $0x3100;
	v40 =	vperm.xlane v17, v7;
	v19 =	vadd.s32 v3, v39  }
0x64: {  	[tilespmem:s24], [sflag:$0x1] =	stream.indirect_vreg.gather [hbm4b:s7+s3], $0x80, v20, vm0, $0xb8;
	[tilespmem:$0x1E800] =	vst v63  }
0x65: {  	v42 =	vperm.xlane v17, v8;
	v41 =	vadd.s32 v3, v40;
	s9 =	simm.s32 $0x3180  }
0x66: {  	[tilespmem:s9], [sflag:$0x1] =	stream.indirect_vreg.gather [hbm4b:s7+s3], $0x80, v18, vm0, $0xb8;
	[tilespmem:$0x1E800] =	vst v63  }
0x67: {  	v43 =	vperm.xlane v17, v0;
	s10 =	simm.s32 $0x3200;
	v18 =	vadd.s32 v3, v42  }
0x68: {  	[tilespmem:s10], [sflag:$0x1] =	stream.indirect_vreg.gather [hbm4b:s7+s3], $0x80, v19, vm0, $0xb8;
	[tilespmem:$0x1E800] =	vst v63  }
0x69: {  	v44 =	vperm.xlane v17, v9;
	s24 =	simm.s32 $0x3280;
	v19 =	vadd.s32 v3, v43  }
0x6a: {  	[tilespmem:s24], [sflag:$0x1] =	stream.indirect_vreg.gather [hbm4b:s7+s3], $0x80, v41, vm0, $0xb8;
	[tilespmem:$0x1E800] =	vst v63  }
0x6b: {  	v46 =	vperm.xlane v17, v10;
	v45 =	vadd.s32 v3, v44;
	s9 =	simm.s32 $0x3300  }
0x6c: {  	[tilespmem:s9], [sflag:$0x1] =	stream.indirect_vreg.gather [hbm4b:s7+s3], $0x80, v18, vm0, $0xb8;
	[tilespmem:$0x1E800] =	vst v63  }
0x6d: {  	v47 =	vperm.xlane v17, v11;
	s10 =	simm.s32 $0x3380;
	v18 =	vadd.s32 v3, v46  }
0x6e: {  	[tilespmem:s10], [sflag:$0x1] =	stream.indirect_vreg.gather [hbm4b:s7+s3], $0x80, v19, vm0, $0xb8;
	[tilespmem:$0x1E800] =	vst v63  }
0x6f: {  	v48 =	vperm.xlane v17, v12;
	s24 =	simm.s32 $0x3400;
	v19 =	vadd.s32 v3, v47  }
0x70: {  	[tilespmem:s24], [sflag:$0x1] =	stream.indirect_vreg.gather [hbm4b:s7+s3], $0x80, v45, vm0, $0xb8;
	[tilespmem:$0x1E800] =	vst v63  }
0x71: {  	v50 =	vperm.xlane v17, v13;
	v49 =	vadd.s32 v3, v48;
	s9 =	simm.s32 $0x3480  }
0x72: {  	[tilespmem:s9], [sflag:$0x1] =	stream.indirect_vreg.gather [hbm4b:s7+s3], $0x80, v18, vm0, $0xb8;
	[tilespmem:$0x1E800] =	vst v63  }
0x73: {  	v51 =	vperm.xlane v17, v14;
	s10 =	simm.s32 $0x3500;
	v18 =	vadd.s32 v3, v50  }
0x74: {  	[tilespmem:s10], [sflag:$0x1] =	stream.indirect_vreg.gather [hbm4b:s7+s3], $0x80, v19, vm0, $0xb8;
	[tilespmem:$0x1E800] =	vst v63  }
0x75: {  	v52 =	vperm.xlane v17, v15;
	s24 =	simm.s32 $0x3580;
	v19 =	vadd.s32 v3, v51  }
0x76: {  	[tilespmem:s24], [sflag:$0x1] =	stream.indirect_vreg.gather [hbm4b:s7+s3], $0x80, v49, vm0, $0xb8;
	[tilespmem:$0x1E800] =	vst v63  }
0x77: {  	v17 =	vperm.xlane v17, v16;
	v53 =	vadd.s32 v3, v52;
	s9 =	simm.s32 $0x3600  }
0x78: {  	[tilespmem:s9], [sflag:$0x1] =	stream.indirect_vreg.gather [hbm4b:s7+s3], $0x80, v18, vm0, $0xb8;
	[tilespmem:$0x1E800] =	vst v63  }
0x79: {  	v17 =	vadd.s32 v3, v17;
	s10 =	simm.s32 $0x3680  }
0x7a: {  	[tilespmem:s10], [sflag:$0x1] =	stream.indirect_vreg.gather [hbm4b:s7+s3], $0x80, v19, vm0, $0xb8;
	[tilespmem:$0x1E800] =	vst v63  }
0x7b: {  	s24 =	simm.s32 $0x3700  }
0x7c: {  	[tilespmem:s24], [sflag:$0x1] =	stream.indirect_vreg.gather [hbm4b:s7+s3], $0x80, v53, vm0, $0xb8;
	[tilespmem:$0x1E800] =	vst v63  }
0x7d: {  	s9 =	simm.s32 $0x3780  }
0x7e: {  	[tilespmem:s9], [sflag:$0x1] =	stream.indirect_vreg.gather [hbm4b:s7+s3], $0x80, v17, vm0, $0xb8;
	[tilespmem:$0x1E800] =	vst v63  }
0x7f: {  	v17 =	vld [tilespmem:$0x20];
	_ =	sdelay $0x4  }
0x80: {  	v18 =	vshll.u32 v17, $0x1  }
0x81: {  	v17 =	vand.u32 $0x7, v17;
	v18 =	vand.u32 $0xFFFFFFF0, v18  }
0x82: {  	v17 =	vor.u32 v17, v18  }
0x83: {  	v18 =	vperm.xlane v17, v2;
	_ =	sdelay $0x1  }
0x84: {  	v19 =	vperm.xlane v17, v1;
	v18 =	vadd.s32 v3, v18;
	_ =	sdelay $0x1  }
0x85: {  	v54 =	vperm.xlane v17, v4;
	v19 =	vadd.s32 v3, v19;
	_ =	sdelay $0x1  }
0x86: {  	s10 =	simm.s32 $0x3800;
	v55 =	vperm.xlane v17, v5;
	v20 =	vadd.s32 v3, v54  }
0x87: {  	[tilespmem:s10], [sflag:$0x1] =	stream.indirect_vreg.gather [hbm4b:s7+s3], $0x80, v18, vm0, $0xb8;
	[tilespmem:$0x1E800] =	vst v63  }
0x88: {  	s24 =	simm.s32 $0x3880;
	v56 =	vperm.xlane v17, v6;
	v18 =	vadd.s32 v3, v55  }
0x89: {  	[tilespmem:s24], [sflag:$0x1] =	stream.indirect_vreg.gather [hbm4b:s7+s3], $0x80, v19, vm0, $0xb8;
	[tilespmem:$0x1E800] =	vst v63  }
0x8a: {  	s9 =	simm.s32 $0x3900;
	v57 =	vperm.xlane v17, v7;
	v19 =	vadd.s32 v3, v56  }
0x8b: {  	[tilespmem:s9], [sflag:$0x1] =	stream.indirect_vreg.gather [hbm4b:s7+s3], $0x80, v20, vm0, $0xb8;
	[tilespmem:$0x1E800] =	vst v63  }
0x8c: {  	v59 =	vperm.xlane v17, v8;
	v58 =	vadd.s32 v3, v57;
	s10 =	simm.s32 $0x3980  }
0x8d: {  	[tilespmem:s10], [sflag:$0x1] =	stream.indirect_vreg.gather [hbm4b:s7+s3], $0x80, v18, vm0, $0xb8;
	[tilespmem:$0x1E800] =	vst v63  }
0x8e: {  	v60 =	vperm.xlane v17, v0;
	s24 =	simm.s32 $0x3A00;
	v18 =	vadd.s32 v3, v59  }
0x8f: {  	[tilespmem:s24], [sflag:$0x1] =	stream.indirect_vreg.gather [hbm4b:s7+s3], $0x80, v19, vm0, $0xb8;
	[tilespmem:$0x1E800] =	vst v63  }
0x90: {  	v61 =	vperm.xlane v17, v9;
	s9 =	simm.s32 $0x3A80;
	v19 =	vadd.s32 v3, v60  }
0x91: {  	[tilespmem:s9], [sflag:$0x1] =	stream.indirect_vreg.gather [hbm4b:s7+s3], $0x80, v58, vm0, $0xb8;
	[tilespmem:$0x1E800] =	vst v63  }
0x92: {  	v63 =	vperm.xlane v17, v10;
	v62 =	vadd.s32 v3, v61;
	s10 =	simm.s32 $0x3B00  }
0x93: {  	[tilespmem:s10], [sflag:$0x1] =	stream.indirect_vreg.gather [hbm4b:s7+s3], $0x80, v18, vm0, $0xb8;
	[tilespmem:$0x1E800] =	vst v63  }
0x94: {  	v24 =	vperm.xlane v17, v11;
	s24 =	simm.s32 $0x3B80;
	v18 =	vadd.s32 v3, v63  }
0x95: {  	[tilespmem:s24], [sflag:$0x1] =	stream.indirect_vreg.gather [hbm4b:s7+s3], $0x80, v19, vm0, $0xb8;
	[tilespmem:$0x1E800] =	vst v63  }
0x96: {  	v25 =	vperm.xlane v17, v12;
	s9 =	simm.s32 $0x3C00;
	v19 =	vadd.s32 v3, v24  }
0x97: {  	[tilespmem:s9], [sflag:$0x1] =	stream.indirect_vreg.gather [hbm4b:s7+s3], $0x80, v62, vm0, $0xb8;
	[tilespmem:$0x1E800] =	vst v63  }
0x98: {  	v27 =	vperm.xlane v17, v13;
	v26 =	vadd.s32 v3, v25;
	s10 =	simm.s32 $0x3C80  }
0x99: {  	[tilespmem:s10], [sflag:$0x1] =	stream.indirect_vreg.gather [hbm4b:s7+s3], $0x80, v18, vm0, $0xb8;
	[tilespmem:$0x1E800] =	vst v63  }
0x9a: {  	v28 =	vperm.xlane v17, v14;
	s24 =	simm.s32 $0x3D00;
	v18 =	vadd.s32 v3, v27  }
0x9b: {  	[tilespmem:s24], [sflag:$0x1] =	stream.indirect_vreg.gather [hbm4b:s7+s3], $0x80, v19, vm0, $0xb8;
	[tilespmem:$0x1E800] =	vst v63  }
0x9c: {  	v29 =	vperm.xlane v17, v15;
	s9 =	simm.s32 $0x3D80;
	v19 =	vadd.s32 v3, v28  }
0x9d: {  	[tilespmem:s9], [sflag:$0x1] =	stream.indirect_vreg.gather [hbm4b:s7+s3], $0x80, v26, vm0, $0xb8;
	[tilespmem:$0x1E800] =	vst v63  }
0x9e: {  	v17 =	vperm.xlane v17, v16;
	v30 =	vadd.s32 v3, v29;
	s10 =	simm.s32 $0x3E00  }
0x9f: {  	[tilespmem:s10], [sflag:$0x1] =	stream.indirect_vreg.gather [hbm4b:s7+s3], $0x80, v18, vm0, $0xb8;
	[tilespmem:$0x1E800] =	vst v63  }
0xa0: {  	v17 =	vadd.s32 v3, v17;
	s24 =	simm.s32 $0x3E80  }
0xa1: {  	[tilespmem:s24], [sflag:$0x1] =	stream.indirect_vreg.gather [hbm4b:s7+s3], $0x80, v19, vm0, $0xb8;
	[tilespmem:$0x1E800] =	vst v63  }
0xa2: {  	s9 =	simm.s32 $0x3F00  }
0xa3: {  	[tilespmem:s9], [sflag:$0x1] =	stream.indirect_vreg.gather [hbm4b:s7+s3], $0x80, v30, vm0, $0xb8;
	[tilespmem:$0x1E800] =	vst v63  }
0xa4: {  	s10 =	simm.s32 $0x3F80  }
0xa5: {  	[tilespmem:s10], [sflag:$0x1] =	stream.indirect_vreg.gather [hbm4b:s7+s3], $0x80, v17, vm0, $0xb8;
	[tilespmem:$0x1E800] =	vst v63  }
0xa6: {  	v17 =	vld [tilespmem:$0x30];
	_ =	sdelay $0x4  }
0xa7: {  	v18 =	vshll.u32 v17, $0x1  }
0xa8: {  	v17 =	vand.u32 $0x7, v17;
	v18 =	vand.u32 $0xFFFFFFF0, v18  }
0xa9: {  	v17 =	vor.u32 v17, v18  }
0xaa: {  	v18 =	vperm.xlane v17, v2;
	_ =	sdelay $0x1  }
0xab: {  	v19 =	vperm.xlane v17, v1;
	v18 =	vadd.s32 v3, v18;
	_ =	sdelay $0x1  }
0xac: {  	v31 =	vperm.xlane v17, v4;
	v19 =	vadd.s32 v3, v19;
	_ =	sdelay $0x1  }
0xad: {  	s24 =	simm.s32 $0x4000;
	v32 =	vperm.xlane v17, v5;
	v20 =	vadd.s32 v3, v31  }
0xae: {  	[tilespmem:s24], [sflag:$0x1] =	stream.indirect_vreg.gather [hbm4b:s7+s3], $0x80, v18, vm0, $0xb8;
	[tilespmem:$0x1E800] =	vst v63  }
0xaf: {  	s9 =	simm.s32 $0x4080;
	v33 =	vperm.xlane v17, v6;
	v18 =	vadd.s32 v3, v32  }
0xb0: {  	[tilespmem:s9], [sflag:$0x1] =	stream.indirect_vreg.gather [hbm4b:s7+s3], $0x80, v19, vm0, $0xb8;
	[tilespmem:$0x1E800] =	vst v63  }
0xb1: {  	s10 =	simm.s32 $0x4100;
	v34 =	vperm.xlane v17, v7;
	v19 =	vadd.s32 v3, v33  }
0xb2: {  	[tilespmem:s10], [sflag:$0x1] =	stream.indirect_vreg.gather [hbm4b:s7+s3], $0x80, v20, vm0, $0xb8;
	[tilespmem:$0x1E800] =	vst v63  }
0xb3: {  	v36 =	vperm.xlane v17, v8;
	v35 =	vadd.s32 v3, v34;
	s24 =	simm.s32 $0x4180  }
0xb4: {  	[tilespmem:s24], [sflag:$0x1] =	stream.indirect_vreg.gather [hbm4b:s7+s3], $0x80, v18, vm0, $0xb8;
	[tilespmem:$0x1E800] =	vst v63  }
0xb5: {  	v37 =	vperm.xlane v17, v0;
	s9 =	simm.s32 $0x4200;
	v18 =	vadd.s32 v3, v36  }
0xb6: {  	[tilespmem:s9], [sflag:$0x1] =	stream.indirect_vreg.gather [hbm4b:s7+s3], $0x80, v19, vm0, $0xb8;
	[tilespmem:$0x1E800] =	vst v63  }
0xb7: {  	v38 =	vperm.xlane v17, v9;
	s10 =	simm.s32 $0x4280;
	v19 =	vadd.s32 v3, v37  }
0xb8: {  	[tilespmem:s10], [sflag:$0x1] =	stream.indirect_vreg.gather [hbm4b:s7+s3], $0x80, v35, vm0, $0xb8;
	[tilespmem:$0x1E800] =	vst v63  }
0xb9: {  	v40 =	vperm.xlane v17, v10;
	v39 =	vadd.s32 v3, v38;
	s24 =	simm.s32 $0x4300  }
0xba: {  	[tilespmem:s24], [sflag:$0x1] =	stream.indirect_vreg.gather [hbm4b:s7+s3], $0x80, v18, vm0, $0xb8;
	[tilespmem:$0x1E800] =	vst v63  }
0xbb: {  	v41 =	vperm.xlane v17, v11;
	s9 =	simm.s32 $0x4380;
	v18 =	vadd.s32 v3, v40  }
0xbc: {  	[tilespmem:s9], [sflag:$0x1] =	stream.indirect_vreg.gather [hbm4b:s7+s3], $0x80, v19, vm0, $0xb8;
	[tilespmem:$0x1E800] =	vst v63  }
0xbd: {  	v42 =	vperm.xlane v17, v12;
	s10 =	simm.s32 $0x4400;
	v19 =	vadd.s32 v3, v41  }
0xbe: {  	[tilespmem:s10], [sflag:$0x1] =	stream.indirect_vreg.gather [hbm4b:s7+s3], $0x80, v39, vm0, $0xb8;
	[tilespmem:$0x1E800] =	vst v63  }
0xbf: {  	v44 =	vperm.xlane v17, v13;
	v43 =	vadd.s32 v3, v42;
	s24 =	simm.s32 $0x4480  }
0xc0: {  	[tilespmem:s24], [sflag:$0x1] =	stream.indirect_vreg.gather [hbm4b:s7+s3], $0x80, v18, vm0, $0xb8;
	[tilespmem:$0x1E800] =	vst v63  }
0xc1: {  	v45 =	vperm.xlane v17, v14;
	s9 =	simm.s32 $0x4500;
	v18 =	vadd.s32 v3, v44  }
0xc2: {  	[tilespmem:s9], [sflag:$0x1] =	stream.indirect_vreg.gather [hbm4b:s7+s3], $0x80, v19, vm0, $0xb8;
	[tilespmem:$0x1E800] =	vst v63  }
0xc3: {  	v46 =	vperm.xlane v17, v15;
	s10 =	simm.s32 $0x4580;
	v19 =	vadd.s32 v3, v45  }
0xc4: {  	[tilespmem:s10], [sflag:$0x1] =	stream.indirect_vreg.gather [hbm4b:s7+s3], $0x80, v43, vm0, $0xb8;
	[tilespmem:$0x1E800] =	vst v63  }
0xc5: {  	v17 =	vperm.xlane v17, v16;
	v47 =	vadd.s32 v3, v46;
	s24 =	simm.s32 $0x4600  }
0xc6: {  	[tilespmem:s24], [sflag:$0x1] =	stream.indirect_vreg.gather [hbm4b:s7+s3], $0x80, v18, vm0, $0xb8;
	[tilespmem:$0x1E800] =	vst v63  }
0xc7: {  	v17 =	vadd.s32 v3, v17;
	s9 =	simm.s32 $0x4680  }
0xc8: {  	[tilespmem:s9], [sflag:$0x1] =	stream.indirect_vreg.gather [hbm4b:s7+s3], $0x80, v19, vm0, $0xb8;
	[tilespmem:$0x1E800] =	vst v63  }
0xc9: {  	s10 =	simm.s32 $0x4700  }
0xca: {  	[tilespmem:s10], [sflag:$0x1] =	stream.indirect_vreg.gather [hbm4b:s7+s3], $0x80, v47, vm0, $0xb8;
	[tilespmem:$0x1E800] =	vst v63  }
0xcb: {  	s24 =	simm.s32 $0x4780  }
0xcc: {  	[tilespmem:s24], [sflag:$0x1] =	stream.indirect_vreg.gather [hbm4b:s7+s3], $0x80, v17, vm0, $0xb8;
	[tilespmem:$0x1E800] =	vst v63  }
0xcd: {  	v17 =	vld [tilespmem:$0x40];
	_ =	sdelay $0x4  }
0xce: {  	v18 =	vshll.u32 v17, $0x1  }
0xcf: {  	v17 =	vand.u32 $0x7, v17;
	v18 =	vand.u32 $0xFFFFFFF0, v18  }
0xd0: {  	v17 =	vor.u32 v17, v18  }
0xd1: {  	v18 =	vperm.xlane v17, v2;
	_ =	sdelay $0x1  }
0xd2: {  	v19 =	vperm.xlane v17, v1;
	v18 =	vadd.s32 v3, v18;
	_ =	sdelay $0x1  }
0xd3: {  	v48 =	vperm.xlane v17, v4;
	v19 =	vadd.s32 v3, v19;
	_ =	sdelay $0x1  }
0xd4: {  	v49 =	vperm.xlane v17, v5;
	v20 =	vadd.s32 v3, v48  }
0xd5: {  	[tilespmem:s29], [sflag:$0x2] =	stream.indirect_vreg.gather [hbm4b:s7+s3], $0x80, v18, vm0, $0xb8;
	[tilespmem:$0x1E800] =	vst v63  }
0xd6: {  	s9 =	simm.s32 $0x4880;
	v50 =	vperm.xlane v17, v6;
	v18 =	vadd.s32 v3, v49  }
0xd7: {  	[tilespmem:s9], [sflag:$0x2] =	stream.indirect_vreg.gather [hbm4b:s7+s3], $0x80, v19, vm0, $0xb8;
	[tilespmem:$0x1E800] =	vst v63  }
0xd8: {  	s10 =	simm.s32 $0x4900;
	v51 =	vperm.xlane v17, v7;
	v19 =	vadd.s32 v3, v50  }
0xd9: {  	[tilespmem:s10], [sflag:$0x2] =	stream.indirect_vreg.gather [hbm4b:s7+s3], $0x80, v20, vm0, $0xb8;
	[tilespmem:$0x1E800] =	vst v63  }
0xda: {  	s24 =	simm.s32 $0x4980;
	v53 =	vperm.xlane v17, v8;
	v52 =	vadd.s32 v3, v51  }
0xdb: {  	[tilespmem:s24], [sflag:$0x2] =	stream.indirect_vreg.gather [hbm4b:s7+s3], $0x80, v18, vm0, $0xb8;
	[tilespmem:$0x1E800] =	vst v63  }
0xdc: {  	v54 =	vperm.xlane v17, v0;
	s9 =	simm.s32 $0x4A00;
	v18 =	vadd.s32 v3, v53  }
0xdd: {  	[tilespmem:s9], [sflag:$0x2] =	stream.indirect_vreg.gather [hbm4b:s7+s3], $0x80, v19, vm0, $0xb8;
	[tilespmem:$0x1E800] =	vst v63  }
0xde: {  	v55 =	vperm.xlane v17, v9;
	s10 =	simm.s32 $0x4A80;
	v19 =	vadd.s32 v3, v54  }
0xdf: {  	[tilespmem:s10], [sflag:$0x2] =	stream.indirect_vreg.gather [hbm4b:s7+s3], $0x80, v52, vm0, $0xb8;
	[tilespmem:$0x1E800] =	vst v63  }
0xe0: {  	v57 =	vperm.xlane v17, v10;
	v56 =	vadd.s32 v3, v55;
	s24 =	simm.s32 $0x4B00  }
0xe1: {  	[tilespmem:s24], [sflag:$0x2] =	stream.indirect_vreg.gather [hbm4b:s7+s3], $0x80, v18, vm0, $0xb8;
	[tilespmem:$0x1E800] =	vst v63  }
0xe2: {  	v58 =	vperm.xlane v17, v11;
	s9 =	simm.s32 $0x4B80;
	v18 =	vadd.s32 v3, v57  }
0xe3: {  	[tilespmem:s9], [sflag:$0x2] =	stream.indirect_vreg.gather [hbm4b:s7+s3], $0x80, v19, vm0, $0xb8;
	[tilespmem:$0x1E800] =	vst v63  }
0xe4: {  	v59 =	vperm.xlane v17, v12;
	s10 =	simm.s32 $0x4C00;
	v19 =	vadd.s32 v3, v58  }
0xe5: {  	[tilespmem:s10], [sflag:$0x2] =	stream.indirect_vreg.gather [hbm4b:s7+s3], $0x80, v56, vm0, $0xb8;
	[tilespmem:$0x1E800] =	vst v63  }
0xe6: {  	v61 =	vperm.xlane v17, v13;
	v60 =	vadd.s32 v3, v59;
	s24 =	simm.s32 $0x4C80  }
0xe7: {  	[tilespmem:s24], [sflag:$0x2] =	stream.indirect_vreg.gather [hbm4b:s7+s3], $0x80, v18, vm0, $0xb8;
	[tilespmem:$0x1E800] =	vst v63  }
0xe8: {  	v62 =	vperm.xlane v17, v14;
	s9 =	simm.s32 $0x4D00;
	v18 =	vadd.s32 v3, v61  }
0xe9: {  	[tilespmem:s9], [sflag:$0x2] =	stream.indirect_vreg.gather [hbm4b:s7+s3], $0x80, v19, vm0, $0xb8;
	[tilespmem:$0x1E800] =	vst v63  }
0xea: {  	v63 =	vperm.xlane v17, v15;
	s10 =	simm.s32 $0x4D80;
	v19 =	vadd.s32 v3, v62  }
0xeb: {  	[tilespmem:s10], [sflag:$0x2] =	stream.indirect_vreg.gather [hbm4b:s7+s3], $0x80, v60, vm0, $0xb8;
	[tilespmem:$0x1E800] =	vst v63  }
0xec: {  	v17 =	vperm.xlane v17, v16;
	v24 =	vadd.s32 v3, v63;
	s24 =	simm.s32 $0x4E00  }
0xed: {  	[tilespmem:s24], [sflag:$0x2] =	stream.indirect_vreg.gather [hbm4b:s7+s3], $0x80, v18, vm0, $0xb8;
	[tilespmem:$0x1E800] =	vst v63  }
0xee: {  	v17 =	vadd.s32 v3, v17;
	s9 =	simm.s32 $0x4E80  }
0xef: {  	[tilespmem:s9], [sflag:$0x2] =	stream.indirect_vreg.gather [hbm4b:s7+s3], $0x80, v19, vm0, $0xb8;
	[tilespmem:$0x1E800] =	vst v63  }
0xf0: {  	s10 =	simm.s32 $0x4F00  }
0xf1: {  	[tilespmem:s10], [sflag:$0x2] =	stream.indirect_vreg.gather [hbm4b:s7+s3], $0x80, v24, vm0, $0xb8;
	[tilespmem:$0x1E800] =	vst v63  }
0xf2: {  	s24 =	simm.s32 $0x4F80  }
0xf3: {  	[tilespmem:s24], [sflag:$0x2] =	stream.indirect_vreg.gather [hbm4b:s7+s3], $0x80, v17, vm0, $0xb8;
	[tilespmem:$0x1E800] =	vst v63  }
0xf4: {  	v17 =	vld [tilespmem:$0x50];
	_ =	sdelay $0x4  }
0xf5: {  	v18 =	vshll.u32 v17, $0x1  }
0xf6: {  	v17 =	vand.u32 $0x7, v17;
	v18 =	vand.u32 $0xFFFFFFF0, v18  }
0xf7: {  	v17 =	vor.u32 v17, v18  }
0xf8: {  	v18 =	vperm.xlane v17, v2;
	_ =	sdelay $0x1  }
0xf9: {  	v19 =	vperm.xlane v17, v1;
	v18 =	vadd.s32 v3, v18;
	_ =	sdelay $0x1  }
0xfa: {  	v25 =	vperm.xlane v17, v4;
	v19 =	vadd.s32 v3, v19;
	_ =	sdelay $0x1  }
0xfb: {  	s9 =	simm.s32 $0x5000;
	v26 =	vperm.xlane v17, v5;
	v20 =	vadd.s32 v3, v25  }
0xfc: {  	[tilespmem:s9], [sflag:$0x2] =	stream.indirect_vreg.gather [hbm4b:s7+s3], $0x80, v18, vm0, $0xb8;
	[tilespmem:$0x1E800] =	vst v63  }
0xfd: {  	s10 =	simm.s32 $0x5080;
	v27 =	vperm.xlane v17, v6;
	v18 =	vadd.s32 v3, v26  }
0xfe: {  	[tilespmem:s10], [sflag:$0x2] =	stream.indirect_vreg.gather [hbm4b:s7+s3], $0x80, v19, vm0, $0xb8;
	[tilespmem:$0x1E800] =	vst v63  }
0xff: {  	s24 =	simm.s32 $0x5100;
	v28 =	vperm.xlane v17, v7;
	v19 =	vadd.s32 v3, v27  }
0x100: {  	[tilespmem:s24], [sflag:$0x2] =	stream.indirect_vreg.gather [hbm4b:s7+s3], $0x80, v20, vm0, $0xb8;
	[tilespmem:$0x1E800] =	vst v63  }
0x101: {  	v30 =	vperm.xlane v17, v8;
	v29 =	vadd.s32 v3, v28;
	s9 =	simm.s32 $0x5180  }
0x102: {  	[tilespmem:s9], [sflag:$0x2] =	stream.indirect_vreg.gather [hbm4b:s7+s3], $0x80, v18, vm0, $0xb8;
	[tilespmem:$0x1E800] =	vst v63  }
0x103: {  	v31 =	vperm.xlane v17, v0;
	s10 =	simm.s32 $0x5200;
	v18 =	vadd.s32 v3, v30  }
0x104: {  	[tilespmem:s10], [sflag:$0x2] =	stream.indirect_vreg.gather [hbm4b:s7+s3], $0x80, v19, vm0, $0xb8;
	[tilespmem:$0x1E800] =	vst v63  }
0x105: {  	v32 =	vperm.xlane v17, v9;
	s24 =	simm.s32 $0x5280;
	v19 =	vadd.s32 v3, v31  }
0x106: {  	[tilespmem:s24], [sflag:$0x2] =	stream.indirect_vreg.gather [hbm4b:s7+s3], $0x80, v29, vm0, $0xb8;
	[tilespmem:$0x1E800] =	vst v63  }
0x107: {  	v34 =	vperm.xlane v17, v10;
	v33 =	vadd.s32 v3, v32;
	s9 =	simm.s32 $0x5300  }
0x108: {  	[tilespmem:s9], [sflag:$0x2] =	stream.indirect_vreg.gather [hbm4b:s7+s3], $0x80, v18, vm0, $0xb8;
	[tilespmem:$0x1E800] =	vst v63  }
0x109: {  	v35 =	vperm.xlane v17, v11;
	s10 =	simm.s32 $0x5380;
	v18 =	vadd.s32 v3, v34  }
0x10a: {  	[tilespmem:s10], [sflag:$0x2] =	stream.indirect_vreg.gather [hbm4b:s7+s3], $0x80, v19, vm0, $0xb8;
	[tilespmem:$0x1E800] =	vst v63  }
0x10b: {  	v36 =	vperm.xlane v17, v12;
	s24 =	simm.s32 $0x5400;
	v19 =	vadd.s32 v3, v35  }
0x10c: {  	[tilespmem:s24], [sflag:$0x2] =	stream.indirect_vreg.gather [hbm4b:s7+s3], $0x80, v33, vm0, $0xb8;
	[tilespmem:$0x1E800] =	vst v63  }
0x10d: {  	v38 =	vperm.xlane v17, v13;
	v37 =	vadd.s32 v3, v36;
	s9 =	simm.s32 $0x5480  }
0x10e: {  	[tilespmem:s9], [sflag:$0x2] =	stream.indirect_vreg.gather [hbm4b:s7+s3], $0x80, v18, vm0, $0xb8;
	[tilespmem:$0x1E800] =	vst v63  }
0x10f: {  	v39 =	vperm.xlane v17, v14;
	s10 =	simm.s32 $0x5500;
	v18 =	vadd.s32 v3, v38  }
0x110: {  	[tilespmem:s10], [sflag:$0x2] =	stream.indirect_vreg.gather [hbm4b:s7+s3], $0x80, v19, vm0, $0xb8;
	[tilespmem:$0x1E800] =	vst v63  }
0x111: {  	v40 =	vperm.xlane v17, v15;
	s24 =	simm.s32 $0x5580;
	v19 =	vadd.s32 v3, v39  }
0x112: {  	[tilespmem:s24], [sflag:$0x2] =	stream.indirect_vreg.gather [hbm4b:s7+s3], $0x80, v37, vm0, $0xb8;
	[tilespmem:$0x1E800] =	vst v63  }
0x113: {  	v17 =	vperm.xlane v17, v16;
	v41 =	vadd.s32 v3, v40;
	s9 =	simm.s32 $0x5600  }
0x114: {  	[tilespmem:s9], [sflag:$0x2] =	stream.indirect_vreg.gather [hbm4b:s7+s3], $0x80, v18, vm0, $0xb8;
	[tilespmem:$0x1E800] =	vst v63  }
0x115: {  	v17 =	vadd.s32 v3, v17;
	s10 =	simm.s32 $0x5680  }
0x116: {  	[tilespmem:s10], [sflag:$0x2] =	stream.indirect_vreg.gather [hbm4b:s7+s3], $0x80, v19, vm0, $0xb8;
	[tilespmem:$0x1E800] =	vst v63  }
0x117: {  	s24 =	simm.s32 $0x5700  }
0x118: {  	[tilespmem:s24], [sflag:$0x2] =	stream.indirect_vreg.gather [hbm4b:s7+s3], $0x80, v41, vm0, $0xb8;
	[tilespmem:$0x1E800] =	vst v63  }
0x119: {  	s9 =	simm.s32 $0x5780  }
0x11a: {  	[tilespmem:s9], [sflag:$0x2] =	stream.indirect_vreg.gather [hbm4b:s7+s3], $0x80, v17, vm0, $0xb8;
	[tilespmem:$0x1E800] =	vst v63  }
0x11b: {  	v17 =	vld [tilespmem:$0x60];
	_ =	sdelay $0x4  }
0x11c: {  	v18 =	vshll.u32 v17, $0x1  }
0x11d: {  	v17 =	vand.u32 $0x7, v17;
	v18 =	vand.u32 $0xFFFFFFF0, v18  }
0x11e: {  	v17 =	vor.u32 v17, v18  }
0x11f: {  	v18 =	vperm.xlane v17, v2;
	_ =	sdelay $0x1  }
0x120: {  	v19 =	vperm.xlane v17, v1;
	v18 =	vadd.s32 v3, v18;
	_ =	sdelay $0x1  }
0x121: {  	v42 =	vperm.xlane v17, v4;
	v19 =	vadd.s32 v3, v19;
	_ =	sdelay $0x1  }
0x122: {  	s10 =	simm.s32 $0x5800;
	v43 =	vperm.xlane v17, v5;
	v20 =	vadd.s32 v3, v42  }
0x123: {  	[tilespmem:s10], [sflag:$0x2] =	stream.indirect_vreg.gather [hbm4b:s7+s3], $0x80, v18, vm0, $0xb8;
	[tilespmem:$0x1E800] =	vst v63  }
0x124: {  	s24 =	simm.s32 $0x5880;
	v44 =	vperm.xlane v17, v6;
	v18 =	vadd.s32 v3, v43  }
0x125: {  	[tilespmem:s24], [sflag:$0x2] =	stream.indirect_vreg.gather [hbm4b:s7+s3], $0x80, v19, vm0, $0xb8;
	[tilespmem:$0x1E800] =	vst v63  }
0x126: {  	s9 =	simm.s32 $0x5900;
	v45 =	vperm.xlane v17, v7;
	v19 =	vadd.s32 v3, v44  }
0x127: {  	[tilespmem:s9], [sflag:$0x2] =	stream.indirect_vreg.gather [hbm4b:s7+s3], $0x80, v20, vm0, $0xb8;
	[tilespmem:$0x1E800] =	vst v63  }
0x128: {  	v47 =	vperm.xlane v17, v8;
	v46 =	vadd.s32 v3, v45;
	s10 =	simm.s32 $0x5980  }
0x129: {  	[tilespmem:s10], [sflag:$0x2] =	stream.indirect_vreg.gather [hbm4b:s7+s3], $0x80, v18, vm0, $0xb8;
	[tilespmem:$0x1E800] =	vst v63  }
0x12a: {  	v48 =	vperm.xlane v17, v0;
	s24 =	simm.s32 $0x5A00;
	v18 =	vadd.s32 v3, v47  }
0x12b: {  	[tilespmem:s24], [sflag:$0x2] =	stream.indirect_vreg.gather [hbm4b:s7+s3], $0x80, v19, vm0, $0xb8;
	[tilespmem:$0x1E800] =	vst v63  }
0x12c: {  	v49 =	vperm.xlane v17, v9;
	s9 =	simm.s32 $0x5A80;
	v19 =	vadd.s32 v3, v48  }
0x12d: {  	[tilespmem:s9], [sflag:$0x2] =	stream.indirect_vreg.gather [hbm4b:s7+s3], $0x80, v46, vm0, $0xb8;
	[tilespmem:$0x1E800] =	vst v63  }
0x12e: {  	v51 =	vperm.xlane v17, v10;
	v50 =	vadd.s32 v3, v49;
	s10 =	simm.s32 $0x5B00  }
0x12f: {  	[tilespmem:s10], [sflag:$0x2] =	stream.indirect_vreg.gather [hbm4b:s7+s3], $0x80, v18, vm0, $0xb8;
	[tilespmem:$0x1E800] =	vst v63  }
0x130: {  	v52 =	vperm.xlane v17, v11;
	s24 =	simm.s32 $0x5B80;
	v18 =	vadd.s32 v3, v51  }
0x131: {  	[tilespmem:s24], [sflag:$0x2] =	stream.indirect_vreg.gather [hbm4b:s7+s3], $0x80, v19, vm0, $0xb8;
	[tilespmem:$0x1E800] =	vst v63  }
0x132: {  	v53 =	vperm.xlane v17, v12;
	s9 =	simm.s32 $0x5C00;
	v19 =	vadd.s32 v3, v52  }
0x133: {  	[tilespmem:s9], [sflag:$0x2] =	stream.indirect_vreg.gather [hbm4b:s7+s3], $0x80, v50, vm0, $0xb8;
	[tilespmem:$0x1E800] =	vst v63  }
0x134: {  	v55 =	vperm.xlane v17, v13;
	v54 =	vadd.s32 v3, v53;
	s10 =	simm.s32 $0x5C80  }
0x135: {  	[tilespmem:s10], [sflag:$0x2] =	stream.indirect_vreg.gather [hbm4b:s7+s3], $0x80, v18, vm0, $0xb8;
	[tilespmem:$0x1E800] =	vst v63  }
0x136: {  	v56 =	vperm.xlane v17, v14;
	s24 =	simm.s32 $0x5D00;
	v18 =	vadd.s32 v3, v55  }
0x137: {  	[tilespmem:s24], [sflag:$0x2] =	stream.indirect_vreg.gather [hbm4b:s7+s3], $0x80, v19, vm0, $0xb8;
	[tilespmem:$0x1E800] =	vst v63  }
0x138: {  	v57 =	vperm.xlane v17, v15;
	s9 =	simm.s32 $0x5D80;
	v19 =	vadd.s32 v3, v56  }
0x139: {  	[tilespmem:s9], [sflag:$0x2] =	stream.indirect_vreg.gather [hbm4b:s7+s3], $0x80, v54, vm0, $0xb8;
	[tilespmem:$0x1E800] =	vst v63  }
0x13a: {  	v17 =	vperm.xlane v17, v16;
	v58 =	vadd.s32 v3, v57;
	s10 =	simm.s32 $0x5E00  }
0x13b: {  	[tilespmem:s10], [sflag:$0x2] =	stream.indirect_vreg.gather [hbm4b:s7+s3], $0x80, v18, vm0, $0xb8;
	[tilespmem:$0x1E800] =	vst v63  }
0x13c: {  	v17 =	vadd.s32 v3, v17;
	s24 =	simm.s32 $0x5E80  }
0x13d: {  	[tilespmem:s24], [sflag:$0x2] =	stream.indirect_vreg.gather [hbm4b:s7+s3], $0x80, v19, vm0, $0xb8;
	[tilespmem:$0x1E800] =	vst v63  }
0x13e: {  	s9 =	simm.s32 $0x5F00  }
0x13f: {  	[tilespmem:s9], [sflag:$0x2] =	stream.indirect_vreg.gather [hbm4b:s7+s3], $0x80, v58, vm0, $0xb8;
	[tilespmem:$0x1E800] =	vst v63  }
0x140: {  	s10 =	simm.s32 $0x5F80  }
0x141: {  	[tilespmem:s10], [sflag:$0x2] =	stream.indirect_vreg.gather [hbm4b:s7+s3], $0x80, v17, vm0, $0xb8;
	[tilespmem:$0x1E800] =	vst v63  }
0x142: {  	v17 =	vld [tilespmem:$0x70];
	_ =	sdelay $0x4  }
0x143: {  	v18 =	vshll.u32 v17, $0x1  }
0x144: {  	v17 =	vand.u32 $0x7, v17;
	v18 =	vand.u32 $0xFFFFFFF0, v18  }
0x145: {  	v17 =	vor.u32 v17, v18  }
0x146: {  	v18 =	vperm.xlane v17, v2;
	_ =	sdelay $0x1  }
0x147: {  	v19 =	vperm.xlane v17, v1;
	v18 =	vadd.s32 v3, v18;
	_ =	sdelay $0x1  }
0x148: {  	v59 =	vperm.xlane v17, v4;
	v19 =	vadd.s32 v3, v19;
	_ =	sdelay $0x1  }
0x149: {  	s24 =	simm.s32 $0x6000;
	v60 =	vperm.xlane v17, v5;
	v20 =	vadd.s32 v3, v59  }
0x14a: {  	[tilespmem:s24], [sflag:$0x2] =	stream.indirect_vreg.gather [hbm4b:s7+s3], $0x80, v18, vm0, $0xb8;
	[tilespmem:$0x1E800] =	vst v63  }
0x14b: {  	s9 =	simm.s32 $0x6080;
	v61 =	vperm.xlane v17, v6;
	v18 =	vadd.s32 v3, v60  }
0x14c: {  	[tilespmem:s9], [sflag:$0x2] =	stream.indirect_vreg.gather [hbm4b:s7+s3], $0x80, v19, vm0, $0xb8;
	[tilespmem:$0x1E800] =	vst v63  }
0x14d: {  	s10 =	simm.s32 $0x6100;
	v62 =	vperm.xlane v17, v7;
	v19 =	vadd.s32 v3, v61  }
0x14e: {  	[tilespmem:s10], [sflag:$0x2] =	stream.indirect_vreg.gather [hbm4b:s7+s3], $0x80, v20, vm0, $0xb8;
	[tilespmem:$0x1E800] =	vst v63  }
0x14f: {  	v24 =	vperm.xlane v17, v8;
	v63 =	vadd.s32 v3, v62;
	s24 =	simm.s32 $0x6180  }
0x150: {  	[tilespmem:s24], [sflag:$0x2] =	stream.indirect_vreg.gather [hbm4b:s7+s3], $0x80, v18, vm0, $0xb8;
	[tilespmem:$0x1E800] =	vst v63  }
0x151: {  	v25 =	vperm.xlane v17, v0;
	s9 =	simm.s32 $0x6200;
	v18 =	vadd.s32 v3, v24  }
0x152: {  	[tilespmem:s9], [sflag:$0x2] =	stream.indirect_vreg.gather [hbm4b:s7+s3], $0x80, v19, vm0, $0xb8;
	[tilespmem:$0x1E800] =	vst v63  }
0x153: {  	v26 =	vperm.xlane v17, v9;
	s10 =	simm.s32 $0x6280;
	v19 =	vadd.s32 v3, v25  }
0x154: {  	[tilespmem:s10], [sflag:$0x2] =	stream.indirect_vreg.gather [hbm4b:s7+s3], $0x80, v63, vm0, $0xb8;
	[tilespmem:$0x1E800] =	vst v63  }
0x155: {  	v28 =	vperm.xlane v17, v10;
	v27 =	vadd.s32 v3, v26;
	s24 =	simm.s32 $0x6300  }
0x156: {  	[tilespmem:s24], [sflag:$0x2] =	stream.indirect_vreg.gather [hbm4b:s7+s3], $0x80, v18, vm0, $0xb8;
	[tilespmem:$0x1E800] =	vst v63  }
0x157: {  	v29 =	vperm.xlane v17, v11;
	s9 =	simm.s32 $0x6380;
	v18 =	vadd.s32 v3, v28  }
0x158: {  	[tilespmem:s9], [sflag:$0x2] =	stream.indirect_vreg.gather [hbm4b:s7+s3], $0x80, v19, vm0, $0xb8;
	[tilespmem:$0x1E800] =	vst v63  }
0x159: {  	v30 =	vperm.xlane v17, v12;
	s10 =	simm.s32 $0x6400;
	v19 =	vadd.s32 v3, v29  }
0x15a: {  	[tilespmem:s10], [sflag:$0x2] =	stream.indirect_vreg.gather [hbm4b:s7+s3], $0x80, v27, vm0, $0xb8;
	[tilespmem:$0x1E800] =	vst v63  }
0x15b: {  	v32 =	vperm.xlane v17, v13;
	v31 =	vadd.s32 v3, v30;
	s24 =	simm.s32 $0x6480  }
0x15c: {  	[tilespmem:s24], [sflag:$0x2] =	stream.indirect_vreg.gather [hbm4b:s7+s3], $0x80, v18, vm0, $0xb8;
	[tilespmem:$0x1E800] =	vst v63  }
0x15d: {  	v33 =	vperm.xlane v17, v14;
	s9 =	simm.s32 $0x6500;
	v18 =	vadd.s32 v3, v32  }
0x15e: {  	[tilespmem:s9], [sflag:$0x2] =	stream.indirect_vreg.gather [hbm4b:s7+s3], $0x80, v19, vm0, $0xb8;
	[tilespmem:$0x1E800] =	vst v63  }
0x15f: {  	v34 =	vperm.xlane v17, v15;
	s10 =	simm.s32 $0x6580;
	v19 =	vadd.s32 v3, v33  }
0x160: {  	[tilespmem:s10], [sflag:$0x2] =	stream.indirect_vreg.gather [hbm4b:s7+s3], $0x80, v31, vm0, $0xb8;
	[tilespmem:$0x1E800] =	vst v63  }
0x161: {  	v17 =	vperm.xlane v17, v16;
	v35 =	vadd.s32 v3, v34;
	s24 =	simm.s32 $0x6600  }
0x162: {  	[tilespmem:s24], [sflag:$0x2] =	stream.indirect_vreg.gather [hbm4b:s7+s3], $0x80, v18, vm0, $0xb8;
	[tilespmem:$0x1E800] =	vst v63  }
0x163: {  	v17 =	vadd.s32 v3, v17;
	s9 =	simm.s32 $0x6680  }
0x164: {  	[tilespmem:s9], [sflag:$0x2] =	stream.indirect_vreg.gather [hbm4b:s7+s3], $0x80, v19, vm0, $0xb8;
	[tilespmem:$0x1E800] =	vst v63  }
0x165: {  	s10 =	simm.s32 $0x6700  }
0x166: {  	[tilespmem:s10], [sflag:$0x2] =	stream.indirect_vreg.gather [hbm4b:s7+s3], $0x80, v35, vm0, $0xb8;
	[tilespmem:$0x1E800] =	vst v63  }
0x167: {  	s24 =	simm.s32 $0x6780  }
0x168: {  	[tilespmem:s24], [sflag:$0x2] =	stream.indirect_vreg.gather [hbm4b:s7+s3], $0x80, v17, vm0, $0xb8;
	[tilespmem:$0x1E800] =	vst v63  }
0x169: {  	v17 =	vld [tilespmem:$0x80];
	_ =	sdelay $0x4  }
0x16a: {  	v18 =	vshll.u32 v17, $0x1  }
0x16b: {  	v17 =	vand.u32 $0x7, v17;
	v18 =	vand.u32 $0xFFFFFFF0, v18  }
0x16c: {  	v17 =	vor.u32 v17, v18  }
0x16d: {  	v18 =	vperm.xlane v17, v2;
	_ =	sdelay $0x1  }
0x16e: {  	v19 =	vperm.xlane v17, v1;
	v18 =	vadd.s32 v3, v18;
	_ =	sdelay $0x1  }
0x16f: {  	v36 =	vperm.xlane v17, v4;
	v19 =	vadd.s32 v3, v19;
	_ =	sdelay $0x1  }
0x170: {  	v37 =	vperm.xlane v17, v5;
	v20 =	vadd.s32 v3, v36  }
0x171: {  	[tilespmem:s6], [sflag:$0x3] =	stream.indirect_vreg.gather [hbm4b:s7+s3], $0x80, v18, vm0, $0xb8;
	[tilespmem:$0x1E800] =	vst v63  }
0x172: {  	s9 =	simm.s32 $0x6880;
	v38 =	vperm.xlane v17, v6;
	v18 =	vadd.s32 v3, v37  }
0x173: {  	[tilespmem:s9], [sflag:$0x3] =	stream.indirect_vreg.gather [hbm4b:s7+s3], $0x80, v19, vm0, $0xb8;
	[tilespmem:$0x1E800] =	vst v63  }
0x174: {  	s10 =	simm.s32 $0x6900;
	v39 =	vperm.xlane v17, v7;
	v19 =	vadd.s32 v3, v38  }
0x175: {  	[tilespmem:s10], [sflag:$0x3] =	stream.indirect_vreg.gather [hbm4b:s7+s3], $0x80, v20, vm0, $0xb8;
	[tilespmem:$0x1E800] =	vst v63  }
0x176: {  	s24 =	simm.s32 $0x6980;
	v41 =	vperm.xlane v17, v8;
	v40 =	vadd.s32 v3, v39  }
0x177: {  	[tilespmem:s24], [sflag:$0x3] =	stream.indirect_vreg.gather [hbm4b:s7+s3], $0x80, v18, vm0, $0xb8;
	[tilespmem:$0x1E800] =	vst v63  }
0x178: {  	v42 =	vperm.xlane v17, v0;
	s9 =	simm.s32 $0x6A00;
	v18 =	vadd.s32 v3, v41  }
0x179: {  	[tilespmem:s9], [sflag:$0x3] =	stream.indirect_vreg.gather [hbm4b:s7+s3], $0x80, v19, vm0, $0xb8;
	[tilespmem:$0x1E800] =	vst v63  }
0x17a: {  	v43 =	vperm.xlane v17, v9;
	s10 =	simm.s32 $0x6A80;
	v19 =	vadd.s32 v3, v42  }
0x17b: {  	[tilespmem:s10], [sflag:$0x3] =	stream.indirect_vreg.gather [hbm4b:s7+s3], $0x80, v40, vm0, $0xb8;
	[tilespmem:$0x1E800] =	vst v63  }
0x17c: {  	v45 =	vperm.xlane v17, v10;
	v44 =	vadd.s32 v3, v43;
	s24 =	simm.s32 $0x6B00  }
0x17d: {  	[tilespmem:s24], [sflag:$0x3] =	stream.indirect_vreg.gather [hbm4b:s7+s3], $0x80, v18, vm0, $0xb8;
	[tilespmem:$0x1E800] =	vst v63  }
0x17e: {  	v46 =	vperm.xlane v17, v11;
	s9 =	simm.s32 $0x6B80;
	v18 =	vadd.s32 v3, v45  }
0x17f: {  	[tilespmem:s9], [sflag:$0x3] =	stream.indirect_vreg.gather [hbm4b:s7+s3], $0x80, v19, vm0, $0xb8;
	[tilespmem:$0x1E800] =	vst v63  }
0x180: {  	v47 =	vperm.xlane v17, v12;
	s10 =	simm.s32 $0x6C00;
	v19 =	vadd.s32 v3, v46  }
0x181: {  	[tilespmem:s10], [sflag:$0x3] =	stream.indirect_vreg.gather [hbm4b:s7+s3], $0x80, v44, vm0, $0xb8;
	[tilespmem:$0x1E800] =	vst v63  }
0x182: {  	v49 =	vperm.xlane v17, v13;
	v48 =	vadd.s32 v3, v47;
	s24 =	simm.s32 $0x6C80  }
0x183: {  	[tilespmem:s24], [sflag:$0x3] =	stream.indirect_vreg.gather [hbm4b:s7+s3], $0x80, v18, vm0, $0xb8;
	[tilespmem:$0x1E800] =	vst v63  }
0x184: {  	v50 =	vperm.xlane v17, v14;
	s9 =	simm.s32 $0x6D00;
	v18 =	vadd.s32 v3, v49  }
0x185: {  	[tilespmem:s9], [sflag:$0x3] =	stream.indirect_vreg.gather [hbm4b:s7+s3], $0x80, v19, vm0, $0xb8;
	[tilespmem:$0x1E800] =	vst v63  }
0x186: {  	v51 =	vperm.xlane v17, v15;
	s10 =	simm.s32 $0x6D80;
	v19 =	vadd.s32 v3, v50  }
0x187: {  	[tilespmem:s10], [sflag:$0x3] =	stream.indirect_vreg.gather [hbm4b:s7+s3], $0x80, v48, vm0, $0xb8;
	[tilespmem:$0x1E800] =	vst v63  }
0x188: {  	v17 =	vperm.xlane v17, v16;
	v52 =	vadd.s32 v3, v51;
	s24 =	simm.s32 $0x6E00  }
0x189: {  	[tilespmem:s24], [sflag:$0x3] =	stream.indirect_vreg.gather [hbm4b:s7+s3], $0x80, v18, vm0, $0xb8;
	[tilespmem:$0x1E800] =	vst v63  }
0x18a: {  	v17 =	vadd.s32 v3, v17;
	s9 =	simm.s32 $0x6E80  }
0x18b: {  	[tilespmem:s9], [sflag:$0x3] =	stream.indirect_vreg.gather [hbm4b:s7+s3], $0x80, v19, vm0, $0xb8;
	[tilespmem:$0x1E800] =	vst v63  }
0x18c: {  	s10 =	simm.s32 $0x6F00  }
0x18d: {  	[tilespmem:s10], [sflag:$0x3] =	stream.indirect_vreg.gather [hbm4b:s7+s3], $0x80, v52, vm0, $0xb8;
	[tilespmem:$0x1E800] =	vst v63  }
0x18e: {  	s24 =	simm.s32 $0x6F80  }
0x18f: {  	[tilespmem:s24], [sflag:$0x3] =	stream.indirect_vreg.gather [hbm4b:s7+s3], $0x80, v17, vm0, $0xb8;
	[tilespmem:$0x1E800] =	vst v63  }
0x190: {  	v17 =	vld [tilespmem:$0x90];
	_ =	sdelay $0x4  }
0x191: {  	v18 =	vshll.u32 v17, $0x1  }
0x192: {  	v17 =	vand.u32 $0x7, v17;
	v18 =	vand.u32 $0xFFFFFFF0, v18  }
0x193: {  	v17 =	vor.u32 v17, v18  }
0x194: {  	v18 =	vperm.xlane v17, v2;
	_ =	sdelay $0x1  }
0x195: {  	v19 =	vperm.xlane v17, v1;
	v18 =	vadd.s32 v3, v18;
	_ =	sdelay $0x1  }
0x196: {  	v53 =	vperm.xlane v17, v4;
	v19 =	vadd.s32 v3, v19;
	_ =	sdelay $0x1  }
0x197: {  	s9 =	simm.s32 $0x7000;
	v54 =	vperm.xlane v17, v5;
	v20 =	vadd.s32 v3, v53  }
0x198: {  	[tilespmem:s9], [sflag:$0x3] =	stream.indirect_vreg.gather [hbm4b:s7+s3], $0x80, v18, vm0, $0xb8;
	[tilespmem:$0x1E800] =	vst v63  }
0x199: {  	s10 =	simm.s32 $0x7080;
	v55 =	vperm.xlane v17, v6;
	v18 =	vadd.s32 v3, v54  }
0x19a: {  	[tilespmem:s10], [sflag:$0x3] =	stream.indirect_vreg.gather [hbm4b:s7+s3], $0x80, v19, vm0, $0xb8;
	[tilespmem:$0x1E800] =	vst v63  }
0x19b: {  	s24 =	simm.s32 $0x7100;
	v56 =	vperm.xlane v17, v7;
	v19 =	vadd.s32 v3, v55  }
0x19c: {  	[tilespmem:s24], [sflag:$0x3] =	stream.indirect_vreg.gather [hbm4b:s7+s3], $0x80, v20, vm0, $0xb8;
	[tilespmem:$0x1E800] =	vst v63  }
0x19d: {  	v58 =	vperm.xlane v17, v8;
	v57 =	vadd.s32 v3, v56;
	s9 =	simm.s32 $0x7180  }
0x19e: {  	[tilespmem:s9], [sflag:$0x3] =	stream.indirect_vreg.gather [hbm4b:s7+s3], $0x80, v18, vm0, $0xb8;
	[tilespmem:$0x1E800] =	vst v63  }
0x19f: {  	v59 =	vperm.xlane v17, v0;
	s10 =	simm.s32 $0x7200;
	v18 =	vadd.s32 v3, v58  }
0x1a0: {  	[tilespmem:s10], [sflag:$0x3] =	stream.indirect_vreg.gather [hbm4b:s7+s3], $0x80, v19, vm0, $0xb8;
	[tilespmem:$0x1E800] =	vst v63  }
0x1a1: {  	v60 =	vperm.xlane v17, v9;
	s24 =	simm.s32 $0x7280;
	v19 =	vadd.s32 v3, v59  }
0x1a2: {  	[tilespmem:s24], [sflag:$0x3] =	stream.indirect_vreg.gather [hbm4b:s7+s3], $0x80, v57, vm0, $0xb8;
	[tilespmem:$0x1E800] =	vst v63  }
0x1a3: {  	v62 =	vperm.xlane v17, v10;
	v61 =	vadd.s32 v3, v60;
	s9 =	simm.s32 $0x7300  }
0x1a4: {  	[tilespmem:s9], [sflag:$0x3] =	stream.indirect_vreg.gather [hbm4b:s7+s3], $0x80, v18, vm0, $0xb8;
	[tilespmem:$0x1E800] =	vst v63  }
0x1a5: {  	v63 =	vperm.xlane v17, v11;
	s10 =	simm.s32 $0x7380;
	v18 =	vadd.s32 v3, v62  }
0x1a6: {  	[tilespmem:s10], [sflag:$0x3] =	stream.indirect_vreg.gather [hbm4b:s7+s3], $0x80, v19, vm0, $0xb8;
	[tilespmem:$0x1E800] =	vst v63  }
0x1a7: {  	v24 =	vperm.xlane v17, v12;
	s24 =	simm.s32 $0x7400;
	v19 =	vadd.s32 v3, v63  }
0x1a8: {  	[tilespmem:s24], [sflag:$0x3] =	stream.indirect_vreg.gather [hbm4b:s7+s3], $0x80, v61, vm0, $0xb8;
	[tilespmem:$0x1E800] =	vst v63  }
0x1a9: {  	v26 =	vperm.xlane v17, v13;
	v25 =	vadd.s32 v3, v24;
	s9 =	simm.s32 $0x7480  }
0x1aa: {  	[tilespmem:s9], [sflag:$0x3] =	stream.indirect_vreg.gather [hbm4b:s7+s3], $0x80, v18, vm0, $0xb8;
	[tilespmem:$0x1E800] =	vst v63  }
0x1ab: {  	v27 =	vperm.xlane v17, v14;
	s10 =	simm.s32 $0x7500;
	v18 =	vadd.s32 v3, v26  }
0x1ac: {  	[tilespmem:s10], [sflag:$0x3] =	stream.indirect_vreg.gather [hbm4b:s7+s3], $0x80, v19, vm0, $0xb8;
	[tilespmem:$0x1E800] =	vst v63  }
0x1ad: {  	v28 =	vperm.xlane v17, v15;
	s24 =	simm.s32 $0x7580;
	v19 =	vadd.s32 v3, v27  }
0x1ae: {  	[tilespmem:s24], [sflag:$0x3] =	stream.indirect_vreg.gather [hbm4b:s7+s3], $0x80, v25, vm0, $0xb8;
	[tilespmem:$0x1E800] =	vst v63  }
0x1af: {  	v17 =	vperm.xlane v17, v16;
	v29 =	vadd.s32 v3, v28;
	s9 =	simm.s32 $0x7600  }
0x1b0: {  	[tilespmem:s9], [sflag:$0x3] =	stream.indirect_vreg.gather [hbm4b:s7+s3], $0x80, v18, vm0, $0xb8;
	[tilespmem:$0x1E800] =	vst v63  }
0x1b1: {  	v17 =	vadd.s32 v3, v17;
	s10 =	simm.s32 $0x7680  }
0x1b2: {  	[tilespmem:s10], [sflag:$0x3] =	stream.indirect_vreg.gather [hbm4b:s7+s3], $0x80, v19, vm0, $0xb8;
	[tilespmem:$0x1E800] =	vst v63  }
0x1b3: {  	s24 =	simm.s32 $0x7700  }
0x1b4: {  	[tilespmem:s24], [sflag:$0x3] =	stream.indirect_vreg.gather [hbm4b:s7+s3], $0x80, v29, vm0, $0xb8;
	[tilespmem:$0x1E800] =	vst v63  }
0x1b5: {  	s9 =	simm.s32 $0x7780  }
0x1b6: {  	[tilespmem:s9], [sflag:$0x3] =	stream.indirect_vreg.gather [hbm4b:s7+s3], $0x80, v17, vm0, $0xb8;
	[tilespmem:$0x1E800] =	vst v63  }
0x1b7: {  	v17 =	vld [tilespmem:$0xA0];
	_ =	sdelay $0x4  }
0x1b8: {  	v18 =	vshll.u32 v17, $0x1  }
0x1b9: {  	v17 =	vand.u32 $0x7, v17;
	v18 =	vand.u32 $0xFFFFFFF0, v18  }
0x1ba: {  	v17 =	vor.u32 v17, v18  }
0x1bb: {  	v18 =	vperm.xlane v17, v2;
	_ =	sdelay $0x1  }
0x1bc: {  	v19 =	vperm.xlane v17, v1;
	v18 =	vadd.s32 v3, v18;
	_ =	sdelay $0x1  }
0x1bd: {  	v30 =	vperm.xlane v17, v4;
	v19 =	vadd.s32 v3, v19;
	_ =	sdelay $0x1  }
0x1be: {  	s10 =	simm.s32 $0x7800;
	v31 =	vperm.xlane v17, v5;
	v20 =	vadd.s32 v3, v30  }
0x1bf: {  	[tilespmem:s10], [sflag:$0x3] =	stream.indirect_vreg.gather [hbm4b:s7+s3], $0x80, v18, vm0, $0xb8;
	[tilespmem:$0x1E800] =	vst v63  }
0x1c0: {  	s24 =	simm.s32 $0x7880;
	v32 =	vperm.xlane v17, v6;
	v18 =	vadd.s32 v3, v31  }
0x1c1: {  	[tilespmem:s24], [sflag:$0x3] =	stream.indirect_vreg.gather [hbm4b:s7+s3], $0x80, v19, vm0, $0xb8;
	[tilespmem:$0x1E800] =	vst v63  }
0x1c2: {  	s9 =	simm.s32 $0x7900;
	v33 =	vperm.xlane v17, v7;
	v19 =	vadd.s32 v3, v32  }
0x1c3: {  	[tilespmem:s9], [sflag:$0x3] =	stream.indirect_vreg.gather [hbm4b:s7+s3], $0x80, v20, vm0, $0xb8;
	[tilespmem:$0x1E800] =	vst v63  }
0x1c4: {  	v35 =	vperm.xlane v17, v8;
	v34 =	vadd.s32 v3, v33;
	s10 =	simm.s32 $0x7980  }
0x1c5: {  	[tilespmem:s10], [sflag:$0x3] =	stream.indirect_vreg.gather [hbm4b:s7+s3], $0x80, v18, vm0, $0xb8;
	[tilespmem:$0x1E800] =	vst v63  }
0x1c6: {  	v36 =	vperm.xlane v17, v0;
	s24 =	simm.s32 $0x7A00;
	v18 =	vadd.s32 v3, v35  }
0x1c7: {  	[tilespmem:s24], [sflag:$0x3] =	stream.indirect_vreg.gather [hbm4b:s7+s3], $0x80, v19, vm0, $0xb8;
	[tilespmem:$0x1E800] =	vst v63  }
0x1c8: {  	v37 =	vperm.xlane v17, v9;
	s9 =	simm.s32 $0x7A80;
	v19 =	vadd.s32 v3, v36  }
0x1c9: {  	[tilespmem:s9], [sflag:$0x3] =	stream.indirect_vreg.gather [hbm4b:s7+s3], $0x80, v34, vm0, $0xb8;
	[tilespmem:$0x1E800] =	vst v63  }
0x1ca: {  	v39 =	vperm.xlane v17, v10;
	v38 =	vadd.s32 v3, v37;
	s10 =	simm.s32 $0x7B00  }
0x1cb: {  	[tilespmem:s10], [sflag:$0x3] =	stream.indirect_vreg.gather [hbm4b:s7+s3], $0x80, v18, vm0, $0xb8;
	[tilespmem:$0x1E800] =	vst v63  }
0x1cc: {  	v40 =	vperm.xlane v17, v11;
	s24 =	simm.s32 $0x7B80;
	v18 =	vadd.s32 v3, v39  }
0x1cd: {  	[tilespmem:s24], [sflag:$0x3] =	stream.indirect_vreg.gather [hbm4b:s7+s3], $0x80, v19, vm0, $0xb8;
	[tilespmem:$0x1E800] =	vst v63  }
0x1ce: {  	v41 =	vperm.xlane v17, v12;
	s9 =	simm.s32 $0x7C00;
	v19 =	vadd.s32 v3, v40  }
0x1cf: {  	[tilespmem:s9], [sflag:$0x3] =	stream.indirect_vreg.gather [hbm4b:s7+s3], $0x80, v38, vm0, $0xb8;
	[tilespmem:$0x1E800] =	vst v63  }
0x1d0: {  	v43 =	vperm.xlane v17, v13;
	v42 =	vadd.s32 v3, v41;
	s10 =	simm.s32 $0x7C80  }
0x1d1: {  	[tilespmem:s10], [sflag:$0x3] =	stream.indirect_vreg.gather [hbm4b:s7+s3], $0x80, v18, vm0, $0xb8;
	[tilespmem:$0x1E800] =	vst v63  }
0x1d2: {  	v44 =	vperm.xlane v17, v14;
	s24 =	simm.s32 $0x7D00;
	v18 =	vadd.s32 v3, v43  }
0x1d3: {  	[tilespmem:s24], [sflag:$0x3] =	stream.indirect_vreg.gather [hbm4b:s7+s3], $0x80, v19, vm0, $0xb8;
	[tilespmem:$0x1E800] =	vst v63  }
0x1d4: {  	v45 =	vperm.xlane v17, v15;
	s9 =	simm.s32 $0x7D80;
	v19 =	vadd.s32 v3, v44  }
0x1d5: {  	[tilespmem:s9], [sflag:$0x3] =	stream.indirect_vreg.gather [hbm4b:s7+s3], $0x80, v42, vm0, $0xb8;
	[tilespmem:$0x1E800] =	vst v63  }
0x1d6: {  	v17 =	vperm.xlane v17, v16;
	v46 =	vadd.s32 v3, v45;
	s10 =	simm.s32 $0x7E00  }
0x1d7: {  	[tilespmem:s10], [sflag:$0x3] =	stream.indirect_vreg.gather [hbm4b:s7+s3], $0x80, v18, vm0, $0xb8;
	[tilespmem:$0x1E800] =	vst v63  }
0x1d8: {  	v17 =	vadd.s32 v3, v17;
	s24 =	simm.s32 $0x7E80  }
0x1d9: {  	[tilespmem:s24], [sflag:$0x3] =	stream.indirect_vreg.gather [hbm4b:s7+s3], $0x80, v19, vm0, $0xb8;
	[tilespmem:$0x1E800] =	vst v63  }
0x1da: {  	s9 =	simm.s32 $0x7F00  }
0x1db: {  	[tilespmem:s9], [sflag:$0x3] =	stream.indirect_vreg.gather [hbm4b:s7+s3], $0x80, v46, vm0, $0xb8;
	[tilespmem:$0x1E800] =	vst v63  }
0x1dc: {  	s10 =	simm.s32 $0x7F80  }
0x1dd: {  	[tilespmem:s10], [sflag:$0x3] =	stream.indirect_vreg.gather [hbm4b:s7+s3], $0x80, v17, vm0, $0xb8;
	[tilespmem:$0x1E800] =	vst v63  }
0x1de: {  	v17 =	vld [tilespmem:$0xB0];
	_ =	sdelay $0x4  }
0x1df: {  	v18 =	vshll.u32 v17, $0x1  }
0x1e0: {  	v17 =	vand.u32 $0x7, v17;
	v18 =	vand.u32 $0xFFFFFFF0, v18  }
0x1e1: {  	v17 =	vor.u32 v17, v18  }
0x1e2: {  	v18 =	vperm.xlane v17, v2;
	_ =	sdelay $0x1  }
0x1e3: {  	v19 =	vperm.xlane v17, v1;
	v18 =	vadd.s32 v3, v18;
	_ =	sdelay $0x1  }
0x1e4: {  	v47 =	vperm.xlane v17, v4;
	v19 =	vadd.s32 v3, v19;
	_ =	sdelay $0x1  }
0x1e5: {  	s24 =	simm.s32 $0x8000;
	v48 =	vperm.xlane v17, v5;
	v20 =	vadd.s32 v3, v47  }
0x1e6: {  	[tilespmem:s24], [sflag:$0x3] =	stream.indirect_vreg.gather [hbm4b:s7+s3], $0x80, v18, vm0, $0xb8;
	[tilespmem:$0x1E800] =	vst v63  }
0x1e7: {  	s9 =	simm.s32 $0x8080;
	v49 =	vperm.xlane v17, v6;
	v18 =	vadd.s32 v3, v48  }
0x1e8: {  	[tilespmem:s9], [sflag:$0x3] =	stream.indirect_vreg.gather [hbm4b:s7+s3], $0x80, v19, vm0, $0xb8;
	[tilespmem:$0x1E800] =	vst v63  }
0x1e9: {  	s10 =	simm.s32 $0x8100;
	v50 =	vperm.xlane v17, v7;
	v19 =	vadd.s32 v3, v49  }
0x1ea: {  	[tilespmem:s10], [sflag:$0x3] =	stream.indirect_vreg.gather [hbm4b:s7+s3], $0x80, v20, vm0, $0xb8;
	[tilespmem:$0x1E800] =	vst v63  }
0x1eb: {  	v52 =	vperm.xlane v17, v8;
	v51 =	vadd.s32 v3, v50;
	s24 =	simm.s32 $0x8180  }
0x1ec: {  	[tilespmem:s24], [sflag:$0x3] =	stream.indirect_vreg.gather [hbm4b:s7+s3], $0x80, v18, vm0, $0xb8;
	[tilespmem:$0x1E800] =	vst v63  }
0x1ed: {  	v53 =	vperm.xlane v17, v0;
	s9 =	simm.s32 $0x8200;
	v18 =	vadd.s32 v3, v52  }
0x1ee: {  	[tilespmem:s9], [sflag:$0x3] =	stream.indirect_vreg.gather [hbm4b:s7+s3], $0x80, v19, vm0, $0xb8;
	[tilespmem:$0x1E800] =	vst v63  }
0x1ef: {  	v54 =	vperm.xlane v17, v9;
	s10 =	simm.s32 $0x8280;
	v19 =	vadd.s32 v3, v53  }
0x1f0: {  	[tilespmem:s10], [sflag:$0x3] =	stream.indirect_vreg.gather [hbm4b:s7+s3], $0x80, v51, vm0, $0xb8;
	[tilespmem:$0x1E800] =	vst v63  }
0x1f1: {  	v56 =	vperm.xlane v17, v10;
	v55 =	vadd.s32 v3, v54;
	s24 =	simm.s32 $0x8300  }
0x1f2: {  	[tilespmem:s24], [sflag:$0x3] =	stream.indirect_vreg.gather [hbm4b:s7+s3], $0x80, v18, vm0, $0xb8;
	[tilespmem:$0x1E800] =	vst v63  }
0x1f3: {  	v57 =	vperm.xlane v17, v11;
	s9 =	simm.s32 $0x8380;
	v18 =	vadd.s32 v3, v56  }
0x1f4: {  	[tilespmem:s9], [sflag:$0x3] =	stream.indirect_vreg.gather [hbm4b:s7+s3], $0x80, v19, vm0, $0xb8;
	[tilespmem:$0x1E800] =	vst v63  }
0x1f5: {  	v58 =	vperm.xlane v17, v12;
	s10 =	simm.s32 $0x8400;
	v19 =	vadd.s32 v3, v57  }
0x1f6: {  	[tilespmem:s10], [sflag:$0x3] =	stream.indirect_vreg.gather [hbm4b:s7+s3], $0x80, v55, vm0, $0xb8;
	[tilespmem:$0x1E800] =	vst v63  }
0x1f7: {  	v60 =	vperm.xlane v17, v13;
	v59 =	vadd.s32 v3, v58;
	s24 =	simm.s32 $0x8480  }
0x1f8: {  	[tilespmem:s24], [sflag:$0x3] =	stream.indirect_vreg.gather [hbm4b:s7+s3], $0x80, v18, vm0, $0xb8;
	[tilespmem:$0x1E800] =	vst v63  }
0x1f9: {  	v61 =	vperm.xlane v17, v14;
	s9 =	simm.s32 $0x8500;
	v18 =	vadd.s32 v3, v60  }
0x1fa: {  	[tilespmem:s9], [sflag:$0x3] =	stream.indirect_vreg.gather [hbm4b:s7+s3], $0x80, v19, vm0, $0xb8;
	[tilespmem:$0x1E800] =	vst v63  }
0x1fb: {  	v62 =	vperm.xlane v17, v15;
	s10 =	simm.s32 $0x8580;
	v19 =	vadd.s32 v3, v61  }
0x1fc: {  	[tilespmem:s10], [sflag:$0x3] =	stream.indirect_vreg.gather [hbm4b:s7+s3], $0x80, v59, vm0, $0xb8;
	[tilespmem:$0x1E800] =	vst v63  }
0x1fd: {  	v63 =	vadd.s32 v3, v62;
	s24 =	simm.s32 $0x8600  }
0x1fe: {  	v17 =	vperm.xlane v17, v16;
	[tilespmem:s24], [sflag:$0x3] =	stream.indirect_vreg.gather [hbm4b:s7+s3], $0x80, v18, vm0, $0xb8;
	[tilespmem:$0x1E800] =	vst v63  }
0x1ff: {  	s5 =	stileid.u32;
	s9 =	simm.s32 $0x8680  }
0x200: {  	v17 =	vadd.s32 v3, v17;
	[tilespmem:s9], [sflag:$0x3] =	stream.indirect_vreg.gather [hbm4b:s7+s3], $0x80, v19, vm0, $0xb8;
	[tilespmem:$0x1E800] =	vst v63  }
0x201: {  	s10 =	simm.s32 $0x8700;
	s9 =	sshll.u32 s5, $0x6  }
0x202: {  	[tilespmem:s10], [sflag:$0x3] =	stream.indirect_vreg.gather [hbm4b:s7+s3], $0x80, v63, vm0, $0xb8;
	[tilespmem:$0x1E800] =	vst v63  }
0x203: {  	s10 =	sor.u32 $0x1C05, s9  }
0x204: {  	s24 =	simm.s32 $0x8780;
	[dreg:$0xd] =	wrdreg s10  }
0x205: {  	[tilespmem:s24], [sflag:$0x3] =	stream.indirect_vreg.gather [hbm4b:s7+s3], $0x80, v17, vm0, $0xb8;
	[tilespmem:$0x1E800] =	vst v63  }
0x206: {  	s24 =	rddreg [dreg:$0x8]  }
0x207: {  	s9 =	sshrl.u32 s24, $0x3;
	s24 =	rddreg [dreg:$0x5]  }
0x208: {  	[dreg:$0xe] =	wrdreg s9  }
0x209: {  	[spmem:s9], [sflag:s10] =	dma.local [hbm:s24], $0x2800  }
.Ltmp2:
0x20a: {  	_ =	swait.ge [sflag:s13], $0x2800;
	(pc) =	sbr.rel .LBB2_2-.Ltmp2, $4  }
0x20b: {  	[sflag:s13] =	ssyncset.done $0x0  }
0x20c: {  	[sflag:s13] =	ssyncadd.s32 $0xFFFFD800  }
0x20d: {  	[bflag:$0x0] =	sbarrier.arrive $0xFFFF  }
0x20e: {  	s9 =	simm.s32 $0x0  }
.LBB2_7:
0x20f: {  	s9 =	sadd.s32 $0x400, s9  }
0x210: {  	p0 =	sne.s32 s9, $0x5000  }
.Ltmp3:
0x211: {  	s10 =	sadd.s32 $0x14C0, s10;
	(pc) =	sbr.rel @!p0 .LBB2_8-.Ltmp3, $4  }
0x212: {  	[spmem:s2] =	stream.indirect.scatter.add.f32 [tilespmem:s4], [sflag:$0x5], $0x80, s10, s31, $0xb8;
	[tilespmem:$0x1E800] =	vst v63  }
0x213: {  	_ =	swait.ge [sflag:s13], $0x2000  }
0x214: {  	[sflag:s13] =	ssyncset.done $0x0  }
0x215: {  	[sflag:s13] =	ssyncadd.s32 $0xFFFFE000  }
.LBB2_2:
0x216: {  	_ =	swait.ge [sflag:s14], $0x2000  }
0x217: {  	[sflag:s14] =	ssyncset.done $0x0  }
0x218: {  	s10 =	sshra.s32 s9, $0x2;
	[sflag:s14] =	ssyncadd.s32 $0xFFFFE000  }
0x219: {  	v17 =	vld [tilespmem:s10+$0xC0];
	_ =	sdelay $0x4  }
0x21a: {  	v18 =	vshll.u32 v17, $0x1  }
0x21b: {  	v17 =	vand.u32 $0x7, v17;
	v18 =	vand.u32 $0xFFFFFFF0, v18  }
0x21c: {  	v17 =	vor.u32 v17, v18  }
0x21d: {  	v18 =	vperm.xlane v17, v2;
	_ =	sdelay $0x1  }
0x21e: {  	v19 =	vperm.xlane v17, v1;
	v18 =	vadd.s32 v3, v18;
	_ =	sdelay $0x1  }
0x21f: {  	v20 =	vperm.xlane v17, v4;
	v19 =	vadd.s32 v3, v19;
	_ =	sdelay $0x1  }
0x220: {  	v21 =	vperm.xlane v17, v5;
	v20 =	vadd.s32 v3, v20  }
0x221: {  	[tilespmem:s4], [sflag:$0x4] =	stream.indirect_vreg.gather [hbm4b:s7+s3], $0x80, v18, vm0, $0xb8;
	[tilespmem:$0x1E800] =	vst v63  }
0x222: {  	s5 =	simm.s32 $0x8880;
	v38 =	vperm.xlane v17, v6;
	v18 =	vadd.s32 v3, v21  }
0x223: {  	[tilespmem:s5], [sflag:$0x4] =	stream.indirect_vreg.gather [hbm4b:s7+s3], $0x80, v19, vm0, $0xb8;
	[tilespmem:$0x1E800] =	vst v63  }
0x224: {  	s24 =	simm.s32 $0x8900;
	v39 =	vperm.xlane v17, v7;
	v19 =	vadd.s32 v3, v38  }
0x225: {  	[tilespmem:s24], [sflag:$0x4] =	stream.indirect_vreg.gather [hbm4b:s7+s3], $0x80, v20, vm0, $0xb8;
	[tilespmem:$0x1E800] =	vst v63  }
0x226: {  	v41 =	vperm.xlane v17, v8;
	v40 =	vadd.s32 v3, v39;
	s24 =	simm.s32 $0x8980  }
0x227: {  	[tilespmem:s24], [sflag:$0x4] =	stream.indirect_vreg.gather [hbm4b:s7+s3], $0x80, v18, vm0, $0xb8;
	[tilespmem:$0x1E800] =	vst v63  }
0x228: {  	v42 =	vperm.xlane v17, v0;
	v18 =	vadd.s32 v3, v41;
	s24 =	simm.s32 $0x8A00  }
0x229: {  	[tilespmem:s24], [sflag:$0x4] =	stream.indirect_vreg.gather [hbm4b:s7+s3], $0x80, v19, vm0, $0xb8;
	[tilespmem:$0x1E800] =	vst v63  }
0x22a: {  	v43 =	vperm.xlane v17, v9;
	v19 =	vadd.s32 v3, v42;
	s24 =	simm.s32 $0x8A80  }
0x22b: {  	[tilespmem:s24], [sflag:$0x4] =	stream.indirect_vreg.gather [hbm4b:s7+s3], $0x80, v40, vm0, $0xb8;
	[tilespmem:$0x1E800] =	vst v63  }
0x22c: {  	v45 =	vperm.xlane v17, v10;
	v44 =	vadd.s32 v3, v43;
	s24 =	simm.s32 $0x8B00  }
0x22d: {  	[tilespmem:s24], [sflag:$0x4] =	stream.indirect_vreg.gather [hbm4b:s7+s3], $0x80, v18, vm0, $0xb8;
	[tilespmem:$0x1E800] =	vst v63  }
0x22e: {  	v46 =	vperm.xlane v17, v11;
	v18 =	vadd.s32 v3, v45;
	s24 =	simm.s32 $0x8B80  }
0x22f: {  	[tilespmem:s24], [sflag:$0x4] =	stream.indirect_vreg.gather [hbm4b:s7+s3], $0x80, v19, vm0, $0xb8;
	[tilespmem:$0x1E800] =	vst v63  }
0x230: {  	v47 =	vperm.xlane v17, v12;
	v19 =	vadd.s32 v3, v46;
	s24 =	simm.s32 $0x8C00  }
0x231: {  	[tilespmem:s24], [sflag:$0x4] =	stream.indirect_vreg.gather [hbm4b:s7+s3], $0x80, v44, vm0, $0xb8;
	[tilespmem:$0x1E800] =	vst v63  }
0x232: {  	v49 =	vperm.xlane v17, v13;
	v48 =	vadd.s32 v3, v47;
	s24 =	simm.s32 $0x8C80  }
0x233: {  	[tilespmem:s24], [sflag:$0x4] =	stream.indirect_vreg.gather [hbm4b:s7+s3], $0x80, v18, vm0, $0xb8;
	[tilespmem:$0x1E800] =	vst v63  }
0x234: {  	v50 =	vperm.xlane v17, v14;
	v18 =	vadd.s32 v3, v49;
	s24 =	simm.s32 $0x8D00  }
0x235: {  	[tilespmem:s24], [sflag:$0x4] =	stream.indirect_vreg.gather [hbm4b:s7+s3], $0x80, v19, vm0, $0xb8;
	[tilespmem:$0x1E800] =	vst v63  }
0x236: {  	v51 =	vperm.xlane v17, v15;
	v19 =	vadd.s32 v3, v50;
	s24 =	simm.s32 $0x8D80  }
0x237: {  	[tilespmem:s24], [sflag:$0x4] =	stream.indirect_vreg.gather [hbm4b:s7+s3], $0x80, v48, vm0, $0xb8;
	[tilespmem:$0x1E800] =	vst v63  }
0x238: {  	v17 =	vperm.xlane v17, v16;
	v52 =	vadd.s32 v3, v51;
	s24 =	simm.s32 $0x8E00  }
0x239: {  	[tilespmem:s24], [sflag:$0x4] =	stream.indirect_vreg.gather [hbm4b:s7+s3], $0x80, v18, vm0, $0xb8;
	[tilespmem:$0x1E800] =	vst v63  }
0x23a: {  	v17 =	vadd.s32 v3, v17;
	s24 =	simm.s32 $0x8E80  }
0x23b: {  	[tilespmem:s24], [sflag:$0x4] =	stream.indirect_vreg.gather [hbm4b:s7+s3], $0x80, v19, vm0, $0xb8;
	[tilespmem:$0x1E800] =	vst v63  }
0x23c: {  	s24 =	simm.s32 $0x8F00  }
0x23d: {  	[tilespmem:s24], [sflag:$0x4] =	stream.indirect_vreg.gather [hbm4b:s7+s3], $0x80, v52, vm0, $0xb8;
	[tilespmem:$0x1E800] =	vst v63  }
0x23e: {  	s24 =	simm.s32 $0x8F80  }
0x23f: {  	[tilespmem:s24], [sflag:$0x4] =	stream.indirect_vreg.gather [hbm4b:s7+s3], $0x80, v17, vm0, $0xb8;
	[tilespmem:$0x1E800] =	vst v63  }
0x240: {  	v17 =	vld [tilespmem:s10+$0xD0];
	_ =	sdelay $0x4  }
0x241: {  	v18 =	vshll.u32 v17, $0x1  }
0x242: {  	v17 =	vand.u32 $0x7, v17;
	v18 =	vand.u32 $0xFFFFFFF0, v18  }
0x243: {  	v17 =	vor.u32 v17, v18  }
0x244: {  	v18 =	vperm.xlane v17, v2;
	_ =	sdelay $0x1  }
0x245: {  	v19 =	vperm.xlane v17, v1;
	v18 =	vadd.s32 v3, v18;
	_ =	sdelay $0x1  }
0x246: {  	v53 =	vperm.xlane v17, v4;
	v19 =	vadd.s32 v3, v19;
	_ =	sdelay $0x1  }
0x247: {  	s24 =	simm.s32 $0x9000;
	v54 =	vperm.xlane v17, v5;
	v20 =	vadd.s32 v3, v53  }
0x248: {  	[tilespmem:s24], [sflag:$0x4] =	stream.indirect_vreg.gather [hbm4b:s7+s3], $0x80, v18, vm0, $0xb8;
	[tilespmem:$0x1E800] =	vst v63  }
0x249: {  	v55 =	vperm.xlane v17, v6;
	v18 =	vadd.s32 v3, v54;
	s24 =	simm.s32 $0x9080  }
0x24a: {  	[tilespmem:s24], [sflag:$0x4] =	stream.indirect_vreg.gather [hbm4b:s7+s3], $0x80, v19, vm0, $0xb8;
	[tilespmem:$0x1E800] =	vst v63  }
0x24b: {  	v56 =	vperm.xlane v17, v7;
	v19 =	vadd.s32 v3, v55;
	s24 =	simm.s32 $0x9100  }
0x24c: {  	[tilespmem:s24], [sflag:$0x4] =	stream.indirect_vreg.gather [hbm4b:s7+s3], $0x80, v20, vm0, $0xb8;
	[tilespmem:$0x1E800] =	vst v63  }
0x24d: {  	v58 =	vperm.xlane v17, v8;
	v57 =	vadd.s32 v3, v56;
	s24 =	simm.s32 $0x9180  }
0x24e: {  	[tilespmem:s24], [sflag:$0x4] =	stream.indirect_vreg.gather [hbm4b:s7+s3], $0x80, v18, vm0, $0xb8;
	[tilespmem:$0x1E800] =	vst v63  }
0x24f: {  	v59 =	vperm.xlane v17, v0;
	v18 =	vadd.s32 v3, v58;
	s24 =	simm.s32 $0x9200  }
0x250: {  	[tilespmem:s24], [sflag:$0x4] =	stream.indirect_vreg.gather [hbm4b:s7+s3], $0x80, v19, vm0, $0xb8;
	[tilespmem:$0x1E800] =	vst v63  }
0x251: {  	v60 =	vperm.xlane v17, v9;
	v19 =	vadd.s32 v3, v59;
	s24 =	simm.s32 $0x9280  }
0x252: {  	[tilespmem:s24], [sflag:$0x4] =	stream.indirect_vreg.gather [hbm4b:s7+s3], $0x80, v57, vm0, $0xb8;
	[tilespmem:$0x1E800] =	vst v63  }
0x253: {  	v62 =	vperm.xlane v17, v10;
	v61 =	vadd.s32 v3, v60;
	s24 =	simm.s32 $0x9300  }
0x254: {  	[tilespmem:s24], [sflag:$0x4] =	stream.indirect_vreg.gather [hbm4b:s7+s3], $0x80, v18, vm0, $0xb8;
	[tilespmem:$0x1E800] =	vst v63  }
0x255: {  	v63 =	vperm.xlane v17, v11;
	v18 =	vadd.s32 v3, v62;
	s24 =	simm.s32 $0x9380  }
0x256: {  	[tilespmem:s24], [sflag:$0x4] =	stream.indirect_vreg.gather [hbm4b:s7+s3], $0x80, v19, vm0, $0xb8;
	[tilespmem:$0x1E800] =	vst v63  }
0x257: {  	v24 =	vperm.xlane v17, v12;
	v19 =	vadd.s32 v3, v63;
	s24 =	simm.s32 $0x9400  }
0x258: {  	[tilespmem:s24], [sflag:$0x4] =	stream.indirect_vreg.gather [hbm4b:s7+s3], $0x80, v61, vm0, $0xb8;
	[tilespmem:$0x1E800] =	vst v63  }
0x259: {  	v26 =	vperm.xlane v17, v13;
	v25 =	vadd.s32 v3, v24;
	s24 =	simm.s32 $0x9480  }
0x25a: {  	[tilespmem:s24], [sflag:$0x4] =	stream.indirect_vreg.gather [hbm4b:s7+s3], $0x80, v18, vm0, $0xb8;
	[tilespmem:$0x1E800] =	vst v63  }
0x25b: {  	v27 =	vperm.xlane v17, v14;
	v18 =	vadd.s32 v3, v26;
	s24 =	simm.s32 $0x9500  }
0x25c: {  	[tilespmem:s24], [sflag:$0x4] =	stream.indirect_vreg.gather [hbm4b:s7+s3], $0x80, v19, vm0, $0xb8;
	[tilespmem:$0x1E800] =	vst v63  }
0x25d: {  	v28 =	vperm.xlane v17, v15;
	v19 =	vadd.s32 v3, v27;
	s24 =	simm.s32 $0x9580  }
0x25e: {  	[tilespmem:s24], [sflag:$0x4] =	stream.indirect_vreg.gather [hbm4b:s7+s3], $0x80, v25, vm0, $0xb8;
	[tilespmem:$0x1E800] =	vst v63  }
0x25f: {  	v17 =	vperm.xlane v17, v16;
	v29 =	vadd.s32 v3, v28;
	s24 =	simm.s32 $0x9600  }
0x260: {  	[tilespmem:s24], [sflag:$0x4] =	stream.indirect_vreg.gather [hbm4b:s7+s3], $0x80, v18, vm0, $0xb8;
	[tilespmem:$0x1E800] =	vst v63  }
0x261: {  	v17 =	vadd.s32 v3, v17;
	s24 =	simm.s32 $0x9680  }
0x262: {  	[tilespmem:s24], [sflag:$0x4] =	stream.indirect_vreg.gather [hbm4b:s7+s3], $0x80, v19, vm0, $0xb8;
	[tilespmem:$0x1E800] =	vst v63  }
0x263: {  	s24 =	simm.s32 $0x9700  }
0x264: {  	[tilespmem:s24], [sflag:$0x4] =	stream.indirect_vreg.gather [hbm4b:s7+s3], $0x80, v29, vm0, $0xb8;
	[tilespmem:$0x1E800] =	vst v63  }
0x265: {  	s24 =	simm.s32 $0x9780  }
0x266: {  	[tilespmem:s24], [sflag:$0x4] =	stream.indirect_vreg.gather [hbm4b:s7+s3], $0x80, v17, vm0, $0xb8;
	[tilespmem:$0x1E800] =	vst v63  }
0x267: {  	v17 =	vld [tilespmem:s10+$0xE0];
	_ =	sdelay $0x4  }
0x268: {  	v18 =	vshll.u32 v17, $0x1  }
0x269: {  	v17 =	vand.u32 $0x7, v17;
	v18 =	vand.u32 $0xFFFFFFF0, v18  }
0x26a: {  	v17 =	vor.u32 v17, v18  }
0x26b: {  	v18 =	vperm.xlane v17, v2;
	_ =	sdelay $0x1  }
0x26c: {  	v19 =	vperm.xlane v17, v1;
	v18 =	vadd.s32 v3, v18;
	_ =	sdelay $0x1  }
0x26d: {  	v30 =	vperm.xlane v17, v4;
	v19 =	vadd.s32 v3, v19;
	_ =	sdelay $0x1  }
0x26e: {  	s24 =	simm.s32 $0x9800;
	v31 =	vperm.xlane v17, v5;
	v20 =	vadd.s32 v3, v30  }
0x26f: {  	[tilespmem:s24], [sflag:$0x4] =	stream.indirect_vreg.gather [hbm4b:s7+s3], $0x80, v18, vm0, $0xb8;
	[tilespmem:$0x1E800] =	vst v63  }
0x270: {  	v32 =	vperm.xlane v17, v6;
	v18 =	vadd.s32 v3, v31;
	s24 =	simm.s32 $0x9880  }
0x271: {  	[tilespmem:s24], [sflag:$0x4] =	stream.indirect_vreg.gather [hbm4b:s7+s3], $0x80, v19, vm0, $0xb8;
	[tilespmem:$0x1E800] =	vst v63  }
0x272: {  	v33 =	vperm.xlane v17, v7;
	v19 =	vadd.s32 v3, v32;
	s24 =	simm.s32 $0x9900  }
0x273: {  	[tilespmem:s24], [sflag:$0x4] =	stream.indirect_vreg.gather [hbm4b:s7+s3], $0x80, v20, vm0, $0xb8;
	[tilespmem:$0x1E800] =	vst v63  }
0x274: {  	v35 =	vperm.xlane v17, v8;
	v34 =	vadd.s32 v3, v33;
	s24 =	simm.s32 $0x9980  }
0x275: {  	[tilespmem:s24], [sflag:$0x4] =	stream.indirect_vreg.gather [hbm4b:s7+s3], $0x80, v18, vm0, $0xb8;
	[tilespmem:$0x1E800] =	vst v63  }
0x276: {  	v36 =	vperm.xlane v17, v0;
	v18 =	vadd.s32 v3, v35;
	s24 =	simm.s32 $0x9A00  }
0x277: {  	[tilespmem:s24], [sflag:$0x4] =	stream.indirect_vreg.gather [hbm4b:s7+s3], $0x80, v19, vm0, $0xb8;
	[tilespmem:$0x1E800] =	vst v63  }
0x278: {  	v37 =	vperm.xlane v17, v9;
	v19 =	vadd.s32 v3, v36;
	s24 =	simm.s32 $0x9A80  }
0x279: {  	[tilespmem:s24], [sflag:$0x4] =	stream.indirect_vreg.gather [hbm4b:s7+s3], $0x80, v34, vm0, $0xb8;
	[tilespmem:$0x1E800] =	vst v63  }
0x27a: {  	v39 =	vperm.xlane v17, v10;
	v38 =	vadd.s32 v3, v37;
	s24 =	simm.s32 $0x9B00  }
0x27b: {  	[tilespmem:s24], [sflag:$0x4] =	stream.indirect_vreg.gather [hbm4b:s7+s3], $0x80, v18, vm0, $0xb8;
	[tilespmem:$0x1E800] =	vst v63  }
0x27c: {  	v40 =	vperm.xlane v17, v11;
	v18 =	vadd.s32 v3, v39;
	s24 =	simm.s32 $0x9B80  }
0x27d: {  	[tilespmem:s24], [sflag:$0x4] =	stream.indirect_vreg.gather [hbm4b:s7+s3], $0x80, v19, vm0, $0xb8;
	[tilespmem:$0x1E800] =	vst v63  }
0x27e: {  	v41 =	vperm.xlane v17, v12;
	v19 =	vadd.s32 v3, v40;
	s24 =	simm.s32 $0x9C00  }
0x27f: {  	[tilespmem:s24], [sflag:$0x4] =	stream.indirect_vreg.gather [hbm4b:s7+s3], $0x80, v38, vm0, $0xb8;
	[tilespmem:$0x1E800] =	vst v63  }
0x280: {  	v43 =	vperm.xlane v17, v13;
	v42 =	vadd.s32 v3, v41;
	s24 =	simm.s32 $0x9C80  }
0x281: {  	[tilespmem:s24], [sflag:$0x4] =	stream.indirect_vreg.gather [hbm4b:s7+s3], $0x80, v18, vm0, $0xb8;
	[tilespmem:$0x1E800] =	vst v63  }
0x282: {  	v44 =	vperm.xlane v17, v14;
	v18 =	vadd.s32 v3, v43;
	s24 =	simm.s32 $0x9D00  }
0x283: {  	[tilespmem:s24], [sflag:$0x4] =	stream.indirect_vreg.gather [hbm4b:s7+s3], $0x80, v19, vm0, $0xb8;
	[tilespmem:$0x1E800] =	vst v63  }
0x284: {  	v45 =	vperm.xlane v17, v15;
	v19 =	vadd.s32 v3, v44;
	s24 =	simm.s32 $0x9D80  }
0x285: {  	[tilespmem:s24], [sflag:$0x4] =	stream.indirect_vreg.gather [hbm4b:s7+s3], $0x80, v42, vm0, $0xb8;
	[tilespmem:$0x1E800] =	vst v63  }
0x286: {  	v17 =	vperm.xlane v17, v16;
	v46 =	vadd.s32 v3, v45;
	s24 =	simm.s32 $0x9E00  }
0x287: {  	[tilespmem:s24], [sflag:$0x4] =	stream.indirect_vreg.gather [hbm4b:s7+s3], $0x80, v18, vm0, $0xb8;
	[tilespmem:$0x1E800] =	vst v63  }
0x288: {  	v17 =	vadd.s32 v3, v17;
	s24 =	simm.s32 $0x9E80  }
0x289: {  	[tilespmem:s24], [sflag:$0x4] =	stream.indirect_vreg.gather [hbm4b:s7+s3], $0x80, v19, vm0, $0xb8;
	[tilespmem:$0x1E800] =	vst v63  }
0x28a: {  	s24 =	simm.s32 $0x9F00  }
0x28b: {  	[tilespmem:s24], [sflag:$0x4] =	stream.indirect_vreg.gather [hbm4b:s7+s3], $0x80, v46, vm0, $0xb8;
	[tilespmem:$0x1E800] =	vst v63  }
0x28c: {  	s24 =	simm.s32 $0x9F80  }
0x28d: {  	[tilespmem:s24], [sflag:$0x4] =	stream.indirect_vreg.gather [hbm4b:s7+s3], $0x80, v17, vm0, $0xb8;
	[tilespmem:$0x1E800] =	vst v63  }
0x28e: {  	v17 =	vld [tilespmem:s10+$0xF0];
	_ =	sdelay $0x4  }
0x28f: {  	v18 =	vshll.u32 v17, $0x1  }
0x290: {  	v17 =	vand.u32 $0x7, v17;
	v18 =	vand.u32 $0xFFFFFFF0, v18  }
0x291: {  	v17 =	vor.u32 v17, v18  }
0x292: {  	v18 =	vperm.xlane v17, v2;
	_ =	sdelay $0x1  }
0x293: {  	v19 =	vperm.xlane v17, v1;
	v18 =	vadd.s32 v3, v18;
	_ =	sdelay $0x1  }
0x294: {  	v47 =	vperm.xlane v17, v4;
	v19 =	vadd.s32 v3, v19;
	_ =	sdelay $0x1  }
0x295: {  	s24 =	simm.s32 $0xA000;
	v48 =	vperm.xlane v17, v5;
	v20 =	vadd.s32 v3, v47  }
0x296: {  	[tilespmem:s24], [sflag:$0x4] =	stream.indirect_vreg.gather [hbm4b:s7+s3], $0x80, v18, vm0, $0xb8;
	[tilespmem:$0x1E800] =	vst v63  }
0x297: {  	v49 =	vperm.xlane v17, v6;
	v18 =	vadd.s32 v3, v48;
	s24 =	simm.s32 $0xA080  }
0x298: {  	[tilespmem:s24], [sflag:$0x4] =	stream.indirect_vreg.gather [hbm4b:s7+s3], $0x80, v19, vm0, $0xb8;
	[tilespmem:$0x1E800] =	vst v63  }
0x299: {  	v50 =	vperm.xlane v17, v7;
	v19 =	vadd.s32 v3, v49  }
0x29a: {  	[tilespmem:s28], [sflag:$0x4] =	stream.indirect_vreg.gather [hbm4b:s7+s3], $0x80, v20, vm0, $0xb8;
	[tilespmem:$0x1E800] =	vst v63  }
0x29b: {  	v52 =	vperm.xlane v17, v8;
	v51 =	vadd.s32 v3, v50  }
0x29c: {  	[tilespmem:s26], [sflag:$0x4] =	stream.indirect_vreg.gather [hbm4b:s7+s3], $0x80, v18, vm0, $0xb8;
	[tilespmem:$0x1E800] =	vst v63  }
0x29d: {  	v53 =	vperm.xlane v17, v0;
	v18 =	vadd.s32 v3, v52  }
0x29e: {  	[tilespmem:s25], [sflag:$0x4] =	stream.indirect_vreg.gather [hbm4b:s7+s3], $0x80, v19, vm0, $0xb8;
	[tilespmem:$0x1E800] =	vst v63  }
0x29f: {  	v54 =	vperm.xlane v17, v9;
	v19 =	vadd.s32 v3, v53  }
0x2a0: {  	[tilespmem:s16], [sflag:$0x4] =	stream.indirect_vreg.gather [hbm4b:s7+s3], $0x80, v51, vm0, $0xb8;
	[tilespmem:$0x1E800] =	vst v63  }
0x2a1: {  	v56 =	vperm.xlane v17, v10;
	v55 =	vadd.s32 v3, v54  }
0x2a2: {  	[tilespmem:s22], [sflag:$0x4] =	stream.indirect_vreg.gather [hbm4b:s7+s3], $0x80, v18, vm0, $0xb8;
	[tilespmem:$0x1E800] =	vst v63  }
0x2a3: {  	v57 =	vperm.xlane v17, v11;
	v18 =	vadd.s32 v3, v56  }
0x2a4: {  	[tilespmem:s23], [sflag:$0x4] =	stream.indirect_vreg.gather [hbm4b:s7+s3], $0x80, v19, vm0, $0xb8;
	[tilespmem:$0x1E800] =	vst v63  }
0x2a5: {  	v58 =	vperm.xlane v17, v12;
	v19 =	vadd.s32 v3, v57  }
0x2a6: {  	[tilespmem:s21], [sflag:$0x4] =	stream.indirect_vreg.gather [hbm4b:s7+s3], $0x80, v55, vm0, $0xb8;
	[tilespmem:$0x1E800] =	vst v63  }
0x2a7: {  	v60 =	vperm.xlane v17, v13;
	v59 =	vadd.s32 v3, v58  }
0x2a8: {  	[tilespmem:s19], [sflag:$0x4] =	stream.indirect_vreg.gather [hbm4b:s7+s3], $0x80, v18, vm0, $0xb8;
	[tilespmem:$0x1E800] =	vst v63  }
0x2a9: {  	v61 =	vperm.xlane v17, v14;
	v18 =	vadd.s32 v3, v60  }
0x2aa: {  	[tilespmem:s20], [sflag:$0x4] =	stream.indirect_vreg.gather [hbm4b:s7+s3], $0x80, v19, vm0, $0xb8;
	[tilespmem:$0x1E800] =	vst v63  }
0x2ab: {  	v62 =	vperm.xlane v17, v15;
	v19 =	vadd.s32 v3, v61  }
0x2ac: {  	[tilespmem:s18], [sflag:$0x4] =	stream.indirect_vreg.gather [hbm4b:s7+s3], $0x80, v59, vm0, $0xb8;
	[tilespmem:$0x1E800] =	vst v63  }
0x2ad: {  	v17 =	vperm.xlane v17, v16;
	v63 =	vadd.s32 v3, v62  }
0x2ae: {  	[tilespmem:s17], [sflag:$0x4] =	stream.indirect_vreg.gather [hbm4b:s7+s3], $0x80, v18, vm0, $0xb8;
	[tilespmem:$0x1E800] =	vst v63  }
0x2af: {  	v17 =	vadd.s32 v3, v17  }
0x2b0: {  	[tilespmem:s12], [sflag:$0x4] =	stream.indirect_vreg.gather [hbm4b:s7+s3], $0x80, v19, vm0, $0xb8;
	[tilespmem:$0x1E800] =	vst v63  }
0x2b1: {  	s24 =	simm.s32 $0xA700  }
0x2b2: {  	[tilespmem:s24], [sflag:$0x4] =	stream.indirect_vreg.gather [hbm4b:s7+s3], $0x80, v63, vm0, $0xb8;
	[tilespmem:$0x1E800] =	vst v63  }
0x2b3: {  	_ = 	snop  }
0x2b4: {  	[tilespmem:s30], [sflag:$0x4] =	stream.indirect_vreg.gather [hbm4b:s7+s3], $0x80, v17, vm0, $0xb8;
	[tilespmem:$0x1E800] =	vst v63  }
0x2b5: {  	s24 =	sadd.s32 $0x1400, s10  }
0x2b6: {  	[spmem:s2] =	stream.indirect.scatter.add.f32 [tilespmem:s15], [sflag:$0x5], $0x80, s24, s31, $0xb8;
	[tilespmem:$0x1E800] =	vst v63  }
0x2b7: {  	p0 =	seq.s32 s9, $0x4C00;
	_ =	swait.ge [sflag:s13], $0x2000  }
.Ltmp4:
0x2b8: {  	[sflag:s13] =	ssyncset.done $0x0;
	(pc) =	sbr.rel @!p0 .LBB2_3-.Ltmp4, $4  }
0x2b9: {  	[sflag:s13] =	ssyncadd.s32 $0xFFFFE000  }
0x2ba: {  	_ =	swait.ge [sflag:s1], $0x2000  }
0x2bb: {  	[sflag:s1] =	ssyncset.done $0x0  }
0x2bc: {  	s24 =	sadd.s32 $0x1440, s10;
	[sflag:s1] =	ssyncadd.s32 $0xFFFFE000  }
0x2bd: {  	[spmem:s2] =	stream.indirect.scatter.add.f32 [tilespmem:s29], [sflag:$0x5], $0x80, s24, s31, $0xb8;
	[tilespmem:$0x1E800] =	vst v63  }
0x2be: {  	_ =	swait.ge [sflag:s13], $0x2000  }
.Ltmp5:
0x2bf: {  	[sflag:s13] =	ssyncset.done $0x0;
	(pc) =	sbr.rel .LBB2_5-.Ltmp5, $4  }
0x2c0: {  	[sflag:s13] =	ssyncadd.s32 $0xFFFFE000  }
0x2c1: {  	_ =	swait.ge [sflag:s0], $0x2000  }
0x2c2: {  	[sflag:s0] =	ssyncset.done $0x0  }
0x2c3: {  	[sflag:s0] =	ssyncadd.s32 $0xFFFFE000  }
.LBB2_3:
0x2c4: {  	v17 =	vld [tilespmem:s10+$0x100];
	_ =	sdelay $0x4  }
0x2c5: {  	v18 =	vshll.u32 v17, $0x1  }
0x2c6: {  	v17 =	vand.u32 $0x7, v17;
	v18 =	vand.u32 $0xFFFFFFF0, v18  }
0x2c7: {  	v17 =	vor.u32 v17, v18  }
0x2c8: {  	v18 =	vperm.xlane v17, v2;
	_ =	sdelay $0x1  }
0x2c9: {  	v19 =	vperm.xlane v17, v1;
	v18 =	vadd.s32 v3, v18;
	_ =	sdelay $0x1  }
0x2ca: {  	v20 =	vperm.xlane v17, v4;
	v19 =	vadd.s32 v3, v19;
	_ =	sdelay $0x1  }
0x2cb: {  	v21 =	vperm.xlane v17, v5;
	v20 =	vadd.s32 v3, v20  }
0x2cc: {  	[tilespmem:s15], [sflag:$0x1] =	stream.indirect_vreg.gather [hbm4b:s7+s3], $0x80, v18, vm0, $0xb8;
	[tilespmem:$0x1E800] =	vst v63  }
0x2cd: {  	v50 =	vperm.xlane v17, v6;
	v18 =	vadd.s32 v3, v21  }
0x2ce: {  	[tilespmem:s11], [sflag:$0x1] =	stream.indirect_vreg.gather [hbm4b:s7+s3], $0x80, v19, vm0, $0xb8;
	[tilespmem:$0x1E800] =	vst v63  }
0x2cf: {  	s5 =	simm.s32 $0x2900;
	v51 =	vperm.xlane v17, v7;
	v19 =	vadd.s32 v3, v50  }
0x2d0: {  	[tilespmem:s5], [sflag:$0x1] =	stream.indirect_vreg.gather [hbm4b:s7+s3], $0x80, v20, vm0, $0xb8;
	[tilespmem:$0x1E800] =	vst v63  }
0x2d1: {  	v53 =	vperm.xlane v17, v8;
	v52 =	vadd.s32 v3, v51;
	s5 =	simm.s32 $0x2980  }
0x2d2: {  	[tilespmem:s5], [sflag:$0x1] =	stream.indirect_vreg.gather [hbm4b:s7+s3], $0x80, v18, vm0, $0xb8;
	[tilespmem:$0x1E800] =	vst v63  }
0x2d3: {  	v54 =	vperm.xlane v17, v0;
	v18 =	vadd.s32 v3, v53;
	s5 =	simm.s32 $0x2A00  }
0x2d4: {  	[tilespmem:s5], [sflag:$0x1] =	stream.indirect_vreg.gather [hbm4b:s7+s3], $0x80, v19, vm0, $0xb8;
	[tilespmem:$0x1E800] =	vst v63  }
0x2d5: {  	v55 =	vperm.xlane v17, v9;
	v19 =	vadd.s32 v3, v54;
	s5 =	simm.s32 $0x2A80  }
0x2d6: {  	[tilespmem:s5], [sflag:$0x1] =	stream.indirect_vreg.gather [hbm4b:s7+s3], $0x80, v52, vm0, $0xb8;
	[tilespmem:$0x1E800] =	vst v63  }
0x2d7: {  	v57 =	vperm.xlane v17, v10;
	v56 =	vadd.s32 v3, v55;
	s5 =	simm.s32 $0x2B00  }
0x2d8: {  	[tilespmem:s5], [sflag:$0x1] =	stream.indirect_vreg.gather [hbm4b:s7+s3], $0x80, v18, vm0, $0xb8;
	[tilespmem:$0x1E800] =	vst v63  }
0x2d9: {  	v58 =	vperm.xlane v17, v11;
	v18 =	vadd.s32 v3, v57;
	s5 =	simm.s32 $0x2B80  }
0x2da: {  	[tilespmem:s5], [sflag:$0x1] =	stream.indirect_vreg.gather [hbm4b:s7+s3], $0x80, v19, vm0, $0xb8;
	[tilespmem:$0x1E800] =	vst v63  }
0x2db: {  	v59 =	vperm.xlane v17, v12;
	v19 =	vadd.s32 v3, v58;
	s5 =	simm.s32 $0x2C00  }
0x2dc: {  	[tilespmem:s5], [sflag:$0x1] =	stream.indirect_vreg.gather [hbm4b:s7+s3], $0x80, v56, vm0, $0xb8;
	[tilespmem:$0x1E800] =	vst v63  }
0x2dd: {  	v61 =	vperm.xlane v17, v13;
	v60 =	vadd.s32 v3, v59;
	s5 =	simm.s32 $0x2C80  }
0x2de: {  	[tilespmem:s5], [sflag:$0x1] =	stream.indirect_vreg.gather [hbm4b:s7+s3], $0x80, v18, vm0, $0xb8;
	[tilespmem:$0x1E800] =	vst v63  }
0x2df: {  	v62 =	vperm.xlane v17, v14;
	v18 =	vadd.s32 v3, v61;
	s5 =	simm.s32 $0x2D00  }
0x2e0: {  	[tilespmem:s5], [sflag:$0x1] =	stream.indirect_vreg.gather [hbm4b:s7+s3], $0x80, v19, vm0, $0xb8;
	[tilespmem:$0x1E800] =	vst v63  }
0x2e1: {  	v63 =	vperm.xlane v17, v15;
	v19 =	vadd.s32 v3, v62;
	s5 =	simm.s32 $0x2D80  }
0x2e2: {  	[tilespmem:s5], [sflag:$0x1] =	stream.indirect_vreg.gather [hbm4b:s7+s3], $0x80, v60, vm0, $0xb8;
	[tilespmem:$0x1E800] =	vst v63  }
0x2e3: {  	v17 =	vperm.xlane v17, v16;
	v24 =	vadd.s32 v3, v63;
	s5 =	simm.s32 $0x2E00  }
0x2e4: {  	[tilespmem:s5], [sflag:$0x1] =	stream.indirect_vreg.gather [hbm4b:s7+s3], $0x80, v18, vm0, $0xb8;
	[tilespmem:$0x1E800] =	vst v63  }
0x2e5: {  	v17 =	vadd.s32 v3, v17;
	s5 =	simm.s32 $0x2E80  }
0x2e6: {  	[tilespmem:s5], [sflag:$0x1] =	stream.indirect_vreg.gather [hbm4b:s7+s3], $0x80, v19, vm0, $0xb8;
	[tilespmem:$0x1E800] =	vst v63  }
0x2e7: {  	s5 =	simm.s32 $0x2F00  }
0x2e8: {  	[tilespmem:s5], [sflag:$0x1] =	stream.indirect_vreg.gather [hbm4b:s7+s3], $0x80, v24, vm0, $0xb8;
	[tilespmem:$0x1E800] =	vst v63  }
0x2e9: {  	s5 =	simm.s32 $0x2F80  }
0x2ea: {  	[tilespmem:s5], [sflag:$0x1] =	stream.indirect_vreg.gather [hbm4b:s7+s3], $0x80, v17, vm0, $0xb8;
	[tilespmem:$0x1E800] =	vst v63  }
0x2eb: {  	v17 =	vld [tilespmem:s10+$0x110];
	_ =	sdelay $0x4  }
0x2ec: {  	v18 =	vshll.u32 v17, $0x1  }
0x2ed: {  	v17 =	vand.u32 $0x7, v17;
	v18 =	vand.u32 $0xFFFFFFF0, v18  }
0x2ee: {  	v17 =	vor.u32 v17, v18  }
0x2ef: {  	v18 =	vperm.xlane v17, v2;
	_ =	sdelay $0x1  }
0x2f0: {  	v19 =	vperm.xlane v17, v1;
	v18 =	vadd.s32 v3, v18;
	_ =	sdelay $0x1  }
0x2f1: {  	v25 =	vperm.xlane v17, v4;
	v19 =	vadd.s32 v3, v19;
	_ =	sdelay $0x1  }
0x2f2: {  	s5 =	simm.s32 $0x3000;
	v26 =	vperm.xlane v17, v5;
	v20 =	vadd.s32 v3, v25  }
0x2f3: {  	[tilespmem:s5], [sflag:$0x1] =	stream.indirect_vreg.gather [hbm4b:s7+s3], $0x80, v18, vm0, $0xb8;
	[tilespmem:$0x1E800] =	vst v63  }
0x2f4: {  	v27 =	vperm.xlane v17, v6;
	v18 =	vadd.s32 v3, v26;
	s5 =	simm.s32 $0x3080  }
0x2f5: {  	[tilespmem:s5], [sflag:$0x1] =	stream.indirect_vreg.gather [hbm4b:s7+s3], $0x80, v19, vm0, $0xb8;
	[tilespmem:$0x1E800] =	vst v63  }
0x2f6: {  	v28 =	vperm.xlane v17, v7;
	v19 =	vadd.s32 v3, v27;
	s5 =	simm.s32 $0x3100  }
0x2f7: {  	[tilespmem:s5], [sflag:$0x1] =	stream.indirect_vreg.gather [hbm4b:s7+s3], $0x80, v20, vm0, $0xb8;
	[tilespmem:$0x1E800] =	vst v63  }
0x2f8: {  	v30 =	vperm.xlane v17, v8;
	v29 =	vadd.s32 v3, v28;
	s5 =	simm.s32 $0x3180  }
0x2f9: {  	[tilespmem:s5], [sflag:$0x1] =	stream.indirect_vreg.gather [hbm4b:s7+s3], $0x80, v18, vm0, $0xb8;
	[tilespmem:$0x1E800] =	vst v63  }
0x2fa: {  	v31 =	vperm.xlane v17, v0;
	v18 =	vadd.s32 v3, v30;
	s5 =	simm.s32 $0x3200  }
0x2fb: {  	[tilespmem:s5], [sflag:$0x1] =	stream.indirect_vreg.gather [hbm4b:s7+s3], $0x80, v19, vm0, $0xb8;
	[tilespmem:$0x1E800] =	vst v63  }
0x2fc: {  	v32 =	vperm.xlane v17, v9;
	v19 =	vadd.s32 v3, v31;
	s5 =	simm.s32 $0x3280  }
0x2fd: {  	[tilespmem:s5], [sflag:$0x1] =	stream.indirect_vreg.gather [hbm4b:s7+s3], $0x80, v29, vm0, $0xb8;
	[tilespmem:$0x1E800] =	vst v63  }
0x2fe: {  	v34 =	vperm.xlane v17, v10;
	v33 =	vadd.s32 v3, v32;
	s5 =	simm.s32 $0x3300  }
0x2ff: {  	[tilespmem:s5], [sflag:$0x1] =	stream.indirect_vreg.gather [hbm4b:s7+s3], $0x80, v18, vm0, $0xb8;
	[tilespmem:$0x1E800] =	vst v63  }
0x300: {  	v35 =	vperm.xlane v17, v11;
	v18 =	vadd.s32 v3, v34;
	s5 =	simm.s32 $0x3380  }
0x301: {  	[tilespmem:s5], [sflag:$0x1] =	stream.indirect_vreg.gather [hbm4b:s7+s3], $0x80, v19, vm0, $0xb8;
	[tilespmem:$0x1E800] =	vst v63  }
0x302: {  	v36 =	vperm.xlane v17, v12;
	v19 =	vadd.s32 v3, v35;
	s5 =	simm.s32 $0x3400  }
0x303: {  	[tilespmem:s5], [sflag:$0x1] =	stream.indirect_vreg.gather [hbm4b:s7+s3], $0x80, v33, vm0, $0xb8;
	[tilespmem:$0x1E800] =	vst v63  }
0x304: {  	v38 =	vperm.xlane v17, v13;
	v37 =	vadd.s32 v3, v36;
	s5 =	simm.s32 $0x3480  }
0x305: {  	[tilespmem:s5], [sflag:$0x1] =	stream.indirect_vreg.gather [hbm4b:s7+s3], $0x80, v18, vm0, $0xb8;
	[tilespmem:$0x1E800] =	vst v63  }
0x306: {  	v39 =	vperm.xlane v17, v14;
	v18 =	vadd.s32 v3, v38;
	s5 =	simm.s32 $0x3500  }
0x307: {  	[tilespmem:s5], [sflag:$0x1] =	stream.indirect_vreg.gather [hbm4b:s7+s3], $0x80, v19, vm0, $0xb8;
	[tilespmem:$0x1E800] =	vst v63  }
0x308: {  	v40 =	vperm.xlane v17, v15;
	v19 =	vadd.s32 v3, v39;
	s5 =	simm.s32 $0x3580  }
0x309: {  	[tilespmem:s5], [sflag:$0x1] =	stream.indirect_vreg.gather [hbm4b:s7+s3], $0x80, v37, vm0, $0xb8;
	[tilespmem:$0x1E800] =	vst v63  }
0x30a: {  	v17 =	vperm.xlane v17, v16;
	v41 =	vadd.s32 v3, v40;
	s5 =	simm.s32 $0x3600  }
0x30b: {  	[tilespmem:s5], [sflag:$0x1] =	stream.indirect_vreg.gather [hbm4b:s7+s3], $0x80, v18, vm0, $0xb8;
	[tilespmem:$0x1E800] =	vst v63  }
0x30c: {  	v17 =	vadd.s32 v3, v17;
	s5 =	simm.s32 $0x3680  }
0x30d: {  	[tilespmem:s5], [sflag:$0x1] =	stream.indirect_vreg.gather [hbm4b:s7+s3], $0x80, v19, vm0, $0xb8;
	[tilespmem:$0x1E800] =	vst v63  }
0x30e: {  	s5 =	simm.s32 $0x3700  }
0x30f: {  	[tilespmem:s5], [sflag:$0x1] =	stream.indirect_vreg.gather [hbm4b:s7+s3], $0x80, v41, vm0, $0xb8;
	[tilespmem:$0x1E800] =	vst v63  }
0x310: {  	s5 =	simm.s32 $0x3780  }
0x311: {  	[tilespmem:s5], [sflag:$0x1] =	stream.indirect_vreg.gather [hbm4b:s7+s3], $0x80, v17, vm0, $0xb8;
	[tilespmem:$0x1E800] =	vst v63  }
0x312: {  	v17 =	vld [tilespmem:s10+$0x120];
	_ =	sdelay $0x4  }
0x313: {  	v18 =	vshll.u32 v17, $0x1  }
0x314: {  	v17 =	vand.u32 $0x7, v17;
	v18 =	vand.u32 $0xFFFFFFF0, v18  }
0x315: {  	v17 =	vor.u32 v17, v18  }
0x316: {  	v18 =	vperm.xlane v17, v2;
	_ =	sdelay $0x1  }
0x317: {  	v19 =	vperm.xlane v17, v1;
	v18 =	vadd.s32 v3, v18;
	_ =	sdelay $0x1  }
0x318: {  	v42 =	vperm.xlane v17, v4;
	v19 =	vadd.s32 v3, v19;
	_ =	sdelay $0x1  }
0x319: {  	s5 =	simm.s32 $0x3800;
	v43 =	vperm.xlane v17, v5;
	v20 =	vadd.s32 v3, v42  }
0x31a: {  	[tilespmem:s5], [sflag:$0x1] =	stream.indirect_vreg.gather [hbm4b:s7+s3], $0x80, v18, vm0, $0xb8;
	[tilespmem:$0x1E800] =	vst v63  }
0x31b: {  	v44 =	vperm.xlane v17, v6;
	v18 =	vadd.s32 v3, v43;
	s5 =	simm.s32 $0x3880  }
0x31c: {  	[tilespmem:s5], [sflag:$0x1] =	stream.indirect_vreg.gather [hbm4b:s7+s3], $0x80, v19, vm0, $0xb8;
	[tilespmem:$0x1E800] =	vst v63  }
0x31d: {  	v45 =	vperm.xlane v17, v7;
	v19 =	vadd.s32 v3, v44;
	s5 =	simm.s32 $0x3900  }
0x31e: {  	[tilespmem:s5], [sflag:$0x1] =	stream.indirect_vreg.gather [hbm4b:s7+s3], $0x80, v20, vm0, $0xb8;
	[tilespmem:$0x1E800] =	vst v63  }
0x31f: {  	v47 =	vperm.xlane v17, v8;
	v46 =	vadd.s32 v3, v45;
	s5 =	simm.s32 $0x3980  }
0x320: {  	[tilespmem:s5], [sflag:$0x1] =	stream.indirect_vreg.gather [hbm4b:s7+s3], $0x80, v18, vm0, $0xb8;
	[tilespmem:$0x1E800] =	vst v63  }
0x321: {  	v48 =	vperm.xlane v17, v0;
	v18 =	vadd.s32 v3, v47;
	s5 =	simm.s32 $0x3A00  }
0x322: {  	[tilespmem:s5], [sflag:$0x1] =	stream.indirect_vreg.gather [hbm4b:s7+s3], $0x80, v19, vm0, $0xb8;
	[tilespmem:$0x1E800] =	vst v63  }
0x323: {  	v49 =	vperm.xlane v17, v9;
	v19 =	vadd.s32 v3, v48;
	s5 =	simm.s32 $0x3A80  }
0x324: {  	[tilespmem:s5], [sflag:$0x1] =	stream.indirect_vreg.gather [hbm4b:s7+s3], $0x80, v46, vm0, $0xb8;
	[tilespmem:$0x1E800] =	vst v63  }
0x325: {  	v51 =	vperm.xlane v17, v10;
	v50 =	vadd.s32 v3, v49;
	s5 =	simm.s32 $0x3B00  }
0x326: {  	[tilespmem:s5], [sflag:$0x1] =	stream.indirect_vreg.gather [hbm4b:s7+s3], $0x80, v18, vm0, $0xb8;
	[tilespmem:$0x1E800] =	vst v63  }
0x327: {  	v52 =	vperm.xlane v17, v11;
	v18 =	vadd.s32 v3, v51;
	s5 =	simm.s32 $0x3B80  }
0x328: {  	[tilespmem:s5], [sflag:$0x1] =	stream.indirect_vreg.gather [hbm4b:s7+s3], $0x80, v19, vm0, $0xb8;
	[tilespmem:$0x1E800] =	vst v63  }
0x329: {  	v53 =	vperm.xlane v17, v12;
	v19 =	vadd.s32 v3, v52;
	s5 =	simm.s32 $0x3C00  }
0x32a: {  	[tilespmem:s5], [sflag:$0x1] =	stream.indirect_vreg.gather [hbm4b:s7+s3], $0x80, v50, vm0, $0xb8;
	[tilespmem:$0x1E800] =	vst v63  }
0x32b: {  	v55 =	vperm.xlane v17, v13;
	v54 =	vadd.s32 v3, v53;
	s5 =	simm.s32 $0x3C80  }
0x32c: {  	[tilespmem:s5], [sflag:$0x1] =	stream.indirect_vreg.gather [hbm4b:s7+s3], $0x80, v18, vm0, $0xb8;
	[tilespmem:$0x1E800] =	vst v63  }
0x32d: {  	v56 =	vperm.xlane v17, v14;
	v18 =	vadd.s32 v3, v55;
	s5 =	simm.s32 $0x3D00  }
0x32e: {  	[tilespmem:s5], [sflag:$0x1] =	stream.indirect_vreg.gather [hbm4b:s7+s3], $0x80, v19, vm0, $0xb8;
	[tilespmem:$0x1E800] =	vst v63  }
0x32f: {  	v57 =	vperm.xlane v17, v15;
	v19 =	vadd.s32 v3, v56;
	s5 =	simm.s32 $0x3D80  }
0x330: {  	[tilespmem:s5], [sflag:$0x1] =	stream.indirect_vreg.gather [hbm4b:s7+s3], $0x80, v54, vm0, $0xb8;
	[tilespmem:$0x1E800] =	vst v63  }
0x331: {  	v17 =	vperm.xlane v17, v16;
	v58 =	vadd.s32 v3, v57;
	s5 =	simm.s32 $0x3E00  }
0x332: {  	[tilespmem:s5], [sflag:$0x1] =	stream.indirect_vreg.gather [hbm4b:s7+s3], $0x80, v18, vm0, $0xb8;
	[tilespmem:$0x1E800] =	vst v63  }
0x333: {  	v17 =	vadd.s32 v3, v17;
	s5 =	simm.s32 $0x3E80  }
0x334: {  	[tilespmem:s5], [sflag:$0x1] =	stream.indirect_vreg.gather [hbm4b:s7+s3], $0x80, v19, vm0, $0xb8;
	[tilespmem:$0x1E800] =	vst v63  }
0x335: {  	s5 =	simm.s32 $0x3F00  }
0x336: {  	[tilespmem:s5], [sflag:$0x1] =	stream.indirect_vreg.gather [hbm4b:s7+s3], $0x80, v58, vm0, $0xb8;
	[tilespmem:$0x1E800] =	vst v63  }
0x337: {  	s5 =	simm.s32 $0x3F80  }
0x338: {  	[tilespmem:s5], [sflag:$0x1] =	stream.indirect_vreg.gather [hbm4b:s7+s3], $0x80, v17, vm0, $0xb8;
	[tilespmem:$0x1E800] =	vst v63  }
0x339: {  	v17 =	vld [tilespmem:s10+$0x130];
	_ =	sdelay $0x4  }
0x33a: {  	v18 =	vshll.u32 v17, $0x1  }
0x33b: {  	v17 =	vand.u32 $0x7, v17;
	v18 =	vand.u32 $0xFFFFFFF0, v18  }
0x33c: {  	v17 =	vor.u32 v17, v18  }
0x33d: {  	v18 =	vperm.xlane v17, v2;
	_ =	sdelay $0x1  }
0x33e: {  	v19 =	vperm.xlane v17, v1;
	v18 =	vadd.s32 v3, v18;
	_ =	sdelay $0x1  }
0x33f: {  	v59 =	vperm.xlane v17, v4;
	v19 =	vadd.s32 v3, v19;
	_ =	sdelay $0x1  }
0x340: {  	s5 =	simm.s32 $0x4000;
	v60 =	vperm.xlane v17, v5;
	v20 =	vadd.s32 v3, v59  }
0x341: {  	[tilespmem:s5], [sflag:$0x1] =	stream.indirect_vreg.gather [hbm4b:s7+s3], $0x80, v18, vm0, $0xb8;
	[tilespmem:$0x1E800] =	vst v63  }
0x342: {  	v61 =	vperm.xlane v17, v6;
	v18 =	vadd.s32 v3, v60;
	s5 =	simm.s32 $0x4080  }
0x343: {  	[tilespmem:s5], [sflag:$0x1] =	stream.indirect_vreg.gather [hbm4b:s7+s3], $0x80, v19, vm0, $0xb8;
	[tilespmem:$0x1E800] =	vst v63  }
0x344: {  	v62 =	vperm.xlane v17, v7;
	v19 =	vadd.s32 v3, v61;
	s5 =	simm.s32 $0x4100  }
0x345: {  	[tilespmem:s5], [sflag:$0x1] =	stream.indirect_vreg.gather [hbm4b:s7+s3], $0x80, v20, vm0, $0xb8;
	[tilespmem:$0x1E800] =	vst v63  }
0x346: {  	v24 =	vperm.xlane v17, v8;
	v63 =	vadd.s32 v3, v62;
	s5 =	simm.s32 $0x4180  }
0x347: {  	[tilespmem:s5], [sflag:$0x1] =	stream.indirect_vreg.gather [hbm4b:s7+s3], $0x80, v18, vm0, $0xb8;
	[tilespmem:$0x1E800] =	vst v63  }
0x348: {  	v25 =	vperm.xlane v17, v0;
	v18 =	vadd.s32 v3, v24;
	s5 =	simm.s32 $0x4200  }
0x349: {  	[tilespmem:s5], [sflag:$0x1] =	stream.indirect_vreg.gather [hbm4b:s7+s3], $0x80, v19, vm0, $0xb8;
	[tilespmem:$0x1E800] =	vst v63  }
0x34a: {  	v26 =	vperm.xlane v17, v9;
	v19 =	vadd.s32 v3, v25;
	s5 =	simm.s32 $0x4280  }
0x34b: {  	[tilespmem:s5], [sflag:$0x1] =	stream.indirect_vreg.gather [hbm4b:s7+s3], $0x80, v63, vm0, $0xb8;
	[tilespmem:$0x1E800] =	vst v63  }
0x34c: {  	v28 =	vperm.xlane v17, v10;
	v27 =	vadd.s32 v3, v26;
	s5 =	simm.s32 $0x4300  }
0x34d: {  	[tilespmem:s5], [sflag:$0x1] =	stream.indirect_vreg.gather [hbm4b:s7+s3], $0x80, v18, vm0, $0xb8;
	[tilespmem:$0x1E800] =	vst v63  }
0x34e: {  	v29 =	vperm.xlane v17, v11;
	v18 =	vadd.s32 v3, v28;
	s5 =	simm.s32 $0x4380  }
0x34f: {  	[tilespmem:s5], [sflag:$0x1] =	stream.indirect_vreg.gather [hbm4b:s7+s3], $0x80, v19, vm0, $0xb8;
	[tilespmem:$0x1E800] =	vst v63  }
0x350: {  	v30 =	vperm.xlane v17, v12;
	v19 =	vadd.s32 v3, v29;
	s5 =	simm.s32 $0x4400  }
0x351: {  	[tilespmem:s5], [sflag:$0x1] =	stream.indirect_vreg.gather [hbm4b:s7+s3], $0x80, v27, vm0, $0xb8;
	[tilespmem:$0x1E800] =	vst v63  }
0x352: {  	v32 =	vperm.xlane v17, v13;
	v31 =	vadd.s32 v3, v30;
	s5 =	simm.s32 $0x4480  }
0x353: {  	[tilespmem:s5], [sflag:$0x1] =	stream.indirect_vreg.gather [hbm4b:s7+s3], $0x80, v18, vm0, $0xb8;
	[tilespmem:$0x1E800] =	vst v63  }
0x354: {  	v33 =	vperm.xlane v17, v14;
	v18 =	vadd.s32 v3, v32;
	s5 =	simm.s32 $0x4500  }
0x355: {  	[tilespmem:s5], [sflag:$0x1] =	stream.indirect_vreg.gather [hbm4b:s7+s3], $0x80, v19, vm0, $0xb8;
	[tilespmem:$0x1E800] =	vst v63  }
0x356: {  	v34 =	vperm.xlane v17, v15;
	v19 =	vadd.s32 v3, v33;
	s5 =	simm.s32 $0x4580  }
0x357: {  	[tilespmem:s5], [sflag:$0x1] =	stream.indirect_vreg.gather [hbm4b:s7+s3], $0x80, v31, vm0, $0xb8;
	[tilespmem:$0x1E800] =	vst v63  }
0x358: {  	v17 =	vperm.xlane v17, v16;
	v35 =	vadd.s32 v3, v34;
	s5 =	simm.s32 $0x4600  }
0x359: {  	[tilespmem:s5], [sflag:$0x1] =	stream.indirect_vreg.gather [hbm4b:s7+s3], $0x80, v18, vm0, $0xb8;
	[tilespmem:$0x1E800] =	vst v63  }
0x35a: {  	v17 =	vadd.s32 v3, v17;
	s5 =	simm.s32 $0x4680  }
0x35b: {  	[tilespmem:s5], [sflag:$0x1] =	stream.indirect_vreg.gather [hbm4b:s7+s3], $0x80, v19, vm0, $0xb8;
	[tilespmem:$0x1E800] =	vst v63  }
0x35c: {  	s5 =	simm.s32 $0x4700  }
0x35d: {  	[tilespmem:s5], [sflag:$0x1] =	stream.indirect_vreg.gather [hbm4b:s7+s3], $0x80, v35, vm0, $0xb8;
	[tilespmem:$0x1E800] =	vst v63  }
0x35e: {  	s5 =	simm.s32 $0x4780  }
0x35f: {  	[tilespmem:s5], [sflag:$0x1] =	stream.indirect_vreg.gather [hbm4b:s7+s3], $0x80, v17, vm0, $0xb8;
	[tilespmem:$0x1E800] =	vst v63  }
0x360: {  	_ = 	snop  }
0x361: {  	[spmem:s2] =	stream.indirect.scatter.add.f32 [tilespmem:s29], [sflag:$0x5], $0x80, s24, s31, $0xb8;
	[tilespmem:$0x1E800] =	vst v63  }
0x362: {  	_ =	swait.ge [sflag:s13], $0x2000  }
0x363: {  	[sflag:s13] =	ssyncset.done $0x0  }
0x364: {  	[sflag:s13] =	ssyncadd.s32 $0xFFFFE000  }
0x365: {  	_ =	swait.ge [sflag:s0], $0x2000  }
0x366: {  	[sflag:s0] =	ssyncset.done $0x0  }
0x367: {  	[sflag:s0] =	ssyncadd.s32 $0xFFFFE000  }
0x368: {  	v17 =	vld [tilespmem:s10+$0x140];
	_ =	sdelay $0x4  }
0x369: {  	v18 =	vshll.u32 v17, $0x1  }
0x36a: {  	v17 =	vand.u32 $0x7, v17;
	v18 =	vand.u32 $0xFFFFFFF0, v18  }
0x36b: {  	v17 =	vor.u32 v17, v18  }
0x36c: {  	v18 =	vperm.xlane v17, v2;
	_ =	sdelay $0x1  }
0x36d: {  	v19 =	vperm.xlane v17, v1;
	v18 =	vadd.s32 v3, v18;
	_ =	sdelay $0x1  }
0x36e: {  	v36 =	vperm.xlane v17, v4;
	v19 =	vadd.s32 v3, v19;
	_ =	sdelay $0x1  }
0x36f: {  	v37 =	vperm.xlane v17, v5;
	v20 =	vadd.s32 v3, v36  }
0x370: {  	[tilespmem:s29], [sflag:$0x2] =	stream.indirect_vreg.gather [hbm4b:s7+s3], $0x80, v18, vm0, $0xb8;
	[tilespmem:$0x1E800] =	vst v63  }
0x371: {  	s24 =	simm.s32 $0x4880;
	v38 =	vperm.xlane v17, v6;
	v18 =	vadd.s32 v3, v37  }
0x372: {  	[tilespmem:s24], [sflag:$0x2] =	stream.indirect_vreg.gather [hbm4b:s7+s3], $0x80, v19, vm0, $0xb8;
	[tilespmem:$0x1E800] =	vst v63  }
0x373: {  	v39 =	vperm.xlane v17, v7;
	v19 =	vadd.s32 v3, v38;
	s24 =	simm.s32 $0x4900  }
0x374: {  	[tilespmem:s24], [sflag:$0x2] =	stream.indirect_vreg.gather [hbm4b:s7+s3], $0x80, v20, vm0, $0xb8;
	[tilespmem:$0x1E800] =	vst v63  }
0x375: {  	v41 =	vperm.xlane v17, v8;
	v40 =	vadd.s32 v3, v39;
	s24 =	simm.s32 $0x4980  }
0x376: {  	[tilespmem:s24], [sflag:$0x2] =	stream.indirect_vreg.gather [hbm4b:s7+s3], $0x80, v18, vm0, $0xb8;
	[tilespmem:$0x1E800] =	vst v63  }
0x377: {  	v42 =	vperm.xlane v17, v0;
	v18 =	vadd.s32 v3, v41;
	s24 =	simm.s32 $0x4A00  }
0x378: {  	[tilespmem:s24], [sflag:$0x2] =	stream.indirect_vreg.gather [hbm4b:s7+s3], $0x80, v19, vm0, $0xb8;
	[tilespmem:$0x1E800] =	vst v63  }
0x379: {  	v43 =	vperm.xlane v17, v9;
	v19 =	vadd.s32 v3, v42;
	s24 =	simm.s32 $0x4A80  }
0x37a: {  	[tilespmem:s24], [sflag:$0x2] =	stream.indirect_vreg.gather [hbm4b:s7+s3], $0x80, v40, vm0, $0xb8;
	[tilespmem:$0x1E800] =	vst v63  }
0x37b: {  	v45 =	vperm.xlane v17, v10;
	v44 =	vadd.s32 v3, v43;
	s24 =	simm.s32 $0x4B00  }
0x37c: {  	[tilespmem:s24], [sflag:$0x2] =	stream.indirect_vreg.gather [hbm4b:s7+s3], $0x80, v18, vm0, $0xb8;
	[tilespmem:$0x1E800] =	vst v63  }
0x37d: {  	v46 =	vperm.xlane v17, v11;
	v18 =	vadd.s32 v3, v45;
	s24 =	simm.s32 $0x4B80  }
0x37e: {  	[tilespmem:s24], [sflag:$0x2] =	stream.indirect_vreg.gather [hbm4b:s7+s3], $0x80, v19, vm0, $0xb8;
	[tilespmem:$0x1E800] =	vst v63  }
0x37f: {  	v47 =	vperm.xlane v17, v12;
	v19 =	vadd.s32 v3, v46;
	s24 =	simm.s32 $0x4C00  }
0x380: {  	[tilespmem:s24], [sflag:$0x2] =	stream.indirect_vreg.gather [hbm4b:s7+s3], $0x80, v44, vm0, $0xb8;
	[tilespmem:$0x1E800] =	vst v63  }
0x381: {  	v49 =	vperm.xlane v17, v13;
	v48 =	vadd.s32 v3, v47;
	s24 =	simm.s32 $0x4C80  }
0x382: {  	[tilespmem:s24], [sflag:$0x2] =	stream.indirect_vreg.gather [hbm4b:s7+s3], $0x80, v18, vm0, $0xb8;
	[tilespmem:$0x1E800] =	vst v63  }
0x383: {  	v50 =	vperm.xlane v17, v14;
	v18 =	vadd.s32 v3, v49;
	s24 =	simm.s32 $0x4D00  }
0x384: {  	[tilespmem:s24], [sflag:$0x2] =	stream.indirect_vreg.gather [hbm4b:s7+s3], $0x80, v19, vm0, $0xb8;
	[tilespmem:$0x1E800] =	vst v63  }
0x385: {  	v51 =	vperm.xlane v17, v15;
	v19 =	vadd.s32 v3, v50;
	s24 =	simm.s32 $0x4D80  }
0x386: {  	[tilespmem:s24], [sflag:$0x2] =	stream.indirect_vreg.gather [hbm4b:s7+s3], $0x80, v48, vm0, $0xb8;
	[tilespmem:$0x1E800] =	vst v63  }
0x387: {  	v17 =	vperm.xlane v17, v16;
	v52 =	vadd.s32 v3, v51;
	s24 =	simm.s32 $0x4E00  }
0x388: {  	[tilespmem:s24], [sflag:$0x2] =	stream.indirect_vreg.gather [hbm4b:s7+s3], $0x80, v18, vm0, $0xb8;
	[tilespmem:$0x1E800] =	vst v63  }
0x389: {  	v17 =	vadd.s32 v3, v17;
	s24 =	simm.s32 $0x4E80  }
0x38a: {  	[tilespmem:s24], [sflag:$0x2] =	stream.indirect_vreg.gather [hbm4b:s7+s3], $0x80, v19, vm0, $0xb8;
	[tilespmem:$0x1E800] =	vst v63  }
0x38b: {  	s24 =	simm.s32 $0x4F00  }
0x38c: {  	[tilespmem:s24], [sflag:$0x2] =	stream.indirect_vreg.gather [hbm4b:s7+s3], $0x80, v52, vm0, $0xb8;
	[tilespmem:$0x1E800] =	vst v63  }
0x38d: {  	s24 =	simm.s32 $0x4F80  }
0x38e: {  	[tilespmem:s24], [sflag:$0x2] =	stream.indirect_vreg.gather [hbm4b:s7+s3], $0x80, v17, vm0, $0xb8;
	[tilespmem:$0x1E800] =	vst v63  }
0x38f: {  	v17 =	vld [tilespmem:s10+$0x150];
	_ =	sdelay $0x4  }
0x390: {  	v18 =	vshll.u32 v17, $0x1  }
0x391: {  	v17 =	vand.u32 $0x7, v17;
	v18 =	vand.u32 $0xFFFFFFF0, v18  }
0x392: {  	v17 =	vor.u32 v17, v18  }
0x393: {  	v18 =	vperm.xlane v17, v2;
	_ =	sdelay $0x1  }
0x394: {  	v19 =	vperm.xlane v17, v1;
	v18 =	vadd.s32 v3, v18;
	_ =	sdelay $0x1  }
0x395: {  	v53 =	vperm.xlane v17, v4;
	v19 =	vadd.s32 v3, v19;
	_ =	sdelay $0x1  }
0x396: {  	s24 =	simm.s32 $0x5000;
	v54 =	vperm.xlane v17, v5;
	v20 =	vadd.s32 v3, v53  }
0x397: {  	[tilespmem:s24], [sflag:$0x2] =	stream.indirect_vreg.gather [hbm4b:s7+s3], $0x80, v18, vm0, $0xb8;
	[tilespmem:$0x1E800] =	vst v63  }
0x398: {  	v55 =	vperm.xlane v17, v6;
	v18 =	vadd.s32 v3, v54;
	s24 =	simm.s32 $0x5080  }
0x399: {  	[tilespmem:s24], [sflag:$0x2] =	stream.indirect_vreg.gather [hbm4b:s7+s3], $0x80, v19, vm0, $0xb8;
	[tilespmem:$0x1E800] =	vst v63  }
0x39a: {  	v56 =	vperm.xlane v17, v7;
	v19 =	vadd.s32 v3, v55;
	s24 =	simm.s32 $0x5100  }
0x39b: {  	[tilespmem:s24], [sflag:$0x2] =	stream.indirect_vreg.gather [hbm4b:s7+s3], $0x80, v20, vm0, $0xb8;
	[tilespmem:$0x1E800] =	vst v63  }
0x39c: {  	v58 =	vperm.xlane v17, v8;
	v57 =	vadd.s32 v3, v56;
	s24 =	simm.s32 $0x5180  }
0x39d: {  	[tilespmem:s24], [sflag:$0x2] =	stream.indirect_vreg.gather [hbm4b:s7+s3], $0x80, v18, vm0, $0xb8;
	[tilespmem:$0x1E800] =	vst v63  }
0x39e: {  	v59 =	vperm.xlane v17, v0;
	v18 =	vadd.s32 v3, v58;
	s24 =	simm.s32 $0x5200  }
0x39f: {  	[tilespmem:s24], [sflag:$0x2] =	stream.indirect_vreg.gather [hbm4b:s7+s3], $0x80, v19, vm0, $0xb8;
	[tilespmem:$0x1E800] =	vst v63  }
0x3a0: {  	v60 =	vperm.xlane v17, v9;
	v19 =	vadd.s32 v3, v59;
	s24 =	simm.s32 $0x5280  }
0x3a1: {  	[tilespmem:s24], [sflag:$0x2] =	stream.indirect_vreg.gather [hbm4b:s7+s3], $0x80, v57, vm0, $0xb8;
	[tilespmem:$0x1E800] =	vst v63  }
0x3a2: {  	v62 =	vperm.xlane v17, v10;
	v61 =	vadd.s32 v3, v60;
	s24 =	simm.s32 $0x5300  }
0x3a3: {  	[tilespmem:s24], [sflag:$0x2] =	stream.indirect_vreg.gather [hbm4b:s7+s3], $0x80, v18, vm0, $0xb8;
	[tilespmem:$0x1E800] =	vst v63  }
0x3a4: {  	v63 =	vperm.xlane v17, v11;
	v18 =	vadd.s32 v3, v62;
	s24 =	simm.s32 $0x5380  }
0x3a5: {  	[tilespmem:s24], [sflag:$0x2] =	stream.indirect_vreg.gather [hbm4b:s7+s3], $0x80, v19, vm0, $0xb8;
	[tilespmem:$0x1E800] =	vst v63  }
0x3a6: {  	v24 =	vperm.xlane v17, v12;
	v19 =	vadd.s32 v3, v63;
	s24 =	simm.s32 $0x5400  }
0x3a7: {  	[tilespmem:s24], [sflag:$0x2] =	stream.indirect_vreg.gather [hbm4b:s7+s3], $0x80, v61, vm0, $0xb8;
	[tilespmem:$0x1E800] =	vst v63  }
0x3a8: {  	v26 =	vperm.xlane v17, v13;
	v25 =	vadd.s32 v3, v24;
	s24 =	simm.s32 $0x5480  }
0x3a9: {  	[tilespmem:s24], [sflag:$0x2] =	stream.indirect_vreg.gather [hbm4b:s7+s3], $0x80, v18, vm0, $0xb8;
	[tilespmem:$0x1E800] =	vst v63  }
0x3aa: {  	v27 =	vperm.xlane v17, v14;
	v18 =	vadd.s32 v3, v26;
	s24 =	simm.s32 $0x5500  }
0x3ab: {  	[tilespmem:s24], [sflag:$0x2] =	stream.indirect_vreg.gather [hbm4b:s7+s3], $0x80, v19, vm0, $0xb8;
	[tilespmem:$0x1E800] =	vst v63  }
0x3ac: {  	v28 =	vperm.xlane v17, v15;
	v19 =	vadd.s32 v3, v27;
	s24 =	simm.s32 $0x5580  }
0x3ad: {  	[tilespmem:s24], [sflag:$0x2] =	stream.indirect_vreg.gather [hbm4b:s7+s3], $0x80, v25, vm0, $0xb8;
	[tilespmem:$0x1E800] =	vst v63  }
0x3ae: {  	v17 =	vperm.xlane v17, v16;
	v29 =	vadd.s32 v3, v28;
	s24 =	simm.s32 $0x5600  }
0x3af: {  	[tilespmem:s24], [sflag:$0x2] =	stream.indirect_vreg.gather [hbm4b:s7+s3], $0x80, v18, vm0, $0xb8;
	[tilespmem:$0x1E800] =	vst v63  }
0x3b0: {  	v17 =	vadd.s32 v3, v17;
	s24 =	simm.s32 $0x5680  }
0x3b1: {  	[tilespmem:s24], [sflag:$0x2] =	stream.indirect_vreg.gather [hbm4b:s7+s3], $0x80, v19, vm0, $0xb8;
	[tilespmem:$0x1E800] =	vst v63  }
0x3b2: {  	s24 =	simm.s32 $0x5700  }
0x3b3: {  	[tilespmem:s24], [sflag:$0x2] =	stream.indirect_vreg.gather [hbm4b:s7+s3], $0x80, v29, vm0, $0xb8;
	[tilespmem:$0x1E800] =	vst v63  }
0x3b4: {  	s24 =	simm.s32 $0x5780  }
0x3b5: {  	[tilespmem:s24], [sflag:$0x2] =	stream.indirect_vreg.gather [hbm4b:s7+s3], $0x80, v17, vm0, $0xb8;
	[tilespmem:$0x1E800] =	vst v63  }
0x3b6: {  	v17 =	vld [tilespmem:s10+$0x160];
	_ =	sdelay $0x4  }
0x3b7: {  	v18 =	vshll.u32 v17, $0x1  }
0x3b8: {  	v17 =	vand.u32 $0x7, v17;
	v18 =	vand.u32 $0xFFFFFFF0, v18  }
0x3b9: {  	v17 =	vor.u32 v17, v18  }
0x3ba: {  	v18 =	vperm.xlane v17, v2;
	_ =	sdelay $0x1  }
0x3bb: {  	v19 =	vperm.xlane v17, v1;
	v18 =	vadd.s32 v3, v18;
	_ =	sdelay $0x1  }
0x3bc: {  	v30 =	vperm.xlane v17, v4;
	v19 =	vadd.s32 v3, v19;
	_ =	sdelay $0x1  }
0x3bd: {  	s24 =	simm.s32 $0x5800;
	v31 =	vperm.xlane v17, v5;
	v20 =	vadd.s32 v3, v30  }
0x3be: {  	[tilespmem:s24], [sflag:$0x2] =	stream.indirect_vreg.gather [hbm4b:s7+s3], $0x80, v18, vm0, $0xb8;
	[tilespmem:$0x1E800] =	vst v63  }
0x3bf: {  	v32 =	vperm.xlane v17, v6;
	v18 =	vadd.s32 v3, v31;
	s24 =	simm.s32 $0x5880  }
0x3c0: {  	[tilespmem:s24], [sflag:$0x2] =	stream.indirect_vreg.gather [hbm4b:s7+s3], $0x80, v19, vm0, $0xb8;
	[tilespmem:$0x1E800] =	vst v63  }
0x3c1: {  	v33 =	vperm.xlane v17, v7;
	v19 =	vadd.s32 v3, v32;
	s24 =	simm.s32 $0x5900  }
0x3c2: {  	[tilespmem:s24], [sflag:$0x2] =	stream.indirect_vreg.gather [hbm4b:s7+s3], $0x80, v20, vm0, $0xb8;
	[tilespmem:$0x1E800] =	vst v63  }
0x3c3: {  	v35 =	vperm.xlane v17, v8;
	v34 =	vadd.s32 v3, v33;
	s24 =	simm.s32 $0x5980  }
0x3c4: {  	[tilespmem:s24], [sflag:$0x2] =	stream.indirect_vreg.gather [hbm4b:s7+s3], $0x80, v18, vm0, $0xb8;
	[tilespmem:$0x1E800] =	vst v63  }
0x3c5: {  	v36 =	vperm.xlane v17, v0;
	v18 =	vadd.s32 v3, v35;
	s24 =	simm.s32 $0x5A00  }
0x3c6: {  	[tilespmem:s24], [sflag:$0x2] =	stream.indirect_vreg.gather [hbm4b:s7+s3], $0x80, v19, vm0, $0xb8;
	[tilespmem:$0x1E800] =	vst v63  }
0x3c7: {  	v37 =	vperm.xlane v17, v9;
	v19 =	vadd.s32 v3, v36;
	s24 =	simm.s32 $0x5A80  }
0x3c8: {  	[tilespmem:s24], [sflag:$0x2] =	stream.indirect_vreg.gather [hbm4b:s7+s3], $0x80, v34, vm0, $0xb8;
	[tilespmem:$0x1E800] =	vst v63  }
0x3c9: {  	v39 =	vperm.xlane v17, v10;
	v38 =	vadd.s32 v3, v37;
	s24 =	simm.s32 $0x5B00  }
0x3ca: {  	[tilespmem:s24], [sflag:$0x2] =	stream.indirect_vreg.gather [hbm4b:s7+s3], $0x80, v18, vm0, $0xb8;
	[tilespmem:$0x1E800] =	vst v63  }
0x3cb: {  	v40 =	vperm.xlane v17, v11;
	v18 =	vadd.s32 v3, v39;
	s24 =	simm.s32 $0x5B80  }
0x3cc: {  	[tilespmem:s24], [sflag:$0x2] =	stream.indirect_vreg.gather [hbm4b:s7+s3], $0x80, v19, vm0, $0xb8;
	[tilespmem:$0x1E800] =	vst v63  }
0x3cd: {  	v41 =	vperm.xlane v17, v12;
	v19 =	vadd.s32 v3, v40;
	s24 =	simm.s32 $0x5C00  }
0x3ce: {  	[tilespmem:s24], [sflag:$0x2] =	stream.indirect_vreg.gather [hbm4b:s7+s3], $0x80, v38, vm0, $0xb8;
	[tilespmem:$0x1E800] =	vst v63  }
0x3cf: {  	v43 =	vperm.xlane v17, v13;
	v42 =	vadd.s32 v3, v41;
	s24 =	simm.s32 $0x5C80  }
0x3d0: {  	[tilespmem:s24], [sflag:$0x2] =	stream.indirect_vreg.gather [hbm4b:s7+s3], $0x80, v18, vm0, $0xb8;
	[tilespmem:$0x1E800] =	vst v63  }
0x3d1: {  	v44 =	vperm.xlane v17, v14;
	v18 =	vadd.s32 v3, v43;
	s24 =	simm.s32 $0x5D00  }
0x3d2: {  	[tilespmem:s24], [sflag:$0x2] =	stream.indirect_vreg.gather [hbm4b:s7+s3], $0x80, v19, vm0, $0xb8;
	[tilespmem:$0x1E800] =	vst v63  }
0x3d3: {  	v45 =	vperm.xlane v17, v15;
	v19 =	vadd.s32 v3, v44;
	s24 =	simm.s32 $0x5D80  }
0x3d4: {  	[tilespmem:s24], [sflag:$0x2] =	stream.indirect_vreg.gather [hbm4b:s7+s3], $0x80, v42, vm0, $0xb8;
	[tilespmem:$0x1E800] =	vst v63  }
0x3d5: {  	v17 =	vperm.xlane v17, v16;
	v46 =	vadd.s32 v3, v45;
	s24 =	simm.s32 $0x5E00  }
0x3d6: {  	[tilespmem:s24], [sflag:$0x2] =	stream.indirect_vreg.gather [hbm4b:s7+s3], $0x80, v18, vm0, $0xb8;
	[tilespmem:$0x1E800] =	vst v63  }
0x3d7: {  	v17 =	vadd.s32 v3, v17;
	s24 =	simm.s32 $0x5E80  }
0x3d8: {  	[tilespmem:s24], [sflag:$0x2] =	stream.indirect_vreg.gather [hbm4b:s7+s3], $0x80, v19, vm0, $0xb8;
	[tilespmem:$0x1E800] =	vst v63  }
0x3d9: {  	s24 =	simm.s32 $0x5F00  }
0x3da: {  	[tilespmem:s24], [sflag:$0x2] =	stream.indirect_vreg.gather [hbm4b:s7+s3], $0x80, v46, vm0, $0xb8;
	[tilespmem:$0x1E800] =	vst v63  }
0x3db: {  	s24 =	simm.s32 $0x5F80  }
0x3dc: {  	[tilespmem:s24], [sflag:$0x2] =	stream.indirect_vreg.gather [hbm4b:s7+s3], $0x80, v17, vm0, $0xb8;
	[tilespmem:$0x1E800] =	vst v63  }
0x3dd: {  	v17 =	vld [tilespmem:s10+$0x170];
	_ =	sdelay $0x4  }
0x3de: {  	v18 =	vshll.u32 v17, $0x1  }
0x3df: {  	v17 =	vand.u32 $0x7, v17;
	v18 =	vand.u32 $0xFFFFFFF0, v18  }
0x3e0: {  	v17 =	vor.u32 v17, v18  }
0x3e1: {  	v18 =	vperm.xlane v17, v2;
	_ =	sdelay $0x1  }
0x3e2: {  	v19 =	vperm.xlane v17, v1;
	v18 =	vadd.s32 v3, v18;
	_ =	sdelay $0x1  }
0x3e3: {  	v47 =	vperm.xlane v17, v4;
	v19 =	vadd.s32 v3, v19;
	_ =	sdelay $0x1  }
0x3e4: {  	s24 =	simm.s32 $0x6000;
	v48 =	vperm.xlane v17, v5;
	v20 =	vadd.s32 v3, v47  }
0x3e5: {  	[tilespmem:s24], [sflag:$0x2] =	stream.indirect_vreg.gather [hbm4b:s7+s3], $0x80, v18, vm0, $0xb8;
	[tilespmem:$0x1E800] =	vst v63  }
0x3e6: {  	v49 =	vperm.xlane v17, v6;
	v18 =	vadd.s32 v3, v48;
	s24 =	simm.s32 $0x6080  }
0x3e7: {  	[tilespmem:s24], [sflag:$0x2] =	stream.indirect_vreg.gather [hbm4b:s7+s3], $0x80, v19, vm0, $0xb8;
	[tilespmem:$0x1E800] =	vst v63  }
0x3e8: {  	v50 =	vperm.xlane v17, v7;
	v19 =	vadd.s32 v3, v49;
	s24 =	simm.s32 $0x6100  }
0x3e9: {  	[tilespmem:s24], [sflag:$0x2] =	stream.indirect_vreg.gather [hbm4b:s7+s3], $0x80, v20, vm0, $0xb8;
	[tilespmem:$0x1E800] =	vst v63  }
0x3ea: {  	v52 =	vperm.xlane v17, v8;
	v51 =	vadd.s32 v3, v50;
	s24 =	simm.s32 $0x6180  }
0x3eb: {  	[tilespmem:s24], [sflag:$0x2] =	stream.indirect_vreg.gather [hbm4b:s7+s3], $0x80, v18, vm0, $0xb8;
	[tilespmem:$0x1E800] =	vst v63  }
0x3ec: {  	v53 =	vperm.xlane v17, v0;
	v18 =	vadd.s32 v3, v52;
	s24 =	simm.s32 $0x6200  }
0x3ed: {  	[tilespmem:s24], [sflag:$0x2] =	stream.indirect_vreg.gather [hbm4b:s7+s3], $0x80, v19, vm0, $0xb8;
	[tilespmem:$0x1E800] =	vst v63  }
0x3ee: {  	v54 =	vperm.xlane v17, v9;
	v19 =	vadd.s32 v3, v53;
	s24 =	simm.s32 $0x6280  }
0x3ef: {  	[tilespmem:s24], [sflag:$0x2] =	stream.indirect_vreg.gather [hbm4b:s7+s3], $0x80, v51, vm0, $0xb8;
	[tilespmem:$0x1E800] =	vst v63  }
0x3f0: {  	v56 =	vperm.xlane v17, v10;
	v55 =	vadd.s32 v3, v54;
	s24 =	simm.s32 $0x6300  }
0x3f1: {  	[tilespmem:s24], [sflag:$0x2] =	stream.indirect_vreg.gather [hbm4b:s7+s3], $0x80, v18, vm0, $0xb8;
	[tilespmem:$0x1E800] =	vst v63  }
0x3f2: {  	v57 =	vperm.xlane v17, v11;
	v18 =	vadd.s32 v3, v56;
	s24 =	simm.s32 $0x6380  }
0x3f3: {  	[tilespmem:s24], [sflag:$0x2] =	stream.indirect_vreg.gather [hbm4b:s7+s3], $0x80, v19, vm0, $0xb8;
	[tilespmem:$0x1E800] =	vst v63  }
0x3f4: {  	v58 =	vperm.xlane v17, v12;
	v19 =	vadd.s32 v3, v57;
	s24 =	simm.s32 $0x6400  }
0x3f5: {  	[tilespmem:s24], [sflag:$0x2] =	stream.indirect_vreg.gather [hbm4b:s7+s3], $0x80, v55, vm0, $0xb8;
	[tilespmem:$0x1E800] =	vst v63  }
0x3f6: {  	v60 =	vperm.xlane v17, v13;
	v59 =	vadd.s32 v3, v58;
	s24 =	simm.s32 $0x6480  }
0x3f7: {  	[tilespmem:s24], [sflag:$0x2] =	stream.indirect_vreg.gather [hbm4b:s7+s3], $0x80, v18, vm0, $0xb8;
	[tilespmem:$0x1E800] =	vst v63  }
0x3f8: {  	v61 =	vperm.xlane v17, v14;
	v18 =	vadd.s32 v3, v60;
	s24 =	simm.s32 $0x6500  }
0x3f9: {  	[tilespmem:s24], [sflag:$0x2] =	stream.indirect_vreg.gather [hbm4b:s7+s3], $0x80, v19, vm0, $0xb8;
	[tilespmem:$0x1E800] =	vst v63  }
0x3fa: {  	v62 =	vperm.xlane v17, v15;
	v19 =	vadd.s32 v3, v61;
	s24 =	simm.s32 $0x6580  }
0x3fb: {  	[tilespmem:s24], [sflag:$0x2] =	stream.indirect_vreg.gather [hbm4b:s7+s3], $0x80, v59, vm0, $0xb8;
	[tilespmem:$0x1E800] =	vst v63  }
0x3fc: {  	v17 =	vperm.xlane v17, v16;
	v63 =	vadd.s32 v3, v62;
	s24 =	simm.s32 $0x6600  }
0x3fd: {  	[tilespmem:s24], [sflag:$0x2] =	stream.indirect_vreg.gather [hbm4b:s7+s3], $0x80, v18, vm0, $0xb8;
	[tilespmem:$0x1E800] =	vst v63  }
0x3fe: {  	v17 =	vadd.s32 v3, v17;
	s24 =	simm.s32 $0x6680  }
0x3ff: {  	[tilespmem:s24], [sflag:$0x2] =	stream.indirect_vreg.gather [hbm4b:s7+s3], $0x80, v19, vm0, $0xb8;
	[tilespmem:$0x1E800] =	vst v63  }
0x400: {  	s24 =	simm.s32 $0x6700  }
0x401: {  	[tilespmem:s24], [sflag:$0x2] =	stream.indirect_vreg.gather [hbm4b:s7+s3], $0x80, v63, vm0, $0xb8;
	[tilespmem:$0x1E800] =	vst v63  }
0x402: {  	s24 =	simm.s32 $0x6780  }
0x403: {  	[tilespmem:s24], [sflag:$0x2] =	stream.indirect_vreg.gather [hbm4b:s7+s3], $0x80, v17, vm0, $0xb8;
	[tilespmem:$0x1E800] =	vst v63  }
.LBB2_5:
0x404: {  	s24 =	sadd.s32 $0x1480, s10  }
0x405: {  	[spmem:s2] =	stream.indirect.scatter.add.f32 [tilespmem:s6], [sflag:$0x5], $0x80, s24, s31, $0xb8;
	[tilespmem:$0x1E800] =	vst v63  }
0x406: {  	_ =	swait.ge [sflag:s13], $0x2000  }
.Ltmp6:
0x407: {  	[sflag:s13] =	ssyncset.done $0x0;
	(pc) =	sbr.rel @p0 .LBB2_7-.Ltmp6, $4  }
0x408: {  	[sflag:s13] =	ssyncadd.s32 $0xFFFFE000  }
0x409: {  	_ =	swait.ge [sflag:s8], $0x2000  }
0x40a: {  	[sflag:s8] =	ssyncset.done $0x0  }
0x40b: {  	[sflag:s8] =	ssyncadd.s32 $0xFFFFE000  }
0x40c: {  	v17 =	vld [tilespmem:s10+$0x180];
	_ =	sdelay $0x4  }
0x40d: {  	v18 =	vshll.u32 v17, $0x1  }
0x40e: {  	v17 =	vand.u32 $0x7, v17;
	v18 =	vand.u32 $0xFFFFFFF0, v18  }
0x40f: {  	v17 =	vor.u32 v17, v18  }
0x410: {  	v18 =	vperm.xlane v17, v2;
	_ =	sdelay $0x1  }
0x411: {  	v19 =	vperm.xlane v17, v1;
	v18 =	vadd.s32 v3, v18;
	_ =	sdelay $0x1  }
0x412: {  	v20 =	vperm.xlane v17, v4;
	v19 =	vadd.s32 v3, v19;
	_ =	sdelay $0x1  }
0x413: {  	v21 =	vperm.xlane v17, v5;
	v20 =	vadd.s32 v3, v20  }
0x414: {  	[tilespmem:s6], [sflag:$0x3] =	stream.indirect_vreg.gather [hbm4b:s7+s3], $0x80, v18, vm0, $0xb8;
	[tilespmem:$0x1E800] =	vst v63  }
0x415: {  	s5 =	simm.s32 $0x6880;
	v38 =	vperm.xlane v17, v6;
	v18 =	vadd.s32 v3, v21  }
0x416: {  	[tilespmem:s5], [sflag:$0x3] =	stream.indirect_vreg.gather [hbm4b:s7+s3], $0x80, v19, vm0, $0xb8;
	[tilespmem:$0x1E800] =	vst v63  }
0x417: {  	s24 =	simm.s32 $0x6900;
	v39 =	vperm.xlane v17, v7;
	v19 =	vadd.s32 v3, v38  }
0x418: {  	[tilespmem:s24], [sflag:$0x3] =	stream.indirect_vreg.gather [hbm4b:s7+s3], $0x80, v20, vm0, $0xb8;
	[tilespmem:$0x1E800] =	vst v63  }
0x419: {  	v41 =	vperm.xlane v17, v8;
	v40 =	vadd.s32 v3, v39;
	s24 =	simm.s32 $0x6980  }
0x41a: {  	[tilespmem:s24], [sflag:$0x3] =	stream.indirect_vreg.gather [hbm4b:s7+s3], $0x80, v18, vm0, $0xb8;
	[tilespmem:$0x1E800] =	vst v63  }
0x41b: {  	v42 =	vperm.xlane v17, v0;
	v18 =	vadd.s32 v3, v41;
	s24 =	simm.s32 $0x6A00  }
0x41c: {  	[tilespmem:s24], [sflag:$0x3] =	stream.indirect_vreg.gather [hbm4b:s7+s3], $0x80, v19, vm0, $0xb8;
	[tilespmem:$0x1E800] =	vst v63  }
0x41d: {  	v43 =	vperm.xlane v17, v9;
	v19 =	vadd.s32 v3, v42;
	s24 =	simm.s32 $0x6A80  }
0x41e: {  	[tilespmem:s24], [sflag:$0x3] =	stream.indirect_vreg.gather [hbm4b:s7+s3], $0x80, v40, vm0, $0xb8;
	[tilespmem:$0x1E800] =	vst v63  }
0x41f: {  	v45 =	vperm.xlane v17, v10;
	v44 =	vadd.s32 v3, v43;
	s24 =	simm.s32 $0x6B00  }
0x420: {  	[tilespmem:s24], [sflag:$0x3] =	stream.indirect_vreg.gather [hbm4b:s7+s3], $0x80, v18, vm0, $0xb8;
	[tilespmem:$0x1E800] =	vst v63  }
0x421: {  	v46 =	vperm.xlane v17, v11;
	v18 =	vadd.s32 v3, v45;
	s24 =	simm.s32 $0x6B80  }
0x422: {  	[tilespmem:s24], [sflag:$0x3] =	stream.indirect_vreg.gather [hbm4b:s7+s3], $0x80, v19, vm0, $0xb8;
	[tilespmem:$0x1E800] =	vst v63  }
0x423: {  	v47 =	vperm.xlane v17, v12;
	v19 =	vadd.s32 v3, v46;
	s24 =	simm.s32 $0x6C00  }
0x424: {  	[tilespmem:s24], [sflag:$0x3] =	stream.indirect_vreg.gather [hbm4b:s7+s3], $0x80, v44, vm0, $0xb8;
	[tilespmem:$0x1E800] =	vst v63  }
0x425: {  	v49 =	vperm.xlane v17, v13;
	v48 =	vadd.s32 v3, v47;
	s24 =	simm.s32 $0x6C80  }
0x426: {  	[tilespmem:s24], [sflag:$0x3] =	stream.indirect_vreg.gather [hbm4b:s7+s3], $0x80, v18, vm0, $0xb8;
	[tilespmem:$0x1E800] =	vst v63  }
0x427: {  	v50 =	vperm.xlane v17, v14;
	v18 =	vadd.s32 v3, v49;
	s24 =	simm.s32 $0x6D00  }
0x428: {  	[tilespmem:s24], [sflag:$0x3] =	stream.indirect_vreg.gather [hbm4b:s7+s3], $0x80, v19, vm0, $0xb8;
	[tilespmem:$0x1E800] =	vst v63  }
0x429: {  	v51 =	vperm.xlane v17, v15;
	v19 =	vadd.s32 v3, v50;
	s24 =	simm.s32 $0x6D80  }
0x42a: {  	[tilespmem:s24], [sflag:$0x3] =	stream.indirect_vreg.gather [hbm4b:s7+s3], $0x80, v48, vm0, $0xb8;
	[tilespmem:$0x1E800] =	vst v63  }
0x42b: {  	v17 =	vperm.xlane v17, v16;
	v52 =	vadd.s32 v3, v51;
	s24 =	simm.s32 $0x6E00  }
0x42c: {  	[tilespmem:s24], [sflag:$0x3] =	stream.indirect_vreg.gather [hbm4b:s7+s3], $0x80, v18, vm0, $0xb8;
	[tilespmem:$0x1E800] =	vst v63  }
0x42d: {  	v17 =	vadd.s32 v3, v17;
	s24 =	simm.s32 $0x6E80  }
0x42e: {  	[tilespmem:s24], [sflag:$0x3] =	stream.indirect_vreg.gather [hbm4b:s7+s3], $0x80, v19, vm0, $0xb8;
	[tilespmem:$0x1E800] =	vst v63  }
0x42f: {  	s24 =	simm.s32 $0x6F00  }
0x430: {  	[tilespmem:s24], [sflag:$0x3] =	stream.indirect_vreg.gather [hbm4b:s7+s3], $0x80, v52, vm0, $0xb8;
	[tilespmem:$0x1E800] =	vst v63  }
0x431: {  	s24 =	simm.s32 $0x6F80  }
0x432: {  	[tilespmem:s24], [sflag:$0x3] =	stream.indirect_vreg.gather [hbm4b:s7+s3], $0x80, v17, vm0, $0xb8;
	[tilespmem:$0x1E800] =	vst v63  }
0x433: {  	v17 =	vld [tilespmem:s10+$0x190];
	_ =	sdelay $0x4  }
0x434: {  	v18 =	vshll.u32 v17, $0x1  }
0x435: {  	v17 =	vand.u32 $0x7, v17;
	v18 =	vand.u32 $0xFFFFFFF0, v18  }
0x436: {  	v17 =	vor.u32 v17, v18  }
0x437: {  	v18 =	vperm.xlane v17, v2;
	_ =	sdelay $0x1  }
0x438: {  	v19 =	vperm.xlane v17, v1;
	v18 =	vadd.s32 v3, v18;
	_ =	sdelay $0x1  }
0x439: {  	v53 =	vperm.xlane v17, v4;
	v19 =	vadd.s32 v3, v19;
	_ =	sdelay $0x1  }
0x43a: {  	s24 =	simm.s32 $0x7000;
	v54 =	vperm.xlane v17, v5;
	v20 =	vadd.s32 v3, v53  }
0x43b: {  	[tilespmem:s24], [sflag:$0x3] =	stream.indirect_vreg.gather [hbm4b:s7+s3], $0x80, v18, vm0, $0xb8;
	[tilespmem:$0x1E800] =	vst v63  }
0x43c: {  	v55 =	vperm.xlane v17, v6;
	v18 =	vadd.s32 v3, v54;
	s24 =	simm.s32 $0x7080  }
0x43d: {  	[tilespmem:s24], [sflag:$0x3] =	stream.indirect_vreg.gather [hbm4b:s7+s3], $0x80, v19, vm0, $0xb8;
	[tilespmem:$0x1E800] =	vst v63  }
0x43e: {  	v56 =	vperm.xlane v17, v7;
	v19 =	vadd.s32 v3, v55;
	s24 =	simm.s32 $0x7100  }
0x43f: {  	[tilespmem:s24], [sflag:$0x3] =	stream.indirect_vreg.gather [hbm4b:s7+s3], $0x80, v20, vm0, $0xb8;
	[tilespmem:$0x1E800] =	vst v63  }
0x440: {  	v58 =	vperm.xlane v17, v8;
	v57 =	vadd.s32 v3, v56;
	s24 =	simm.s32 $0x7180  }
0x441: {  	[tilespmem:s24], [sflag:$0x3] =	stream.indirect_vreg.gather [hbm4b:s7+s3], $0x80, v18, vm0, $0xb8;
	[tilespmem:$0x1E800] =	vst v63  }
0x442: {  	v59 =	vperm.xlane v17, v0;
	v18 =	vadd.s32 v3, v58;
	s24 =	simm.s32 $0x7200  }
0x443: {  	[tilespmem:s24], [sflag:$0x3] =	stream.indirect_vreg.gather [hbm4b:s7+s3], $0x80, v19, vm0, $0xb8;
	[tilespmem:$0x1E800] =	vst v63  }
0x444: {  	v60 =	vperm.xlane v17, v9;
	v19 =	vadd.s32 v3, v59;
	s24 =	simm.s32 $0x7280  }
0x445: {  	[tilespmem:s24], [sflag:$0x3] =	stream.indirect_vreg.gather [hbm4b:s7+s3], $0x80, v57, vm0, $0xb8;
	[tilespmem:$0x1E800] =	vst v63  }
0x446: {  	v62 =	vperm.xlane v17, v10;
	v61 =	vadd.s32 v3, v60;
	s24 =	simm.s32 $0x7300  }
0x447: {  	[tilespmem:s24], [sflag:$0x3] =	stream.indirect_vreg.gather [hbm4b:s7+s3], $0x80, v18, vm0, $0xb8;
	[tilespmem:$0x1E800] =	vst v63  }
0x448: {  	v63 =	vperm.xlane v17, v11;
	v18 =	vadd.s32 v3, v62;
	s24 =	simm.s32 $0x7380  }
0x449: {  	[tilespmem:s24], [sflag:$0x3] =	stream.indirect_vreg.gather [hbm4b:s7+s3], $0x80, v19, vm0, $0xb8;
	[tilespmem:$0x1E800] =	vst v63  }
0x44a: {  	v24 =	vperm.xlane v17, v12;
	v19 =	vadd.s32 v3, v63;
	s24 =	simm.s32 $0x7400  }
0x44b: {  	[tilespmem:s24], [sflag:$0x3] =	stream.indirect_vreg.gather [hbm4b:s7+s3], $0x80, v61, vm0, $0xb8;
	[tilespmem:$0x1E800] =	vst v63  }
0x44c: {  	v26 =	vperm.xlane v17, v13;
	v25 =	vadd.s32 v3, v24;
	s24 =	simm.s32 $0x7480  }
0x44d: {  	[tilespmem:s24], [sflag:$0x3] =	stream.indirect_vreg.gather [hbm4b:s7+s3], $0x80, v18, vm0, $0xb8;
	[tilespmem:$0x1E800] =	vst v63  }
0x44e: {  	v27 =	vperm.xlane v17, v14;
	v18 =	vadd.s32 v3, v26;
	s24 =	simm.s32 $0x7500  }
0x44f: {  	[tilespmem:s24], [sflag:$0x3] =	stream.indirect_vreg.gather [hbm4b:s7+s3], $0x80, v19, vm0, $0xb8;
	[tilespmem:$0x1E800] =	vst v63  }
0x450: {  	v28 =	vperm.xlane v17, v15;
	v19 =	vadd.s32 v3, v27;
	s24 =	simm.s32 $0x7580  }
0x451: {  	[tilespmem:s24], [sflag:$0x3] =	stream.indirect_vreg.gather [hbm4b:s7+s3], $0x80, v25, vm0, $0xb8;
	[tilespmem:$0x1E800] =	vst v63  }
0x452: {  	v17 =	vperm.xlane v17, v16;
	v29 =	vadd.s32 v3, v28;
	s24 =	simm.s32 $0x7600  }
0x453: {  	[tilespmem:s24], [sflag:$0x3] =	stream.indirect_vreg.gather [hbm4b:s7+s3], $0x80, v18, vm0, $0xb8;
	[tilespmem:$0x1E800] =	vst v63  }
0x454: {  	v17 =	vadd.s32 v3, v17;
	s24 =	simm.s32 $0x7680  }
0x455: {  	[tilespmem:s24], [sflag:$0x3] =	stream.indirect_vreg.gather [hbm4b:s7+s3], $0x80, v19, vm0, $0xb8;
	[tilespmem:$0x1E800] =	vst v63  }
0x456: {  	s24 =	simm.s32 $0x7700  }
0x457: {  	[tilespmem:s24], [sflag:$0x3] =	stream.indirect_vreg.gather [hbm4b:s7+s3], $0x80, v29, vm0, $0xb8;
	[tilespmem:$0x1E800] =	vst v63  }
0x458: {  	s24 =	simm.s32 $0x7780  }
0x459: {  	[tilespmem:s24], [sflag:$0x3] =	stream.indirect_vreg.gather [hbm4b:s7+s3], $0x80, v17, vm0, $0xb8;
	[tilespmem:$0x1E800] =	vst v63  }
0x45a: {  	v17 =	vld [tilespmem:s10+$0x1A0];
	_ =	sdelay $0x4  }
0x45b: {  	v18 =	vshll.u32 v17, $0x1  }
0x45c: {  	v17 =	vand.u32 $0x7, v17;
	v18 =	vand.u32 $0xFFFFFFF0, v18  }
0x45d: {  	v17 =	vor.u32 v17, v18  }
0x45e: {  	v18 =	vperm.xlane v17, v2;
	_ =	sdelay $0x1  }
0x45f: {  	v19 =	vperm.xlane v17, v1;
	v18 =	vadd.s32 v3, v18;
	_ =	sdelay $0x1  }
0x460: {  	v30 =	vperm.xlane v17, v4;
	v19 =	vadd.s32 v3, v19;
	_ =	sdelay $0x1  }
0x461: {  	s24 =	simm.s32 $0x7800;
	v31 =	vperm.xlane v17, v5;
	v20 =	vadd.s32 v3, v30  }
0x462: {  	[tilespmem:s24], [sflag:$0x3] =	stream.indirect_vreg.gather [hbm4b:s7+s3], $0x80, v18, vm0, $0xb8;
	[tilespmem:$0x1E800] =	vst v63  }
0x463: {  	v32 =	vperm.xlane v17, v6;
	v18 =	vadd.s32 v3, v31;
	s24 =	simm.s32 $0x7880  }
0x464: {  	[tilespmem:s24], [sflag:$0x3] =	stream.indirect_vreg.gather [hbm4b:s7+s3], $0x80, v19, vm0, $0xb8;
	[tilespmem:$0x1E800] =	vst v63  }
0x465: {  	v33 =	vperm.xlane v17, v7;
	v19 =	vadd.s32 v3, v32;
	s24 =	simm.s32 $0x7900  }
0x466: {  	[tilespmem:s24], [sflag:$0x3] =	stream.indirect_vreg.gather [hbm4b:s7+s3], $0x80, v20, vm0, $0xb8;
	[tilespmem:$0x1E800] =	vst v63  }
0x467: {  	v35 =	vperm.xlane v17, v8;
	v34 =	vadd.s32 v3, v33;
	s24 =	simm.s32 $0x7980  }
0x468: {  	[tilespmem:s24], [sflag:$0x3] =	stream.indirect_vreg.gather [hbm4b:s7+s3], $0x80, v18, vm0, $0xb8;
	[tilespmem:$0x1E800] =	vst v63  }
0x469: {  	v36 =	vperm.xlane v17, v0;
	v18 =	vadd.s32 v3, v35;
	s24 =	simm.s32 $0x7A00  }
0x46a: {  	[tilespmem:s24], [sflag:$0x3] =	stream.indirect_vreg.gather [hbm4b:s7+s3], $0x80, v19, vm0, $0xb8;
	[tilespmem:$0x1E800] =	vst v63  }
0x46b: {  	v37 =	vperm.xlane v17, v9;
	v19 =	vadd.s32 v3, v36;
	s24 =	simm.s32 $0x7A80  }
0x46c: {  	[tilespmem:s24], [sflag:$0x3] =	stream.indirect_vreg.gather [hbm4b:s7+s3], $0x80, v34, vm0, $0xb8;
	[tilespmem:$0x1E800] =	vst v63  }
0x46d: {  	v39 =	vperm.xlane v17, v10;
	v38 =	vadd.s32 v3, v37;
	s24 =	simm.s32 $0x7B00  }
0x46e: {  	[tilespmem:s24], [sflag:$0x3] =	stream.indirect_vreg.gather [hbm4b:s7+s3], $0x80, v18, vm0, $0xb8;
	[tilespmem:$0x1E800] =	vst v63  }
0x46f: {  	v40 =	vperm.xlane v17, v11;
	v18 =	vadd.s32 v3, v39;
	s24 =	simm.s32 $0x7B80  }
0x470: {  	[tilespmem:s24], [sflag:$0x3] =	stream.indirect_vreg.gather [hbm4b:s7+s3], $0x80, v19, vm0, $0xb8;
	[tilespmem:$0x1E800] =	vst v63  }
0x471: {  	v41 =	vperm.xlane v17, v12;
	v19 =	vadd.s32 v3, v40;
	s24 =	simm.s32 $0x7C00  }
0x472: {  	[tilespmem:s24], [sflag:$0x3] =	stream.indirect_vreg.gather [hbm4b:s7+s3], $0x80, v38, vm0, $0xb8;
	[tilespmem:$0x1E800] =	vst v63  }
0x473: {  	v43 =	vperm.xlane v17, v13;
	v42 =	vadd.s32 v3, v41;
	s24 =	simm.s32 $0x7C80  }
0x474: {  	[tilespmem:s24], [sflag:$0x3] =	stream.indirect_vreg.gather [hbm4b:s7+s3], $0x80, v18, vm0, $0xb8;
	[tilespmem:$0x1E800] =	vst v63  }
0x475: {  	v44 =	vperm.xlane v17, v14;
	v18 =	vadd.s32 v3, v43;
	s24 =	simm.s32 $0x7D00  }
0x476: {  	[tilespmem:s24], [sflag:$0x3] =	stream.indirect_vreg.gather [hbm4b:s7+s3], $0x80, v19, vm0, $0xb8;
	[tilespmem:$0x1E800] =	vst v63  }
0x477: {  	v45 =	vperm.xlane v17, v15;
	v19 =	vadd.s32 v3, v44;
	s24 =	simm.s32 $0x7D80  }
0x478: {  	[tilespmem:s24], [sflag:$0x3] =	stream.indirect_vreg.gather [hbm4b:s7+s3], $0x80, v42, vm0, $0xb8;
	[tilespmem:$0x1E800] =	vst v63  }
0x479: {  	v17 =	vperm.xlane v17, v16;
	v46 =	vadd.s32 v3, v45;
	s24 =	simm.s32 $0x7E00  }
0x47a: {  	[tilespmem:s24], [sflag:$0x3] =	stream.indirect_vreg.gather [hbm4b:s7+s3], $0x80, v18, vm0, $0xb8;
	[tilespmem:$0x1E800] =	vst v63  }
0x47b: {  	v17 =	vadd.s32 v3, v17;
	s24 =	simm.s32 $0x7E80  }
0x47c: {  	[tilespmem:s24], [sflag:$0x3] =	stream.indirect_vreg.gather [hbm4b:s7+s3], $0x80, v19, vm0, $0xb8;
	[tilespmem:$0x1E800] =	vst v63  }
0x47d: {  	s24 =	simm.s32 $0x7F00  }
0x47e: {  	[tilespmem:s24], [sflag:$0x3] =	stream.indirect_vreg.gather [hbm4b:s7+s3], $0x80, v46, vm0, $0xb8;
	[tilespmem:$0x1E800] =	vst v63  }
0x47f: {  	s24 =	simm.s32 $0x7F80  }
0x480: {  	[tilespmem:s24], [sflag:$0x3] =	stream.indirect_vreg.gather [hbm4b:s7+s3], $0x80, v17, vm0, $0xb8;
	[tilespmem:$0x1E800] =	vst v63  }
0x481: {  	v17 =	vld [tilespmem:s10+$0x1B0];
	_ =	sdelay $0x4  }
0x482: {  	v18 =	vshll.u32 v17, $0x1  }
0x483: {  	v17 =	vand.u32 $0x7, v17;
	v18 =	vand.u32 $0xFFFFFFF0, v18  }
0x484: {  	v17 =	vor.u32 v17, v18  }
0x485: {  	v18 =	vperm.xlane v17, v2;
	_ =	sdelay $0x1  }
0x486: {  	v19 =	vperm.xlane v17, v1;
	v18 =	vadd.s32 v3, v18;
	_ =	sdelay $0x1  }
0x487: {  	v47 =	vperm.xlane v17, v4;
	v19 =	vadd.s32 v3, v19;
	_ =	sdelay $0x1  }
0x488: {  	s24 =	simm.s32 $0x8000;
	v48 =	vperm.xlane v17, v5;
	v20 =	vadd.s32 v3, v47  }
0x489: {  	[tilespmem:s24], [sflag:$0x3] =	stream.indirect_vreg.gather [hbm4b:s7+s3], $0x80, v18, vm0, $0xb8;
	[tilespmem:$0x1E800] =	vst v63  }
0x48a: {  	v49 =	vperm.xlane v17, v6;
	v18 =	vadd.s32 v3, v48;
	s24 =	simm.s32 $0x8080  }
0x48b: {  	[tilespmem:s24], [sflag:$0x3] =	stream.indirect_vreg.gather [hbm4b:s7+s3], $0x80, v19, vm0, $0xb8;
	[tilespmem:$0x1E800] =	vst v63  }
0x48c: {  	v50 =	vperm.xlane v17, v7;
	v19 =	vadd.s32 v3, v49;
	s24 =	simm.s32 $0x8100  }
0x48d: {  	[tilespmem:s24], [sflag:$0x3] =	stream.indirect_vreg.gather [hbm4b:s7+s3], $0x80, v20, vm0, $0xb8;
	[tilespmem:$0x1E800] =	vst v63  }
0x48e: {  	v52 =	vperm.xlane v17, v8;
	v51 =	vadd.s32 v3, v50;
	s24 =	simm.s32 $0x8180  }
0x48f: {  	[tilespmem:s24], [sflag:$0x3] =	stream.indirect_vreg.gather [hbm4b:s7+s3], $0x80, v18, vm0, $0xb8;
	[tilespmem:$0x1E800] =	vst v63  }
0x490: {  	v53 =	vperm.xlane v17, v0;
	v18 =	vadd.s32 v3, v52;
	s24 =	simm.s32 $0x8200  }
0x491: {  	[tilespmem:s24], [sflag:$0x3] =	stream.indirect_vreg.gather [hbm4b:s7+s3], $0x80, v19, vm0, $0xb8;
	[tilespmem:$0x1E800] =	vst v63  }
0x492: {  	v54 =	vperm.xlane v17, v9;
	v19 =	vadd.s32 v3, v53;
	s24 =	simm.s32 $0x8280  }
0x493: {  	[tilespmem:s24], [sflag:$0x3] =	stream.indirect_vreg.gather [hbm4b:s7+s3], $0x80, v51, vm0, $0xb8;
	[tilespmem:$0x1E800] =	vst v63  }
0x494: {  	v56 =	vperm.xlane v17, v10;
	v55 =	vadd.s32 v3, v54;
	s24 =	simm.s32 $0x8300  }
0x495: {  	[tilespmem:s24], [sflag:$0x3] =	stream.indirect_vreg.gather [hbm4b:s7+s3], $0x80, v18, vm0, $0xb8;
	[tilespmem:$0x1E800] =	vst v63  }
0x496: {  	v57 =	vperm.xlane v17, v11;
	v18 =	vadd.s32 v3, v56;
	s24 =	simm.s32 $0x8380  }
0x497: {  	[tilespmem:s24], [sflag:$0x3] =	stream.indirect_vreg.gather [hbm4b:s7+s3], $0x80, v19, vm0, $0xb8;
	[tilespmem:$0x1E800] =	vst v63  }
0x498: {  	v58 =	vperm.xlane v17, v12;
	v19 =	vadd.s32 v3, v57;
	s24 =	simm.s32 $0x8400  }
0x499: {  	[tilespmem:s24], [sflag:$0x3] =	stream.indirect_vreg.gather [hbm4b:s7+s3], $0x80, v55, vm0, $0xb8;
	[tilespmem:$0x1E800] =	vst v63  }
0x49a: {  	v60 =	vperm.xlane v17, v13;
	v59 =	vadd.s32 v3, v58;
	s24 =	simm.s32 $0x8480  }
0x49b: {  	[tilespmem:s24], [sflag:$0x3] =	stream.indirect_vreg.gather [hbm4b:s7+s3], $0x80, v18, vm0, $0xb8;
	[tilespmem:$0x1E800] =	vst v63  }
0x49c: {  	v61 =	vperm.xlane v17, v14;
	v18 =	vadd.s32 v3, v60;
	s24 =	simm.s32 $0x8500  }
0x49d: {  	[tilespmem:s24], [sflag:$0x3] =	stream.indirect_vreg.gather [hbm4b:s7+s3], $0x80, v19, vm0, $0xb8;
	[tilespmem:$0x1E800] =	vst v63  }
0x49e: {  	v19 =	vadd.s32 v3, v61;
	s24 =	simm.s32 $0x8580  }
0x49f: {  	v62 =	vperm.xlane v17, v15;
	[tilespmem:s24], [sflag:$0x3] =	stream.indirect_vreg.gather [hbm4b:s7+s3], $0x80, v59, vm0, $0xb8;
	[tilespmem:$0x1E800] =	vst v63  }
0x4a0: {  	s24 =	simm.s32 $0x8600  }
0x4a1: {  	v17 =	vperm.xlane v17, v16;
	v63 =	vadd.s32 v3, v62;
	[tilespmem:s24], [sflag:$0x3] =	stream.indirect_vreg.gather [hbm4b:s7+s3], $0x80, v18, vm0, $0xb8;
	[tilespmem:$0x1E800] =	vst v63  }
0x4a2: {  	s24 =	simm.s32 $0x8680  }
0x4a3: {  	v17 =	vadd.s32 v3, v17;
	[tilespmem:s24], [sflag:$0x3] =	stream.indirect_vreg.gather [hbm4b:s7+s3], $0x80, v19, vm0, $0xb8;
	[tilespmem:$0x1E800] =	vst v63  }
.Ltmp7:
0x4a4: {  	_ = 	snop;
	(pc) =	sbr.rel .LBB2_7-.Ltmp7, $4  }
0x4a5: {  	s24 =	simm.s32 $0x8700  }
0x4a6: {  	[tilespmem:s24], [sflag:$0x3] =	stream.indirect_vreg.gather [hbm4b:s7+s3], $0x80, v63, vm0, $0xb8;
	[tilespmem:$0x1E800] =	vst v63  }
0x4a7: {  	s24 =	simm.s32 $0x8780  }
0x4a8: {  	[tilespmem:s24], [sflag:$0x3] =	stream.indirect_vreg.gather [hbm4b:s7+s3], $0x80, v17, vm0, $0xb8;
	[tilespmem:$0x1E800] =	vst v63  }
.LBB2_8:
0x4a9: {  	s9 =	simm.s32 $0x0  }
0x4aa: {  	s10 =	rddreg [dreg:$0x9];
	s24 =	simm.s32 $0x80;
	s5 =	simm.s32 $0x400  }
0x4ab: {  	[tilespmem:s9], [sflag:$0x5] =	stream.strided.gather [hbm4b:s10+s24], $0x1400, s5, s24, $0x38;
	[tilespmem:$0x1E800] =	vst v63  }
0x4ac: {  	_ =	swait.ge [sflag:s13], $0x1400  }
0x4ad: {  	[sflag:s13] =	ssyncset.done $0x0;
	s11 =	rddreg [dreg:$0x7]  }
0x4ae: {  	[sflag:s13] =	ssyncadd.s32 $0xFFFFEC00;
	s10 =	sadd.s32 $0x1400, s11;
	s11 =	simm.s32 $0x1400  }
0x4af: {  	[tilespmem:s11], [sflag:$0x5] =	stream.strided.gather [hbm4b:s10+s24], $0x1400, s5, s24, $0x38;
	[tilespmem:$0x1E800] =	vst v63  }
0x4b0: {  	_ =	swait.ge [sflag:s13], $0x1400  }
0x4b1: {  	[sflag:s13] =	ssyncset.done $0x0  }
0x4b2: {  	[sflag:s13] =	ssyncadd.s32 $0xFFFFEC00  }
0x4b3: {  	v17 =	vld [tilespmem:$0x0];
	_ =	sdelay $0x4  }
0x4b4: {  	v18 =	vshll.u32 v17, $0x1  }
0x4b5: {  	v17 =	vand.u32 $0x7, v17;
	v18 =	vand.u32 $0xFFFFFFF0, v18  }
0x4b6: {  	v17 =	vor.u32 v17, v18  }
0x4b7: {  	v18 =	vperm.xlane v17, v2;
	_ =	sdelay $0x1  }
0x4b8: {  	v19 =	vperm.xlane v17, v1;
	v18 =	vadd.s32 v3, v18;
	_ =	sdelay $0x1  }
0x4b9: {  	v20 =	vperm.xlane v17, v4;
	v19 =	vadd.s32 v3, v19;
	_ =	sdelay $0x1  }
0x4ba: {  	v21 =	vperm.xlane v17, v5;
	v20 =	vadd.s32 v3, v20  }
0x4bb: {  	[tilespmem:s15], [sflag:$0x1] =	stream.indirect_vreg.gather [hbm4b:s7+s9], $0x80, v18, vm0, $0xb8;
	[tilespmem:$0x1E800] =	vst v63  }
0x4bc: {  	s11 =	simm.s32 $0x2880;
	v62 =	vperm.xlane v17, v6;
	v18 =	vadd.s32 v3, v21  }
0x4bd: {  	[tilespmem:s11], [sflag:$0x1] =	stream.indirect_vreg.gather [hbm4b:s7+s9], $0x80, v19, vm0, $0xb8;
	[tilespmem:$0x1E800] =	vst v63  }
0x4be: {  	s5 =	simm.s32 $0x2900;
	v63 =	vperm.xlane v17, v7;
	v19 =	vadd.s32 v3, v62  }
0x4bf: {  	[tilespmem:s5], [sflag:$0x1] =	stream.indirect_vreg.gather [hbm4b:s7+s9], $0x80, v20, vm0, $0xb8;
	[tilespmem:$0x1E800] =	vst v63  }
0x4c0: {  	s24 =	simm.s32 $0x2980;
	v25 =	vperm.xlane v17, v8;
	v24 =	vadd.s32 v3, v63  }
0x4c1: {  	[tilespmem:s24], [sflag:$0x1] =	stream.indirect_vreg.gather [hbm4b:s7+s9], $0x80, v18, vm0, $0xb8;
	[tilespmem:$0x1E800] =	vst v63  }
0x4c2: {  	s10 =	simm.s32 $0x2A00;
	v26 =	vperm.xlane v17, v0;
	v18 =	vadd.s32 v3, v25  }
0x4c3: {  	[tilespmem:s10], [sflag:$0x1] =	stream.indirect_vreg.gather [hbm4b:s7+s9], $0x80, v19, vm0, $0xb8;
	[tilespmem:$0x1E800] =	vst v63  }
0x4c4: {  	v27 =	vperm.xlane v17, v9;
	s24 =	simm.s32 $0x2A80;
	v19 =	vadd.s32 v3, v26  }
0x4c5: {  	[tilespmem:s24], [sflag:$0x1] =	stream.indirect_vreg.gather [hbm4b:s7+s9], $0x80, v24, vm0, $0xb8;
	[tilespmem:$0x1E800] =	vst v63  }
0x4c6: {  	v29 =	vperm.xlane v17, v10;
	v28 =	vadd.s32 v3, v27;
	s10 =	simm.s32 $0x2B00  }
0x4c7: {  	[tilespmem:s10], [sflag:$0x1] =	stream.indirect_vreg.gather [hbm4b:s7+s9], $0x80, v18, vm0, $0xb8;
	[tilespmem:$0x1E800] =	vst v63  }
0x4c8: {  	v30 =	vperm.xlane v17, v11;
	s24 =	simm.s32 $0x2B80;
	v18 =	vadd.s32 v3, v29  }
0x4c9: {  	[tilespmem:s24], [sflag:$0x1] =	stream.indirect_vreg.gather [hbm4b:s7+s9], $0x80, v19, vm0, $0xb8;
	[tilespmem:$0x1E800] =	vst v63  }
0x4ca: {  	v31 =	vperm.xlane v17, v12;
	s10 =	simm.s32 $0x2C00;
	v19 =	vadd.s32 v3, v30  }
0x4cb: {  	[tilespmem:s10], [sflag:$0x1] =	stream.indirect_vreg.gather [hbm4b:s7+s9], $0x80, v28, vm0, $0xb8;
	[tilespmem:$0x1E800] =	vst v63  }
0x4cc: {  	v33 =	vperm.xlane v17, v13;
	v32 =	vadd.s32 v3, v31;
	s24 =	simm.s32 $0x2C80  }
0x4cd: {  	[tilespmem:s24], [sflag:$0x1] =	stream.indirect_vreg.gather [hbm4b:s7+s9], $0x80, v18, vm0, $0xb8;
	[tilespmem:$0x1E800] =	vst v63  }
0x4ce: {  	v34 =	vperm.xlane v17, v14;
	s10 =	simm.s32 $0x2D00;
	v18 =	vadd.s32 v3, v33  }
0x4cf: {  	[tilespmem:s10], [sflag:$0x1] =	stream.indirect_vreg.gather [hbm4b:s7+s9], $0x80, v19, vm0, $0xb8;
	[tilespmem:$0x1E800] =	vst v63  }
0x4d0: {  	v35 =	vperm.xlane v17, v15;
	s24 =	simm.s32 $0x2D80;
	v19 =	vadd.s32 v3, v34  }
0x4d1: {  	[tilespmem:s24], [sflag:$0x1] =	stream.indirect_vreg.gather [hbm4b:s7+s9], $0x80, v32, vm0, $0xb8;
	[tilespmem:$0x1E800] =	vst v63  }
0x4d2: {  	v17 =	vperm.xlane v17, v16;
	v36 =	vadd.s32 v3, v35;
	s10 =	simm.s32 $0x2E00  }
0x4d3: {  	[tilespmem:s10], [sflag:$0x1] =	stream.indirect_vreg.gather [hbm4b:s7+s9], $0x80, v18, vm0, $0xb8;
	[tilespmem:$0x1E800] =	vst v63  }
0x4d4: {  	v17 =	vadd.s32 v3, v17;
	s24 =	simm.s32 $0x2E80  }
0x4d5: {  	[tilespmem:s24], [sflag:$0x1] =	stream.indirect_vreg.gather [hbm4b:s7+s9], $0x80, v19, vm0, $0xb8;
	[tilespmem:$0x1E800] =	vst v63  }
0x4d6: {  	s10 =	simm.s32 $0x2F00  }
0x4d7: {  	[tilespmem:s10], [sflag:$0x1] =	stream.indirect_vreg.gather [hbm4b:s7+s9], $0x80, v36, vm0, $0xb8;
	[tilespmem:$0x1E800] =	vst v63  }
0x4d8: {  	s24 =	simm.s32 $0x2F80  }
0x4d9: {  	[tilespmem:s24], [sflag:$0x1] =	stream.indirect_vreg.gather [hbm4b:s7+s9], $0x80, v17, vm0, $0xb8;
	[tilespmem:$0x1E800] =	vst v63  }
0x4da: {  	v17 =	vld [tilespmem:$0x10];
	_ =	sdelay $0x4  }
0x4db: {  	v18 =	vshll.u32 v17, $0x1  }
0x4dc: {  	v17 =	vand.u32 $0x7, v17;
	v18 =	vand.u32 $0xFFFFFFF0, v18  }
0x4dd: {  	v17 =	vor.u32 v17, v18  }
0x4de: {  	v18 =	vperm.xlane v17, v2;
	_ =	sdelay $0x1  }
0x4df: {  	v19 =	vperm.xlane v17, v1;
	v18 =	vadd.s32 v3, v18;
	_ =	sdelay $0x1  }
0x4e0: {  	v37 =	vperm.xlane v17, v4;
	v19 =	vadd.s32 v3, v19;
	_ =	sdelay $0x1  }
0x4e1: {  	s10 =	simm.s32 $0x3000;
	v38 =	vperm.xlane v17, v5;
	v20 =	vadd.s32 v3, v37  }
0x4e2: {  	[tilespmem:s10], [sflag:$0x1] =	stream.indirect_vreg.gather [hbm4b:s7+s9], $0x80, v18, vm0, $0xb8;
	[tilespmem:$0x1E800] =	vst v63  }
0x4e3: {  	s24 =	simm.s32 $0x3080;
	v39 =	vperm.xlane v17, v6;
	v18 =	vadd.s32 v3, v38  }
0x4e4: {  	[tilespmem:s24], [sflag:$0x1] =	stream.indirect_vreg.gather [hbm4b:s7+s9], $0x80, v19, vm0, $0xb8;
	[tilespmem:$0x1E800] =	vst v63  }
0x4e5: {  	v40 =	vperm.xlane v17, v7;
	s10 =	simm.s32 $0x3100;
	v19 =	vadd.s32 v3, v39  }
0x4e6: {  	[tilespmem:s10], [sflag:$0x1] =	stream.indirect_vreg.gather [hbm4b:s7+s9], $0x80, v20, vm0, $0xb8;
	[tilespmem:$0x1E800] =	vst v63  }
0x4e7: {  	v42 =	vperm.xlane v17, v8;
	v41 =	vadd.s32 v3, v40;
	s24 =	simm.s32 $0x3180  }
0x4e8: {  	[tilespmem:s24], [sflag:$0x1] =	stream.indirect_vreg.gather [hbm4b:s7+s9], $0x80, v18, vm0, $0xb8;
	[tilespmem:$0x1E800] =	vst v63  }
0x4e9: {  	v43 =	vperm.xlane v17, v0;
	s10 =	simm.s32 $0x3200;
	v18 =	vadd.s32 v3, v42  }
0x4ea: {  	[tilespmem:s10], [sflag:$0x1] =	stream.indirect_vreg.gather [hbm4b:s7+s9], $0x80, v19, vm0, $0xb8;
	[tilespmem:$0x1E800] =	vst v63  }
0x4eb: {  	v44 =	vperm.xlane v17, v9;
	s24 =	simm.s32 $0x3280;
	v19 =	vadd.s32 v3, v43  }
0x4ec: {  	[tilespmem:s24], [sflag:$0x1] =	stream.indirect_vreg.gather [hbm4b:s7+s9], $0x80, v41, vm0, $0xb8;
	[tilespmem:$0x1E800] =	vst v63  }
0x4ed: {  	v46 =	vperm.xlane v17, v10;
	v45 =	vadd.s32 v3, v44;
	s10 =	simm.s32 $0x3300  }
0x4ee: {  	[tilespmem:s10], [sflag:$0x1] =	stream.indirect_vreg.gather [hbm4b:s7+s9], $0x80, v18, vm0, $0xb8;
	[tilespmem:$0x1E800] =	vst v63  }
0x4ef: {  	v47 =	vperm.xlane v17, v11;
	s24 =	simm.s32 $0x3380;
	v18 =	vadd.s32 v3, v46  }
0x4f0: {  	[tilespmem:s24], [sflag:$0x1] =	stream.indirect_vreg.gather [hbm4b:s7+s9], $0x80, v19, vm0, $0xb8;
	[tilespmem:$0x1E800] =	vst v63  }
0x4f1: {  	v48 =	vperm.xlane v17, v12;
	s10 =	simm.s32 $0x3400;
	v19 =	vadd.s32 v3, v47  }
0x4f2: {  	[tilespmem:s10], [sflag:$0x1] =	stream.indirect_vreg.gather [hbm4b:s7+s9], $0x80, v45, vm0, $0xb8;
	[tilespmem:$0x1E800] =	vst v63  }
0x4f3: {  	v50 =	vperm.xlane v17, v13;
	v49 =	vadd.s32 v3, v48;
	s24 =	simm.s32 $0x3480  }
0x4f4: {  	[tilespmem:s24], [sflag:$0x1] =	stream.indirect_vreg.gather [hbm4b:s7+s9], $0x80, v18, vm0, $0xb8;
	[tilespmem:$0x1E800] =	vst v63  }
0x4f5: {  	v51 =	vperm.xlane v17, v14;
	s10 =	simm.s32 $0x3500;
	v18 =	vadd.s32 v3, v50  }
0x4f6: {  	[tilespmem:s10], [sflag:$0x1] =	stream.indirect_vreg.gather [hbm4b:s7+s9], $0x80, v19, vm0, $0xb8;
	[tilespmem:$0x1E800] =	vst v63  }
0x4f7: {  	v52 =	vperm.xlane v17, v15;
	s24 =	simm.s32 $0x3580;
	v19 =	vadd.s32 v3, v51  }
0x4f8: {  	[tilespmem:s24], [sflag:$0x1] =	stream.indirect_vreg.gather [hbm4b:s7+s9], $0x80, v49, vm0, $0xb8;
	[tilespmem:$0x1E800] =	vst v63  }
0x4f9: {  	v17 =	vperm.xlane v17, v16;
	v53 =	vadd.s32 v3, v52;
	s10 =	simm.s32 $0x3600  }
0x4fa: {  	[tilespmem:s10], [sflag:$0x1] =	stream.indirect_vreg.gather [hbm4b:s7+s9], $0x80, v18, vm0, $0xb8;
	[tilespmem:$0x1E800] =	vst v63  }
0x4fb: {  	v17 =	vadd.s32 v3, v17;
	s24 =	simm.s32 $0x3680  }
0x4fc: {  	[tilespmem:s24], [sflag:$0x1] =	stream.indirect_vreg.gather [hbm4b:s7+s9], $0x80, v19, vm0, $0xb8;
	[tilespmem:$0x1E800] =	vst v63  }
0x4fd: {  	s10 =	simm.s32 $0x3700  }
0x4fe: {  	[tilespmem:s10], [sflag:$0x1] =	stream.indirect_vreg.gather [hbm4b:s7+s9], $0x80, v53, vm0, $0xb8;
	[tilespmem:$0x1E800] =	vst v63  }
0x4ff: {  	s24 =	simm.s32 $0x3780  }
0x500: {  	[tilespmem:s24], [sflag:$0x1] =	stream.indirect_vreg.gather [hbm4b:s7+s9], $0x80, v17, vm0, $0xb8;
	[tilespmem:$0x1E800] =	vst v63  }
0x501: {  	v17 =	vld [tilespmem:$0x20];
	_ =	sdelay $0x4  }
0x502: {  	v18 =	vshll.u32 v17, $0x1  }
0x503: {  	v17 =	vand.u32 $0x7, v17;
	v18 =	vand.u32 $0xFFFFFFF0, v18  }
0x504: {  	v17 =	vor.u32 v17, v18  }
0x505: {  	v18 =	vperm.xlane v17, v2;
	_ =	sdelay $0x1  }
0x506: {  	v19 =	vperm.xlane v17, v1;
	v18 =	vadd.s32 v3, v18;
	_ =	sdelay $0x1  }
0x507: {  	v54 =	vperm.xlane v17, v4;
	v19 =	vadd.s32 v3, v19;
	_ =	sdelay $0x1  }
0x508: {  	s10 =	simm.s32 $0x3800;
	v55 =	vperm.xlane v17, v5;
	v20 =	vadd.s32 v3, v54  }
0x509: {  	[tilespmem:s10], [sflag:$0x1] =	stream.indirect_vreg.gather [hbm4b:s7+s9], $0x80, v18, vm0, $0xb8;
	[tilespmem:$0x1E800] =	vst v63  }
0x50a: {  	s24 =	simm.s32 $0x3880;
	v56 =	vperm.xlane v17, v6;
	v18 =	vadd.s32 v3, v55  }
0x50b: {  	[tilespmem:s24], [sflag:$0x1] =	stream.indirect_vreg.gather [hbm4b:s7+s9], $0x80, v19, vm0, $0xb8;
	[tilespmem:$0x1E800] =	vst v63  }
0x50c: {  	v57 =	vperm.xlane v17, v7;
	s10 =	simm.s32 $0x3900;
	v19 =	vadd.s32 v3, v56  }
0x50d: {  	[tilespmem:s10], [sflag:$0x1] =	stream.indirect_vreg.gather [hbm4b:s7+s9], $0x80, v20, vm0, $0xb8;
	[tilespmem:$0x1E800] =	vst v63  }
0x50e: {  	v59 =	vperm.xlane v17, v8;
	v58 =	vadd.s32 v3, v57;
	s24 =	simm.s32 $0x3980  }
0x50f: {  	[tilespmem:s24], [sflag:$0x1] =	stream.indirect_vreg.gather [hbm4b:s7+s9], $0x80, v18, vm0, $0xb8;
	[tilespmem:$0x1E800] =	vst v63  }
0x510: {  	v60 =	vperm.xlane v17, v0;
	s10 =	simm.s32 $0x3A00;
	v18 =	vadd.s32 v3, v59  }
0x511: {  	[tilespmem:s10], [sflag:$0x1] =	stream.indirect_vreg.gather [hbm4b:s7+s9], $0x80, v19, vm0, $0xb8;
	[tilespmem:$0x1E800] =	vst v63  }
0x512: {  	v61 =	vperm.xlane v17, v9;
	s24 =	simm.s32 $0x3A80;
	v19 =	vadd.s32 v3, v60  }
0x513: {  	[tilespmem:s24], [sflag:$0x1] =	stream.indirect_vreg.gather [hbm4b:s7+s9], $0x80, v58, vm0, $0xb8;
	[tilespmem:$0x1E800] =	vst v63  }
0x514: {  	v63 =	vperm.xlane v17, v10;
	v62 =	vadd.s32 v3, v61;
	s10 =	simm.s32 $0x3B00  }
0x515: {  	[tilespmem:s10], [sflag:$0x1] =	stream.indirect_vreg.gather [hbm4b:s7+s9], $0x80, v18, vm0, $0xb8;
	[tilespmem:$0x1E800] =	vst v63  }
0x516: {  	v24 =	vperm.xlane v17, v11;
	s24 =	simm.s32 $0x3B80;
	v18 =	vadd.s32 v3, v63  }
0x517: {  	[tilespmem:s24], [sflag:$0x1] =	stream.indirect_vreg.gather [hbm4b:s7+s9], $0x80, v19, vm0, $0xb8;
	[tilespmem:$0x1E800] =	vst v63  }
0x518: {  	v25 =	vperm.xlane v17, v12;
	s10 =	simm.s32 $0x3C00;
	v19 =	vadd.s32 v3, v24  }
0x519: {  	[tilespmem:s10], [sflag:$0x1] =	stream.indirect_vreg.gather [hbm4b:s7+s9], $0x80, v62, vm0, $0xb8;
	[tilespmem:$0x1E800] =	vst v63  }
0x51a: {  	v27 =	vperm.xlane v17, v13;
	v26 =	vadd.s32 v3, v25;
	s24 =	simm.s32 $0x3C80  }
0x51b: {  	[tilespmem:s24], [sflag:$0x1] =	stream.indirect_vreg.gather [hbm4b:s7+s9], $0x80, v18, vm0, $0xb8;
	[tilespmem:$0x1E800] =	vst v63  }
0x51c: {  	v28 =	vperm.xlane v17, v14;
	s10 =	simm.s32 $0x3D00;
	v18 =	vadd.s32 v3, v27  }
0x51d: {  	[tilespmem:s10], [sflag:$0x1] =	stream.indirect_vreg.gather [hbm4b:s7+s9], $0x80, v19, vm0, $0xb8;
	[tilespmem:$0x1E800] =	vst v63  }
0x51e: {  	v29 =	vperm.xlane v17, v15;
	s24 =	simm.s32 $0x3D80;
	v19 =	vadd.s32 v3, v28  }
0x51f: {  	[tilespmem:s24], [sflag:$0x1] =	stream.indirect_vreg.gather [hbm4b:s7+s9], $0x80, v26, vm0, $0xb8;
	[tilespmem:$0x1E800] =	vst v63  }
0x520: {  	v17 =	vperm.xlane v17, v16;
	v30 =	vadd.s32 v3, v29;
	s10 =	simm.s32 $0x3E00  }
0x521: {  	[tilespmem:s10], [sflag:$0x1] =	stream.indirect_vreg.gather [hbm4b:s7+s9], $0x80, v18, vm0, $0xb8;
	[tilespmem:$0x1E800] =	vst v63  }
0x522: {  	v17 =	vadd.s32 v3, v17;
	s24 =	simm.s32 $0x3E80  }
0x523: {  	[tilespmem:s24], [sflag:$0x1] =	stream.indirect_vreg.gather [hbm4b:s7+s9], $0x80, v19, vm0, $0xb8;
	[tilespmem:$0x1E800] =	vst v63  }
0x524: {  	s10 =	simm.s32 $0x3F00  }
0x525: {  	[tilespmem:s10], [sflag:$0x1] =	stream.indirect_vreg.gather [hbm4b:s7+s9], $0x80, v30, vm0, $0xb8;
	[tilespmem:$0x1E800] =	vst v63  }
0x526: {  	s24 =	simm.s32 $0x3F80  }
0x527: {  	[tilespmem:s24], [sflag:$0x1] =	stream.indirect_vreg.gather [hbm4b:s7+s9], $0x80, v17, vm0, $0xb8;
	[tilespmem:$0x1E800] =	vst v63  }
0x528: {  	v17 =	vld [tilespmem:$0x30];
	_ =	sdelay $0x4  }
0x529: {  	v18 =	vshll.u32 v17, $0x1  }
0x52a: {  	v17 =	vand.u32 $0x7, v17;
	v18 =	vand.u32 $0xFFFFFFF0, v18  }
0x52b: {  	v17 =	vor.u32 v17, v18  }
0x52c: {  	v18 =	vperm.xlane v17, v2;
	_ =	sdelay $0x1  }
0x52d: {  	v19 =	vperm.xlane v17, v1;
	v18 =	vadd.s32 v3, v18;
	_ =	sdelay $0x1  }
0x52e: {  	v31 =	vperm.xlane v17, v4;
	v19 =	vadd.s32 v3, v19;
	_ =	sdelay $0x1  }
0x52f: {  	s10 =	simm.s32 $0x4000;
	v32 =	vperm.xlane v17, v5;
	v20 =	vadd.s32 v3, v31  }
0x530: {  	[tilespmem:s10], [sflag:$0x1] =	stream.indirect_vreg.gather [hbm4b:s7+s9], $0x80, v18, vm0, $0xb8;
	[tilespmem:$0x1E800] =	vst v63  }
0x531: {  	s24 =	simm.s32 $0x4080;
	v33 =	vperm.xlane v17, v6;
	v18 =	vadd.s32 v3, v32  }
0x532: {  	[tilespmem:s24], [sflag:$0x1] =	stream.indirect_vreg.gather [hbm4b:s7+s9], $0x80, v19, vm0, $0xb8;
	[tilespmem:$0x1E800] =	vst v63  }
0x533: {  	v34 =	vperm.xlane v17, v7;
	s10 =	simm.s32 $0x4100;
	v19 =	vadd.s32 v3, v33  }
0x534: {  	[tilespmem:s10], [sflag:$0x1] =	stream.indirect_vreg.gather [hbm4b:s7+s9], $0x80, v20, vm0, $0xb8;
	[tilespmem:$0x1E800] =	vst v63  }
0x535: {  	v36 =	vperm.xlane v17, v8;
	v35 =	vadd.s32 v3, v34;
	s24 =	simm.s32 $0x4180  }
0x536: {  	[tilespmem:s24], [sflag:$0x1] =	stream.indirect_vreg.gather [hbm4b:s7+s9], $0x80, v18, vm0, $0xb8;
	[tilespmem:$0x1E800] =	vst v63  }
0x537: {  	v37 =	vperm.xlane v17, v0;
	s10 =	simm.s32 $0x4200;
	v18 =	vadd.s32 v3, v36  }
0x538: {  	[tilespmem:s10], [sflag:$0x1] =	stream.indirect_vreg.gather [hbm4b:s7+s9], $0x80, v19, vm0, $0xb8;
	[tilespmem:$0x1E800] =	vst v63  }
0x539: {  	v38 =	vperm.xlane v17, v9;
	s24 =	simm.s32 $0x4280;
	v19 =	vadd.s32 v3, v37  }
0x53a: {  	[tilespmem:s24], [sflag:$0x1] =	stream.indirect_vreg.gather [hbm4b:s7+s9], $0x80, v35, vm0, $0xb8;
	[tilespmem:$0x1E800] =	vst v63  }
0x53b: {  	v40 =	vperm.xlane v17, v10;
	v39 =	vadd.s32 v3, v38;
	s10 =	simm.s32 $0x4300  }
0x53c: {  	[tilespmem:s10], [sflag:$0x1] =	stream.indirect_vreg.gather [hbm4b:s7+s9], $0x80, v18, vm0, $0xb8;
	[tilespmem:$0x1E800] =	vst v63  }
0x53d: {  	v41 =	vperm.xlane v17, v11;
	s24 =	simm.s32 $0x4380;
	v18 =	vadd.s32 v3, v40  }
0x53e: {  	[tilespmem:s24], [sflag:$0x1] =	stream.indirect_vreg.gather [hbm4b:s7+s9], $0x80, v19, vm0, $0xb8;
	[tilespmem:$0x1E800] =	vst v63  }
0x53f: {  	v42 =	vperm.xlane v17, v12;
	s10 =	simm.s32 $0x4400;
	v19 =	vadd.s32 v3, v41  }
0x540: {  	[tilespmem:s10], [sflag:$0x1] =	stream.indirect_vreg.gather [hbm4b:s7+s9], $0x80, v39, vm0, $0xb8;
	[tilespmem:$0x1E800] =	vst v63  }
0x541: {  	v44 =	vperm.xlane v17, v13;
	v43 =	vadd.s32 v3, v42;
	s24 =	simm.s32 $0x4480  }
0x542: {  	[tilespmem:s24], [sflag:$0x1] =	stream.indirect_vreg.gather [hbm4b:s7+s9], $0x80, v18, vm0, $0xb8;
	[tilespmem:$0x1E800] =	vst v63  }
0x543: {  	v45 =	vperm.xlane v17, v14;
	s10 =	simm.s32 $0x4500;
	v18 =	vadd.s32 v3, v44  }
0x544: {  	[tilespmem:s10], [sflag:$0x1] =	stream.indirect_vreg.gather [hbm4b:s7+s9], $0x80, v19, vm0, $0xb8;
	[tilespmem:$0x1E800] =	vst v63  }
0x545: {  	v46 =	vperm.xlane v17, v15;
	s24 =	simm.s32 $0x4580;
	v19 =	vadd.s32 v3, v45  }
0x546: {  	[tilespmem:s24], [sflag:$0x1] =	stream.indirect_vreg.gather [hbm4b:s7+s9], $0x80, v43, vm0, $0xb8;
	[tilespmem:$0x1E800] =	vst v63  }
0x547: {  	v17 =	vperm.xlane v17, v16;
	v47 =	vadd.s32 v3, v46;
	s10 =	simm.s32 $0x4600  }
0x548: {  	[tilespmem:s10], [sflag:$0x1] =	stream.indirect_vreg.gather [hbm4b:s7+s9], $0x80, v18, vm0, $0xb8;
	[tilespmem:$0x1E800] =	vst v63  }
0x549: {  	v17 =	vadd.s32 v3, v17;
	s24 =	simm.s32 $0x4680  }
0x54a: {  	[tilespmem:s24], [sflag:$0x1] =	stream.indirect_vreg.gather [hbm4b:s7+s9], $0x80, v19, vm0, $0xb8;
	[tilespmem:$0x1E800] =	vst v63  }
0x54b: {  	s10 =	simm.s32 $0x4700  }
0x54c: {  	[tilespmem:s10], [sflag:$0x1] =	stream.indirect_vreg.gather [hbm4b:s7+s9], $0x80, v47, vm0, $0xb8;
	[tilespmem:$0x1E800] =	vst v63  }
0x54d: {  	s24 =	simm.s32 $0x4780  }
0x54e: {  	[tilespmem:s24], [sflag:$0x1] =	stream.indirect_vreg.gather [hbm4b:s7+s9], $0x80, v17, vm0, $0xb8;
	[tilespmem:$0x1E800] =	vst v63  }
0x54f: {  	v17 =	vld [tilespmem:$0x40];
	_ =	sdelay $0x4  }
0x550: {  	v18 =	vshll.u32 v17, $0x1  }
0x551: {  	v17 =	vand.u32 $0x7, v17;
	v18 =	vand.u32 $0xFFFFFFF0, v18  }
0x552: {  	v17 =	vor.u32 v17, v18  }
0x553: {  	v18 =	vperm.xlane v17, v2;
	_ =	sdelay $0x1  }
0x554: {  	v19 =	vperm.xlane v17, v1;
	v18 =	vadd.s32 v3, v18;
	_ =	sdelay $0x1  }
0x555: {  	v48 =	vperm.xlane v17, v4;
	v19 =	vadd.s32 v3, v19;
	_ =	sdelay $0x1  }
0x556: {  	v49 =	vperm.xlane v17, v5;
	v20 =	vadd.s32 v3, v48  }
0x557: {  	[tilespmem:s29], [sflag:$0x2] =	stream.indirect_vreg.gather [hbm4b:s7+s9], $0x80, v18, vm0, $0xb8;
	[tilespmem:$0x1E800] =	vst v63  }
0x558: {  	s10 =	simm.s32 $0x4880;
	v50 =	vperm.xlane v17, v6;
	v18 =	vadd.s32 v3, v49  }
0x559: {  	[tilespmem:s10], [sflag:$0x2] =	stream.indirect_vreg.gather [hbm4b:s7+s9], $0x80, v19, vm0, $0xb8;
	[tilespmem:$0x1E800] =	vst v63  }
0x55a: {  	s24 =	simm.s32 $0x4900;
	v51 =	vperm.xlane v17, v7;
	v19 =	vadd.s32 v3, v50  }
0x55b: {  	[tilespmem:s24], [sflag:$0x2] =	stream.indirect_vreg.gather [hbm4b:s7+s9], $0x80, v20, vm0, $0xb8;
	[tilespmem:$0x1E800] =	vst v63  }
0x55c: {  	v53 =	vperm.xlane v17, v8;
	v52 =	vadd.s32 v3, v51;
	s10 =	simm.s32 $0x4980  }
0x55d: {  	[tilespmem:s10], [sflag:$0x2] =	stream.indirect_vreg.gather [hbm4b:s7+s9], $0x80, v18, vm0, $0xb8;
	[tilespmem:$0x1E800] =	vst v63  }
0x55e: {  	v54 =	vperm.xlane v17, v0;
	s24 =	simm.s32 $0x4A00;
	v18 =	vadd.s32 v3, v53  }
0x55f: {  	[tilespmem:s24], [sflag:$0x2] =	stream.indirect_vreg.gather [hbm4b:s7+s9], $0x80, v19, vm0, $0xb8;
	[tilespmem:$0x1E800] =	vst v63  }
0x560: {  	v55 =	vperm.xlane v17, v9;
	s10 =	simm.s32 $0x4A80;
	v19 =	vadd.s32 v3, v54  }
0x561: {  	[tilespmem:s10], [sflag:$0x2] =	stream.indirect_vreg.gather [hbm4b:s7+s9], $0x80, v52, vm0, $0xb8;
	[tilespmem:$0x1E800] =	vst v63  }
0x562: {  	v57 =	vperm.xlane v17, v10;
	v56 =	vadd.s32 v3, v55;
	s24 =	simm.s32 $0x4B00  }
0x563: {  	[tilespmem:s24], [sflag:$0x2] =	stream.indirect_vreg.gather [hbm4b:s7+s9], $0x80, v18, vm0, $0xb8;
	[tilespmem:$0x1E800] =	vst v63  }
0x564: {  	v58 =	vperm.xlane v17, v11;
	s10 =	simm.s32 $0x4B80;
	v18 =	vadd.s32 v3, v57  }
0x565: {  	[tilespmem:s10], [sflag:$0x2] =	stream.indirect_vreg.gather [hbm4b:s7+s9], $0x80, v19, vm0, $0xb8;
	[tilespmem:$0x1E800] =	vst v63  }
0x566: {  	v59 =	vperm.xlane v17, v12;
	s24 =	simm.s32 $0x4C00;
	v19 =	vadd.s32 v3, v58  }
0x567: {  	[tilespmem:s24], [sflag:$0x2] =	stream.indirect_vreg.gather [hbm4b:s7+s9], $0x80, v56, vm0, $0xb8;
	[tilespmem:$0x1E800] =	vst v63  }
0x568: {  	v61 =	vperm.xlane v17, v13;
	v60 =	vadd.s32 v3, v59;
	s10 =	simm.s32 $0x4C80  }
0x569: {  	[tilespmem:s10], [sflag:$0x2] =	stream.indirect_vreg.gather [hbm4b:s7+s9], $0x80, v18, vm0, $0xb8;
	[tilespmem:$0x1E800] =	vst v63  }
0x56a: {  	v62 =	vperm.xlane v17, v14;
	s24 =	simm.s32 $0x4D00;
	v18 =	vadd.s32 v3, v61  }
0x56b: {  	[tilespmem:s24], [sflag:$0x2] =	stream.indirect_vreg.gather [hbm4b:s7+s9], $0x80, v19, vm0, $0xb8;
	[tilespmem:$0x1E800] =	vst v63  }
0x56c: {  	v63 =	vperm.xlane v17, v15;
	s10 =	simm.s32 $0x4D80;
	v19 =	vadd.s32 v3, v62  }
0x56d: {  	[tilespmem:s10], [sflag:$0x2] =	stream.indirect_vreg.gather [hbm4b:s7+s9], $0x80, v60, vm0, $0xb8;
	[tilespmem:$0x1E800] =	vst v63  }
0x56e: {  	v17 =	vperm.xlane v17, v16;
	v24 =	vadd.s32 v3, v63;
	s24 =	simm.s32 $0x4E00  }
0x56f: {  	[tilespmem:s24], [sflag:$0x2] =	stream.indirect_vreg.gather [hbm4b:s7+s9], $0x80, v18, vm0, $0xb8;
	[tilespmem:$0x1E800] =	vst v63  }
0x570: {  	v17 =	vadd.s32 v3, v17;
	s10 =	simm.s32 $0x4E80  }
0x571: {  	[tilespmem:s10], [sflag:$0x2] =	stream.indirect_vreg.gather [hbm4b:s7+s9], $0x80, v19, vm0, $0xb8;
	[tilespmem:$0x1E800] =	vst v63  }
0x572: {  	s24 =	simm.s32 $0x4F00  }
0x573: {  	[tilespmem:s24], [sflag:$0x2] =	stream.indirect_vreg.gather [hbm4b:s7+s9], $0x80, v24, vm0, $0xb8;
	[tilespmem:$0x1E800] =	vst v63  }
0x574: {  	s10 =	simm.s32 $0x4F80  }
0x575: {  	[tilespmem:s10], [sflag:$0x2] =	stream.indirect_vreg.gather [hbm4b:s7+s9], $0x80, v17, vm0, $0xb8;
	[tilespmem:$0x1E800] =	vst v63  }
0x576: {  	v17 =	vld [tilespmem:$0x50];
	_ =	sdelay $0x4  }
0x577: {  	v18 =	vshll.u32 v17, $0x1  }
0x578: {  	v17 =	vand.u32 $0x7, v17;
	v18 =	vand.u32 $0xFFFFFFF0, v18  }
0x579: {  	v17 =	vor.u32 v17, v18  }
0x57a: {  	v18 =	vperm.xlane v17, v2;
	_ =	sdelay $0x1  }
0x57b: {  	v19 =	vperm.xlane v17, v1;
	v18 =	vadd.s32 v3, v18;
	_ =	sdelay $0x1  }
0x57c: {  	v25 =	vperm.xlane v17, v4;
	v19 =	vadd.s32 v3, v19;
	_ =	sdelay $0x1  }
0x57d: {  	s24 =	simm.s32 $0x5000;
	v26 =	vperm.xlane v17, v5;
	v20 =	vadd.s32 v3, v25  }
0x57e: {  	[tilespmem:s24], [sflag:$0x2] =	stream.indirect_vreg.gather [hbm4b:s7+s9], $0x80, v18, vm0, $0xb8;
	[tilespmem:$0x1E800] =	vst v63  }
0x57f: {  	s10 =	simm.s32 $0x5080;
	v27 =	vperm.xlane v17, v6;
	v18 =	vadd.s32 v3, v26  }
0x580: {  	[tilespmem:s10], [sflag:$0x2] =	stream.indirect_vreg.gather [hbm4b:s7+s9], $0x80, v19, vm0, $0xb8;
	[tilespmem:$0x1E800] =	vst v63  }
0x581: {  	v28 =	vperm.xlane v17, v7;
	s24 =	simm.s32 $0x5100;
	v19 =	vadd.s32 v3, v27  }
0x582: {  	[tilespmem:s24], [sflag:$0x2] =	stream.indirect_vreg.gather [hbm4b:s7+s9], $0x80, v20, vm0, $0xb8;
	[tilespmem:$0x1E800] =	vst v63  }
0x583: {  	v30 =	vperm.xlane v17, v8;
	v29 =	vadd.s32 v3, v28;
	s10 =	simm.s32 $0x5180  }
0x584: {  	[tilespmem:s10], [sflag:$0x2] =	stream.indirect_vreg.gather [hbm4b:s7+s9], $0x80, v18, vm0, $0xb8;
	[tilespmem:$0x1E800] =	vst v63  }
0x585: {  	v31 =	vperm.xlane v17, v0;
	s24 =	simm.s32 $0x5200;
	v18 =	vadd.s32 v3, v30  }
0x586: {  	[tilespmem:s24], [sflag:$0x2] =	stream.indirect_vreg.gather [hbm4b:s7+s9], $0x80, v19, vm0, $0xb8;
	[tilespmem:$0x1E800] =	vst v63  }
0x587: {  	v32 =	vperm.xlane v17, v9;
	s10 =	simm.s32 $0x5280;
	v19 =	vadd.s32 v3, v31  }
0x588: {  	[tilespmem:s10], [sflag:$0x2] =	stream.indirect_vreg.gather [hbm4b:s7+s9], $0x80, v29, vm0, $0xb8;
	[tilespmem:$0x1E800] =	vst v63  }
0x589: {  	v34 =	vperm.xlane v17, v10;
	v33 =	vadd.s32 v3, v32;
	s24 =	simm.s32 $0x5300  }
0x58a: {  	[tilespmem:s24], [sflag:$0x2] =	stream.indirect_vreg.gather [hbm4b:s7+s9], $0x80, v18, vm0, $0xb8;
	[tilespmem:$0x1E800] =	vst v63  }
0x58b: {  	v35 =	vperm.xlane v17, v11;
	s10 =	simm.s32 $0x5380;
	v18 =	vadd.s32 v3, v34  }
0x58c: {  	[tilespmem:s10], [sflag:$0x2] =	stream.indirect_vreg.gather [hbm4b:s7+s9], $0x80, v19, vm0, $0xb8;
	[tilespmem:$0x1E800] =	vst v63  }
0x58d: {  	v36 =	vperm.xlane v17, v12;
	s24 =	simm.s32 $0x5400;
	v19 =	vadd.s32 v3, v35  }
0x58e: {  	[tilespmem:s24], [sflag:$0x2] =	stream.indirect_vreg.gather [hbm4b:s7+s9], $0x80, v33, vm0, $0xb8;
	[tilespmem:$0x1E800] =	vst v63  }
0x58f: {  	v38 =	vperm.xlane v17, v13;
	v37 =	vadd.s32 v3, v36;
	s10 =	simm.s32 $0x5480  }
0x590: {  	[tilespmem:s10], [sflag:$0x2] =	stream.indirect_vreg.gather [hbm4b:s7+s9], $0x80, v18, vm0, $0xb8;
	[tilespmem:$0x1E800] =	vst v63  }
0x591: {  	v39 =	vperm.xlane v17, v14;
	s24 =	simm.s32 $0x5500;
	v18 =	vadd.s32 v3, v38  }
0x592: {  	[tilespmem:s24], [sflag:$0x2] =	stream.indirect_vreg.gather [hbm4b:s7+s9], $0x80, v19, vm0, $0xb8;
	[tilespmem:$0x1E800] =	vst v63  }
0x593: {  	v40 =	vperm.xlane v17, v15;
	s10 =	simm.s32 $0x5580;
	v19 =	vadd.s32 v3, v39  }
0x594: {  	[tilespmem:s10], [sflag:$0x2] =	stream.indirect_vreg.gather [hbm4b:s7+s9], $0x80, v37, vm0, $0xb8;
	[tilespmem:$0x1E800] =	vst v63  }
0x595: {  	v17 =	vperm.xlane v17, v16;
	v41 =	vadd.s32 v3, v40;
	s24 =	simm.s32 $0x5600  }
0x596: {  	[tilespmem:s24], [sflag:$0x2] =	stream.indirect_vreg.gather [hbm4b:s7+s9], $0x80, v18, vm0, $0xb8;
	[tilespmem:$0x1E800] =	vst v63  }
0x597: {  	v17 =	vadd.s32 v3, v17;
	s10 =	simm.s32 $0x5680  }
0x598: {  	[tilespmem:s10], [sflag:$0x2] =	stream.indirect_vreg.gather [hbm4b:s7+s9], $0x80, v19, vm0, $0xb8;
	[tilespmem:$0x1E800] =	vst v63  }
0x599: {  	s24 =	simm.s32 $0x5700  }
0x59a: {  	[tilespmem:s24], [sflag:$0x2] =	stream.indirect_vreg.gather [hbm4b:s7+s9], $0x80, v41, vm0, $0xb8;
	[tilespmem:$0x1E800] =	vst v63  }
0x59b: {  	s10 =	simm.s32 $0x5780  }
0x59c: {  	[tilespmem:s10], [sflag:$0x2] =	stream.indirect_vreg.gather [hbm4b:s7+s9], $0x80, v17, vm0, $0xb8;
	[tilespmem:$0x1E800] =	vst v63  }
0x59d: {  	v17 =	vld [tilespmem:$0x60];
	_ =	sdelay $0x4  }
0x59e: {  	v18 =	vshll.u32 v17, $0x1  }
0x59f: {  	v17 =	vand.u32 $0x7, v17;
	v18 =	vand.u32 $0xFFFFFFF0, v18  }
0x5a0: {  	v17 =	vor.u32 v17, v18  }
0x5a1: {  	v18 =	vperm.xlane v17, v2;
	_ =	sdelay $0x1  }
0x5a2: {  	v19 =	vperm.xlane v17, v1;
	v18 =	vadd.s32 v3, v18;
	_ =	sdelay $0x1  }
0x5a3: {  	v42 =	vperm.xlane v17, v4;
	v19 =	vadd.s32 v3, v19;
	_ =	sdelay $0x1  }
0x5a4: {  	s24 =	simm.s32 $0x5800;
	v43 =	vperm.xlane v17, v5;
	v20 =	vadd.s32 v3, v42  }
0x5a5: {  	[tilespmem:s24], [sflag:$0x2] =	stream.indirect_vreg.gather [hbm4b:s7+s9], $0x80, v18, vm0, $0xb8;
	[tilespmem:$0x1E800] =	vst v63  }
0x5a6: {  	s10 =	simm.s32 $0x5880;
	v44 =	vperm.xlane v17, v6;
	v18 =	vadd.s32 v3, v43  }
0x5a7: {  	[tilespmem:s10], [sflag:$0x2] =	stream.indirect_vreg.gather [hbm4b:s7+s9], $0x80, v19, vm0, $0xb8;
	[tilespmem:$0x1E800] =	vst v63  }
0x5a8: {  	v45 =	vperm.xlane v17, v7;
	s24 =	simm.s32 $0x5900;
	v19 =	vadd.s32 v3, v44  }
0x5a9: {  	[tilespmem:s24], [sflag:$0x2] =	stream.indirect_vreg.gather [hbm4b:s7+s9], $0x80, v20, vm0, $0xb8;
	[tilespmem:$0x1E800] =	vst v63  }
0x5aa: {  	v47 =	vperm.xlane v17, v8;
	v46 =	vadd.s32 v3, v45;
	s10 =	simm.s32 $0x5980  }
0x5ab: {  	[tilespmem:s10], [sflag:$0x2] =	stream.indirect_vreg.gather [hbm4b:s7+s9], $0x80, v18, vm0, $0xb8;
	[tilespmem:$0x1E800] =	vst v63  }
0x5ac: {  	v48 =	vperm.xlane v17, v0;
	s24 =	simm.s32 $0x5A00;
	v18 =	vadd.s32 v3, v47  }
0x5ad: {  	[tilespmem:s24], [sflag:$0x2] =	stream.indirect_vreg.gather [hbm4b:s7+s9], $0x80, v19, vm0, $0xb8;
	[tilespmem:$0x1E800] =	vst v63  }
0x5ae: {  	v49 =	vperm.xlane v17, v9;
	s10 =	simm.s32 $0x5A80;
	v19 =	vadd.s32 v3, v48  }
0x5af: {  	[tilespmem:s10], [sflag:$0x2] =	stream.indirect_vreg.gather [hbm4b:s7+s9], $0x80, v46, vm0, $0xb8;
	[tilespmem:$0x1E800] =	vst v63  }
0x5b0: {  	v51 =	vperm.xlane v17, v10;
	v50 =	vadd.s32 v3, v49;
	s24 =	simm.s32 $0x5B00  }
0x5b1: {  	[tilespmem:s24], [sflag:$0x2] =	stream.indirect_vreg.gather [hbm4b:s7+s9], $0x80, v18, vm0, $0xb8;
	[tilespmem:$0x1E800] =	vst v63  }
0x5b2: {  	v52 =	vperm.xlane v17, v11;
	s10 =	simm.s32 $0x5B80;
	v18 =	vadd.s32 v3, v51  }
0x5b3: {  	[tilespmem:s10], [sflag:$0x2] =	stream.indirect_vreg.gather [hbm4b:s7+s9], $0x80, v19, vm0, $0xb8;
	[tilespmem:$0x1E800] =	vst v63  }
0x5b4: {  	v53 =	vperm.xlane v17, v12;
	s24 =	simm.s32 $0x5C00;
	v19 =	vadd.s32 v3, v52  }
0x5b5: {  	[tilespmem:s24], [sflag:$0x2] =	stream.indirect_vreg.gather [hbm4b:s7+s9], $0x80, v50, vm0, $0xb8;
	[tilespmem:$0x1E800] =	vst v63  }
0x5b6: {  	v55 =	vperm.xlane v17, v13;
	v54 =	vadd.s32 v3, v53;
	s10 =	simm.s32 $0x5C80  }
0x5b7: {  	[tilespmem:s10], [sflag:$0x2] =	stream.indirect_vreg.gather [hbm4b:s7+s9], $0x80, v18, vm0, $0xb8;
	[tilespmem:$0x1E800] =	vst v63  }
0x5b8: {  	v56 =	vperm.xlane v17, v14;
	s24 =	simm.s32 $0x5D00;
	v18 =	vadd.s32 v3, v55  }
0x5b9: {  	[tilespmem:s24], [sflag:$0x2] =	stream.indirect_vreg.gather [hbm4b:s7+s9], $0x80, v19, vm0, $0xb8;
	[tilespmem:$0x1E800] =	vst v63  }
0x5ba: {  	v57 =	vperm.xlane v17, v15;
	s10 =	simm.s32 $0x5D80;
	v19 =	vadd.s32 v3, v56  }
0x5bb: {  	[tilespmem:s10], [sflag:$0x2] =	stream.indirect_vreg.gather [hbm4b:s7+s9], $0x80, v54, vm0, $0xb8;
	[tilespmem:$0x1E800] =	vst v63  }
0x5bc: {  	v17 =	vperm.xlane v17, v16;
	v58 =	vadd.s32 v3, v57;
	s24 =	simm.s32 $0x5E00  }
0x5bd: {  	[tilespmem:s24], [sflag:$0x2] =	stream.indirect_vreg.gather [hbm4b:s7+s9], $0x80, v18, vm0, $0xb8;
	[tilespmem:$0x1E800] =	vst v63  }
0x5be: {  	v17 =	vadd.s32 v3, v17;
	s10 =	simm.s32 $0x5E80  }
0x5bf: {  	[tilespmem:s10], [sflag:$0x2] =	stream.indirect_vreg.gather [hbm4b:s7+s9], $0x80, v19, vm0, $0xb8;
	[tilespmem:$0x1E800] =	vst v63  }
0x5c0: {  	s24 =	simm.s32 $0x5F00  }
0x5c1: {  	[tilespmem:s24], [sflag:$0x2] =	stream.indirect_vreg.gather [hbm4b:s7+s9], $0x80, v58, vm0, $0xb8;
	[tilespmem:$0x1E800] =	vst v63  }
0x5c2: {  	s10 =	simm.s32 $0x5F80  }
0x5c3: {  	[tilespmem:s10], [sflag:$0x2] =	stream.indirect_vreg.gather [hbm4b:s7+s9], $0x80, v17, vm0, $0xb8;
	[tilespmem:$0x1E800] =	vst v63  }
0x5c4: {  	v17 =	vld [tilespmem:$0x70];
	_ =	sdelay $0x4  }
0x5c5: {  	v18 =	vshll.u32 v17, $0x1  }
0x5c6: {  	v17 =	vand.u32 $0x7, v17;
	v18 =	vand.u32 $0xFFFFFFF0, v18  }
0x5c7: {  	v17 =	vor.u32 v17, v18  }
0x5c8: {  	v18 =	vperm.xlane v17, v2;
	_ =	sdelay $0x1  }
0x5c9: {  	v19 =	vperm.xlane v17, v1;
	v18 =	vadd.s32 v3, v18;
	_ =	sdelay $0x1  }
0x5ca: {  	v59 =	vperm.xlane v17, v4;
	v19 =	vadd.s32 v3, v19;
	_ =	sdelay $0x1  }
0x5cb: {  	s24 =	simm.s32 $0x6000;
	v60 =	vperm.xlane v17, v5;
	v20 =	vadd.s32 v3, v59  }
0x5cc: {  	[tilespmem:s24], [sflag:$0x2] =	stream.indirect_vreg.gather [hbm4b:s7+s9], $0x80, v18, vm0, $0xb8;
	[tilespmem:$0x1E800] =	vst v63  }
0x5cd: {  	s10 =	simm.s32 $0x6080;
	v61 =	vperm.xlane v17, v6;
	v18 =	vadd.s32 v3, v60  }
0x5ce: {  	[tilespmem:s10], [sflag:$0x2] =	stream.indirect_vreg.gather [hbm4b:s7+s9], $0x80, v19, vm0, $0xb8;
	[tilespmem:$0x1E800] =	vst v63  }
0x5cf: {  	v62 =	vperm.xlane v17, v7;
	s24 =	simm.s32 $0x6100;
	v19 =	vadd.s32 v3, v61  }
0x5d0: {  	[tilespmem:s24], [sflag:$0x2] =	stream.indirect_vreg.gather [hbm4b:s7+s9], $0x80, v20, vm0, $0xb8;
	[tilespmem:$0x1E800] =	vst v63  }
0x5d1: {  	v24 =	vperm.xlane v17, v8;
	v63 =	vadd.s32 v3, v62;
	s10 =	simm.s32 $0x6180  }
0x5d2: {  	[tilespmem:s10], [sflag:$0x2] =	stream.indirect_vreg.gather [hbm4b:s7+s9], $0x80, v18, vm0, $0xb8;
	[tilespmem:$0x1E800] =	vst v63  }
0x5d3: {  	v25 =	vperm.xlane v17, v0;
	s24 =	simm.s32 $0x6200;
	v18 =	vadd.s32 v3, v24  }
0x5d4: {  	[tilespmem:s24], [sflag:$0x2] =	stream.indirect_vreg.gather [hbm4b:s7+s9], $0x80, v19, vm0, $0xb8;
	[tilespmem:$0x1E800] =	vst v63  }
0x5d5: {  	v26 =	vperm.xlane v17, v9;
	s10 =	simm.s32 $0x6280;
	v19 =	vadd.s32 v3, v25  }
0x5d6: {  	[tilespmem:s10], [sflag:$0x2] =	stream.indirect_vreg.gather [hbm4b:s7+s9], $0x80, v63, vm0, $0xb8;
	[tilespmem:$0x1E800] =	vst v63  }
0x5d7: {  	v28 =	vperm.xlane v17, v10;
	v27 =	vadd.s32 v3, v26;
	s24 =	simm.s32 $0x6300  }
0x5d8: {  	[tilespmem:s24], [sflag:$0x2] =	stream.indirect_vreg.gather [hbm4b:s7+s9], $0x80, v18, vm0, $0xb8;
	[tilespmem:$0x1E800] =	vst v63  }
0x5d9: {  	v29 =	vperm.xlane v17, v11;
	s10 =	simm.s32 $0x6380;
	v18 =	vadd.s32 v3, v28  }
0x5da: {  	[tilespmem:s10], [sflag:$0x2] =	stream.indirect_vreg.gather [hbm4b:s7+s9], $0x80, v19, vm0, $0xb8;
	[tilespmem:$0x1E800] =	vst v63  }
0x5db: {  	v30 =	vperm.xlane v17, v12;
	s24 =	simm.s32 $0x6400;
	v19 =	vadd.s32 v3, v29  }
0x5dc: {  	[tilespmem:s24], [sflag:$0x2] =	stream.indirect_vreg.gather [hbm4b:s7+s9], $0x80, v27, vm0, $0xb8;
	[tilespmem:$0x1E800] =	vst v63  }
0x5dd: {  	v32 =	vperm.xlane v17, v13;
	v31 =	vadd.s32 v3, v30;
	s10 =	simm.s32 $0x6480  }
0x5de: {  	[tilespmem:s10], [sflag:$0x2] =	stream.indirect_vreg.gather [hbm4b:s7+s9], $0x80, v18, vm0, $0xb8;
	[tilespmem:$0x1E800] =	vst v63  }
0x5df: {  	v33 =	vperm.xlane v17, v14;
	s24 =	simm.s32 $0x6500;
	v18 =	vadd.s32 v3, v32  }
0x5e0: {  	[tilespmem:s24], [sflag:$0x2] =	stream.indirect_vreg.gather [hbm4b:s7+s9], $0x80, v19, vm0, $0xb8;
	[tilespmem:$0x1E800] =	vst v63  }
0x5e1: {  	v34 =	vperm.xlane v17, v15;
	s10 =	simm.s32 $0x6580;
	v19 =	vadd.s32 v3, v33  }
0x5e2: {  	[tilespmem:s10], [sflag:$0x2] =	stream.indirect_vreg.gather [hbm4b:s7+s9], $0x80, v31, vm0, $0xb8;
	[tilespmem:$0x1E800] =	vst v63  }
0x5e3: {  	v17 =	vperm.xlane v17, v16;
	v35 =	vadd.s32 v3, v34;
	s24 =	simm.s32 $0x6600  }
0x5e4: {  	[tilespmem:s24], [sflag:$0x2] =	stream.indirect_vreg.gather [hbm4b:s7+s9], $0x80, v18, vm0, $0xb8;
	[tilespmem:$0x1E800] =	vst v63  }
0x5e5: {  	v17 =	vadd.s32 v3, v17;
	s10 =	simm.s32 $0x6680  }
0x5e6: {  	[tilespmem:s10], [sflag:$0x2] =	stream.indirect_vreg.gather [hbm4b:s7+s9], $0x80, v19, vm0, $0xb8;
	[tilespmem:$0x1E800] =	vst v63  }
0x5e7: {  	s24 =	simm.s32 $0x6700  }
0x5e8: {  	[tilespmem:s24], [sflag:$0x2] =	stream.indirect_vreg.gather [hbm4b:s7+s9], $0x80, v35, vm0, $0xb8;
	[tilespmem:$0x1E800] =	vst v63  }
0x5e9: {  	s10 =	simm.s32 $0x6780  }
0x5ea: {  	[tilespmem:s10], [sflag:$0x2] =	stream.indirect_vreg.gather [hbm4b:s7+s9], $0x80, v17, vm0, $0xb8;
	[tilespmem:$0x1E800] =	vst v63  }
0x5eb: {  	v17 =	vld [tilespmem:$0x80];
	_ =	sdelay $0x4  }
0x5ec: {  	v18 =	vshll.u32 v17, $0x1  }
0x5ed: {  	v17 =	vand.u32 $0x7, v17;
	v18 =	vand.u32 $0xFFFFFFF0, v18  }
0x5ee: {  	v17 =	vor.u32 v17, v18  }
0x5ef: {  	v18 =	vperm.xlane v17, v2;
	_ =	sdelay $0x1  }
0x5f0: {  	v19 =	vperm.xlane v17, v1;
	v18 =	vadd.s32 v3, v18;
	_ =	sdelay $0x1  }
0x5f1: {  	v36 =	vperm.xlane v17, v4;
	v19 =	vadd.s32 v3, v19;
	_ =	sdelay $0x1  }
0x5f2: {  	v37 =	vperm.xlane v17, v5;
	v20 =	vadd.s32 v3, v36  }
0x5f3: {  	[tilespmem:s6], [sflag:$0x3] =	stream.indirect_vreg.gather [hbm4b:s7+s9], $0x80, v18, vm0, $0xb8;
	[tilespmem:$0x1E800] =	vst v63  }
0x5f4: {  	s24 =	simm.s32 $0x6880;
	v38 =	vperm.xlane v17, v6;
	v18 =	vadd.s32 v3, v37  }
0x5f5: {  	[tilespmem:s24], [sflag:$0x3] =	stream.indirect_vreg.gather [hbm4b:s7+s9], $0x80, v19, vm0, $0xb8;
	[tilespmem:$0x1E800] =	vst v63  }
0x5f6: {  	s10 =	simm.s32 $0x6900;
	v39 =	vperm.xlane v17, v7;
	v19 =	vadd.s32 v3, v38  }
0x5f7: {  	[tilespmem:s10], [sflag:$0x3] =	stream.indirect_vreg.gather [hbm4b:s7+s9], $0x80, v20, vm0, $0xb8;
	[tilespmem:$0x1E800] =	vst v63  }
0x5f8: {  	v41 =	vperm.xlane v17, v8;
	v40 =	vadd.s32 v3, v39;
	s24 =	simm.s32 $0x6980  }
0x5f9: {  	[tilespmem:s24], [sflag:$0x3] =	stream.indirect_vreg.gather [hbm4b:s7+s9], $0x80, v18, vm0, $0xb8;
	[tilespmem:$0x1E800] =	vst v63  }
0x5fa: {  	v42 =	vperm.xlane v17, v0;
	s10 =	simm.s32 $0x6A00;
	v18 =	vadd.s32 v3, v41  }
0x5fb: {  	[tilespmem:s10], [sflag:$0x3] =	stream.indirect_vreg.gather [hbm4b:s7+s9], $0x80, v19, vm0, $0xb8;
	[tilespmem:$0x1E800] =	vst v63  }
0x5fc: {  	v43 =	vperm.xlane v17, v9;
	s24 =	simm.s32 $0x6A80;
	v19 =	vadd.s32 v3, v42  }
0x5fd: {  	[tilespmem:s24], [sflag:$0x3] =	stream.indirect_vreg.gather [hbm4b:s7+s9], $0x80, v40, vm0, $0xb8;
	[tilespmem:$0x1E800] =	vst v63  }
0x5fe: {  	v45 =	vperm.xlane v17, v10;
	v44 =	vadd.s32 v3, v43;
	s10 =	simm.s32 $0x6B00  }
0x5ff: {  	[tilespmem:s10], [sflag:$0x3] =	stream.indirect_vreg.gather [hbm4b:s7+s9], $0x80, v18, vm0, $0xb8;
	[tilespmem:$0x1E800] =	vst v63  }
0x600: {  	v46 =	vperm.xlane v17, v11;
	s24 =	simm.s32 $0x6B80;
	v18 =	vadd.s32 v3, v45  }
0x601: {  	[tilespmem:s24], [sflag:$0x3] =	stream.indirect_vreg.gather [hbm4b:s7+s9], $0x80, v19, vm0, $0xb8;
	[tilespmem:$0x1E800] =	vst v63  }
0x602: {  	v47 =	vperm.xlane v17, v12;
	s10 =	simm.s32 $0x6C00;
	v19 =	vadd.s32 v3, v46  }
0x603: {  	[tilespmem:s10], [sflag:$0x3] =	stream.indirect_vreg.gather [hbm4b:s7+s9], $0x80, v44, vm0, $0xb8;
	[tilespmem:$0x1E800] =	vst v63  }
0x604: {  	v49 =	vperm.xlane v17, v13;
	v48 =	vadd.s32 v3, v47;
	s24 =	simm.s32 $0x6C80  }
0x605: {  	[tilespmem:s24], [sflag:$0x3] =	stream.indirect_vreg.gather [hbm4b:s7+s9], $0x80, v18, vm0, $0xb8;
	[tilespmem:$0x1E800] =	vst v63  }
0x606: {  	v50 =	vperm.xlane v17, v14;
	s10 =	simm.s32 $0x6D00;
	v18 =	vadd.s32 v3, v49  }
0x607: {  	[tilespmem:s10], [sflag:$0x3] =	stream.indirect_vreg.gather [hbm4b:s7+s9], $0x80, v19, vm0, $0xb8;
	[tilespmem:$0x1E800] =	vst v63  }
0x608: {  	v51 =	vperm.xlane v17, v15;
	s24 =	simm.s32 $0x6D80;
	v19 =	vadd.s32 v3, v50  }
0x609: {  	[tilespmem:s24], [sflag:$0x3] =	stream.indirect_vreg.gather [hbm4b:s7+s9], $0x80, v48, vm0, $0xb8;
	[tilespmem:$0x1E800] =	vst v63  }
0x60a: {  	v17 =	vperm.xlane v17, v16;
	v52 =	vadd.s32 v3, v51;
	s10 =	simm.s32 $0x6E00  }
0x60b: {  	[tilespmem:s10], [sflag:$0x3] =	stream.indirect_vreg.gather [hbm4b:s7+s9], $0x80, v18, vm0, $0xb8;
	[tilespmem:$0x1E800] =	vst v63  }
0x60c: {  	v17 =	vadd.s32 v3, v17;
	s24 =	simm.s32 $0x6E80  }
0x60d: {  	[tilespmem:s24], [sflag:$0x3] =	stream.indirect_vreg.gather [hbm4b:s7+s9], $0x80, v19, vm0, $0xb8;
	[tilespmem:$0x1E800] =	vst v63  }
0x60e: {  	s10 =	simm.s32 $0x6F00  }
0x60f: {  	[tilespmem:s10], [sflag:$0x3] =	stream.indirect_vreg.gather [hbm4b:s7+s9], $0x80, v52, vm0, $0xb8;
	[tilespmem:$0x1E800] =	vst v63  }
0x610: {  	s24 =	simm.s32 $0x6F80  }
0x611: {  	[tilespmem:s24], [sflag:$0x3] =	stream.indirect_vreg.gather [hbm4b:s7+s9], $0x80, v17, vm0, $0xb8;
	[tilespmem:$0x1E800] =	vst v63  }
0x612: {  	v17 =	vld [tilespmem:$0x90];
	_ =	sdelay $0x4  }
0x613: {  	v18 =	vshll.u32 v17, $0x1  }
0x614: {  	v17 =	vand.u32 $0x7, v17;
	v18 =	vand.u32 $0xFFFFFFF0, v18  }
0x615: {  	v17 =	vor.u32 v17, v18  }
0x616: {  	v18 =	vperm.xlane v17, v2;
	_ =	sdelay $0x1  }
0x617: {  	v19 =	vperm.xlane v17, v1;
	v18 =	vadd.s32 v3, v18;
	_ =	sdelay $0x1  }
0x618: {  	v53 =	vperm.xlane v17, v4;
	v19 =	vadd.s32 v3, v19;
	_ =	sdelay $0x1  }
0x619: {  	s10 =	simm.s32 $0x7000;
	v54 =	vperm.xlane v17, v5;
	v20 =	vadd.s32 v3, v53  }
0x61a: {  	[tilespmem:s10], [sflag:$0x3] =	stream.indirect_vreg.gather [hbm4b:s7+s9], $0x80, v18, vm0, $0xb8;
	[tilespmem:$0x1E800] =	vst v63  }
0x61b: {  	s24 =	simm.s32 $0x7080;
	v55 =	vperm.xlane v17, v6;
	v18 =	vadd.s32 v3, v54  }
0x61c: {  	[tilespmem:s24], [sflag:$0x3] =	stream.indirect_vreg.gather [hbm4b:s7+s9], $0x80, v19, vm0, $0xb8;
	[tilespmem:$0x1E800] =	vst v63  }
0x61d: {  	v56 =	vperm.xlane v17, v7;
	s10 =	simm.s32 $0x7100;
	v19 =	vadd.s32 v3, v55  }
0x61e: {  	[tilespmem:s10], [sflag:$0x3] =	stream.indirect_vreg.gather [hbm4b:s7+s9], $0x80, v20, vm0, $0xb8;
	[tilespmem:$0x1E800] =	vst v63  }
0x61f: {  	v58 =	vperm.xlane v17, v8;
	v57 =	vadd.s32 v3, v56;
	s24 =	simm.s32 $0x7180  }
0x620: {  	[tilespmem:s24], [sflag:$0x3] =	stream.indirect_vreg.gather [hbm4b:s7+s9], $0x80, v18, vm0, $0xb8;
	[tilespmem:$0x1E800] =	vst v63  }
0x621: {  	v59 =	vperm.xlane v17, v0;
	s10 =	simm.s32 $0x7200;
	v18 =	vadd.s32 v3, v58  }
0x622: {  	[tilespmem:s10], [sflag:$0x3] =	stream.indirect_vreg.gather [hbm4b:s7+s9], $0x80, v19, vm0, $0xb8;
	[tilespmem:$0x1E800] =	vst v63  }
0x623: {  	v60 =	vperm.xlane v17, v9;
	s24 =	simm.s32 $0x7280;
	v19 =	vadd.s32 v3, v59  }
0x624: {  	[tilespmem:s24], [sflag:$0x3] =	stream.indirect_vreg.gather [hbm4b:s7+s9], $0x80, v57, vm0, $0xb8;
	[tilespmem:$0x1E800] =	vst v63  }
0x625: {  	v62 =	vperm.xlane v17, v10;
	v61 =	vadd.s32 v3, v60;
	s10 =	simm.s32 $0x7300  }
0x626: {  	[tilespmem:s10], [sflag:$0x3] =	stream.indirect_vreg.gather [hbm4b:s7+s9], $0x80, v18, vm0, $0xb8;
	[tilespmem:$0x1E800] =	vst v63  }
0x627: {  	v63 =	vperm.xlane v17, v11;
	s24 =	simm.s32 $0x7380;
	v18 =	vadd.s32 v3, v62  }
0x628: {  	[tilespmem:s24], [sflag:$0x3] =	stream.indirect_vreg.gather [hbm4b:s7+s9], $0x80, v19, vm0, $0xb8;
	[tilespmem:$0x1E800] =	vst v63  }
0x629: {  	v24 =	vperm.xlane v17, v12;
	s10 =	simm.s32 $0x7400;
	v19 =	vadd.s32 v3, v63  }
0x62a: {  	[tilespmem:s10], [sflag:$0x3] =	stream.indirect_vreg.gather [hbm4b:s7+s9], $0x80, v61, vm0, $0xb8;
	[tilespmem:$0x1E800] =	vst v63  }
0x62b: {  	v26 =	vperm.xlane v17, v13;
	v25 =	vadd.s32 v3, v24;
	s24 =	simm.s32 $0x7480  }
0x62c: {  	[tilespmem:s24], [sflag:$0x3] =	stream.indirect_vreg.gather [hbm4b:s7+s9], $0x80, v18, vm0, $0xb8;
	[tilespmem:$0x1E800] =	vst v63  }
0x62d: {  	v27 =	vperm.xlane v17, v14;
	s10 =	simm.s32 $0x7500;
	v18 =	vadd.s32 v3, v26  }
0x62e: {  	[tilespmem:s10], [sflag:$0x3] =	stream.indirect_vreg.gather [hbm4b:s7+s9], $0x80, v19, vm0, $0xb8;
	[tilespmem:$0x1E800] =	vst v63  }
0x62f: {  	v28 =	vperm.xlane v17, v15;
	s24 =	simm.s32 $0x7580;
	v19 =	vadd.s32 v3, v27  }
0x630: {  	[tilespmem:s24], [sflag:$0x3] =	stream.indirect_vreg.gather [hbm4b:s7+s9], $0x80, v25, vm0, $0xb8;
	[tilespmem:$0x1E800] =	vst v63  }
0x631: {  	v17 =	vperm.xlane v17, v16;
	v29 =	vadd.s32 v3, v28;
	s10 =	simm.s32 $0x7600  }
0x632: {  	[tilespmem:s10], [sflag:$0x3] =	stream.indirect_vreg.gather [hbm4b:s7+s9], $0x80, v18, vm0, $0xb8;
	[tilespmem:$0x1E800] =	vst v63  }
0x633: {  	v17 =	vadd.s32 v3, v17;
	s24 =	simm.s32 $0x7680  }
0x634: {  	[tilespmem:s24], [sflag:$0x3] =	stream.indirect_vreg.gather [hbm4b:s7+s9], $0x80, v19, vm0, $0xb8;
	[tilespmem:$0x1E800] =	vst v63  }
0x635: {  	s10 =	simm.s32 $0x7700  }
0x636: {  	[tilespmem:s10], [sflag:$0x3] =	stream.indirect_vreg.gather [hbm4b:s7+s9], $0x80, v29, vm0, $0xb8;
	[tilespmem:$0x1E800] =	vst v63  }
0x637: {  	s24 =	simm.s32 $0x7780  }
0x638: {  	[tilespmem:s24], [sflag:$0x3] =	stream.indirect_vreg.gather [hbm4b:s7+s9], $0x80, v17, vm0, $0xb8;
	[tilespmem:$0x1E800] =	vst v63  }
0x639: {  	v17 =	vld [tilespmem:$0xA0];
	_ =	sdelay $0x4  }
0x63a: {  	v18 =	vshll.u32 v17, $0x1  }
0x63b: {  	v17 =	vand.u32 $0x7, v17;
	v18 =	vand.u32 $0xFFFFFFF0, v18  }
0x63c: {  	v17 =	vor.u32 v17, v18  }
0x63d: {  	v18 =	vperm.xlane v17, v2;
	_ =	sdelay $0x1  }
0x63e: {  	v19 =	vperm.xlane v17, v1;
	v18 =	vadd.s32 v3, v18;
	_ =	sdelay $0x1  }
0x63f: {  	v30 =	vperm.xlane v17, v4;
	v19 =	vadd.s32 v3, v19;
	_ =	sdelay $0x1  }
0x640: {  	s10 =	simm.s32 $0x7800;
	v31 =	vperm.xlane v17, v5;
	v20 =	vadd.s32 v3, v30  }
0x641: {  	[tilespmem:s10], [sflag:$0x3] =	stream.indirect_vreg.gather [hbm4b:s7+s9], $0x80, v18, vm0, $0xb8;
	[tilespmem:$0x1E800] =	vst v63  }
0x642: {  	s24 =	simm.s32 $0x7880;
	v32 =	vperm.xlane v17, v6;
	v18 =	vadd.s32 v3, v31  }
0x643: {  	[tilespmem:s24], [sflag:$0x3] =	stream.indirect_vreg.gather [hbm4b:s7+s9], $0x80, v19, vm0, $0xb8;
	[tilespmem:$0x1E800] =	vst v63  }
0x644: {  	v33 =	vperm.xlane v17, v7;
	s10 =	simm.s32 $0x7900;
	v19 =	vadd.s32 v3, v32  }
0x645: {  	[tilespmem:s10], [sflag:$0x3] =	stream.indirect_vreg.gather [hbm4b:s7+s9], $0x80, v20, vm0, $0xb8;
	[tilespmem:$0x1E800] =	vst v63  }
0x646: {  	v35 =	vperm.xlane v17, v8;
	v34 =	vadd.s32 v3, v33;
	s24 =	simm.s32 $0x7980  }
0x647: {  	[tilespmem:s24], [sflag:$0x3] =	stream.indirect_vreg.gather [hbm4b:s7+s9], $0x80, v18, vm0, $0xb8;
	[tilespmem:$0x1E800] =	vst v63  }
0x648: {  	v36 =	vperm.xlane v17, v0;
	s10 =	simm.s32 $0x7A00;
	v18 =	vadd.s32 v3, v35  }
0x649: {  	[tilespmem:s10], [sflag:$0x3] =	stream.indirect_vreg.gather [hbm4b:s7+s9], $0x80, v19, vm0, $0xb8;
	[tilespmem:$0x1E800] =	vst v63  }
0x64a: {  	v37 =	vperm.xlane v17, v9;
	s24 =	simm.s32 $0x7A80;
	v19 =	vadd.s32 v3, v36  }
0x64b: {  	[tilespmem:s24], [sflag:$0x3] =	stream.indirect_vreg.gather [hbm4b:s7+s9], $0x80, v34, vm0, $0xb8;
	[tilespmem:$0x1E800] =	vst v63  }
0x64c: {  	v39 =	vperm.xlane v17, v10;
	v38 =	vadd.s32 v3, v37;
	s10 =	simm.s32 $0x7B00  }
0x64d: {  	[tilespmem:s10], [sflag:$0x3] =	stream.indirect_vreg.gather [hbm4b:s7+s9], $0x80, v18, vm0, $0xb8;
	[tilespmem:$0x1E800] =	vst v63  }
0x64e: {  	v40 =	vperm.xlane v17, v11;
	s24 =	simm.s32 $0x7B80;
	v18 =	vadd.s32 v3, v39  }
0x64f: {  	[tilespmem:s24], [sflag:$0x3] =	stream.indirect_vreg.gather [hbm4b:s7+s9], $0x80, v19, vm0, $0xb8;
	[tilespmem:$0x1E800] =	vst v63  }
0x650: {  	v41 =	vperm.xlane v17, v12;
	s10 =	simm.s32 $0x7C00;
	v19 =	vadd.s32 v3, v40  }
0x651: {  	[tilespmem:s10], [sflag:$0x3] =	stream.indirect_vreg.gather [hbm4b:s7+s9], $0x80, v38, vm0, $0xb8;
	[tilespmem:$0x1E800] =	vst v63  }
0x652: {  	v43 =	vperm.xlane v17, v13;
	v42 =	vadd.s32 v3, v41;
	s24 =	simm.s32 $0x7C80  }
0x653: {  	[tilespmem:s24], [sflag:$0x3] =	stream.indirect_vreg.gather [hbm4b:s7+s9], $0x80, v18, vm0, $0xb8;
	[tilespmem:$0x1E800] =	vst v63  }
0x654: {  	v44 =	vperm.xlane v17, v14;
	s10 =	simm.s32 $0x7D00;
	v18 =	vadd.s32 v3, v43  }
0x655: {  	[tilespmem:s10], [sflag:$0x3] =	stream.indirect_vreg.gather [hbm4b:s7+s9], $0x80, v19, vm0, $0xb8;
	[tilespmem:$0x1E800] =	vst v63  }
0x656: {  	v45 =	vperm.xlane v17, v15;
	s24 =	simm.s32 $0x7D80;
	v19 =	vadd.s32 v3, v44  }
0x657: {  	[tilespmem:s24], [sflag:$0x3] =	stream.indirect_vreg.gather [hbm4b:s7+s9], $0x80, v42, vm0, $0xb8;
	[tilespmem:$0x1E800] =	vst v63  }
0x658: {  	v17 =	vperm.xlane v17, v16;
	v46 =	vadd.s32 v3, v45;
	s10 =	simm.s32 $0x7E00  }
0x659: {  	[tilespmem:s10], [sflag:$0x3] =	stream.indirect_vreg.gather [hbm4b:s7+s9], $0x80, v18, vm0, $0xb8;
	[tilespmem:$0x1E800] =	vst v63  }
0x65a: {  	v17 =	vadd.s32 v3, v17;
	s24 =	simm.s32 $0x7E80  }
0x65b: {  	[tilespmem:s24], [sflag:$0x3] =	stream.indirect_vreg.gather [hbm4b:s7+s9], $0x80, v19, vm0, $0xb8;
	[tilespmem:$0x1E800] =	vst v63  }
0x65c: {  	s10 =	simm.s32 $0x7F00  }
0x65d: {  	[tilespmem:s10], [sflag:$0x3] =	stream.indirect_vreg.gather [hbm4b:s7+s9], $0x80, v46, vm0, $0xb8;
	[tilespmem:$0x1E800] =	vst v63  }
0x65e: {  	s24 =	simm.s32 $0x7F80  }
0x65f: {  	[tilespmem:s24], [sflag:$0x3] =	stream.indirect_vreg.gather [hbm4b:s7+s9], $0x80, v17, vm0, $0xb8;
	[tilespmem:$0x1E800] =	vst v63  }
0x660: {  	v17 =	vld [tilespmem:$0xB0];
	_ =	sdelay $0x4  }
0x661: {  	v18 =	vshll.u32 v17, $0x1  }
0x662: {  	v17 =	vand.u32 $0x7, v17;
	v18 =	vand.u32 $0xFFFFFFF0, v18  }
0x663: {  	v17 =	vor.u32 v17, v18  }
0x664: {  	v18 =	vperm.xlane v17, v2;
	_ =	sdelay $0x1  }
0x665: {  	v19 =	vperm.xlane v17, v1;
	v18 =	vadd.s32 v3, v18;
	_ =	sdelay $0x1  }
0x666: {  	v47 =	vperm.xlane v17, v4;
	v19 =	vadd.s32 v3, v19;
	_ =	sdelay $0x1  }
0x667: {  	s10 =	simm.s32 $0x8000;
	v48 =	vperm.xlane v17, v5;
	v20 =	vadd.s32 v3, v47  }
0x668: {  	[tilespmem:s10], [sflag:$0x3] =	stream.indirect_vreg.gather [hbm4b:s7+s9], $0x80, v18, vm0, $0xb8;
	[tilespmem:$0x1E800] =	vst v63  }
0x669: {  	s24 =	simm.s32 $0x8080;
	v49 =	vperm.xlane v17, v6;
	v18 =	vadd.s32 v3, v48  }
0x66a: {  	[tilespmem:s24], [sflag:$0x3] =	stream.indirect_vreg.gather [hbm4b:s7+s9], $0x80, v19, vm0, $0xb8;
	[tilespmem:$0x1E800] =	vst v63  }
0x66b: {  	v50 =	vperm.xlane v17, v7;
	s10 =	simm.s32 $0x8100;
	v19 =	vadd.s32 v3, v49  }
0x66c: {  	[tilespmem:s10], [sflag:$0x3] =	stream.indirect_vreg.gather [hbm4b:s7+s9], $0x80, v20, vm0, $0xb8;
	[tilespmem:$0x1E800] =	vst v63  }
0x66d: {  	v52 =	vperm.xlane v17, v8;
	v51 =	vadd.s32 v3, v50;
	s24 =	simm.s32 $0x8180  }
0x66e: {  	[tilespmem:s24], [sflag:$0x3] =	stream.indirect_vreg.gather [hbm4b:s7+s9], $0x80, v18, vm0, $0xb8;
	[tilespmem:$0x1E800] =	vst v63  }
0x66f: {  	v53 =	vperm.xlane v17, v0;
	s10 =	simm.s32 $0x8200;
	v18 =	vadd.s32 v3, v52  }
0x670: {  	[tilespmem:s10], [sflag:$0x3] =	stream.indirect_vreg.gather [hbm4b:s7+s9], $0x80, v19, vm0, $0xb8;
	[tilespmem:$0x1E800] =	vst v63  }
0x671: {  	v54 =	vperm.xlane v17, v9;
	s24 =	simm.s32 $0x8280;
	v19 =	vadd.s32 v3, v53  }
0x672: {  	[tilespmem:s24], [sflag:$0x3] =	stream.indirect_vreg.gather [hbm4b:s7+s9], $0x80, v51, vm0, $0xb8;
	[tilespmem:$0x1E800] =	vst v63  }
0x673: {  	v56 =	vperm.xlane v17, v10;
	v55 =	vadd.s32 v3, v54;
	s10 =	simm.s32 $0x8300  }
0x674: {  	[tilespmem:s10], [sflag:$0x3] =	stream.indirect_vreg.gather [hbm4b:s7+s9], $0x80, v18, vm0, $0xb8;
	[tilespmem:$0x1E800] =	vst v63  }
0x675: {  	v57 =	vperm.xlane v17, v11;
	s24 =	simm.s32 $0x8380;
	v18 =	vadd.s32 v3, v56  }
0x676: {  	[tilespmem:s24], [sflag:$0x3] =	stream.indirect_vreg.gather [hbm4b:s7+s9], $0x80, v19, vm0, $0xb8;
	[tilespmem:$0x1E800] =	vst v63  }
0x677: {  	v58 =	vperm.xlane v17, v12;
	s10 =	simm.s32 $0x8400;
	v19 =	vadd.s32 v3, v57  }
0x678: {  	[tilespmem:s10], [sflag:$0x3] =	stream.indirect_vreg.gather [hbm4b:s7+s9], $0x80, v55, vm0, $0xb8;
	[tilespmem:$0x1E800] =	vst v63  }
0x679: {  	v60 =	vperm.xlane v17, v13;
	v59 =	vadd.s32 v3, v58;
	s24 =	simm.s32 $0x8480  }
0x67a: {  	[tilespmem:s24], [sflag:$0x3] =	stream.indirect_vreg.gather [hbm4b:s7+s9], $0x80, v18, vm0, $0xb8;
	[tilespmem:$0x1E800] =	vst v63  }
0x67b: {  	v61 =	vperm.xlane v17, v14;
	s10 =	simm.s32 $0x8500;
	v18 =	vadd.s32 v3, v60  }
0x67c: {  	[tilespmem:s10], [sflag:$0x3] =	stream.indirect_vreg.gather [hbm4b:s7+s9], $0x80, v19, vm0, $0xb8;
	[tilespmem:$0x1E800] =	vst v63  }
0x67d: {  	s24 =	simm.s32 $0x8580;
	v19 =	vadd.s32 v3, v61  }
0x67e: {  	v62 =	vperm.xlane v17, v15;
	[tilespmem:s24], [sflag:$0x3] =	stream.indirect_vreg.gather [hbm4b:s7+s9], $0x80, v59, vm0, $0xb8;
	[tilespmem:$0x1E800] =	vst v63  }
0x67f: {  	s10 =	simm.s32 $0x8600  }
0x680: {  	v17 =	vperm.xlane v17, v16;
	v63 =	vadd.s32 v3, v62;
	[tilespmem:s10], [sflag:$0x3] =	stream.indirect_vreg.gather [hbm4b:s7+s9], $0x80, v18, vm0, $0xb8;
	[tilespmem:$0x1E800] =	vst v63  }
0x681: {  	s24 =	simm.s32 $0x8680  }
0x682: {  	v17 =	vadd.s32 v3, v17;
	[tilespmem:s24], [sflag:$0x3] =	stream.indirect_vreg.gather [hbm4b:s7+s9], $0x80, v19, vm0, $0xb8;
	[tilespmem:$0x1E800] =	vst v63  }
.Ltmp8:
0x683: {  	_ = 	snop;
	(pc) =	sbr.rel .LBB2_9-.Ltmp8, $4  }
0x684: {  	s10 =	simm.s32 $0x8700  }
0x685: {  	[tilespmem:s10], [sflag:$0x3] =	stream.indirect_vreg.gather [hbm4b:s7+s9], $0x80, v63, vm0, $0xb8;
	[tilespmem:$0x1E800] =	vst v63  }
0x686: {  	s24 =	simm.s32 $0x8780  }
0x687: {  	[tilespmem:s24], [sflag:$0x3] =	stream.indirect_vreg.gather [hbm4b:s7+s9], $0x80, v17, vm0, $0xb8;
	[tilespmem:$0x1E800] =	vst v63  }
.LBB2_14:
0x688: {  	s9 =	sadd.s32 $0x400, s9  }
0x689: {  	p0 =	sne.s32 s9, $0x5000  }
.Ltmp9:
0x68a: {  	s10 =	sadd.s32 $0x14C0, s10;
	(pc) =	sbr.rel @!p0 .LBB2_15-.Ltmp9, $4  }
0x68b: {  	[spmem:s2] =	stream.indirect.scatter.add.f32 [tilespmem:s4], [sflag:$0x5], $0x80, s10, s31, $0xb8;
	[tilespmem:$0x1E800] =	vst v63  }
0x68c: {  	_ =	swait.ge [sflag:s13], $0x2000  }
0x68d: {  	[sflag:s13] =	ssyncset.done $0x0  }
0x68e: {  	[sflag:s13] =	ssyncadd.s32 $0xFFFFE000  }
.LBB2_9:
0x68f: {  	_ =	swait.ge [sflag:s14], $0x2000  }
0x690: {  	[sflag:s14] =	ssyncset.done $0x0  }
0x691: {  	s10 =	sshra.s32 s9, $0x2;
	[sflag:s14] =	ssyncadd.s32 $0xFFFFE000  }
0x692: {  	v17 =	vld [tilespmem:s10+$0xC0];
	_ =	sdelay $0x4  }
0x693: {  	v18 =	vshll.u32 v17, $0x1  }
0x694: {  	v17 =	vand.u32 $0x7, v17;
	v18 =	vand.u32 $0xFFFFFFF0, v18  }
0x695: {  	v17 =	vor.u32 v17, v18  }
0x696: {  	v18 =	vperm.xlane v17, v2;
	_ =	sdelay $0x1  }
0x697: {  	v19 =	vperm.xlane v17, v1;
	v18 =	vadd.s32 v3, v18;
	_ =	sdelay $0x1  }
0x698: {  	v20 =	vperm.xlane v17, v4;
	v19 =	vadd.s32 v3, v19;
	_ =	sdelay $0x1  }
0x699: {  	v21 =	vperm.xlane v17, v5;
	v20 =	vadd.s32 v3, v20  }
0x69a: {  	[tilespmem:s4], [sflag:$0x4] =	stream.indirect_vreg.gather [hbm4b:s7+s3], $0x80, v18, vm0, $0xb8;
	[tilespmem:$0x1E800] =	vst v63  }
0x69b: {  	s5 =	simm.s32 $0x8880;
	v38 =	vperm.xlane v17, v6;
	v18 =	vadd.s32 v3, v21  }
0x69c: {  	[tilespmem:s5], [sflag:$0x4] =	stream.indirect_vreg.gather [hbm4b:s7+s3], $0x80, v19, vm0, $0xb8;
	[tilespmem:$0x1E800] =	vst v63  }
0x69d: {  	s24 =	simm.s32 $0x8900;
	v39 =	vperm.xlane v17, v7;
	v19 =	vadd.s32 v3, v38  }
0x69e: {  	[tilespmem:s24], [sflag:$0x4] =	stream.indirect_vreg.gather [hbm4b:s7+s3], $0x80, v20, vm0, $0xb8;
	[tilespmem:$0x1E800] =	vst v63  }
0x69f: {  	v41 =	vperm.xlane v17, v8;
	v40 =	vadd.s32 v3, v39;
	s24 =	simm.s32 $0x8980  }
0x6a0: {  	[tilespmem:s24], [sflag:$0x4] =	stream.indirect_vreg.gather [hbm4b:s7+s3], $0x80, v18, vm0, $0xb8;
	[tilespmem:$0x1E800] =	vst v63  }
0x6a1: {  	v42 =	vperm.xlane v17, v0;
	v18 =	vadd.s32 v3, v41;
	s24 =	simm.s32 $0x8A00  }
0x6a2: {  	[tilespmem:s24], [sflag:$0x4] =	stream.indirect_vreg.gather [hbm4b:s7+s3], $0x80, v19, vm0, $0xb8;
	[tilespmem:$0x1E800] =	vst v63  }
0x6a3: {  	v43 =	vperm.xlane v17, v9;
	v19 =	vadd.s32 v3, v42;
	s24 =	simm.s32 $0x8A80  }
0x6a4: {  	[tilespmem:s24], [sflag:$0x4] =	stream.indirect_vreg.gather [hbm4b:s7+s3], $0x80, v40, vm0, $0xb8;
	[tilespmem:$0x1E800] =	vst v63  }
0x6a5: {  	v45 =	vperm.xlane v17, v10;
	v44 =	vadd.s32 v3, v43;
	s24 =	simm.s32 $0x8B00  }
0x6a6: {  	[tilespmem:s24], [sflag:$0x4] =	stream.indirect_vreg.gather [hbm4b:s7+s3], $0x80, v18, vm0, $0xb8;
	[tilespmem:$0x1E800] =	vst v63  }
0x6a7: {  	v46 =	vperm.xlane v17, v11;
	v18 =	vadd.s32 v3, v45;
	s24 =	simm.s32 $0x8B80  }
0x6a8: {  	[tilespmem:s24], [sflag:$0x4] =	stream.indirect_vreg.gather [hbm4b:s7+s3], $0x80, v19, vm0, $0xb8;
	[tilespmem:$0x1E800] =	vst v63  }
0x6a9: {  	v47 =	vperm.xlane v17, v12;
	v19 =	vadd.s32 v3, v46;
	s24 =	simm.s32 $0x8C00  }
0x6aa: {  	[tilespmem:s24], [sflag:$0x4] =	stream.indirect_vreg.gather [hbm4b:s7+s3], $0x80, v44, vm0, $0xb8;
	[tilespmem:$0x1E800] =	vst v63  }
0x6ab: {  	v49 =	vperm.xlane v17, v13;
	v48 =	vadd.s32 v3, v47;
	s24 =	simm.s32 $0x8C80  }
0x6ac: {  	[tilespmem:s24], [sflag:$0x4] =	stream.indirect_vreg.gather [hbm4b:s7+s3], $0x80, v18, vm0, $0xb8;
	[tilespmem:$0x1E800] =	vst v63  }
0x6ad: {  	v50 =	vperm.xlane v17, v14;
	v18 =	vadd.s32 v3, v49;
	s24 =	simm.s32 $0x8D00  }
0x6ae: {  	[tilespmem:s24], [sflag:$0x4] =	stream.indirect_vreg.gather [hbm4b:s7+s3], $0x80, v19, vm0, $0xb8;
	[tilespmem:$0x1E800] =	vst v63  }
0x6af: {  	v51 =	vperm.xlane v17, v15;
	v19 =	vadd.s32 v3, v50;
	s24 =	simm.s32 $0x8D80  }
0x6b0: {  	[tilespmem:s24], [sflag:$0x4] =	stream.indirect_vreg.gather [hbm4b:s7+s3], $0x80, v48, vm0, $0xb8;
	[tilespmem:$0x1E800] =	vst v63  }
0x6b1: {  	v17 =	vperm.xlane v17, v16;
	v52 =	vadd.s32 v3, v51;
	s24 =	simm.s32 $0x8E00  }
0x6b2: {  	[tilespmem:s24], [sflag:$0x4] =	stream.indirect_vreg.gather [hbm4b:s7+s3], $0x80, v18, vm0, $0xb8;
	[tilespmem:$0x1E800] =	vst v63  }
0x6b3: {  	v17 =	vadd.s32 v3, v17;
	s24 =	simm.s32 $0x8E80  }
0x6b4: {  	[tilespmem:s24], [sflag:$0x4] =	stream.indirect_vreg.gather [hbm4b:s7+s3], $0x80, v19, vm0, $0xb8;
	[tilespmem:$0x1E800] =	vst v63  }
0x6b5: {  	s24 =	simm.s32 $0x8F00  }
0x6b6: {  	[tilespmem:s24], [sflag:$0x4] =	stream.indirect_vreg.gather [hbm4b:s7+s3], $0x80, v52, vm0, $0xb8;
	[tilespmem:$0x1E800] =	vst v63  }
0x6b7: {  	s24 =	simm.s32 $0x8F80  }
0x6b8: {  	[tilespmem:s24], [sflag:$0x4] =	stream.indirect_vreg.gather [hbm4b:s7+s3], $0x80, v17, vm0, $0xb8;
	[tilespmem:$0x1E800] =	vst v63  }
0x6b9: {  	v17 =	vld [tilespmem:s10+$0xD0];
	_ =	sdelay $0x4  }
0x6ba: {  	v18 =	vshll.u32 v17, $0x1  }
0x6bb: {  	v17 =	vand.u32 $0x7, v17;
	v18 =	vand.u32 $0xFFFFFFF0, v18  }
0x6bc: {  	v17 =	vor.u32 v17, v18  }
0x6bd: {  	v18 =	vperm.xlane v17, v2;
	_ =	sdelay $0x1  }
0x6be: {  	v19 =	vperm.xlane v17, v1;
	v18 =	vadd.s32 v3, v18;
	_ =	sdelay $0x1  }
0x6bf: {  	v53 =	vperm.xlane v17, v4;
	v19 =	vadd.s32 v3, v19;
	_ =	sdelay $0x1  }
0x6c0: {  	s24 =	simm.s32 $0x9000;
	v54 =	vperm.xlane v17, v5;
	v20 =	vadd.s32 v3, v53  }
0x6c1: {  	[tilespmem:s24], [sflag:$0x4] =	stream.indirect_vreg.gather [hbm4b:s7+s3], $0x80, v18, vm0, $0xb8;
	[tilespmem:$0x1E800] =	vst v63  }
0x6c2: {  	v55 =	vperm.xlane v17, v6;
	v18 =	vadd.s32 v3, v54;
	s24 =	simm.s32 $0x9080  }
0x6c3: {  	[tilespmem:s24], [sflag:$0x4] =	stream.indirect_vreg.gather [hbm4b:s7+s3], $0x80, v19, vm0, $0xb8;
	[tilespmem:$0x1E800] =	vst v63  }
0x6c4: {  	v56 =	vperm.xlane v17, v7;
	v19 =	vadd.s32 v3, v55;
	s24 =	simm.s32 $0x9100  }
0x6c5: {  	[tilespmem:s24], [sflag:$0x4] =	stream.indirect_vreg.gather [hbm4b:s7+s3], $0x80, v20, vm0, $0xb8;
	[tilespmem:$0x1E800] =	vst v63  }
0x6c6: {  	v58 =	vperm.xlane v17, v8;
	v57 =	vadd.s32 v3, v56;
	s24 =	simm.s32 $0x9180  }
0x6c7: {  	[tilespmem:s24], [sflag:$0x4] =	stream.indirect_vreg.gather [hbm4b:s7+s3], $0x80, v18, vm0, $0xb8;
	[tilespmem:$0x1E800] =	vst v63  }
0x6c8: {  	v59 =	vperm.xlane v17, v0;
	v18 =	vadd.s32 v3, v58;
	s24 =	simm.s32 $0x9200  }
0x6c9: {  	[tilespmem:s24], [sflag:$0x4] =	stream.indirect_vreg.gather [hbm4b:s7+s3], $0x80, v19, vm0, $0xb8;
	[tilespmem:$0x1E800] =	vst v63  }
0x6ca: {  	v60 =	vperm.xlane v17, v9;
	v19 =	vadd.s32 v3, v59;
	s24 =	simm.s32 $0x9280  }
0x6cb: {  	[tilespmem:s24], [sflag:$0x4] =	stream.indirect_vreg.gather [hbm4b:s7+s3], $0x80, v57, vm0, $0xb8;
	[tilespmem:$0x1E800] =	vst v63  }
0x6cc: {  	v62 =	vperm.xlane v17, v10;
	v61 =	vadd.s32 v3, v60;
	s24 =	simm.s32 $0x9300  }
0x6cd: {  	[tilespmem:s24], [sflag:$0x4] =	stream.indirect_vreg.gather [hbm4b:s7+s3], $0x80, v18, vm0, $0xb8;
	[tilespmem:$0x1E800] =	vst v63  }
0x6ce: {  	v63 =	vperm.xlane v17, v11;
	v18 =	vadd.s32 v3, v62;
	s24 =	simm.s32 $0x9380  }
0x6cf: {  	[tilespmem:s24], [sflag:$0x4] =	stream.indirect_vreg.gather [hbm4b:s7+s3], $0x80, v19, vm0, $0xb8;
	[tilespmem:$0x1E800] =	vst v63  }
0x6d0: {  	v24 =	vperm.xlane v17, v12;
	v19 =	vadd.s32 v3, v63;
	s24 =	simm.s32 $0x9400  }
0x6d1: {  	[tilespmem:s24], [sflag:$0x4] =	stream.indirect_vreg.gather [hbm4b:s7+s3], $0x80, v61, vm0, $0xb8;
	[tilespmem:$0x1E800] =	vst v63  }
0x6d2: {  	v26 =	vperm.xlane v17, v13;
	v25 =	vadd.s32 v3, v24;
	s24 =	simm.s32 $0x9480  }
0x6d3: {  	[tilespmem:s24], [sflag:$0x4] =	stream.indirect_vreg.gather [hbm4b:s7+s3], $0x80, v18, vm0, $0xb8;
	[tilespmem:$0x1E800] =	vst v63  }
0x6d4: {  	v27 =	vperm.xlane v17, v14;
	v18 =	vadd.s32 v3, v26;
	s24 =	simm.s32 $0x9500  }
0x6d5: {  	[tilespmem:s24], [sflag:$0x4] =	stream.indirect_vreg.gather [hbm4b:s7+s3], $0x80, v19, vm0, $0xb8;
	[tilespmem:$0x1E800] =	vst v63  }
0x6d6: {  	v28 =	vperm.xlane v17, v15;
	v19 =	vadd.s32 v3, v27;
	s24 =	simm.s32 $0x9580  }
0x6d7: {  	[tilespmem:s24], [sflag:$0x4] =	stream.indirect_vreg.gather [hbm4b:s7+s3], $0x80, v25, vm0, $0xb8;
	[tilespmem:$0x1E800] =	vst v63  }
0x6d8: {  	v17 =	vperm.xlane v17, v16;
	v29 =	vadd.s32 v3, v28;
	s24 =	simm.s32 $0x9600  }
0x6d9: {  	[tilespmem:s24], [sflag:$0x4] =	stream.indirect_vreg.gather [hbm4b:s7+s3], $0x80, v18, vm0, $0xb8;
	[tilespmem:$0x1E800] =	vst v63  }
0x6da: {  	v17 =	vadd.s32 v3, v17;
	s24 =	simm.s32 $0x9680  }
0x6db: {  	[tilespmem:s24], [sflag:$0x4] =	stream.indirect_vreg.gather [hbm4b:s7+s3], $0x80, v19, vm0, $0xb8;
	[tilespmem:$0x1E800] =	vst v63  }
0x6dc: {  	s24 =	simm.s32 $0x9700  }
0x6dd: {  	[tilespmem:s24], [sflag:$0x4] =	stream.indirect_vreg.gather [hbm4b:s7+s3], $0x80, v29, vm0, $0xb8;
	[tilespmem:$0x1E800] =	vst v63  }
0x6de: {  	s24 =	simm.s32 $0x9780  }
0x6df: {  	[tilespmem:s24], [sflag:$0x4] =	stream.indirect_vreg.gather [hbm4b:s7+s3], $0x80, v17, vm0, $0xb8;
	[tilespmem:$0x1E800] =	vst v63  }
0x6e0: {  	v17 =	vld [tilespmem:s10+$0xE0];
	_ =	sdelay $0x4  }
0x6e1: {  	v18 =	vshll.u32 v17, $0x1  }
0x6e2: {  	v17 =	vand.u32 $0x7, v17;
	v18 =	vand.u32 $0xFFFFFFF0, v18  }
0x6e3: {  	v17 =	vor.u32 v17, v18  }
0x6e4: {  	v18 =	vperm.xlane v17, v2;
	_ =	sdelay $0x1  }
0x6e5: {  	v19 =	vperm.xlane v17, v1;
	v18 =	vadd.s32 v3, v18;
	_ =	sdelay $0x1  }
0x6e6: {  	v30 =	vperm.xlane v17, v4;
	v19 =	vadd.s32 v3, v19;
	_ =	sdelay $0x1  }
0x6e7: {  	s24 =	simm.s32 $0x9800;
	v31 =	vperm.xlane v17, v5;
	v20 =	vadd.s32 v3, v30  }
0x6e8: {  	[tilespmem:s24], [sflag:$0x4] =	stream.indirect_vreg.gather [hbm4b:s7+s3], $0x80, v18, vm0, $0xb8;
	[tilespmem:$0x1E800] =	vst v63  }
0x6e9: {  	v32 =	vperm.xlane v17, v6;
	v18 =	vadd.s32 v3, v31;
	s24 =	simm.s32 $0x9880  }
0x6ea: {  	[tilespmem:s24], [sflag:$0x4] =	stream.indirect_vreg.gather [hbm4b:s7+s3], $0x80, v19, vm0, $0xb8;
	[tilespmem:$0x1E800] =	vst v63  }
0x6eb: {  	v33 =	vperm.xlane v17, v7;
	v19 =	vadd.s32 v3, v32;
	s24 =	simm.s32 $0x9900  }
0x6ec: {  	[tilespmem:s24], [sflag:$0x4] =	stream.indirect_vreg.gather [hbm4b:s7+s3], $0x80, v20, vm0, $0xb8;
	[tilespmem:$0x1E800] =	vst v63  }
0x6ed: {  	v35 =	vperm.xlane v17, v8;
	v34 =	vadd.s32 v3, v33;
	s24 =	simm.s32 $0x9980  }
0x6ee: {  	[tilespmem:s24], [sflag:$0x4] =	stream.indirect_vreg.gather [hbm4b:s7+s3], $0x80, v18, vm0, $0xb8;
	[tilespmem:$0x1E800] =	vst v63  }
0x6ef: {  	v36 =	vperm.xlane v17, v0;
	v18 =	vadd.s32 v3, v35;
	s24 =	simm.s32 $0x9A00  }
0x6f0: {  	[tilespmem:s24], [sflag:$0x4] =	stream.indirect_vreg.gather [hbm4b:s7+s3], $0x80, v19, vm0, $0xb8;
	[tilespmem:$0x1E800] =	vst v63  }
0x6f1: {  	v37 =	vperm.xlane v17, v9;
	v19 =	vadd.s32 v3, v36;
	s24 =	simm.s32 $0x9A80  }
0x6f2: {  	[tilespmem:s24], [sflag:$0x4] =	stream.indirect_vreg.gather [hbm4b:s7+s3], $0x80, v34, vm0, $0xb8;
	[tilespmem:$0x1E800] =	vst v63  }
0x6f3: {  	v39 =	vperm.xlane v17, v10;
	v38 =	vadd.s32 v3, v37;
	s24 =	simm.s32 $0x9B00  }
0x6f4: {  	[tilespmem:s24], [sflag:$0x4] =	stream.indirect_vreg.gather [hbm4b:s7+s3], $0x80, v18, vm0, $0xb8;
	[tilespmem:$0x1E800] =	vst v63  }
0x6f5: {  	v40 =	vperm.xlane v17, v11;
	v18 =	vadd.s32 v3, v39;
	s24 =	simm.s32 $0x9B80  }
0x6f6: {  	[tilespmem:s24], [sflag:$0x4] =	stream.indirect_vreg.gather [hbm4b:s7+s3], $0x80, v19, vm0, $0xb8;
	[tilespmem:$0x1E800] =	vst v63  }
0x6f7: {  	v41 =	vperm.xlane v17, v12;
	v19 =	vadd.s32 v3, v40;
	s24 =	simm.s32 $0x9C00  }
0x6f8: {  	[tilespmem:s24], [sflag:$0x4] =	stream.indirect_vreg.gather [hbm4b:s7+s3], $0x80, v38, vm0, $0xb8;
	[tilespmem:$0x1E800] =	vst v63  }
0x6f9: {  	v43 =	vperm.xlane v17, v13;
	v42 =	vadd.s32 v3, v41;
	s24 =	simm.s32 $0x9C80  }
0x6fa: {  	[tilespmem:s24], [sflag:$0x4] =	stream.indirect_vreg.gather [hbm4b:s7+s3], $0x80, v18, vm0, $0xb8;
	[tilespmem:$0x1E800] =	vst v63  }
0x6fb: {  	v44 =	vperm.xlane v17, v14;
	v18 =	vadd.s32 v3, v43;
	s24 =	simm.s32 $0x9D00  }
0x6fc: {  	[tilespmem:s24], [sflag:$0x4] =	stream.indirect_vreg.gather [hbm4b:s7+s3], $0x80, v19, vm0, $0xb8;
	[tilespmem:$0x1E800] =	vst v63  }
0x6fd: {  	v45 =	vperm.xlane v17, v15;
	v19 =	vadd.s32 v3, v44;
	s24 =	simm.s32 $0x9D80  }
0x6fe: {  	[tilespmem:s24], [sflag:$0x4] =	stream.indirect_vreg.gather [hbm4b:s7+s3], $0x80, v42, vm0, $0xb8;
	[tilespmem:$0x1E800] =	vst v63  }
0x6ff: {  	v17 =	vperm.xlane v17, v16;
	v46 =	vadd.s32 v3, v45;
	s24 =	simm.s32 $0x9E00  }
0x700: {  	[tilespmem:s24], [sflag:$0x4] =	stream.indirect_vreg.gather [hbm4b:s7+s3], $0x80, v18, vm0, $0xb8;
	[tilespmem:$0x1E800] =	vst v63  }
0x701: {  	v17 =	vadd.s32 v3, v17;
	s24 =	simm.s32 $0x9E80  }
0x702: {  	[tilespmem:s24], [sflag:$0x4] =	stream.indirect_vreg.gather [hbm4b:s7+s3], $0x80, v19, vm0, $0xb8;
	[tilespmem:$0x1E800] =	vst v63  }
0x703: {  	s24 =	simm.s32 $0x9F00  }
0x704: {  	[tilespmem:s24], [sflag:$0x4] =	stream.indirect_vreg.gather [hbm4b:s7+s3], $0x80, v46, vm0, $0xb8;
	[tilespmem:$0x1E800] =	vst v63  }
0x705: {  	s24 =	simm.s32 $0x9F80  }
0x706: {  	[tilespmem:s24], [sflag:$0x4] =	stream.indirect_vreg.gather [hbm4b:s7+s3], $0x80, v17, vm0, $0xb8;
	[tilespmem:$0x1E800] =	vst v63  }
0x707: {  	v17 =	vld [tilespmem:s10+$0xF0];
	_ =	sdelay $0x4  }
0x708: {  	v18 =	vshll.u32 v17, $0x1  }
0x709: {  	v17 =	vand.u32 $0x7, v17;
	v18 =	vand.u32 $0xFFFFFFF0, v18  }
0x70a: {  	v17 =	vor.u32 v17, v18  }
0x70b: {  	v18 =	vperm.xlane v17, v2;
	_ =	sdelay $0x1  }
0x70c: {  	v19 =	vperm.xlane v17, v1;
	v18 =	vadd.s32 v3, v18;
	_ =	sdelay $0x1  }
0x70d: {  	v47 =	vperm.xlane v17, v4;
	v19 =	vadd.s32 v3, v19;
	_ =	sdelay $0x1  }
0x70e: {  	s24 =	simm.s32 $0xA000;
	v48 =	vperm.xlane v17, v5;
	v20 =	vadd.s32 v3, v47  }
0x70f: {  	[tilespmem:s24], [sflag:$0x4] =	stream.indirect_vreg.gather [hbm4b:s7+s3], $0x80, v18, vm0, $0xb8;
	[tilespmem:$0x1E800] =	vst v63  }
0x710: {  	v49 =	vperm.xlane v17, v6;
	v18 =	vadd.s32 v3, v48;
	s24 =	simm.s32 $0xA080  }
0x711: {  	[tilespmem:s24], [sflag:$0x4] =	stream.indirect_vreg.gather [hbm4b:s7+s3], $0x80, v19, vm0, $0xb8;
	[tilespmem:$0x1E800] =	vst v63  }
0x712: {  	v50 =	vperm.xlane v17, v7;
	v19 =	vadd.s32 v3, v49  }
0x713: {  	[tilespmem:s28], [sflag:$0x4] =	stream.indirect_vreg.gather [hbm4b:s7+s3], $0x80, v20, vm0, $0xb8;
	[tilespmem:$0x1E800] =	vst v63  }
0x714: {  	v52 =	vperm.xlane v17, v8;
	v51 =	vadd.s32 v3, v50  }
0x715: {  	[tilespmem:s26], [sflag:$0x4] =	stream.indirect_vreg.gather [hbm4b:s7+s3], $0x80, v18, vm0, $0xb8;
	[tilespmem:$0x1E800] =	vst v63  }
0x716: {  	v53 =	vperm.xlane v17, v0;
	v18 =	vadd.s32 v3, v52  }
0x717: {  	[tilespmem:s25], [sflag:$0x4] =	stream.indirect_vreg.gather [hbm4b:s7+s3], $0x80, v19, vm0, $0xb8;
	[tilespmem:$0x1E800] =	vst v63  }
0x718: {  	v54 =	vperm.xlane v17, v9;
	v19 =	vadd.s32 v3, v53  }
0x719: {  	[tilespmem:s16], [sflag:$0x4] =	stream.indirect_vreg.gather [hbm4b:s7+s3], $0x80, v51, vm0, $0xb8;
	[tilespmem:$0x1E800] =	vst v63  }
0x71a: {  	v56 =	vperm.xlane v17, v10;
	v55 =	vadd.s32 v3, v54  }
0x71b: {  	[tilespmem:s22], [sflag:$0x4] =	stream.indirect_vreg.gather [hbm4b:s7+s3], $0x80, v18, vm0, $0xb8;
	[tilespmem:$0x1E800] =	vst v63  }
0x71c: {  	v57 =	vperm.xlane v17, v11;
	v18 =	vadd.s32 v3, v56  }
0x71d: {  	[tilespmem:s23], [sflag:$0x4] =	stream.indirect_vreg.gather [hbm4b:s7+s3], $0x80, v19, vm0, $0xb8;
	[tilespmem:$0x1E800] =	vst v63  }
0x71e: {  	v58 =	vperm.xlane v17, v12;
	v19 =	vadd.s32 v3, v57  }
0x71f: {  	[tilespmem:s21], [sflag:$0x4] =	stream.indirect_vreg.gather [hbm4b:s7+s3], $0x80, v55, vm0, $0xb8;
	[tilespmem:$0x1E800] =	vst v63  }
0x720: {  	v60 =	vperm.xlane v17, v13;
	v59 =	vadd.s32 v3, v58  }
0x721: {  	[tilespmem:s19], [sflag:$0x4] =	stream.indirect_vreg.gather [hbm4b:s7+s3], $0x80, v18, vm0, $0xb8;
	[tilespmem:$0x1E800] =	vst v63  }
0x722: {  	v61 =	vperm.xlane v17, v14;
	v18 =	vadd.s32 v3, v60  }
0x723: {  	[tilespmem:s20], [sflag:$0x4] =	stream.indirect_vreg.gather [hbm4b:s7+s3], $0x80, v19, vm0, $0xb8;
	[tilespmem:$0x1E800] =	vst v63  }
0x724: {  	v62 =	vperm.xlane v17, v15;
	v19 =	vadd.s32 v3, v61  }
0x725: {  	[tilespmem:s18], [sflag:$0x4] =	stream.indirect_vreg.gather [hbm4b:s7+s3], $0x80, v59, vm0, $0xb8;
	[tilespmem:$0x1E800] =	vst v63  }
0x726: {  	v17 =	vperm.xlane v17, v16;
	v63 =	vadd.s32 v3, v62  }
0x727: {  	[tilespmem:s17], [sflag:$0x4] =	stream.indirect_vreg.gather [hbm4b:s7+s3], $0x80, v18, vm0, $0xb8;
	[tilespmem:$0x1E800] =	vst v63  }
0x728: {  	v17 =	vadd.s32 v3, v17  }
0x729: {  	[tilespmem:s12], [sflag:$0x4] =	stream.indirect_vreg.gather [hbm4b:s7+s3], $0x80, v19, vm0, $0xb8;
	[tilespmem:$0x1E800] =	vst v63  }
0x72a: {  	s24 =	simm.s32 $0xA700  }
0x72b: {  	[tilespmem:s24], [sflag:$0x4] =	stream.indirect_vreg.gather [hbm4b:s7+s3], $0x80, v63, vm0, $0xb8;
	[tilespmem:$0x1E800] =	vst v63  }
0x72c: {  	_ = 	snop  }
0x72d: {  	[tilespmem:s30], [sflag:$0x4] =	stream.indirect_vreg.gather [hbm4b:s7+s3], $0x80, v17, vm0, $0xb8;
	[tilespmem:$0x1E800] =	vst v63  }
0x72e: {  	s24 =	sadd.s32 $0x1400, s10  }
0x72f: {  	[spmem:s2] =	stream.indirect.scatter.add.f32 [tilespmem:s15], [sflag:$0x5], $0x80, s24, s31, $0xb8;
	[tilespmem:$0x1E800] =	vst v63  }
0x730: {  	p0 =	seq.s32 s9, $0x4C00;
	_ =	swait.ge [sflag:s13], $0x2000  }
.Ltmp10:
0x731: {  	[sflag:s13] =	ssyncset.done $0x0;
	(pc) =	sbr.rel @!p0 .LBB2_10-.Ltmp10, $4  }
0x732: {  	[sflag:s13] =	ssyncadd.s32 $0xFFFFE000  }
0x733: {  	_ =	swait.ge [sflag:s1], $0x2000  }
0x734: {  	[sflag:s1] =	ssyncset.done $0x0  }
0x735: {  	s24 =	sadd.s32 $0x1440, s10;
	[sflag:s1] =	ssyncadd.s32 $0xFFFFE000  }
0x736: {  	[spmem:s2] =	stream.indirect.scatter.add.f32 [tilespmem:s29], [sflag:$0x5], $0x80, s24, s31, $0xb8;
	[tilespmem:$0x1E800] =	vst v63  }
0x737: {  	_ =	swait.ge [sflag:s13], $0x2000  }
.Ltmp11:
0x738: {  	[sflag:s13] =	ssyncset.done $0x0;
	(pc) =	sbr.rel .LBB2_12-.Ltmp11, $4  }
0x739: {  	[sflag:s13] =	ssyncadd.s32 $0xFFFFE000  }
0x73a: {  	_ =	swait.ge [sflag:s0], $0x2000  }
0x73b: {  	[sflag:s0] =	ssyncset.done $0x0  }
0x73c: {  	[sflag:s0] =	ssyncadd.s32 $0xFFFFE000  }
.LBB2_10:
0x73d: {  	v17 =	vld [tilespmem:s10+$0x100];
	_ =	sdelay $0x4  }
0x73e: {  	v18 =	vshll.u32 v17, $0x1  }
0x73f: {  	v17 =	vand.u32 $0x7, v17;
	v18 =	vand.u32 $0xFFFFFFF0, v18  }
0x740: {  	v17 =	vor.u32 v17, v18  }
0x741: {  	v18 =	vperm.xlane v17, v2;
	_ =	sdelay $0x1  }
0x742: {  	v19 =	vperm.xlane v17, v1;
	v18 =	vadd.s32 v3, v18;
	_ =	sdelay $0x1  }
0x743: {  	v20 =	vperm.xlane v17, v4;
	v19 =	vadd.s32 v3, v19;
	_ =	sdelay $0x1  }
0x744: {  	v21 =	vperm.xlane v17, v5;
	v20 =	vadd.s32 v3, v20  }
0x745: {  	[tilespmem:s15], [sflag:$0x1] =	stream.indirect_vreg.gather [hbm4b:s7+s3], $0x80, v18, vm0, $0xb8;
	[tilespmem:$0x1E800] =	vst v63  }
0x746: {  	v50 =	vperm.xlane v17, v6;
	v18 =	vadd.s32 v3, v21  }
0x747: {  	[tilespmem:s11], [sflag:$0x1] =	stream.indirect_vreg.gather [hbm4b:s7+s3], $0x80, v19, vm0, $0xb8;
	[tilespmem:$0x1E800] =	vst v63  }
0x748: {  	s5 =	simm.s32 $0x2900;
	v51 =	vperm.xlane v17, v7;
	v19 =	vadd.s32 v3, v50  }
0x749: {  	[tilespmem:s5], [sflag:$0x1] =	stream.indirect_vreg.gather [hbm4b:s7+s3], $0x80, v20, vm0, $0xb8;
	[tilespmem:$0x1E800] =	vst v63  }
0x74a: {  	v53 =	vperm.xlane v17, v8;
	v52 =	vadd.s32 v3, v51;
	s5 =	simm.s32 $0x2980  }
0x74b: {  	[tilespmem:s5], [sflag:$0x1] =	stream.indirect_vreg.gather [hbm4b:s7+s3], $0x80, v18, vm0, $0xb8;
	[tilespmem:$0x1E800] =	vst v63  }
0x74c: {  	v54 =	vperm.xlane v17, v0;
	v18 =	vadd.s32 v3, v53;
	s5 =	simm.s32 $0x2A00  }
0x74d: {  	[tilespmem:s5], [sflag:$0x1] =	stream.indirect_vreg.gather [hbm4b:s7+s3], $0x80, v19, vm0, $0xb8;
	[tilespmem:$0x1E800] =	vst v63  }
0x74e: {  	v55 =	vperm.xlane v17, v9;
	v19 =	vadd.s32 v3, v54;
	s5 =	simm.s32 $0x2A80  }
0x74f: {  	[tilespmem:s5], [sflag:$0x1] =	stream.indirect_vreg.gather [hbm4b:s7+s3], $0x80, v52, vm0, $0xb8;
	[tilespmem:$0x1E800] =	vst v63  }
0x750: {  	v57 =	vperm.xlane v17, v10;
	v56 =	vadd.s32 v3, v55;
	s5 =	simm.s32 $0x2B00  }
0x751: {  	[tilespmem:s5], [sflag:$0x1] =	stream.indirect_vreg.gather [hbm4b:s7+s3], $0x80, v18, vm0, $0xb8;
	[tilespmem:$0x1E800] =	vst v63  }
0x752: {  	v58 =	vperm.xlane v17, v11;
	v18 =	vadd.s32 v3, v57;
	s5 =	simm.s32 $0x2B80  }
0x753: {  	[tilespmem:s5], [sflag:$0x1] =	stream.indirect_vreg.gather [hbm4b:s7+s3], $0x80, v19, vm0, $0xb8;
	[tilespmem:$0x1E800] =	vst v63  }
0x754: {  	v59 =	vperm.xlane v17, v12;
	v19 =	vadd.s32 v3, v58;
	s5 =	simm.s32 $0x2C00  }
0x755: {  	[tilespmem:s5], [sflag:$0x1] =	stream.indirect_vreg.gather [hbm4b:s7+s3], $0x80, v56, vm0, $0xb8;
	[tilespmem:$0x1E800] =	vst v63  }
0x756: {  	v61 =	vperm.xlane v17, v13;
	v60 =	vadd.s32 v3, v59;
	s5 =	simm.s32 $0x2C80  }
0x757: {  	[tilespmem:s5], [sflag:$0x1] =	stream.indirect_vreg.gather [hbm4b:s7+s3], $0x80, v18, vm0, $0xb8;
	[tilespmem:$0x1E800] =	vst v63  }
0x758: {  	v62 =	vperm.xlane v17, v14;
	v18 =	vadd.s32 v3, v61;
	s5 =	simm.s32 $0x2D00  }
0x759: {  	[tilespmem:s5], [sflag:$0x1] =	stream.indirect_vreg.gather [hbm4b:s7+s3], $0x80, v19, vm0, $0xb8;
	[tilespmem:$0x1E800] =	vst v63  }
0x75a: {  	v63 =	vperm.xlane v17, v15;
	v19 =	vadd.s32 v3, v62;
	s5 =	simm.s32 $0x2D80  }
0x75b: {  	[tilespmem:s5], [sflag:$0x1] =	stream.indirect_vreg.gather [hbm4b:s7+s3], $0x80, v60, vm0, $0xb8;
	[tilespmem:$0x1E800] =	vst v63  }
0x75c: {  	v17 =	vperm.xlane v17, v16;
	v24 =	vadd.s32 v3, v63;
	s5 =	simm.s32 $0x2E00  }
0x75d: {  	[tilespmem:s5], [sflag:$0x1] =	stream.indirect_vreg.gather [hbm4b:s7+s3], $0x80, v18, vm0, $0xb8;
	[tilespmem:$0x1E800] =	vst v63  }
0x75e: {  	v17 =	vadd.s32 v3, v17;
	s5 =	simm.s32 $0x2E80  }
0x75f: {  	[tilespmem:s5], [sflag:$0x1] =	stream.indirect_vreg.gather [hbm4b:s7+s3], $0x80, v19, vm0, $0xb8;
	[tilespmem:$0x1E800] =	vst v63  }
0x760: {  	s5 =	simm.s32 $0x2F00  }
0x761: {  	[tilespmem:s5], [sflag:$0x1] =	stream.indirect_vreg.gather [hbm4b:s7+s3], $0x80, v24, vm0, $0xb8;
	[tilespmem:$0x1E800] =	vst v63  }
0x762: {  	s5 =	simm.s32 $0x2F80  }
0x763: {  	[tilespmem:s5], [sflag:$0x1] =	stream.indirect_vreg.gather [hbm4b:s7+s3], $0x80, v17, vm0, $0xb8;
	[tilespmem:$0x1E800] =	vst v63  }
0x764: {  	v17 =	vld [tilespmem:s10+$0x110];
	_ =	sdelay $0x4  }
0x765: {  	v18 =	vshll.u32 v17, $0x1  }
0x766: {  	v17 =	vand.u32 $0x7, v17;
	v18 =	vand.u32 $0xFFFFFFF0, v18  }
0x767: {  	v17 =	vor.u32 v17, v18  }
0x768: {  	v18 =	vperm.xlane v17, v2;
	_ =	sdelay $0x1  }
0x769: {  	v19 =	vperm.xlane v17, v1;
	v18 =	vadd.s32 v3, v18;
	_ =	sdelay $0x1  }
0x76a: {  	v25 =	vperm.xlane v17, v4;
	v19 =	vadd.s32 v3, v19;
	_ =	sdelay $0x1  }
0x76b: {  	s5 =	simm.s32 $0x3000;
	v26 =	vperm.xlane v17, v5;
	v20 =	vadd.s32 v3, v25  }
0x76c: {  	[tilespmem:s5], [sflag:$0x1] =	stream.indirect_vreg.gather [hbm4b:s7+s3], $0x80, v18, vm0, $0xb8;
	[tilespmem:$0x1E800] =	vst v63  }
0x76d: {  	v27 =	vperm.xlane v17, v6;
	v18 =	vadd.s32 v3, v26;
	s5 =	simm.s32 $0x3080  }
0x76e: {  	[tilespmem:s5], [sflag:$0x1] =	stream.indirect_vreg.gather [hbm4b:s7+s3], $0x80, v19, vm0, $0xb8;
	[tilespmem:$0x1E800] =	vst v63  }
0x76f: {  	v28 =	vperm.xlane v17, v7;
	v19 =	vadd.s32 v3, v27;
	s5 =	simm.s32 $0x3100  }
0x770: {  	[tilespmem:s5], [sflag:$0x1] =	stream.indirect_vreg.gather [hbm4b:s7+s3], $0x80, v20, vm0, $0xb8;
	[tilespmem:$0x1E800] =	vst v63  }
0x771: {  	v30 =	vperm.xlane v17, v8;
	v29 =	vadd.s32 v3, v28;
	s5 =	simm.s32 $0x3180  }
0x772: {  	[tilespmem:s5], [sflag:$0x1] =	stream.indirect_vreg.gather [hbm4b:s7+s3], $0x80, v18, vm0, $0xb8;
	[tilespmem:$0x1E800] =	vst v63  }
0x773: {  	v31 =	vperm.xlane v17, v0;
	v18 =	vadd.s32 v3, v30;
	s5 =	simm.s32 $0x3200  }
0x774: {  	[tilespmem:s5], [sflag:$0x1] =	stream.indirect_vreg.gather [hbm4b:s7+s3], $0x80, v19, vm0, $0xb8;
	[tilespmem:$0x1E800] =	vst v63  }
0x775: {  	v32 =	vperm.xlane v17, v9;
	v19 =	vadd.s32 v3, v31;
	s5 =	simm.s32 $0x3280  }
0x776: {  	[tilespmem:s5], [sflag:$0x1] =	stream.indirect_vreg.gather [hbm4b:s7+s3], $0x80, v29, vm0, $0xb8;
	[tilespmem:$0x1E800] =	vst v63  }
0x777: {  	v34 =	vperm.xlane v17, v10;
	v33 =	vadd.s32 v3, v32;
	s5 =	simm.s32 $0x3300  }
0x778: {  	[tilespmem:s5], [sflag:$0x1] =	stream.indirect_vreg.gather [hbm4b:s7+s3], $0x80, v18, vm0, $0xb8;
	[tilespmem:$0x1E800] =	vst v63  }
0x779: {  	v35 =	vperm.xlane v17, v11;
	v18 =	vadd.s32 v3, v34;
	s5 =	simm.s32 $0x3380  }
0x77a: {  	[tilespmem:s5], [sflag:$0x1] =	stream.indirect_vreg.gather [hbm4b:s7+s3], $0x80, v19, vm0, $0xb8;
	[tilespmem:$0x1E800] =	vst v63  }
0x77b: {  	v36 =	vperm.xlane v17, v12;
	v19 =	vadd.s32 v3, v35;
	s5 =	simm.s32 $0x3400  }
0x77c: {  	[tilespmem:s5], [sflag:$0x1] =	stream.indirect_vreg.gather [hbm4b:s7+s3], $0x80, v33, vm0, $0xb8;
	[tilespmem:$0x1E800] =	vst v63  }
0x77d: {  	v38 =	vperm.xlane v17, v13;
	v37 =	vadd.s32 v3, v36;
	s5 =	simm.s32 $0x3480  }
0x77e: {  	[tilespmem:s5], [sflag:$0x1] =	stream.indirect_vreg.gather [hbm4b:s7+s3], $0x80, v18, vm0, $0xb8;
	[tilespmem:$0x1E800] =	vst v63  }
0x77f: {  	v39 =	vperm.xlane v17, v14;
	v18 =	vadd.s32 v3, v38;
	s5 =	simm.s32 $0x3500  }
0x780: {  	[tilespmem:s5], [sflag:$0x1] =	stream.indirect_vreg.gather [hbm4b:s7+s3], $0x80, v19, vm0, $0xb8;
	[tilespmem:$0x1E800] =	vst v63  }
0x781: {  	v40 =	vperm.xlane v17, v15;
	v19 =	vadd.s32 v3, v39;
	s5 =	simm.s32 $0x3580  }
0x782: {  	[tilespmem:s5], [sflag:$0x1] =	stream.indirect_vreg.gather [hbm4b:s7+s3], $0x80, v37, vm0, $0xb8;
	[tilespmem:$0x1E800] =	vst v63  }
0x783: {  	v17 =	vperm.xlane v17, v16;
	v41 =	vadd.s32 v3, v40;
	s5 =	simm.s32 $0x3600  }
0x784: {  	[tilespmem:s5], [sflag:$0x1] =	stream.indirect_vreg.gather [hbm4b:s7+s3], $0x80, v18, vm0, $0xb8;
	[tilespmem:$0x1E800] =	vst v63  }
0x785: {  	v17 =	vadd.s32 v3, v17;
	s5 =	simm.s32 $0x3680  }
0x786: {  	[tilespmem:s5], [sflag:$0x1] =	stream.indirect_vreg.gather [hbm4b:s7+s3], $0x80, v19, vm0, $0xb8;
	[tilespmem:$0x1E800] =	vst v63  }
0x787: {  	s5 =	simm.s32 $0x3700  }
0x788: {  	[tilespmem:s5], [sflag:$0x1] =	stream.indirect_vreg.gather [hbm4b:s7+s3], $0x80, v41, vm0, $0xb8;
	[tilespmem:$0x1E800] =	vst v63  }
0x789: {  	s5 =	simm.s32 $0x3780  }
0x78a: {  	[tilespmem:s5], [sflag:$0x1] =	stream.indirect_vreg.gather [hbm4b:s7+s3], $0x80, v17, vm0, $0xb8;
	[tilespmem:$0x1E800] =	vst v63  }
0x78b: {  	v17 =	vld [tilespmem:s10+$0x120];
	_ =	sdelay $0x4  }
0x78c: {  	v18 =	vshll.u32 v17, $0x1  }
0x78d: {  	v17 =	vand.u32 $0x7, v17;
	v18 =	vand.u32 $0xFFFFFFF0, v18  }
0x78e: {  	v17 =	vor.u32 v17, v18  }
0x78f: {  	v18 =	vperm.xlane v17, v2;
	_ =	sdelay $0x1  }
0x790: {  	v19 =	vperm.xlane v17, v1;
	v18 =	vadd.s32 v3, v18;
	_ =	sdelay $0x1  }
0x791: {  	v42 =	vperm.xlane v17, v4;
	v19 =	vadd.s32 v3, v19;
	_ =	sdelay $0x1  }
0x792: {  	s5 =	simm.s32 $0x3800;
	v43 =	vperm.xlane v17, v5;
	v20 =	vadd.s32 v3, v42  }
0x793: {  	[tilespmem:s5], [sflag:$0x1] =	stream.indirect_vreg.gather [hbm4b:s7+s3], $0x80, v18, vm0, $0xb8;
	[tilespmem:$0x1E800] =	vst v63  }
0x794: {  	v44 =	vperm.xlane v17, v6;
	v18 =	vadd.s32 v3, v43;
	s5 =	simm.s32 $0x3880  }
0x795: {  	[tilespmem:s5], [sflag:$0x1] =	stream.indirect_vreg.gather [hbm4b:s7+s3], $0x80, v19, vm0, $0xb8;
	[tilespmem:$0x1E800] =	vst v63  }
0x796: {  	v45 =	vperm.xlane v17, v7;
	v19 =	vadd.s32 v3, v44;
	s5 =	simm.s32 $0x3900  }
0x797: {  	[tilespmem:s5], [sflag:$0x1] =	stream.indirect_vreg.gather [hbm4b:s7+s3], $0x80, v20, vm0, $0xb8;
	[tilespmem:$0x1E800] =	vst v63  }
0x798: {  	v47 =	vperm.xlane v17, v8;
	v46 =	vadd.s32 v3, v45;
	s5 =	simm.s32 $0x3980  }
0x799: {  	[tilespmem:s5], [sflag:$0x1] =	stream.indirect_vreg.gather [hbm4b:s7+s3], $0x80, v18, vm0, $0xb8;
	[tilespmem:$0x1E800] =	vst v63  }
0x79a: {  	v48 =	vperm.xlane v17, v0;
	v18 =	vadd.s32 v3, v47;
	s5 =	simm.s32 $0x3A00  }
0x79b: {  	[tilespmem:s5], [sflag:$0x1] =	stream.indirect_vreg.gather [hbm4b:s7+s3], $0x80, v19, vm0, $0xb8;
	[tilespmem:$0x1E800] =	vst v63  }
0x79c: {  	v49 =	vperm.xlane v17, v9;
	v19 =	vadd.s32 v3, v48;
	s5 =	simm.s32 $0x3A80  }
0x79d: {  	[tilespmem:s5], [sflag:$0x1] =	stream.indirect_vreg.gather [hbm4b:s7+s3], $0x80, v46, vm0, $0xb8;
	[tilespmem:$0x1E800] =	vst v63  }
0x79e: {  	v51 =	vperm.xlane v17, v10;
	v50 =	vadd.s32 v3, v49;
	s5 =	simm.s32 $0x3B00  }
0x79f: {  	[tilespmem:s5], [sflag:$0x1] =	stream.indirect_vreg.gather [hbm4b:s7+s3], $0x80, v18, vm0, $0xb8;
	[tilespmem:$0x1E800] =	vst v63  }
0x7a0: {  	v52 =	vperm.xlane v17, v11;
	v18 =	vadd.s32 v3, v51;
	s5 =	simm.s32 $0x3B80  }
0x7a1: {  	[tilespmem:s5], [sflag:$0x1] =	stream.indirect_vreg.gather [hbm4b:s7+s3], $0x80, v19, vm0, $0xb8;
	[tilespmem:$0x1E800] =	vst v63  }
0x7a2: {  	v53 =	vperm.xlane v17, v12;
	v19 =	vadd.s32 v3, v52;
	s5 =	simm.s32 $0x3C00  }
0x7a3: {  	[tilespmem:s5], [sflag:$0x1] =	stream.indirect_vreg.gather [hbm4b:s7+s3], $0x80, v50, vm0, $0xb8;
	[tilespmem:$0x1E800] =	vst v63  }
0x7a4: {  	v55 =	vperm.xlane v17, v13;
	v54 =	vadd.s32 v3, v53;
	s5 =	simm.s32 $0x3C80  }
0x7a5: {  	[tilespmem:s5], [sflag:$0x1] =	stream.indirect_vreg.gather [hbm4b:s7+s3], $0x80, v18, vm0, $0xb8;
	[tilespmem:$0x1E800] =	vst v63  }
0x7a6: {  	v56 =	vperm.xlane v17, v14;
	v18 =	vadd.s32 v3, v55;
	s5 =	simm.s32 $0x3D00  }
0x7a7: {  	[tilespmem:s5], [sflag:$0x1] =	stream.indirect_vreg.gather [hbm4b:s7+s3], $0x80, v19, vm0, $0xb8;
	[tilespmem:$0x1E800] =	vst v63  }
0x7a8: {  	v57 =	vperm.xlane v17, v15;
	v19 =	vadd.s32 v3, v56;
	s5 =	simm.s32 $0x3D80  }
0x7a9: {  	[tilespmem:s5], [sflag:$0x1] =	stream.indirect_vreg.gather [hbm4b:s7+s3], $0x80, v54, vm0, $0xb8;
	[tilespmem:$0x1E800] =	vst v63  }
0x7aa: {  	v17 =	vperm.xlane v17, v16;
	v58 =	vadd.s32 v3, v57;
	s5 =	simm.s32 $0x3E00  }
0x7ab: {  	[tilespmem:s5], [sflag:$0x1] =	stream.indirect_vreg.gather [hbm4b:s7+s3], $0x80, v18, vm0, $0xb8;
	[tilespmem:$0x1E800] =	vst v63  }
0x7ac: {  	v17 =	vadd.s32 v3, v17;
	s5 =	simm.s32 $0x3E80  }
0x7ad: {  	[tilespmem:s5], [sflag:$0x1] =	stream.indirect_vreg.gather [hbm4b:s7+s3], $0x80, v19, vm0, $0xb8;
	[tilespmem:$0x1E800] =	vst v63  }
0x7ae: {  	s5 =	simm.s32 $0x3F00  }
0x7af: {  	[tilespmem:s5], [sflag:$0x1] =	stream.indirect_vreg.gather [hbm4b:s7+s3], $0x80, v58, vm0, $0xb8;
	[tilespmem:$0x1E800] =	vst v63  }
0x7b0: {  	s5 =	simm.s32 $0x3F80  }
0x7b1: {  	[tilespmem:s5], [sflag:$0x1] =	stream.indirect_vreg.gather [hbm4b:s7+s3], $0x80, v17, vm0, $0xb8;
	[tilespmem:$0x1E800] =	vst v63  }
0x7b2: {  	v17 =	vld [tilespmem:s10+$0x130];
	_ =	sdelay $0x4  }
0x7b3: {  	v18 =	vshll.u32 v17, $0x1  }
0x7b4: {  	v17 =	vand.u32 $0x7, v17;
	v18 =	vand.u32 $0xFFFFFFF0, v18  }
0x7b5: {  	v17 =	vor.u32 v17, v18  }
0x7b6: {  	v18 =	vperm.xlane v17, v2;
	_ =	sdelay $0x1  }
0x7b7: {  	v19 =	vperm.xlane v17, v1;
	v18 =	vadd.s32 v3, v18;
	_ =	sdelay $0x1  }
0x7b8: {  	v59 =	vperm.xlane v17, v4;
	v19 =	vadd.s32 v3, v19;
	_ =	sdelay $0x1  }
0x7b9: {  	s5 =	simm.s32 $0x4000;
	v60 =	vperm.xlane v17, v5;
	v20 =	vadd.s32 v3, v59  }
0x7ba: {  	[tilespmem:s5], [sflag:$0x1] =	stream.indirect_vreg.gather [hbm4b:s7+s3], $0x80, v18, vm0, $0xb8;
	[tilespmem:$0x1E800] =	vst v63  }
0x7bb: {  	v61 =	vperm.xlane v17, v6;
	v18 =	vadd.s32 v3, v60;
	s5 =	simm.s32 $0x4080  }
0x7bc: {  	[tilespmem:s5], [sflag:$0x1] =	stream.indirect_vreg.gather [hbm4b:s7+s3], $0x80, v19, vm0, $0xb8;
	[tilespmem:$0x1E800] =	vst v63  }
0x7bd: {  	v62 =	vperm.xlane v17, v7;
	v19 =	vadd.s32 v3, v61;
	s5 =	simm.s32 $0x4100  }
0x7be: {  	[tilespmem:s5], [sflag:$0x1] =	stream.indirect_vreg.gather [hbm4b:s7+s3], $0x80, v20, vm0, $0xb8;
	[tilespmem:$0x1E800] =	vst v63  }
0x7bf: {  	v24 =	vperm.xlane v17, v8;
	v63 =	vadd.s32 v3, v62;
	s5 =	simm.s32 $0x4180  }
0x7c0: {  	[tilespmem:s5], [sflag:$0x1] =	stream.indirect_vreg.gather [hbm4b:s7+s3], $0x80, v18, vm0, $0xb8;
	[tilespmem:$0x1E800] =	vst v63  }
0x7c1: {  	v25 =	vperm.xlane v17, v0;
	v18 =	vadd.s32 v3, v24;
	s5 =	simm.s32 $0x4200  }
0x7c2: {  	[tilespmem:s5], [sflag:$0x1] =	stream.indirect_vreg.gather [hbm4b:s7+s3], $0x80, v19, vm0, $0xb8;
	[tilespmem:$0x1E800] =	vst v63  }
0x7c3: {  	v26 =	vperm.xlane v17, v9;
	v19 =	vadd.s32 v3, v25;
	s5 =	simm.s32 $0x4280  }
0x7c4: {  	[tilespmem:s5], [sflag:$0x1] =	stream.indirect_vreg.gather [hbm4b:s7+s3], $0x80, v63, vm0, $0xb8;
	[tilespmem:$0x1E800] =	vst v63  }
0x7c5: {  	v28 =	vperm.xlane v17, v10;
	v27 =	vadd.s32 v3, v26;
	s5 =	simm.s32 $0x4300  }
0x7c6: {  	[tilespmem:s5], [sflag:$0x1] =	stream.indirect_vreg.gather [hbm4b:s7+s3], $0x80, v18, vm0, $0xb8;
	[tilespmem:$0x1E800] =	vst v63  }
0x7c7: {  	v29 =	vperm.xlane v17, v11;
	v18 =	vadd.s32 v3, v28;
	s5 =	simm.s32 $0x4380  }
0x7c8: {  	[tilespmem:s5], [sflag:$0x1] =	stream.indirect_vreg.gather [hbm4b:s7+s3], $0x80, v19, vm0, $0xb8;
	[tilespmem:$0x1E800] =	vst v63  }
0x7c9: {  	v30 =	vperm.xlane v17, v12;
	v19 =	vadd.s32 v3, v29;
	s5 =	simm.s32 $0x4400  }
0x7ca: {  	[tilespmem:s5], [sflag:$0x1] =	stream.indirect_vreg.gather [hbm4b:s7+s3], $0x80, v27, vm0, $0xb8;
	[tilespmem:$0x1E800] =	vst v63  }
0x7cb: {  	v32 =	vperm.xlane v17, v13;
	v31 =	vadd.s32 v3, v30;
	s5 =	simm.s32 $0x4480  }
0x7cc: {  	[tilespmem:s5], [sflag:$0x1] =	stream.indirect_vreg.gather [hbm4b:s7+s3], $0x80, v18, vm0, $0xb8;
	[tilespmem:$0x1E800] =	vst v63  }
0x7cd: {  	v33 =	vperm.xlane v17, v14;
	v18 =	vadd.s32 v3, v32;
	s5 =	simm.s32 $0x4500  }
0x7ce: {  	[tilespmem:s5], [sflag:$0x1] =	stream.indirect_vreg.gather [hbm4b:s7+s3], $0x80, v19, vm0, $0xb8;
	[tilespmem:$0x1E800] =	vst v63  }
0x7cf: {  	v34 =	vperm.xlane v17, v15;
	v19 =	vadd.s32 v3, v33;
	s5 =	simm.s32 $0x4580  }
0x7d0: {  	[tilespmem:s5], [sflag:$0x1] =	stream.indirect_vreg.gather [hbm4b:s7+s3], $0x80, v31, vm0, $0xb8;
	[tilespmem:$0x1E800] =	vst v63  }
0x7d1: {  	v17 =	vperm.xlane v17, v16;
	v35 =	vadd.s32 v3, v34;
	s5 =	simm.s32 $0x4600  }
0x7d2: {  	[tilespmem:s5], [sflag:$0x1] =	stream.indirect_vreg.gather [hbm4b:s7+s3], $0x80, v18, vm0, $0xb8;
	[tilespmem:$0x1E800] =	vst v63  }
0x7d3: {  	v17 =	vadd.s32 v3, v17;
	s5 =	simm.s32 $0x4680  }
0x7d4: {  	[tilespmem:s5], [sflag:$0x1] =	stream.indirect_vreg.gather [hbm4b:s7+s3], $0x80, v19, vm0, $0xb8;
	[tilespmem:$0x1E800] =	vst v63  }
0x7d5: {  	s5 =	simm.s32 $0x4700  }
0x7d6: {  	[tilespmem:s5], [sflag:$0x1] =	stream.indirect_vreg.gather [hbm4b:s7+s3], $0x80, v35, vm0, $0xb8;
	[tilespmem:$0x1E800] =	vst v63  }
0x7d7: {  	s5 =	simm.s32 $0x4780  }
0x7d8: {  	[tilespmem:s5], [sflag:$0x1] =	stream.indirect_vreg.gather [hbm4b:s7+s3], $0x80, v17, vm0, $0xb8;
	[tilespmem:$0x1E800] =	vst v63  }
0x7d9: {  	_ = 	snop  }
0x7da: {  	[spmem:s2] =	stream.indirect.scatter.add.f32 [tilespmem:s29], [sflag:$0x5], $0x80, s24, s31, $0xb8;
	[tilespmem:$0x1E800] =	vst v63  }
0x7db: {  	_ =	swait.ge [sflag:s13], $0x2000  }
0x7dc: {  	[sflag:s13] =	ssyncset.done $0x0  }
0x7dd: {  	[sflag:s13] =	ssyncadd.s32 $0xFFFFE000  }
0x7de: {  	_ =	swait.ge [sflag:s0], $0x2000  }
0x7df: {  	[sflag:s0] =	ssyncset.done $0x0  }
0x7e0: {  	[sflag:s0] =	ssyncadd.s32 $0xFFFFE000  }
0x7e1: {  	v17 =	vld [tilespmem:s10+$0x140];
	_ =	sdelay $0x4  }
0x7e2: {  	v18 =	vshll.u32 v17, $0x1  }
0x7e3: {  	v17 =	vand.u32 $0x7, v17;
	v18 =	vand.u32 $0xFFFFFFF0, v18  }
0x7e4: {  	v17 =	vor.u32 v17, v18  }
0x7e5: {  	v18 =	vperm.xlane v17, v2;
	_ =	sdelay $0x1  }
0x7e6: {  	v19 =	vperm.xlane v17, v1;
	v18 =	vadd.s32 v3, v18;
	_ =	sdelay $0x1  }
0x7e7: {  	v36 =	vperm.xlane v17, v4;
	v19 =	vadd.s32 v3, v19;
	_ =	sdelay $0x1  }
0x7e8: {  	v37 =	vperm.xlane v17, v5;
	v20 =	vadd.s32 v3, v36  }
0x7e9: {  	[tilespmem:s29], [sflag:$0x2] =	stream.indirect_vreg.gather [hbm4b:s7+s3], $0x80, v18, vm0, $0xb8;
	[tilespmem:$0x1E800] =	vst v63  }
0x7ea: {  	s24 =	simm.s32 $0x4880;
	v38 =	vperm.xlane v17, v6;
	v18 =	vadd.s32 v3, v37  }
0x7eb: {  	[tilespmem:s24], [sflag:$0x2] =	stream.indirect_vreg.gather [hbm4b:s7+s3], $0x80, v19, vm0, $0xb8;
	[tilespmem:$0x1E800] =	vst v63  }
0x7ec: {  	v39 =	vperm.xlane v17, v7;
	v19 =	vadd.s32 v3, v38;
	s24 =	simm.s32 $0x4900  }
0x7ed: {  	[tilespmem:s24], [sflag:$0x2] =	stream.indirect_vreg.gather [hbm4b:s7+s3], $0x80, v20, vm0, $0xb8;
	[tilespmem:$0x1E800] =	vst v63  }
0x7ee: {  	v41 =	vperm.xlane v17, v8;
	v40 =	vadd.s32 v3, v39;
	s24 =	simm.s32 $0x4980  }
0x7ef: {  	[tilespmem:s24], [sflag:$0x2] =	stream.indirect_vreg.gather [hbm4b:s7+s3], $0x80, v18, vm0, $0xb8;
	[tilespmem:$0x1E800] =	vst v63  }
0x7f0: {  	v42 =	vperm.xlane v17, v0;
	v18 =	vadd.s32 v3, v41;
	s24 =	simm.s32 $0x4A00  }
0x7f1: {  	[tilespmem:s24], [sflag:$0x2] =	stream.indirect_vreg.gather [hbm4b:s7+s3], $0x80, v19, vm0, $0xb8;
	[tilespmem:$0x1E800] =	vst v63  }
0x7f2: {  	v43 =	vperm.xlane v17, v9;
	v19 =	vadd.s32 v3, v42;
	s24 =	simm.s32 $0x4A80  }
0x7f3: {  	[tilespmem:s24], [sflag:$0x2] =	stream.indirect_vreg.gather [hbm4b:s7+s3], $0x80, v40, vm0, $0xb8;
	[tilespmem:$0x1E800] =	vst v63  }
0x7f4: {  	v45 =	vperm.xlane v17, v10;
	v44 =	vadd.s32 v3, v43;
	s24 =	simm.s32 $0x4B00  }
0x7f5: {  	[tilespmem:s24], [sflag:$0x2] =	stream.indirect_vreg.gather [hbm4b:s7+s3], $0x80, v18, vm0, $0xb8;
	[tilespmem:$0x1E800] =	vst v63  }
0x7f6: {  	v46 =	vperm.xlane v17, v11;
	v18 =	vadd.s32 v3, v45;
	s24 =	simm.s32 $0x4B80  }
0x7f7: {  	[tilespmem:s24], [sflag:$0x2] =	stream.indirect_vreg.gather [hbm4b:s7+s3], $0x80, v19, vm0, $0xb8;
	[tilespmem:$0x1E800] =	vst v63  }
0x7f8: {  	v47 =	vperm.xlane v17, v12;
	v19 =	vadd.s32 v3, v46;
	s24 =	simm.s32 $0x4C00  }
0x7f9: {  	[tilespmem:s24], [sflag:$0x2] =	stream.indirect_vreg.gather [hbm4b:s7+s3], $0x80, v44, vm0, $0xb8;
	[tilespmem:$0x1E800] =	vst v63  }
0x7fa: {  	v49 =	vperm.xlane v17, v13;
	v48 =	vadd.s32 v3, v47;
	s24 =	simm.s32 $0x4C80  }
0x7fb: {  	[tilespmem:s24], [sflag:$0x2] =	stream.indirect_vreg.gather [hbm4b:s7+s3], $0x80, v18, vm0, $0xb8;
	[tilespmem:$0x1E800] =	vst v63  }
0x7fc: {  	v50 =	vperm.xlane v17, v14;
	v18 =	vadd.s32 v3, v49;
	s24 =	simm.s32 $0x4D00  }
0x7fd: {  	[tilespmem:s24], [sflag:$0x2] =	stream.indirect_vreg.gather [hbm4b:s7+s3], $0x80, v19, vm0, $0xb8;
	[tilespmem:$0x1E800] =	vst v63  }
0x7fe: {  	v51 =	vperm.xlane v17, v15;
	v19 =	vadd.s32 v3, v50;
	s24 =	simm.s32 $0x4D80  }
0x7ff: {  	[tilespmem:s24], [sflag:$0x2] =	stream.indirect_vreg.gather [hbm4b:s7+s3], $0x80, v48, vm0, $0xb8;
	[tilespmem:$0x1E800] =	vst v63  }
0x800: {  	v17 =	vperm.xlane v17, v16;
	v52 =	vadd.s32 v3, v51;
	s24 =	simm.s32 $0x4E00  }
0x801: {  	[tilespmem:s24], [sflag:$0x2] =	stream.indirect_vreg.gather [hbm4b:s7+s3], $0x80, v18, vm0, $0xb8;
	[tilespmem:$0x1E800] =	vst v63  }
0x802: {  	v17 =	vadd.s32 v3, v17;
	s24 =	simm.s32 $0x4E80  }
0x803: {  	[tilespmem:s24], [sflag:$0x2] =	stream.indirect_vreg.gather [hbm4b:s7+s3], $0x80, v19, vm0, $0xb8;
	[tilespmem:$0x1E800] =	vst v63  }
0x804: {  	s24 =	simm.s32 $0x4F00  }
0x805: {  	[tilespmem:s24], [sflag:$0x2] =	stream.indirect_vreg.gather [hbm4b:s7+s3], $0x80, v52, vm0, $0xb8;
	[tilespmem:$0x1E800] =	vst v63  }
0x806: {  	s24 =	simm.s32 $0x4F80  }
0x807: {  	[tilespmem:s24], [sflag:$0x2] =	stream.indirect_vreg.gather [hbm4b:s7+s3], $0x80, v17, vm0, $0xb8;
	[tilespmem:$0x1E800] =	vst v63  }
0x808: {  	v17 =	vld [tilespmem:s10+$0x150];
	_ =	sdelay $0x4  }
0x809: {  	v18 =	vshll.u32 v17, $0x1  }
0x80a: {  	v17 =	vand.u32 $0x7, v17;
	v18 =	vand.u32 $0xFFFFFFF0, v18  }
0x80b: {  	v17 =	vor.u32 v17, v18  }
0x80c: {  	v18 =	vperm.xlane v17, v2;
	_ =	sdelay $0x1  }
0x80d: {  	v19 =	vperm.xlane v17, v1;
	v18 =	vadd.s32 v3, v18;
	_ =	sdelay $0x1  }
0x80e: {  	v53 =	vperm.xlane v17, v4;
	v19 =	vadd.s32 v3, v19;
	_ =	sdelay $0x1  }
0x80f: {  	s24 =	simm.s32 $0x5000;
	v54 =	vperm.xlane v17, v5;
	v20 =	vadd.s32 v3, v53  }
0x810: {  	[tilespmem:s24], [sflag:$0x2] =	stream.indirect_vreg.gather [hbm4b:s7+s3], $0x80, v18, vm0, $0xb8;
	[tilespmem:$0x1E800] =	vst v63  }
0x811: {  	v55 =	vperm.xlane v17, v6;
	v18 =	vadd.s32 v3, v54;
	s24 =	simm.s32 $0x5080  }
0x812: {  	[tilespmem:s24], [sflag:$0x2] =	stream.indirect_vreg.gather [hbm4b:s7+s3], $0x80, v19, vm0, $0xb8;
	[tilespmem:$0x1E800] =	vst v63  }
0x813: {  	v56 =	vperm.xlane v17, v7;
	v19 =	vadd.s32 v3, v55;
	s24 =	simm.s32 $0x5100  }
0x814: {  	[tilespmem:s24], [sflag:$0x2] =	stream.indirect_vreg.gather [hbm4b:s7+s3], $0x80, v20, vm0, $0xb8;
	[tilespmem:$0x1E800] =	vst v63  }
0x815: {  	v58 =	vperm.xlane v17, v8;
	v57 =	vadd.s32 v3, v56;
	s24 =	simm.s32 $0x5180  }
0x816: {  	[tilespmem:s24], [sflag:$0x2] =	stream.indirect_vreg.gather [hbm4b:s7+s3], $0x80, v18, vm0, $0xb8;
	[tilespmem:$0x1E800] =	vst v63  }
0x817: {  	v59 =	vperm.xlane v17, v0;
	v18 =	vadd.s32 v3, v58;
	s24 =	simm.s32 $0x5200  }
0x818: {  	[tilespmem:s24], [sflag:$0x2] =	stream.indirect_vreg.gather [hbm4b:s7+s3], $0x80, v19, vm0, $0xb8;
	[tilespmem:$0x1E800] =	vst v63  }
0x819: {  	v60 =	vperm.xlane v17, v9;
	v19 =	vadd.s32 v3, v59;
	s24 =	simm.s32 $0x5280  }
0x81a: {  	[tilespmem:s24], [sflag:$0x2] =	stream.indirect_vreg.gather [hbm4b:s7+s3], $0x80, v57, vm0, $0xb8;
	[tilespmem:$0x1E800] =	vst v63  }
0x81b: {  	v62 =	vperm.xlane v17, v10;
	v61 =	vadd.s32 v3, v60;
	s24 =	simm.s32 $0x5300  }
0x81c: {  	[tilespmem:s24], [sflag:$0x2] =	stream.indirect_vreg.gather [hbm4b:s7+s3], $0x80, v18, vm0, $0xb8;
	[tilespmem:$0x1E800] =	vst v63  }
0x81d: {  	v63 =	vperm.xlane v17, v11;
	v18 =	vadd.s32 v3, v62;
	s24 =	simm.s32 $0x5380  }
0x81e: {  	[tilespmem:s24], [sflag:$0x2] =	stream.indirect_vreg.gather [hbm4b:s7+s3], $0x80, v19, vm0, $0xb8;
	[tilespmem:$0x1E800] =	vst v63  }
0x81f: {  	v24 =	vperm.xlane v17, v12;
	v19 =	vadd.s32 v3, v63;
	s24 =	simm.s32 $0x5400  }
0x820: {  	[tilespmem:s24], [sflag:$0x2] =	stream.indirect_vreg.gather [hbm4b:s7+s3], $0x80, v61, vm0, $0xb8;
	[tilespmem:$0x1E800] =	vst v63  }
0x821: {  	v26 =	vperm.xlane v17, v13;
	v25 =	vadd.s32 v3, v24;
	s24 =	simm.s32 $0x5480  }
0x822: {  	[tilespmem:s24], [sflag:$0x2] =	stream.indirect_vreg.gather [hbm4b:s7+s3], $0x80, v18, vm0, $0xb8;
	[tilespmem:$0x1E800] =	vst v63  }
0x823: {  	v27 =	vperm.xlane v17, v14;
	v18 =	vadd.s32 v3, v26;
	s24 =	simm.s32 $0x5500  }
0x824: {  	[tilespmem:s24], [sflag:$0x2] =	stream.indirect_vreg.gather [hbm4b:s7+s3], $0x80, v19, vm0, $0xb8;
	[tilespmem:$0x1E800] =	vst v63  }
0x825: {  	v28 =	vperm.xlane v17, v15;
	v19 =	vadd.s32 v3, v27;
	s24 =	simm.s32 $0x5580  }
0x826: {  	[tilespmem:s24], [sflag:$0x2] =	stream.indirect_vreg.gather [hbm4b:s7+s3], $0x80, v25, vm0, $0xb8;
	[tilespmem:$0x1E800] =	vst v63  }
0x827: {  	v17 =	vperm.xlane v17, v16;
	v29 =	vadd.s32 v3, v28;
	s24 =	simm.s32 $0x5600  }
0x828: {  	[tilespmem:s24], [sflag:$0x2] =	stream.indirect_vreg.gather [hbm4b:s7+s3], $0x80, v18, vm0, $0xb8;
	[tilespmem:$0x1E800] =	vst v63  }
0x829: {  	v17 =	vadd.s32 v3, v17;
	s24 =	simm.s32 $0x5680  }
0x82a: {  	[tilespmem:s24], [sflag:$0x2] =	stream.indirect_vreg.gather [hbm4b:s7+s3], $0x80, v19, vm0, $0xb8;
	[tilespmem:$0x1E800] =	vst v63  }
0x82b: {  	s24 =	simm.s32 $0x5700  }
0x82c: {  	[tilespmem:s24], [sflag:$0x2] =	stream.indirect_vreg.gather [hbm4b:s7+s3], $0x80, v29, vm0, $0xb8;
	[tilespmem:$0x1E800] =	vst v63  }
0x82d: {  	s24 =	simm.s32 $0x5780  }
0x82e: {  	[tilespmem:s24], [sflag:$0x2] =	stream.indirect_vreg.gather [hbm4b:s7+s3], $0x80, v17, vm0, $0xb8;
	[tilespmem:$0x1E800] =	vst v63  }
0x82f: {  	v17 =	vld [tilespmem:s10+$0x160];
	_ =	sdelay $0x4  }
0x830: {  	v18 =	vshll.u32 v17, $0x1  }
0x831: {  	v17 =	vand.u32 $0x7, v17;
	v18 =	vand.u32 $0xFFFFFFF0, v18  }
0x832: {  	v17 =	vor.u32 v17, v18  }
0x833: {  	v18 =	vperm.xlane v17, v2;
	_ =	sdelay $0x1  }
0x834: {  	v19 =	vperm.xlane v17, v1;
	v18 =	vadd.s32 v3, v18;
	_ =	sdelay $0x1  }
0x835: {  	v30 =	vperm.xlane v17, v4;
	v19 =	vadd.s32 v3, v19;
	_ =	sdelay $0x1  }
0x836: {  	s24 =	simm.s32 $0x5800;
	v31 =	vperm.xlane v17, v5;
	v20 =	vadd.s32 v3, v30  }
0x837: {  	[tilespmem:s24], [sflag:$0x2] =	stream.indirect_vreg.gather [hbm4b:s7+s3], $0x80, v18, vm0, $0xb8;
	[tilespmem:$0x1E800] =	vst v63  }
0x838: {  	v32 =	vperm.xlane v17, v6;
	v18 =	vadd.s32 v3, v31;
	s24 =	simm.s32 $0x5880  }
0x839: {  	[tilespmem:s24], [sflag:$0x2] =	stream.indirect_vreg.gather [hbm4b:s7+s3], $0x80, v19, vm0, $0xb8;
	[tilespmem:$0x1E800] =	vst v63  }
0x83a: {  	v33 =	vperm.xlane v17, v7;
	v19 =	vadd.s32 v3, v32;
	s24 =	simm.s32 $0x5900  }
0x83b: {  	[tilespmem:s24], [sflag:$0x2] =	stream.indirect_vreg.gather [hbm4b:s7+s3], $0x80, v20, vm0, $0xb8;
	[tilespmem:$0x1E800] =	vst v63  }
0x83c: {  	v35 =	vperm.xlane v17, v8;
	v34 =	vadd.s32 v3, v33;
	s24 =	simm.s32 $0x5980  }
0x83d: {  	[tilespmem:s24], [sflag:$0x2] =	stream.indirect_vreg.gather [hbm4b:s7+s3], $0x80, v18, vm0, $0xb8;
	[tilespmem:$0x1E800] =	vst v63  }
0x83e: {  	v36 =	vperm.xlane v17, v0;
	v18 =	vadd.s32 v3, v35;
	s24 =	simm.s32 $0x5A00  }
0x83f: {  	[tilespmem:s24], [sflag:$0x2] =	stream.indirect_vreg.gather [hbm4b:s7+s3], $0x80, v19, vm0, $0xb8;
	[tilespmem:$0x1E800] =	vst v63  }
0x840: {  	v37 =	vperm.xlane v17, v9;
	v19 =	vadd.s32 v3, v36;
	s24 =	simm.s32 $0x5A80  }
0x841: {  	[tilespmem:s24], [sflag:$0x2] =	stream.indirect_vreg.gather [hbm4b:s7+s3], $0x80, v34, vm0, $0xb8;
	[tilespmem:$0x1E800] =	vst v63  }
0x842: {  	v39 =	vperm.xlane v17, v10;
	v38 =	vadd.s32 v3, v37;
	s24 =	simm.s32 $0x5B00  }
0x843: {  	[tilespmem:s24], [sflag:$0x2] =	stream.indirect_vreg.gather [hbm4b:s7+s3], $0x80, v18, vm0, $0xb8;
	[tilespmem:$0x1E800] =	vst v63  }
0x844: {  	v40 =	vperm.xlane v17, v11;
	v18 =	vadd.s32 v3, v39;
	s24 =	simm.s32 $0x5B80  }
0x845: {  	[tilespmem:s24], [sflag:$0x2] =	stream.indirect_vreg.gather [hbm4b:s7+s3], $0x80, v19, vm0, $0xb8;
	[tilespmem:$0x1E800] =	vst v63  }
0x846: {  	v41 =	vperm.xlane v17, v12;
	v19 =	vadd.s32 v3, v40;
	s24 =	simm.s32 $0x5C00  }
0x847: {  	[tilespmem:s24], [sflag:$0x2] =	stream.indirect_vreg.gather [hbm4b:s7+s3], $0x80, v38, vm0, $0xb8;
	[tilespmem:$0x1E800] =	vst v63  }
0x848: {  	v43 =	vperm.xlane v17, v13;
	v42 =	vadd.s32 v3, v41;
	s24 =	simm.s32 $0x5C80  }
0x849: {  	[tilespmem:s24], [sflag:$0x2] =	stream.indirect_vreg.gather [hbm4b:s7+s3], $0x80, v18, vm0, $0xb8;
	[tilespmem:$0x1E800] =	vst v63  }
0x84a: {  	v44 =	vperm.xlane v17, v14;
	v18 =	vadd.s32 v3, v43;
	s24 =	simm.s32 $0x5D00  }
0x84b: {  	[tilespmem:s24], [sflag:$0x2] =	stream.indirect_vreg.gather [hbm4b:s7+s3], $0x80, v19, vm0, $0xb8;
	[tilespmem:$0x1E800] =	vst v63  }
0x84c: {  	v45 =	vperm.xlane v17, v15;
	v19 =	vadd.s32 v3, v44;
	s24 =	simm.s32 $0x5D80  }
0x84d: {  	[tilespmem:s24], [sflag:$0x2] =	stream.indirect_vreg.gather [hbm4b:s7+s3], $0x80, v42, vm0, $0xb8;
	[tilespmem:$0x1E800] =	vst v63  }
0x84e: {  	v17 =	vperm.xlane v17, v16;
	v46 =	vadd.s32 v3, v45;
	s24 =	simm.s32 $0x5E00  }
0x84f: {  	[tilespmem:s24], [sflag:$0x2] =	stream.indirect_vreg.gather [hbm4b:s7+s3], $0x80, v18, vm0, $0xb8;
	[tilespmem:$0x1E800] =	vst v63  }
0x850: {  	v17 =	vadd.s32 v3, v17;
	s24 =	simm.s32 $0x5E80  }
0x851: {  	[tilespmem:s24], [sflag:$0x2] =	stream.indirect_vreg.gather [hbm4b:s7+s3], $0x80, v19, vm0, $0xb8;
	[tilespmem:$0x1E800] =	vst v63  }
0x852: {  	s24 =	simm.s32 $0x5F00  }
0x853: {  	[tilespmem:s24], [sflag:$0x2] =	stream.indirect_vreg.gather [hbm4b:s7+s3], $0x80, v46, vm0, $0xb8;
	[tilespmem:$0x1E800] =	vst v63  }
0x854: {  	s24 =	simm.s32 $0x5F80  }
0x855: {  	[tilespmem:s24], [sflag:$0x2] =	stream.indirect_vreg.gather [hbm4b:s7+s3], $0x80, v17, vm0, $0xb8;
	[tilespmem:$0x1E800] =	vst v63  }
0x856: {  	v17 =	vld [tilespmem:s10+$0x170];
	_ =	sdelay $0x4  }
0x857: {  	v18 =	vshll.u32 v17, $0x1  }
0x858: {  	v17 =	vand.u32 $0x7, v17;
	v18 =	vand.u32 $0xFFFFFFF0, v18  }
0x859: {  	v17 =	vor.u32 v17, v18  }
0x85a: {  	v18 =	vperm.xlane v17, v2;
	_ =	sdelay $0x1  }
0x85b: {  	v19 =	vperm.xlane v17, v1;
	v18 =	vadd.s32 v3, v18;
	_ =	sdelay $0x1  }
0x85c: {  	v47 =	vperm.xlane v17, v4;
	v19 =	vadd.s32 v3, v19;
	_ =	sdelay $0x1  }
0x85d: {  	s24 =	simm.s32 $0x6000;
	v48 =	vperm.xlane v17, v5;
	v20 =	vadd.s32 v3, v47  }
0x85e: {  	[tilespmem:s24], [sflag:$0x2] =	stream.indirect_vreg.gather [hbm4b:s7+s3], $0x80, v18, vm0, $0xb8;
	[tilespmem:$0x1E800] =	vst v63  }
0x85f: {  	v49 =	vperm.xlane v17, v6;
	v18 =	vadd.s32 v3, v48;
	s24 =	simm.s32 $0x6080  }
0x860: {  	[tilespmem:s24], [sflag:$0x2] =	stream.indirect_vreg.gather [hbm4b:s7+s3], $0x80, v19, vm0, $0xb8;
	[tilespmem:$0x1E800] =	vst v63  }
0x861: {  	v50 =	vperm.xlane v17, v7;
	v19 =	vadd.s32 v3, v49;
	s24 =	simm.s32 $0x6100  }
0x862: {  	[tilespmem:s24], [sflag:$0x2] =	stream.indirect_vreg.gather [hbm4b:s7+s3], $0x80, v20, vm0, $0xb8;
	[tilespmem:$0x1E800] =	vst v63  }
0x863: {  	v52 =	vperm.xlane v17, v8;
	v51 =	vadd.s32 v3, v50;
	s24 =	simm.s32 $0x6180  }
0x864: {  	[tilespmem:s24], [sflag:$0x2] =	stream.indirect_vreg.gather [hbm4b:s7+s3], $0x80, v18, vm0, $0xb8;
	[tilespmem:$0x1E800] =	vst v63  }
0x865: {  	v53 =	vperm.xlane v17, v0;
	v18 =	vadd.s32 v3, v52;
	s24 =	simm.s32 $0x6200  }
0x866: {  	[tilespmem:s24], [sflag:$0x2] =	stream.indirect_vreg.gather [hbm4b:s7+s3], $0x80, v19, vm0, $0xb8;
	[tilespmem:$0x1E800] =	vst v63  }
0x867: {  	v54 =	vperm.xlane v17, v9;
	v19 =	vadd.s32 v3, v53;
	s24 =	simm.s32 $0x6280  }
0x868: {  	[tilespmem:s24], [sflag:$0x2] =	stream.indirect_vreg.gather [hbm4b:s7+s3], $0x80, v51, vm0, $0xb8;
	[tilespmem:$0x1E800] =	vst v63  }
0x869: {  	v56 =	vperm.xlane v17, v10;
	v55 =	vadd.s32 v3, v54;
	s24 =	simm.s32 $0x6300  }
0x86a: {  	[tilespmem:s24], [sflag:$0x2] =	stream.indirect_vreg.gather [hbm4b:s7+s3], $0x80, v18, vm0, $0xb8;
	[tilespmem:$0x1E800] =	vst v63  }
0x86b: {  	v57 =	vperm.xlane v17, v11;
	v18 =	vadd.s32 v3, v56;
	s24 =	simm.s32 $0x6380  }
0x86c: {  	[tilespmem:s24], [sflag:$0x2] =	stream.indirect_vreg.gather [hbm4b:s7+s3], $0x80, v19, vm0, $0xb8;
	[tilespmem:$0x1E800] =	vst v63  }
0x86d: {  	v58 =	vperm.xlane v17, v12;
	v19 =	vadd.s32 v3, v57;
	s24 =	simm.s32 $0x6400  }
0x86e: {  	[tilespmem:s24], [sflag:$0x2] =	stream.indirect_vreg.gather [hbm4b:s7+s3], $0x80, v55, vm0, $0xb8;
	[tilespmem:$0x1E800] =	vst v63  }
0x86f: {  	v60 =	vperm.xlane v17, v13;
	v59 =	vadd.s32 v3, v58;
	s24 =	simm.s32 $0x6480  }
0x870: {  	[tilespmem:s24], [sflag:$0x2] =	stream.indirect_vreg.gather [hbm4b:s7+s3], $0x80, v18, vm0, $0xb8;
	[tilespmem:$0x1E800] =	vst v63  }
0x871: {  	v61 =	vperm.xlane v17, v14;
	v18 =	vadd.s32 v3, v60;
	s24 =	simm.s32 $0x6500  }
0x872: {  	[tilespmem:s24], [sflag:$0x2] =	stream.indirect_vreg.gather [hbm4b:s7+s3], $0x80, v19, vm0, $0xb8;
	[tilespmem:$0x1E800] =	vst v63  }
0x873: {  	v62 =	vperm.xlane v17, v15;
	v19 =	vadd.s32 v3, v61;
	s24 =	simm.s32 $0x6580  }
0x874: {  	[tilespmem:s24], [sflag:$0x2] =	stream.indirect_vreg.gather [hbm4b:s7+s3], $0x80, v59, vm0, $0xb8;
	[tilespmem:$0x1E800] =	vst v63  }
0x875: {  	v17 =	vperm.xlane v17, v16;
	v63 =	vadd.s32 v3, v62;
	s24 =	simm.s32 $0x6600  }
0x876: {  	[tilespmem:s24], [sflag:$0x2] =	stream.indirect_vreg.gather [hbm4b:s7+s3], $0x80, v18, vm0, $0xb8;
	[tilespmem:$0x1E800] =	vst v63  }
0x877: {  	v17 =	vadd.s32 v3, v17;
	s24 =	simm.s32 $0x6680  }
0x878: {  	[tilespmem:s24], [sflag:$0x2] =	stream.indirect_vreg.gather [hbm4b:s7+s3], $0x80, v19, vm0, $0xb8;
	[tilespmem:$0x1E800] =	vst v63  }
0x879: {  	s24 =	simm.s32 $0x6700  }
0x87a: {  	[tilespmem:s24], [sflag:$0x2] =	stream.indirect_vreg.gather [hbm4b:s7+s3], $0x80, v63, vm0, $0xb8;
	[tilespmem:$0x1E800] =	vst v63  }
0x87b: {  	s24 =	simm.s32 $0x6780  }
0x87c: {  	[tilespmem:s24], [sflag:$0x2] =	stream.indirect_vreg.gather [hbm4b:s7+s3], $0x80, v17, vm0, $0xb8;
	[tilespmem:$0x1E800] =	vst v63  }
.LBB2_12:
0x87d: {  	s24 =	sadd.s32 $0x1480, s10  }
0x87e: {  	[spmem:s2] =	stream.indirect.scatter.add.f32 [tilespmem:s6], [sflag:$0x5], $0x80, s24, s31, $0xb8;
	[tilespmem:$0x1E800] =	vst v63  }
0x87f: {  	_ =	swait.ge [sflag:s13], $0x2000  }
.Ltmp12:
0x880: {  	[sflag:s13] =	ssyncset.done $0x0;
	(pc) =	sbr.rel @p0 .LBB2_14-.Ltmp12, $4  }
0x881: {  	[sflag:s13] =	ssyncadd.s32 $0xFFFFE000  }
0x882: {  	_ =	swait.ge [sflag:s8], $0x2000  }
0x883: {  	[sflag:s8] =	ssyncset.done $0x0  }
0x884: {  	[sflag:s8] =	ssyncadd.s32 $0xFFFFE000  }
0x885: {  	v17 =	vld [tilespmem:s10+$0x180];
	_ =	sdelay $0x4  }
0x886: {  	v18 =	vshll.u32 v17, $0x1  }
0x887: {  	v17 =	vand.u32 $0x7, v17;
	v18 =	vand.u32 $0xFFFFFFF0, v18  }
0x888: {  	v17 =	vor.u32 v17, v18  }
0x889: {  	v18 =	vperm.xlane v17, v2;
	_ =	sdelay $0x1  }
0x88a: {  	v19 =	vperm.xlane v17, v1;
	v18 =	vadd.s32 v3, v18;
	_ =	sdelay $0x1  }
0x88b: {  	v20 =	vperm.xlane v17, v4;
	v19 =	vadd.s32 v3, v19;
	_ =	sdelay $0x1  }
0x88c: {  	v21 =	vperm.xlane v17, v5;
	v20 =	vadd.s32 v3, v20  }
0x88d: {  	[tilespmem:s6], [sflag:$0x3] =	stream.indirect_vreg.gather [hbm4b:s7+s3], $0x80, v18, vm0, $0xb8;
	[tilespmem:$0x1E800] =	vst v63  }
0x88e: {  	s5 =	simm.s32 $0x6880;
	v38 =	vperm.xlane v17, v6;
	v18 =	vadd.s32 v3, v21  }
0x88f: {  	[tilespmem:s5], [sflag:$0x3] =	stream.indirect_vreg.gather [hbm4b:s7+s3], $0x80, v19, vm0, $0xb8;
	[tilespmem:$0x1E800] =	vst v63  }
0x890: {  	s24 =	simm.s32 $0x6900;
	v39 =	vperm.xlane v17, v7;
	v19 =	vadd.s32 v3, v38  }
0x891: {  	[tilespmem:s24], [sflag:$0x3] =	stream.indirect_vreg.gather [hbm4b:s7+s3], $0x80, v20, vm0, $0xb8;
	[tilespmem:$0x1E800] =	vst v63  }
0x892: {  	v41 =	vperm.xlane v17, v8;
	v40 =	vadd.s32 v3, v39;
	s24 =	simm.s32 $0x6980  }
0x893: {  	[tilespmem:s24], [sflag:$0x3] =	stream.indirect_vreg.gather [hbm4b:s7+s3], $0x80, v18, vm0, $0xb8;
	[tilespmem:$0x1E800] =	vst v63  }
0x894: {  	v42 =	vperm.xlane v17, v0;
	v18 =	vadd.s32 v3, v41;
	s24 =	simm.s32 $0x6A00  }
0x895: {  	[tilespmem:s24], [sflag:$0x3] =	stream.indirect_vreg.gather [hbm4b:s7+s3], $0x80, v19, vm0, $0xb8;
	[tilespmem:$0x1E800] =	vst v63  }
0x896: {  	v43 =	vperm.xlane v17, v9;
	v19 =	vadd.s32 v3, v42;
	s24 =	simm.s32 $0x6A80  }
0x897: {  	[tilespmem:s24], [sflag:$0x3] =	stream.indirect_vreg.gather [hbm4b:s7+s3], $0x80, v40, vm0, $0xb8;
	[tilespmem:$0x1E800] =	vst v63  }
0x898: {  	v45 =	vperm.xlane v17, v10;
	v44 =	vadd.s32 v3, v43;
	s24 =	simm.s32 $0x6B00  }
0x899: {  	[tilespmem:s24], [sflag:$0x3] =	stream.indirect_vreg.gather [hbm4b:s7+s3], $0x80, v18, vm0, $0xb8;
	[tilespmem:$0x1E800] =	vst v63  }
0x89a: {  	v46 =	vperm.xlane v17, v11;
	v18 =	vadd.s32 v3, v45;
	s24 =	simm.s32 $0x6B80  }
0x89b: {  	[tilespmem:s24], [sflag:$0x3] =	stream.indirect_vreg.gather [hbm4b:s7+s3], $0x80, v19, vm0, $0xb8;
	[tilespmem:$0x1E800] =	vst v63  }
0x89c: {  	v47 =	vperm.xlane v17, v12;
	v19 =	vadd.s32 v3, v46;
	s24 =	simm.s32 $0x6C00  }
0x89d: {  	[tilespmem:s24], [sflag:$0x3] =	stream.indirect_vreg.gather [hbm4b:s7+s3], $0x80, v44, vm0, $0xb8;
	[tilespmem:$0x1E800] =	vst v63  }
0x89e: {  	v49 =	vperm.xlane v17, v13;
	v48 =	vadd.s32 v3, v47;
	s24 =	simm.s32 $0x6C80  }
0x89f: {  	[tilespmem:s24], [sflag:$0x3] =	stream.indirect_vreg.gather [hbm4b:s7+s3], $0x80, v18, vm0, $0xb8;
	[tilespmem:$0x1E800] =	vst v63  }
0x8a0: {  	v50 =	vperm.xlane v17, v14;
	v18 =	vadd.s32 v3, v49;
	s24 =	simm.s32 $0x6D00  }
0x8a1: {  	[tilespmem:s24], [sflag:$0x3] =	stream.indirect_vreg.gather [hbm4b:s7+s3], $0x80, v19, vm0, $0xb8;
	[tilespmem:$0x1E800] =	vst v63  }
0x8a2: {  	v51 =	vperm.xlane v17, v15;
	v19 =	vadd.s32 v3, v50;
	s24 =	simm.s32 $0x6D80  }
0x8a3: {  	[tilespmem:s24], [sflag:$0x3] =	stream.indirect_vreg.gather [hbm4b:s7+s3], $0x80, v48, vm0, $0xb8;
	[tilespmem:$0x1E800] =	vst v63  }
0x8a4: {  	v17 =	vperm.xlane v17, v16;
	v52 =	vadd.s32 v3, v51;
	s24 =	simm.s32 $0x6E00  }
0x8a5: {  	[tilespmem:s24], [sflag:$0x3] =	stream.indirect_vreg.gather [hbm4b:s7+s3], $0x80, v18, vm0, $0xb8;
	[tilespmem:$0x1E800] =	vst v63  }
0x8a6: {  	v17 =	vadd.s32 v3, v17;
	s24 =	simm.s32 $0x6E80  }
0x8a7: {  	[tilespmem:s24], [sflag:$0x3] =	stream.indirect_vreg.gather [hbm4b:s7+s3], $0x80, v19, vm0, $0xb8;
	[tilespmem:$0x1E800] =	vst v63  }
0x8a8: {  	s24 =	simm.s32 $0x6F00  }
0x8a9: {  	[tilespmem:s24], [sflag:$0x3] =	stream.indirect_vreg.gather [hbm4b:s7+s3], $0x80, v52, vm0, $0xb8;
	[tilespmem:$0x1E800] =	vst v63  }
0x8aa: {  	s24 =	simm.s32 $0x6F80  }
0x8ab: {  	[tilespmem:s24], [sflag:$0x3] =	stream.indirect_vreg.gather [hbm4b:s7+s3], $0x80, v17, vm0, $0xb8;
	[tilespmem:$0x1E800] =	vst v63  }
0x8ac: {  	v17 =	vld [tilespmem:s10+$0x190];
	_ =	sdelay $0x4  }
0x8ad: {  	v18 =	vshll.u32 v17, $0x1  }
0x8ae: {  	v17 =	vand.u32 $0x7, v17;
	v18 =	vand.u32 $0xFFFFFFF0, v18  }
0x8af: {  	v17 =	vor.u32 v17, v18  }
0x8b0: {  	v18 =	vperm.xlane v17, v2;
	_ =	sdelay $0x1  }
0x8b1: {  	v19 =	vperm.xlane v17, v1;
	v18 =	vadd.s32 v3, v18;
	_ =	sdelay $0x1  }
0x8b2: {  	v53 =	vperm.xlane v17, v4;
	v19 =	vadd.s32 v3, v19;
	_ =	sdelay $0x1  }
0x8b3: {  	s24 =	simm.s32 $0x7000;
	v54 =	vperm.xlane v17, v5;
	v20 =	vadd.s32 v3, v53  }
0x8b4: {  	[tilespmem:s24], [sflag:$0x3] =	stream.indirect_vreg.gather [hbm4b:s7+s3], $0x80, v18, vm0, $0xb8;
	[tilespmem:$0x1E800] =	vst v63  }
0x8b5: {  	v55 =	vperm.xlane v17, v6;
	v18 =	vadd.s32 v3, v54;
	s24 =	simm.s32 $0x7080  }
0x8b6: {  	[tilespmem:s24], [sflag:$0x3] =	stream.indirect_vreg.gather [hbm4b:s7+s3], $0x80, v19, vm0, $0xb8;
	[tilespmem:$0x1E800] =	vst v63  }
0x8b7: {  	v56 =	vperm.xlane v17, v7;
	v19 =	vadd.s32 v3, v55;
	s24 =	simm.s32 $0x7100  }
0x8b8: {  	[tilespmem:s24], [sflag:$0x3] =	stream.indirect_vreg.gather [hbm4b:s7+s3], $0x80, v20, vm0, $0xb8;
	[tilespmem:$0x1E800] =	vst v63  }
0x8b9: {  	v58 =	vperm.xlane v17, v8;
	v57 =	vadd.s32 v3, v56;
	s24 =	simm.s32 $0x7180  }
0x8ba: {  	[tilespmem:s24], [sflag:$0x3] =	stream.indirect_vreg.gather [hbm4b:s7+s3], $0x80, v18, vm0, $0xb8;
	[tilespmem:$0x1E800] =	vst v63  }
0x8bb: {  	v59 =	vperm.xlane v17, v0;
	v18 =	vadd.s32 v3, v58;
	s24 =	simm.s32 $0x7200  }
0x8bc: {  	[tilespmem:s24], [sflag:$0x3] =	stream.indirect_vreg.gather [hbm4b:s7+s3], $0x80, v19, vm0, $0xb8;
	[tilespmem:$0x1E800] =	vst v63  }
0x8bd: {  	v60 =	vperm.xlane v17, v9;
	v19 =	vadd.s32 v3, v59;
	s24 =	simm.s32 $0x7280  }
0x8be: {  	[tilespmem:s24], [sflag:$0x3] =	stream.indirect_vreg.gather [hbm4b:s7+s3], $0x80, v57, vm0, $0xb8;
	[tilespmem:$0x1E800] =	vst v63  }
0x8bf: {  	v62 =	vperm.xlane v17, v10;
	v61 =	vadd.s32 v3, v60;
	s24 =	simm.s32 $0x7300  }
0x8c0: {  	[tilespmem:s24], [sflag:$0x3] =	stream.indirect_vreg.gather [hbm4b:s7+s3], $0x80, v18, vm0, $0xb8;
	[tilespmem:$0x1E800] =	vst v63  }
0x8c1: {  	v63 =	vperm.xlane v17, v11;
	v18 =	vadd.s32 v3, v62;
	s24 =	simm.s32 $0x7380  }
0x8c2: {  	[tilespmem:s24], [sflag:$0x3] =	stream.indirect_vreg.gather [hbm4b:s7+s3], $0x80, v19, vm0, $0xb8;
	[tilespmem:$0x1E800] =	vst v63  }
0x8c3: {  	v24 =	vperm.xlane v17, v12;
	v19 =	vadd.s32 v3, v63;
	s24 =	simm.s32 $0x7400  }
0x8c4: {  	[tilespmem:s24], [sflag:$0x3] =	stream.indirect_vreg.gather [hbm4b:s7+s3], $0x80, v61, vm0, $0xb8;
	[tilespmem:$0x1E800] =	vst v63  }
0x8c5: {  	v26 =	vperm.xlane v17, v13;
	v25 =	vadd.s32 v3, v24;
	s24 =	simm.s32 $0x7480  }
0x8c6: {  	[tilespmem:s24], [sflag:$0x3] =	stream.indirect_vreg.gather [hbm4b:s7+s3], $0x80, v18, vm0, $0xb8;
	[tilespmem:$0x1E800] =	vst v63  }
0x8c7: {  	v27 =	vperm.xlane v17, v14;
	v18 =	vadd.s32 v3, v26;
	s24 =	simm.s32 $0x7500  }
0x8c8: {  	[tilespmem:s24], [sflag:$0x3] =	stream.indirect_vreg.gather [hbm4b:s7+s3], $0x80, v19, vm0, $0xb8;
	[tilespmem:$0x1E800] =	vst v63  }
0x8c9: {  	v28 =	vperm.xlane v17, v15;
	v19 =	vadd.s32 v3, v27;
	s24 =	simm.s32 $0x7580  }
0x8ca: {  	[tilespmem:s24], [sflag:$0x3] =	stream.indirect_vreg.gather [hbm4b:s7+s3], $0x80, v25, vm0, $0xb8;
	[tilespmem:$0x1E800] =	vst v63  }
0x8cb: {  	v17 =	vperm.xlane v17, v16;
	v29 =	vadd.s32 v3, v28;
	s24 =	simm.s32 $0x7600  }
0x8cc: {  	[tilespmem:s24], [sflag:$0x3] =	stream.indirect_vreg.gather [hbm4b:s7+s3], $0x80, v18, vm0, $0xb8;
	[tilespmem:$0x1E800] =	vst v63  }
0x8cd: {  	v17 =	vadd.s32 v3, v17;
	s24 =	simm.s32 $0x7680  }
0x8ce: {  	[tilespmem:s24], [sflag:$0x3] =	stream.indirect_vreg.gather [hbm4b:s7+s3], $0x80, v19, vm0, $0xb8;
	[tilespmem:$0x1E800] =	vst v63  }
0x8cf: {  	s24 =	simm.s32 $0x7700  }
0x8d0: {  	[tilespmem:s24], [sflag:$0x3] =	stream.indirect_vreg.gather [hbm4b:s7+s3], $0x80, v29, vm0, $0xb8;
	[tilespmem:$0x1E800] =	vst v63  }
0x8d1: {  	s24 =	simm.s32 $0x7780  }
0x8d2: {  	[tilespmem:s24], [sflag:$0x3] =	stream.indirect_vreg.gather [hbm4b:s7+s3], $0x80, v17, vm0, $0xb8;
	[tilespmem:$0x1E800] =	vst v63  }
0x8d3: {  	v17 =	vld [tilespmem:s10+$0x1A0];
	_ =	sdelay $0x4  }
0x8d4: {  	v18 =	vshll.u32 v17, $0x1  }
0x8d5: {  	v17 =	vand.u32 $0x7, v17;
	v18 =	vand.u32 $0xFFFFFFF0, v18  }
0x8d6: {  	v17 =	vor.u32 v17, v18  }
0x8d7: {  	v18 =	vperm.xlane v17, v2;
	_ =	sdelay $0x1  }
0x8d8: {  	v19 =	vperm.xlane v17, v1;
	v18 =	vadd.s32 v3, v18;
	_ =	sdelay $0x1  }
0x8d9: {  	v30 =	vperm.xlane v17, v4;
	v19 =	vadd.s32 v3, v19;
	_ =	sdelay $0x1  }
0x8da: {  	s24 =	simm.s32 $0x7800;
	v31 =	vperm.xlane v17, v5;
	v20 =	vadd.s32 v3, v30  }
0x8db: {  	[tilespmem:s24], [sflag:$0x3] =	stream.indirect_vreg.gather [hbm4b:s7+s3], $0x80, v18, vm0, $0xb8;
	[tilespmem:$0x1E800] =	vst v63  }
0x8dc: {  	v32 =	vperm.xlane v17, v6;
	v18 =	vadd.s32 v3, v31;
	s24 =	simm.s32 $0x7880  }
0x8dd: {  	[tilespmem:s24], [sflag:$0x3] =	stream.indirect_vreg.gather [hbm4b:s7+s3], $0x80, v19, vm0, $0xb8;
	[tilespmem:$0x1E800] =	vst v63  }
0x8de: {  	v33 =	vperm.xlane v17, v7;
	v19 =	vadd.s32 v3, v32;
	s24 =	simm.s32 $0x7900  }
0x8df: {  	[tilespmem:s24], [sflag:$0x3] =	stream.indirect_vreg.gather [hbm4b:s7+s3], $0x80, v20, vm0, $0xb8;
	[tilespmem:$0x1E800] =	vst v63  }
0x8e0: {  	v35 =	vperm.xlane v17, v8;
	v34 =	vadd.s32 v3, v33;
	s24 =	simm.s32 $0x7980  }
0x8e1: {  	[tilespmem:s24], [sflag:$0x3] =	stream.indirect_vreg.gather [hbm4b:s7+s3], $0x80, v18, vm0, $0xb8;
	[tilespmem:$0x1E800] =	vst v63  }
0x8e2: {  	v36 =	vperm.xlane v17, v0;
	v18 =	vadd.s32 v3, v35;
	s24 =	simm.s32 $0x7A00  }
0x8e3: {  	[tilespmem:s24], [sflag:$0x3] =	stream.indirect_vreg.gather [hbm4b:s7+s3], $0x80, v19, vm0, $0xb8;
	[tilespmem:$0x1E800] =	vst v63  }
0x8e4: {  	v37 =	vperm.xlane v17, v9;
	v19 =	vadd.s32 v3, v36;
	s24 =	simm.s32 $0x7A80  }
0x8e5: {  	[tilespmem:s24], [sflag:$0x3] =	stream.indirect_vreg.gather [hbm4b:s7+s3], $0x80, v34, vm0, $0xb8;
	[tilespmem:$0x1E800] =	vst v63  }
0x8e6: {  	v39 =	vperm.xlane v17, v10;
	v38 =	vadd.s32 v3, v37;
	s24 =	simm.s32 $0x7B00  }
0x8e7: {  	[tilespmem:s24], [sflag:$0x3] =	stream.indirect_vreg.gather [hbm4b:s7+s3], $0x80, v18, vm0, $0xb8;
	[tilespmem:$0x1E800] =	vst v63  }
0x8e8: {  	v40 =	vperm.xlane v17, v11;
	v18 =	vadd.s32 v3, v39;
	s24 =	simm.s32 $0x7B80  }
0x8e9: {  	[tilespmem:s24], [sflag:$0x3] =	stream.indirect_vreg.gather [hbm4b:s7+s3], $0x80, v19, vm0, $0xb8;
	[tilespmem:$0x1E800] =	vst v63  }
0x8ea: {  	v41 =	vperm.xlane v17, v12;
	v19 =	vadd.s32 v3, v40;
	s24 =	simm.s32 $0x7C00  }
0x8eb: {  	[tilespmem:s24], [sflag:$0x3] =	stream.indirect_vreg.gather [hbm4b:s7+s3], $0x80, v38, vm0, $0xb8;
	[tilespmem:$0x1E800] =	vst v63  }
0x8ec: {  	v43 =	vperm.xlane v17, v13;
	v42 =	vadd.s32 v3, v41;
	s24 =	simm.s32 $0x7C80  }
0x8ed: {  	[tilespmem:s24], [sflag:$0x3] =	stream.indirect_vreg.gather [hbm4b:s7+s3], $0x80, v18, vm0, $0xb8;
	[tilespmem:$0x1E800] =	vst v63  }
0x8ee: {  	v44 =	vperm.xlane v17, v14;
	v18 =	vadd.s32 v3, v43;
	s24 =	simm.s32 $0x7D00  }
0x8ef: {  	[tilespmem:s24], [sflag:$0x3] =	stream.indirect_vreg.gather [hbm4b:s7+s3], $0x80, v19, vm0, $0xb8;
	[tilespmem:$0x1E800] =	vst v63  }
0x8f0: {  	v45 =	vperm.xlane v17, v15;
	v19 =	vadd.s32 v3, v44;
	s24 =	simm.s32 $0x7D80  }
0x8f1: {  	[tilespmem:s24], [sflag:$0x3] =	stream.indirect_vreg.gather [hbm4b:s7+s3], $0x80, v42, vm0, $0xb8;
	[tilespmem:$0x1E800] =	vst v63  }
0x8f2: {  	v17 =	vperm.xlane v17, v16;
	v46 =	vadd.s32 v3, v45;
	s24 =	simm.s32 $0x7E00  }
0x8f3: {  	[tilespmem:s24], [sflag:$0x3] =	stream.indirect_vreg.gather [hbm4b:s7+s3], $0x80, v18, vm0, $0xb8;
	[tilespmem:$0x1E800] =	vst v63  }
0x8f4: {  	v17 =	vadd.s32 v3, v17;
	s24 =	simm.s32 $0x7E80  }
0x8f5: {  	[tilespmem:s24], [sflag:$0x3] =	stream.indirect_vreg.gather [hbm4b:s7+s3], $0x80, v19, vm0, $0xb8;
	[tilespmem:$0x1E800] =	vst v63  }
0x8f6: {  	s24 =	simm.s32 $0x7F00  }
0x8f7: {  	[tilespmem:s24], [sflag:$0x3] =	stream.indirect_vreg.gather [hbm4b:s7+s3], $0x80, v46, vm0, $0xb8;
	[tilespmem:$0x1E800] =	vst v63  }
0x8f8: {  	s24 =	simm.s32 $0x7F80  }
0x8f9: {  	[tilespmem:s24], [sflag:$0x3] =	stream.indirect_vreg.gather [hbm4b:s7+s3], $0x80, v17, vm0, $0xb8;
	[tilespmem:$0x1E800] =	vst v63  }
0x8fa: {  	v17 =	vld [tilespmem:s10+$0x1B0];
	_ =	sdelay $0x4  }
0x8fb: {  	v18 =	vshll.u32 v17, $0x1  }
0x8fc: {  	v17 =	vand.u32 $0x7, v17;
	v18 =	vand.u32 $0xFFFFFFF0, v18  }
0x8fd: {  	v17 =	vor.u32 v17, v18  }
0x8fe: {  	v18 =	vperm.xlane v17, v2;
	_ =	sdelay $0x1  }
0x8ff: {  	v19 =	vperm.xlane v17, v1;
	v18 =	vadd.s32 v3, v18;
	_ =	sdelay $0x1  }
0x900: {  	v47 =	vperm.xlane v17, v4;
	v19 =	vadd.s32 v3, v19;
	_ =	sdelay $0x1  }
0x901: {  	s24 =	simm.s32 $0x8000;
	v48 =	vperm.xlane v17, v5;
	v20 =	vadd.s32 v3, v47  }
0x902: {  	[tilespmem:s24], [sflag:$0x3] =	stream.indirect_vreg.gather [hbm4b:s7+s3], $0x80, v18, vm0, $0xb8;
	[tilespmem:$0x1E800] =	vst v63  }
0x903: {  	v49 =	vperm.xlane v17, v6;
	v18 =	vadd.s32 v3, v48;
	s24 =	simm.s32 $0x8080  }
0x904: {  	[tilespmem:s24], [sflag:$0x3] =	stream.indirect_vreg.gather [hbm4b:s7+s3], $0x80, v19, vm0, $0xb8;
	[tilespmem:$0x1E800] =	vst v63  }
0x905: {  	v50 =	vperm.xlane v17, v7;
	v19 =	vadd.s32 v3, v49;
	s24 =	simm.s32 $0x8100  }
0x906: {  	[tilespmem:s24], [sflag:$0x3] =	stream.indirect_vreg.gather [hbm4b:s7+s3], $0x80, v20, vm0, $0xb8;
	[tilespmem:$0x1E800] =	vst v63  }
0x907: {  	v52 =	vperm.xlane v17, v8;
	v51 =	vadd.s32 v3, v50;
	s24 =	simm.s32 $0x8180  }
0x908: {  	[tilespmem:s24], [sflag:$0x3] =	stream.indirect_vreg.gather [hbm4b:s7+s3], $0x80, v18, vm0, $0xb8;
	[tilespmem:$0x1E800] =	vst v63  }
0x909: {  	v53 =	vperm.xlane v17, v0;
	v18 =	vadd.s32 v3, v52;
	s24 =	simm.s32 $0x8200  }
0x90a: {  	[tilespmem:s24], [sflag:$0x3] =	stream.indirect_vreg.gather [hbm4b:s7+s3], $0x80, v19, vm0, $0xb8;
	[tilespmem:$0x1E800] =	vst v63  }
0x90b: {  	v54 =	vperm.xlane v17, v9;
	v19 =	vadd.s32 v3, v53;
	s24 =	simm.s32 $0x8280  }
0x90c: {  	[tilespmem:s24], [sflag:$0x3] =	stream.indirect_vreg.gather [hbm4b:s7+s3], $0x80, v51, vm0, $0xb8;
	[tilespmem:$0x1E800] =	vst v63  }
0x90d: {  	v56 =	vperm.xlane v17, v10;
	v55 =	vadd.s32 v3, v54;
	s24 =	simm.s32 $0x8300  }
0x90e: {  	[tilespmem:s24], [sflag:$0x3] =	stream.indirect_vreg.gather [hbm4b:s7+s3], $0x80, v18, vm0, $0xb8;
	[tilespmem:$0x1E800] =	vst v63  }
0x90f: {  	v57 =	vperm.xlane v17, v11;
	v18 =	vadd.s32 v3, v56;
	s24 =	simm.s32 $0x8380  }
0x910: {  	[tilespmem:s24], [sflag:$0x3] =	stream.indirect_vreg.gather [hbm4b:s7+s3], $0x80, v19, vm0, $0xb8;
	[tilespmem:$0x1E800] =	vst v63  }
0x911: {  	v58 =	vperm.xlane v17, v12;
	v19 =	vadd.s32 v3, v57;
	s24 =	simm.s32 $0x8400  }
0x912: {  	[tilespmem:s24], [sflag:$0x3] =	stream.indirect_vreg.gather [hbm4b:s7+s3], $0x80, v55, vm0, $0xb8;
	[tilespmem:$0x1E800] =	vst v63  }
0x913: {  	v60 =	vperm.xlane v17, v13;
	v59 =	vadd.s32 v3, v58;
	s24 =	simm.s32 $0x8480  }
0x914: {  	[tilespmem:s24], [sflag:$0x3] =	stream.indirect_vreg.gather [hbm4b:s7+s3], $0x80, v18, vm0, $0xb8;
	[tilespmem:$0x1E800] =	vst v63  }
0x915: {  	v61 =	vperm.xlane v17, v14;
	v18 =	vadd.s32 v3, v60;
	s24 =	simm.s32 $0x8500  }
0x916: {  	[tilespmem:s24], [sflag:$0x3] =	stream.indirect_vreg.gather [hbm4b:s7+s3], $0x80, v19, vm0, $0xb8;
	[tilespmem:$0x1E800] =	vst v63  }
0x917: {  	v19 =	vadd.s32 v3, v61;
	s24 =	simm.s32 $0x8580  }
0x918: {  	v62 =	vperm.xlane v17, v15;
	[tilespmem:s24], [sflag:$0x3] =	stream.indirect_vreg.gather [hbm4b:s7+s3], $0x80, v59, vm0, $0xb8;
	[tilespmem:$0x1E800] =	vst v63  }
0x919: {  	s24 =	simm.s32 $0x8600  }
0x91a: {  	v17 =	vperm.xlane v17, v16;
	v63 =	vadd.s32 v3, v62;
	[tilespmem:s24], [sflag:$0x3] =	stream.indirect_vreg.gather [hbm4b:s7+s3], $0x80, v18, vm0, $0xb8;
	[tilespmem:$0x1E800] =	vst v63  }
0x91b: {  	s24 =	simm.s32 $0x8680  }
0x91c: {  	v17 =	vadd.s32 v3, v17;
	[tilespmem:s24], [sflag:$0x3] =	stream.indirect_vreg.gather [hbm4b:s7+s3], $0x80, v19, vm0, $0xb8;
	[tilespmem:$0x1E800] =	vst v63  }
.Ltmp13:
0x91d: {  	_ = 	snop;
	(pc) =	sbr.rel .LBB2_14-.Ltmp13, $4  }
0x91e: {  	s24 =	simm.s32 $0x8700  }
0x91f: {  	[tilespmem:s24], [sflag:$0x3] =	stream.indirect_vreg.gather [hbm4b:s7+s3], $0x80, v63, vm0, $0xb8;
	[tilespmem:$0x1E800] =	vst v63  }
0x920: {  	s24 =	simm.s32 $0x8780  }
0x921: {  	[tilespmem:s24], [sflag:$0x3] =	stream.indirect_vreg.gather [hbm4b:s7+s3], $0x80, v17, vm0, $0xb8;
	[tilespmem:$0x1E800] =	vst v63  }
.LBB2_16:
0x922: {  	_ =	sfence.sel $0x180000  }
0x923: {  	[bflag:$0x0] =	sbarrier.arrive $0xFFFF  }
0x924: {  	_ =	strace $0x90000047  }
0x925: {  	s0 =	stileid.u32;
	[bflag:$0x2] =	sbarrier.arrive $0xFFFF  }
0x926: {  	p0 =	sne.s32 s0, $0x0;
	s0 =	rddreg [dreg:$0x4]  }
0x927: {  	s0 =	sadd.s32 @!p0 $0x100000, s0  }
0x928: {  	[sflag:s0] =	ssyncadd.tile.s32 @!p0 $0x1;
	_ =	shalt  }
.Lfunc_end2:
_tile_overlayer_lowered:
.L_overlay_start_2:
0x929: {  	(tag) =	ssettag $0x2  }
0x92a: {  	s0 =	rddreg [dreg:$0x0];
	s2 =	stileid.u32  }
0x92b: {  	s1 =	rddreg [dreg:$0x1];
	p0 =	sne.s32 s2, $0x0  }
0x92c: {  	s3 =	rddreg [dreg:$0x2];
	[bflag:$0x3] =	sbarrier.arrive $0xFFFF;
	s2 =	simm.s32 @!p0 $0x1C05  }
0x92d: {  	[timem:s3], [sflag:s2] =	dma.local @!p0 [hbm:s0], s1  }
0x92e: {  	s0 =	simm.s32 @!p0 $0x5  }
0x92f: {  	_ =	swait.ge @!p0 [sflag:s0], s1  }
0x930: {  	s1 =	ssub.s32 @!p0 $0x0, s1;
	[sflag:s0] =	ssyncset.done @!p0 $0x0  }
0x931: {  	[sflag:s0] =	ssyncadd.s32 @!p0 s1  }
0x932: {  	[bflag:$0x3] =	sbarrier.arrive $0xFFFF  }
0x933: {  	_ =	shalt  }

</sc_bundles>
